<compile_context>
chip_gen: v7x
topology: tpu7x:2x2x1
jax: 0.10.2.dev20260603
libtpu: 0.0.44.dev20260713+nightly
codegen_flags: <defaults>
</compile_context>

<pallas_src>
import functools

import jax
import jax.numpy as jnp
from jax import lax
from jax.experimental import pallas as pl
from jax.experimental.pallas import tpu as pltpu
from jax.experimental.pallas import tpu_sc as plsc

N_ATOMS = 204800
N_ROWS = 86
Z_EMB = 128
PERIOD_EMB = 64
GROUP_EMB = 64
N_PERIODS = 8
N_GROUPS = 20
D_OUT = Z_EMB + PERIOD_EMB + GROUP_EMB

_NC, _NS = 2, 16
_NW = _NC * _NS
_CHUNK = 128
_K = 8
_PRE = 8


def _fuse_body(pm_ref, gm_ref, zt_ref, pt_ref, gt_ref, out_ref):
    pm = pm_ref[...]
    gm = gm_ref[...]
    per_oh = (pm == lax.broadcasted_iota(jnp.int32, (N_ROWS, N_PERIODS), 1)
              ).astype(jnp.float32)
    grp_oh = (gm == lax.broadcasted_iota(jnp.int32, (N_ROWS, N_GROUPS), 1)
              ).astype(jnp.float32)
    h_per = jnp.dot(per_oh, pt_ref[...], preferred_element_type=jnp.float32)
    h_grp = jnp.dot(grp_oh, gt_ref[...], preferred_element_type=jnp.float32)
    out_ref[...] = jnp.concatenate([zt_ref[...], h_per, h_grp], axis=-1)


def _fuse_tables(period_mapping, group_mapping, z_table, period_table,
                 group_table):
    return pl.pallas_call(
        _fuse_body,
        out_shape=jax.ShapeDtypeStruct((N_ROWS, D_OUT), jnp.float32),
    )(period_mapping.reshape(N_ROWS, 1), group_mapping.reshape(N_ROWS, 1),
      z_table, period_table, group_table)


@functools.lru_cache(maxsize=None)
def _make_gather(n_atoms):
    assert n_atoms % (_NW * _CHUNK) == 0
    rows_per_w = n_atoms // _NW
    n_chunks = rows_per_w // _CHUNK
    assert (n_chunks - 5) % 3 == 0
    n_super = (n_chunks - 5) // 3
    mesh = plsc.VectorSubcoreMesh(core_axis_name="c", subcore_axis_name="s")

    @functools.partial(
        pl.kernel,
        out_type=jax.ShapeDtypeStruct((n_atoms, D_OUT), jnp.float32),
        name="sc_embed_gather",
        mesh=mesh,
        compiler_params=pltpu.CompilerParams(needs_layout_passes=False),
        scratch_types=[
            pltpu.VMEM((rows_per_w + 16,), jnp.int32),
            pltpu.VMEM((N_ROWS, D_OUT), jnp.float32),
            pltpu.VMEM((_CHUNK, D_OUT), jnp.float32),
            pltpu.VMEM((_CHUNK, D_OUT), jnp.float32),
            pltpu.VMEM((_CHUNK, D_OUT), jnp.float32),
            pltpu.SemaphoreType.DMA,
            pltpu.SemaphoreType.DMA,
            pltpu.SemaphoreType.DMA,
            pltpu.SemaphoreType.DMA,
            pltpu.SemaphoreType.DMA,
            pltpu.SemaphoreType.DMA,
        ],
    )
    def gather(z_hbm, fused_rep_hbm, fused_hbm, out_hbm, idx_v, table_v,
               rows0, rows1, rows2, sg0, sg1, sg2, sw0, sw1, sw2):
        wid = lax.axis_index("s") * _NC + lax.axis_index("c")
        base = wid * rows_per_w
        rows = (rows0, rows1, rows2)
        sg = (sg0, sg1, sg2)
        sw = (sw0, sw1, sw2)

        def gather_desc(g, b):
            return pltpu.make_async_copy(
                fused_rep_hbm.at[idx_v.at[pl.ds(g * _CHUNK, _PRE)]],
                rows[b].at[pl.ds(0, _PRE)], sg[b])

        def write_desc(g, b):
            return pltpu.make_async_copy(
                rows[b], out_hbm.at[pl.ds(base + g * _CHUNK, _CHUNK)],
                sw[b])

        def fill(g, b):
            @plsc.parallel_loop(_PRE, _CHUNK, unroll=4)
            def fbody(a):
                zl = idx_v[pl.ds(g * _CHUNK + a, 16)]
                zi = (zl[0] >> 3) - wid * N_ROWS
                for kk in range(D_OUT // 16):
                    sl = pl.ds(kk * 16, 16)
                    rows[b][a, sl] = table_v[zi, sl]

        pltpu.sync_copy(fused_hbm, table_v)
        pltpu.sync_copy(z_hbm.at[pl.ds(base, rows_per_w)], idx_v.at[
            pl.ds(0, rows_per_w)])
        off = wid * (N_ROWS * _K)
        pat = lax.iota(jnp.int32, 16) & (_K - 1)

        def addoff(i, carry):
            sl = pl.ds(i * 16, 16)
            idx_v[sl] = idx_v[sl] * _K + (pat + off)
            return carry

        lax.fori_loop(0, rows_per_w // 16, addoff, 0)

        gather_desc(0, 0).start()
        fill(0, 0)
        gather_desc(1, 1).start()
        fill(1, 1)

        gather_desc(0, 0).wait()
        write_desc(0, 0).start()
        gather_desc(2, 2).start()
        fill(2, 2)

        def body(s, carry):
            for j in range(3):
                g = 1 + 3 * s + j
                b = (1 + j) % 3
                gather_desc(g, b).wait()
                write_desc(g, b).start()
                write_desc(g - 1, j).wait()
                gather_desc(g + 2, j).start()
                fill(g + 2, j)
            return carry

        lax.fori_loop(0, n_super, body, 0)

        for t in range(2):
            g = n_chunks - 4 + t
            b = g % 3
            gather_desc(g, b).wait()
            write_desc(g, b).start()
            write_desc(g - 1, (g - 1) % 3).wait()
            gather_desc(g + 2, (g - 1) % 3).start()
            fill(g + 2, (g - 1) % 3)

        for t in range(2):
            g = n_chunks - 2 + t
            b = g % 3
            gather_desc(g, b).wait()
            write_desc(g, b).start()

        for g in (n_chunks - 3, n_chunks - 2, n_chunks - 1):
            write_desc(g, g % 3).wait()

    return gather


def kernel(z, period_mapping, group_mapping, z_table, period_table,
           group_table):
    fused = _fuse_tables(period_mapping, group_mapping, z_table,
                         period_table, group_table)
    fused_rep = jnp.tile(jnp.repeat(fused, _K, axis=0), (_NW, 1))
    return _make_gather(N_ATOMS)(z, fused_rep, fused)

# --- scband reference (transcript-rebuilt; emitter-appended) ---
"""Pipeline reference for scband-phys-embedding-37391985279597 (READ-ONLY COPY).

The authoritative reference and input builder live on the scoring server;
editing this copy changes nothing except your own understanding.
"""

import jax, jax.numpy as jnp
import numpy as np

N_ATOMS = 204800
N_ELEMENTS = 85  # vocab rows = n_elements + 1 = 86 (index 0 is padding/dummy)
Z_EMB = 128
PERIOD_EMB = 64
GROUP_EMB = 64
N_PERIODS = 8   # periods 0..7 (PhysRef: max period + 1)
N_GROUPS = 20   # groups 0..19 (NaN group filled with 19)


def setup_inputs(seed: int = 0) -> dict:
    key = jax.random.key(seed)
    k1, k2, k3, k4, k5, k6 = jax.random.split(key, 6)
    # forward arg: atomic numbers per atom in the batch
    z = jax.random.randint(k1, (N_ATOMS,), 0, N_ELEMENTS).astype(jnp.int32)
    # fixed periodic-table mappings (atomic number -> period / group id),
    # registered buffers in PhysRef; synthesized deterministically here
    period_mapping = jax.random.randint(k2, (N_ELEMENTS + 1,), 0, N_PERIODS).astype(jnp.int32)
    group_mapping = jax.random.randint(k3, (N_ELEMENTS + 1,), 0, N_GROUPS).astype(jnp.int32)
    # learned embedding tables
    z_table = jax.random.normal(k4, (N_ELEMENTS + 1, Z_EMB), dtype=jnp.float32)
    period_table = jax.random.normal(k5, (N_PERIODS, PERIOD_EMB), dtype=jnp.float32)
    group_table = jax.random.normal(k6, (N_GROUPS, GROUP_EMB), dtype=jnp.float32)
    return {
        "z": z,
        "period_mapping": period_mapping,
        "group_mapping": group_mapping,
        "z_table": z_table,
        "period_table": period_table,
        "group_table": group_table,
    }


def reference(z, period_mapping, group_mapping, z_table, period_table, group_table):
    # PhysEmbedding.forward: concat of atomic-number embedding, period
    # embedding and group embedding (tag_emb_size=0, properties=[]).
    h_z = jnp.take(z_table, z, axis=0)                                  # [N, 128]
    per_idx = jnp.take(period_mapping, z)                               # [N]
    grp_idx = jnp.take(group_mapping, z)                                # [N]
    h_period = jnp.take(period_table, per_idx, axis=0)                  # [N, 64]
    h_group = jnp.take(group_table, grp_idx, axis=0)                    # [N, 64]
    return jnp.concatenate([h_z, h_period, h_group], axis=-1)           # [N, 256]

if __name__ == "__main__":
    import jax
    _d = setup_inputs()
    print(jax.jit(kernel)(*tuple(_d.values())))

</pallas_src>

<mosaic_0001>
#map = affine_map<(d0, d1) -> (0)>
#map1 = affine_map<(d0, d1) -> (0, 0)>
module attributes {stable_mosaic.version = 14 : i64} {
  func.func @sc_embed_gather(%arg0: i32, %arg1: i32, %arg2: memref<204800xi32, #tpu.memory_space<hbm>>, %arg3: memref<22016x256xf32, #tpu.memory_space<hbm>>, %arg4: memref<86x256xf32, #tpu.memory_space<hbm>>, %arg5: memref<204800x256xf32, #tpu.memory_space<hbm>>, %arg6: memref<6416xi32, #tpu.memory_space<vmem>>, %arg7: memref<86x256xf32, #tpu.memory_space<vmem>>, %arg8: memref<128x256xf32, #tpu.memory_space<vmem>>, %arg9: memref<128x256xf32, #tpu.memory_space<vmem>>, %arg10: memref<128x256xf32, #tpu.memory_space<vmem>>, %arg11: memref<!tpu.dma_semaphore, #tpu.memory_space<semaphore_mem>>, %arg12: memref<!tpu.dma_semaphore, #tpu.memory_space<semaphore_mem>>, %arg13: memref<!tpu.dma_semaphore, #tpu.memory_space<semaphore_mem>>, %arg14: memref<!tpu.dma_semaphore, #tpu.memory_space<semaphore_mem>>, %arg15: memref<!tpu.dma_semaphore, #tpu.memory_space<semaphore_mem>>, %arg16: memref<!tpu.dma_semaphore, #tpu.memory_space<semaphore_mem>>) attributes {dimension_semantics = [#tpu.dimension_semantics<core_parallel>, #tpu.dimension_semantics<subcore_parallel>], iteration_bounds = array<i64: 2, 16>, scalar_prefetch = 0 : i64, scratch_operands = 11 : i64, tpu.core_type = #tpu.core_type<sc_vector_subcore>, window_params = [{transform_indices = #map}, {transform_indices = #map1}, {transform_indices = #map1}, {transform_indices = #map1}]} {
    %mul3A = arith.constant 2 : i32
    %mul3A_0 = arith.muli %arg1, %mul3A : i32
    %add3A = arith.addi %mul3A_0, %arg0 : i32
    %mul3A_1 = arith.constant 6400 : i32
    %mul3A_2 = arith.muli %add3A, %mul3A_1 : i32
    "tpu.region"() ({
      %run_scoped3A = tpu.sem_alloc : memref<!tpu.dma_semaphore, #tpu.memory_space<semaphore_mem>>
      tpu.enqueue_dma source(%arg4 : memref<86x256xf32, #tpu.memory_space<hbm>>) target(%arg7 : memref<86x256xf32, #tpu.memory_space<vmem>>) target_semaphore(%run_scoped3A : memref<!tpu.dma_semaphore, #tpu.memory_space<semaphore_mem>>)
      tpu.wait_dma2 semaphore(%run_scoped3A : memref<!tpu.dma_semaphore, #tpu.memory_space<semaphore_mem>>) src(%arg4 : memref<86x256xf32, #tpu.memory_space<hbm>>) dst(%arg7 : memref<86x256xf32, #tpu.memory_space<vmem>>)
      tpu.yield
    }) : () -> ()
    "tpu.region"() ({
      %run_scoped3A = tpu.sem_alloc : memref<!tpu.dma_semaphore, #tpu.memory_space<semaphore_mem>>
      %dma_start3A_170 = arith.constant 0 : i32
      %dma_start3A_171 = tpu.memref_slice %arg6[%dma_start3A_170] : memref<6416xi32, #tpu.memory_space<vmem>> -> memref<6400xi32, #tpu.memory_space<vmem>>
      %dma_start3A_172 = tpu.memref_slice %arg2[%mul3A_2] : memref<204800xi32, #tpu.memory_space<hbm>> -> memref<6400xi32, #tpu.memory_space<hbm>>
      %dma_start3A_173 = arith.constant 0 : i32
      %dma_start3A_174 = tpu.memref_slice %arg6[%dma_start3A_173] : memref<6416xi32, #tpu.memory_space<vmem>> -> memref<6400xi32, #tpu.memory_space<vmem>>
      %dma_start3A_175 = tpu.memref_slice %arg2[%mul3A_2] : memref<204800xi32, #tpu.memory_space<hbm>> -> memref<6400xi32, #tpu.memory_space<hbm>>
      tpu.enqueue_dma source(%dma_start3A_175 : memref<6400xi32, #tpu.memory_space<hbm>>) target(%dma_start3A_174 : memref<6400xi32, #tpu.memory_space<vmem>>) target_semaphore(%run_scoped3A : memref<!tpu.dma_semaphore, #tpu.memory_space<semaphore_mem>>)
      %dma_wait3A_176 = arith.constant 0 : i32
      %dma_wait3A_177 = tpu.memref_slice %arg6[%dma_wait3A_176] : memref<6416xi32, #tpu.memory_space<vmem>> -> memref<6400xi32, #tpu.memory_space<vmem>>
      %dma_wait3A_178 = tpu.memref_slice %arg2[%mul3A_2] : memref<204800xi32, #tpu.memory_space<hbm>> -> memref<6400xi32, #tpu.memory_space<hbm>>
      %dma_wait3A_179 = arith.constant 0 : i32
      %dma_wait3A_180 = tpu.memref_slice %arg6[%dma_wait3A_179] : memref<6416xi32, #tpu.memory_space<vmem>> -> memref<6400xi32, #tpu.memory_space<vmem>>
      %dma_wait3A_181 = tpu.memref_slice %arg2[%mul3A_2] : memref<204800xi32, #tpu.memory_space<hbm>> -> memref<6400xi32, #tpu.memory_space<hbm>>
      tpu.wait_dma2 semaphore(%run_scoped3A : memref<!tpu.dma_semaphore, #tpu.memory_space<semaphore_mem>>) src(%dma_wait3A_181 : memref<6400xi32, #tpu.memory_space<hbm>>) dst(%dma_wait3A_180 : memref<6400xi32, #tpu.memory_space<vmem>>)
      tpu.yield
    }) : () -> ()
    %mul3A_3 = arith.constant 688 : i32
    %mul3A_4 = arith.muli %add3A, %mul3A_3 : i32
    %iota3A = tpu.iota {dimensions = array<i32: 0>} : vector<16xi32>
    %and3A = arith.constant 7 : i32
    %and3A_5 = vector.broadcast %and3A : i32 to vector<16xi32>
    %and3A_6 = arith.andi %iota3A, %and3A_5 : vector<16xi32>
    %scan3A = arith.constant 0 : i32
    %scan3A_7 = arith.constant 0 : i32
    %scan3A_8 = arith.constant 400 : i32
    %scan3A_9 = arith.addi %scan3A_7, %scan3A_8 : i32
    %scan3A_10 = arith.constant 1 : i32
    scf.for %scan3A_170 = %scan3A_7 to %scan3A_9 step %scan3A_10  : i32 {
      %mul3A_171 = arith.constant 16 : i32
      %mul3A_172 = arith.muli %scan3A_170, %mul3A_171 : i32
      %get3A = arith.index_cast %mul3A_172 : i32 to index
      %get3A_173 = tpu.vector_load %arg6[%get3A] {strides = array<i32>} : memref<6416xi32, #tpu.memory_space<vmem>>, vector<16xi32>,
      %mul3A_174 = arith.constant 8 : i32
      %mul3A_175 = vector.broadcast %mul3A_174 : i32 to vector<16xi32>
      %mul3A_176 = arith.muli %get3A_173, %mul3A_175 : vector<16xi32>
      %add3A_177 = vector.broadcast %mul3A_4 : i32 to vector<16xi32>
      %add3A_178 = arith.addi %and3A_6, %add3A_177 : vector<16xi32>
      %add3A_179 = arith.addi %mul3A_176, %add3A_178 : vector<16xi32>
      %swap3A = arith.index_cast %mul3A_172 : i32 to index
      %swap3A_180 = tpu.vector_load %arg6[%swap3A] {strides = array<i32>} : memref<6416xi32, #tpu.memory_space<vmem>>, vector<16xi32>,
      tpu.vector_store %arg6[%swap3A], %add3A_179 {strides = array<i32>} : memref<6416xi32, #tpu.memory_space<vmem>>, vector<16xi32>,
    }
    %scan3A_11 = arith.constant 400 : i32
    %dma_start3A = arith.constant 0 : i32
    %dma_start3A_12 = arith.constant 0 : i32
    %dma_start3A_13 = tpu.memref_slice %arg8[%dma_start3A, %dma_start3A_12] : memref<128x256xf32, #tpu.memory_space<vmem>> -> memref<8x256xf32, #tpu.memory_space<vmem>>
    %dma_start3A_14 = arith.constant 0 : i32
    %dma_start3A_15 = tpu.memref_slice %arg6[%dma_start3A_14] : memref<6416xi32, #tpu.memory_space<vmem>> -> memref<8xi32, #tpu.memory_space<vmem>>
    %dma_start3A_16 = arith.constant 0 : i32
    %dma_start3A_17 = arith.constant 0 : i32
    %dma_start3A_18 = tpu.memref_slice %arg3[%dma_start3A_16, %dma_start3A_17] : memref<22016x256xf32, #tpu.memory_space<hbm>> -> memref<22016x256xf32, #tpu.memory_space<hbm>>
    tpu.enqueue_indirect_dma source(%dma_start3A_18 : memref<22016x256xf32, #tpu.memory_space<hbm>>) target(%dma_start3A_13 : memref<8x256xf32, #tpu.memory_space<vmem>>) offsets(%dma_start3A_15 : memref<8xi32, #tpu.memory_space<vmem>>) semaphore(%arg11 : memref<!tpu.dma_semaphore, #tpu.memory_space<semaphore_mem>>)
    %parallel_loop3A = arith.constant 8 : i32
    %parallel_loop3A_19 = arith.constant 128 : i32
    %parallel_loop3A_20 = arith.constant 1 : i32
    scf.for %parallel_loop3A_170 = %parallel_loop3A to %parallel_loop3A_19 step %parallel_loop3A_20  : i32 {
      %parallel_loop3A_171 = arith.constant 0 : i32
      %parallel_loop3A_172 = arith.addi %parallel_loop3A_171, %parallel_loop3A_170 : i32
      %parallel_loop3A_173 = arith.index_cast %parallel_loop3A_172 : i32 to index
      %parallel_loop3A_174 = tpu.vector_load %arg6[%parallel_loop3A_173] {strides = array<i32>} : memref<6416xi32, #tpu.memory_space<vmem>>, vector<16xi32>,
      %parallel_loop3A_175 = vector.extract_strided_slice %parallel_loop3A_174 {offsets = [0], sizes = [1], strides = [1]} : vector<16xi32> to vector<1xi32>
      %parallel_loop3A_176 = vector.extract %parallel_loop3A_175[0] : i32 from vector<1xi32>
      %parallel_loop3A_177 = arith.constant 3 : i32
      %parallel_loop3A_178 = arith.shrsi %parallel_loop3A_176, %parallel_loop3A_177 : i32
      %parallel_loop3A_179 = arith.constant 86 : i32
      %parallel_loop3A_180 = arith.muli %add3A, %parallel_loop3A_179 : i32
      %parallel_loop3A_181 = arith.subi %parallel_loop3A_178, %parallel_loop3A_180 : i32
      %parallel_loop3A_182 = arith.index_cast %parallel_loop3A_181 : i32 to index
      %parallel_loop3A_183 = arith.constant 0 : index
      %parallel_loop3A_184 = tpu.vector_load %arg7[%parallel_loop3A_182, %parallel_loop3A_183] {strides = array<i32>} : memref<86x256xf32, #tpu.memory_space<vmem>>, vector<16xf32>,
      %parallel_loop3A_185 = arith.index_cast %parallel_loop3A_170 : i32 to index
      %parallel_loop3A_186 = arith.constant 0 : index
      %parallel_loop3A_187 = tpu.vector_load %arg8[%parallel_loop3A_185, %parallel_loop3A_186] {strides = array<i32>} : memref<128x256xf32, #tpu.memory_space<vmem>>, vector<16xf32>,
      tpu.vector_store %arg8[%parallel_loop3A_185, %parallel_loop3A_186], %parallel_loop3A_184 {strides = array<i32>} : memref<128x256xf32, #tpu.memory_space<vmem>>, vector<16xf32>,
      %parallel_loop3A_188 = arith.index_cast %parallel_loop3A_181 : i32 to index
      %parallel_loop3A_189 = arith.constant 16 : index
      %parallel_loop3A_190 = tpu.vector_load %arg7[%parallel_loop3A_188, %parallel_loop3A_189] {strides = array<i32>} : memref<86x256xf32, #tpu.memory_space<vmem>>, vector<16xf32>,
      %parallel_loop3A_191 = arith.index_cast %parallel_loop3A_170 : i32 to index
      %parallel_loop3A_192 = arith.constant 16 : index
      %parallel_loop3A_193 = tpu.vector_load %arg8[%parallel_loop3A_191, %parallel_loop3A_192] {strides = array<i32>} : memref<128x256xf32, #tpu.memory_space<vmem>>, vector<16xf32>,
      tpu.vector_store %arg8[%parallel_loop3A_191, %parallel_loop3A_192], %parallel_loop3A_190 {strides = array<i32>} : memref<128x256xf32, #tpu.memory_space<vmem>>, vector<16xf32>,
      %parallel_loop3A_194 = arith.index_cast %parallel_loop3A_181 : i32 to index
      %parallel_loop3A_195 = arith.constant 32 : index
      %parallel_loop3A_196 = tpu.vector_load %arg7[%parallel_loop3A_194, %parallel_loop3A_195] {strides = array<i32>} : memref<86x256xf32, #tpu.memory_space<vmem>>, vector<16xf32>,
      %parallel_loop3A_197 = arith.index_cast %parallel_loop3A_170 : i32 to index
      %parallel_loop3A_198 = arith.constant 32 : index
      %parallel_loop3A_199 = tpu.vector_load %arg8[%parallel_loop3A_197, %parallel_loop3A_198] {strides = array<i32>} : memref<128x256xf32, #tpu.memory_space<vmem>>, vector<16xf32>,
      tpu.vector_store %arg8[%parallel_loop3A_197, %parallel_loop3A_198], %parallel_loop3A_196 {strides = array<i32>} : memref<128x256xf32, #tpu.memory_space<vmem>>, vector<16xf32>,
      %parallel_loop3A_200 = arith.index_cast %parallel_loop3A_181 : i32 to index
      %parallel_loop3A_201 = arith.constant 48 : index
      %parallel_loop3A_202 = tpu.vector_load %arg7[%parallel_loop3A_200, %parallel_loop3A_201] {strides = array<i32>} : memref<86x256xf32, #tpu.memory_space<vmem>>, vector<16xf32>,
      %parallel_loop3A_203 = arith.index_cast %parallel_loop3A_170 : i32 to index
      %parallel_loop3A_204 = arith.constant 48 : index
      %parallel_loop3A_205 = tpu.vector_load %arg8[%parallel_loop3A_203, %parallel_loop3A_204] {strides = array<i32>} : memref<128x256xf32, #tpu.memory_space<vmem>>, vector<16xf32>,
      tpu.vector_store %arg8[%parallel_loop3A_203, %parallel_loop3A_204], %parallel_loop3A_202 {strides = array<i32>} : memref<128x256xf32, #tpu.memory_space<vmem>>, vector<16xf32>,
      %parallel_loop3A_206 = arith.index_cast %parallel_loop3A_181 : i32 to index
      %parallel_loop3A_207 = arith.constant 64 : index
      %parallel_loop3A_208 = tpu.vector_load %arg7[%parallel_loop3A_206, %parallel_loop3A_207] {strides = array<i32>} : memref<86x256xf32, #tpu.memory_space<vmem>>, vector<16xf32>,
      %parallel_loop3A_209 = arith.index_cast %parallel_loop3A_170 : i32 to index
      %parallel_loop3A_210 = arith.constant 64 : index
      %parallel_loop3A_211 = tpu.vector_load %arg8[%parallel_loop3A_209, %parallel_loop3A_210] {strides = array<i32>} : memref<128x256xf32, #tpu.memory_space<vmem>>, vector<16xf32>,
      tpu.vector_store %arg8[%parallel_loop3A_209, %parallel_loop3A_210], %parallel_loop3A_208 {strides = array<i32>} : memref<128x256xf32, #tpu.memory_space<vmem>>, vector<16xf32>,
      %parallel_loop3A_212 = arith.index_cast %parallel_loop3A_181 : i32 to index
      %parallel_loop3A_213 = arith.constant 80 : index
      %parallel_loop3A_214 = tpu.vector_load %arg7[%parallel_loop3A_212, %parallel_loop3A_213] {strides = array<i32>} : memref<86x256xf32, #tpu.memory_space<vmem>>, vector<16xf32>,
      %parallel_loop3A_215 = arith.index_cast %parallel_loop3A_170 : i32 to index
      %parallel_loop3A_216 = arith.constant 80 : index
      %parallel_loop3A_217 = tpu.vector_load %arg8[%parallel_loop3A_215, %parallel_loop3A_216] {strides = array<i32>} : memref<128x256xf32, #tpu.memory_space<vmem>>, vector<16xf32>,
      tpu.vector_store %arg8[%parallel_loop3A_215, %parallel_loop3A_216], %parallel_loop3A_214 {strides = array<i32>} : memref<128x256xf32, #tpu.memory_space<vmem>>, vector<16xf32>,
      %parallel_loop3A_218 = arith.index_cast %parallel_loop3A_181 : i32 to index
      %parallel_loop3A_219 = arith.constant 96 : index
      %parallel_loop3A_220 = tpu.vector_load %arg7[%parallel_loop3A_218, %parallel_loop3A_219] {strides = array<i32>} : memref<86x256xf32, #tpu.memory_space<vmem>>, vector<16xf32>,
      %parallel_loop3A_221 = arith.index_cast %parallel_loop3A_170 : i32 to index
      %parallel_loop3A_222 = arith.constant 96 : index
      %parallel_loop3A_223 = tpu.vector_load %arg8[%parallel_loop3A_221, %parallel_loop3A_222] {strides = array<i32>} : memref<128x256xf32, #tpu.memory_space<vmem>>, vector<16xf32>,
      tpu.vector_store %arg8[%parallel_loop3A_221, %parallel_loop3A_222], %parallel_loop3A_220 {strides = array<i32>} : memref<128x256xf32, #tpu.memory_space<vmem>>, vector<16xf32>,
      %parallel_loop3A_224 = arith.index_cast %parallel_loop3A_181 : i32 to index
      %parallel_loop3A_225 = arith.constant 112 : index
      %parallel_loop3A_226 = tpu.vector_load %arg7[%parallel_loop3A_224, %parallel_loop3A_225] {strides = array<i32>} : memref<86x256xf32, #tpu.memory_space<vmem>>, vector<16xf32>,
      %parallel_loop3A_227 = arith.index_cast %parallel_loop3A_170 : i32 to index
      %parallel_loop3A_228 = arith.constant 112 : index
      %parallel_loop3A_229 = tpu.vector_load %arg8[%parallel_loop3A_227, %parallel_loop3A_228] {strides = array<i32>} : memref<128x256xf32, #tpu.memory_space<vmem>>, vector<16xf32>,
      tpu.vector_store %arg8[%parallel_loop3A_227, %parallel_loop3A_228], %parallel_loop3A_226 {strides = array<i32>} : memref<128x256xf32, #tpu.memory_space<vmem>>, vector<16xf32>,
      %parallel_loop3A_230 = arith.index_cast %parallel_loop3A_181 : i32 to index
      %parallel_loop3A_231 = arith.constant 128 : index
      %parallel_loop3A_232 = tpu.vector_load %arg7[%parallel_loop3A_230, %parallel_loop3A_231] {strides = array<i32>} : memref<86x256xf32, #tpu.memory_space<vmem>>, vector<16xf32>,
      %parallel_loop3A_233 = arith.index_cast %parallel_loop3A_170 : i32 to index
      %parallel_loop3A_234 = arith.constant 128 : index
      %parallel_loop3A_235 = tpu.vector_load %arg8[%parallel_loop3A_233, %parallel_loop3A_234] {strides = array<i32>} : memref<128x256xf32, #tpu.memory_space<vmem>>, vector<16xf32>,
      tpu.vector_store %arg8[%parallel_loop3A_233, %parallel_loop3A_234], %parallel_loop3A_232 {strides = array<i32>} : memref<128x256xf32, #tpu.memory_space<vmem>>, vector<16xf32>,
      %parallel_loop3A_236 = arith.index_cast %parallel_loop3A_181 : i32 to index
      %parallel_loop3A_237 = arith.constant 144 : index
      %parallel_loop3A_238 = tpu.vector_load %arg7[%parallel_loop3A_236, %parallel_loop3A_237] {strides = array<i32>} : memref<86x256xf32, #tpu.memory_space<vmem>>, vector<16xf32>,
      %parallel_loop3A_239 = arith.index_cast %parallel_loop3A_170 : i32 to index
      %parallel_loop3A_240 = arith.constant 144 : index
      %parallel_loop3A_241 = tpu.vector_load %arg8[%parallel_loop3A_239, %parallel_loop3A_240] {strides = array<i32>} : memref<128x256xf32, #tpu.memory_space<vmem>>, vector<16xf32>,
      tpu.vector_store %arg8[%parallel_loop3A_239, %parallel_loop3A_240], %parallel_loop3A_238 {strides = array<i32>} : memref<128x256xf32, #tpu.memory_space<vmem>>, vector<16xf32>,
      %parallel_loop3A_242 = arith.index_cast %parallel_loop3A_181 : i32 to index
      %parallel_loop3A_243 = arith.constant 160 : index
      %parallel_loop3A_244 = tpu.vector_load %arg7[%parallel_loop3A_242, %parallel_loop3A_243] {strides = array<i32>} : memref<86x256xf32, #tpu.memory_space<vmem>>, vector<16xf32>,
      %parallel_loop3A_245 = arith.index_cast %parallel_loop3A_170 : i32 to index
      %parallel_loop3A_246 = arith.constant 160 : index
      %parallel_loop3A_247 = tpu.vector_load %arg8[%parallel_loop3A_245, %parallel_loop3A_246] {strides = array<i32>} : memref<128x256xf32, #tpu.memory_space<vmem>>, vector<16xf32>,
      tpu.vector_store %arg8[%parallel_loop3A_245, %parallel_loop3A_246], %parallel_loop3A_244 {strides = array<i32>} : memref<128x256xf32, #tpu.memory_space<vmem>>, vector<16xf32>,
      %parallel_loop3A_248 = arith.index_cast %parallel_loop3A_181 : i32 to index
      %parallel_loop3A_249 = arith.constant 176 : index
      %parallel_loop3A_250 = tpu.vector_load %arg7[%parallel_loop3A_248, %parallel_loop3A_249] {strides = array<i32>} : memref<86x256xf32, #tpu.memory_space<vmem>>, vector<16xf32>,
      %parallel_loop3A_251 = arith.index_cast %parallel_loop3A_170 : i32 to index
      %parallel_loop3A_252 = arith.constant 176 : index
      %parallel_loop3A_253 = tpu.vector_load %arg8[%parallel_loop3A_251, %parallel_loop3A_252] {strides = array<i32>} : memref<128x256xf32, #tpu.memory_space<vmem>>, vector<16xf32>,
      tpu.vector_store %arg8[%parallel_loop3A_251, %parallel_loop3A_252], %parallel_loop3A_250 {strides = array<i32>} : memref<128x256xf32, #tpu.memory_space<vmem>>, vector<16xf32>,
      %parallel_loop3A_254 = arith.index_cast %parallel_loop3A_181 : i32 to index
      %parallel_loop3A_255 = arith.constant 192 : index
      %parallel_loop3A_256 = tpu.vector_load %arg7[%parallel_loop3A_254, %parallel_loop3A_255] {strides = array<i32>} : memref<86x256xf32, #tpu.memory_space<vmem>>, vector<16xf32>,
      %parallel_loop3A_257 = arith.index_cast %parallel_loop3A_170 : i32 to index
      %parallel_loop3A_258 = arith.constant 192 : index
      %parallel_loop3A_259 = tpu.vector_load %arg8[%parallel_loop3A_257, %parallel_loop3A_258] {strides = array<i32>} : memref<128x256xf32, #tpu.memory_space<vmem>>, vector<16xf32>,
      tpu.vector_store %arg8[%parallel_loop3A_257, %parallel_loop3A_258], %parallel_loop3A_256 {strides = array<i32>} : memref<128x256xf32, #tpu.memory_space<vmem>>, vector<16xf32>,
      %parallel_loop3A_260 = arith.index_cast %parallel_loop3A_181 : i32 to index
      %parallel_loop3A_261 = arith.constant 208 : index
      %parallel_loop3A_262 = tpu.vector_load %arg7[%parallel_loop3A_260, %parallel_loop3A_261] {strides = array<i32>} : memref<86x256xf32, #tpu.memory_space<vmem>>, vector<16xf32>,
      %parallel_loop3A_263 = arith.index_cast %parallel_loop3A_170 : i32 to index
      %parallel_loop3A_264 = arith.constant 208 : index
      %parallel_loop3A_265 = tpu.vector_load %arg8[%parallel_loop3A_263, %parallel_loop3A_264] {strides = array<i32>} : memref<128x256xf32, #tpu.memory_space<vmem>>, vector<16xf32>,
      tpu.vector_store %arg8[%parallel_loop3A_263, %parallel_loop3A_264], %parallel_loop3A_262 {strides = array<i32>} : memref<128x256xf32, #tpu.memory_space<vmem>>, vector<16xf32>,
      %parallel_loop3A_266 = arith.index_cast %parallel_loop3A_181 : i32 to index
      %parallel_loop3A_267 = arith.constant 224 : index
      %parallel_loop3A_268 = tpu.vector_load %arg7[%parallel_loop3A_266, %parallel_loop3A_267] {strides = array<i32>} : memref<86x256xf32, #tpu.memory_space<vmem>>, vector<16xf32>,
      %parallel_loop3A_269 = arith.index_cast %parallel_loop3A_170 : i32 to index
      %parallel_loop3A_270 = arith.constant 224 : index
      %parallel_loop3A_271 = tpu.vector_load %arg8[%parallel_loop3A_269, %parallel_loop3A_270] {strides = array<i32>} : memref<128x256xf32, #tpu.memory_space<vmem>>, vector<16xf32>,
      tpu.vector_store %arg8[%parallel_loop3A_269, %parallel_loop3A_270], %parallel_loop3A_268 {strides = array<i32>} : memref<128x256xf32, #tpu.memory_space<vmem>>, vector<16xf32>,
      %parallel_loop3A_272 = arith.index_cast %parallel_loop3A_181 : i32 to index
      %parallel_loop3A_273 = arith.constant 240 : index
      %parallel_loop3A_274 = tpu.vector_load %arg7[%parallel_loop3A_272, %parallel_loop3A_273] {strides = array<i32>} : memref<86x256xf32, #tpu.memory_space<vmem>>, vector<16xf32>,
      %parallel_loop3A_275 = arith.index_cast %parallel_loop3A_170 : i32 to index
      %parallel_loop3A_276 = arith.constant 240 : index
      %parallel_loop3A_277 = tpu.vector_load %arg8[%parallel_loop3A_275, %parallel_loop3A_276] {strides = array<i32>} : memref<128x256xf32, #tpu.memory_space<vmem>>, vector<16xf32>,
      tpu.vector_store %arg8[%parallel_loop3A_275, %parallel_loop3A_276], %parallel_loop3A_274 {strides = array<i32>} : memref<128x256xf32, #tpu.memory_space<vmem>>, vector<16xf32>,
    } {sc.loop_unroll_factor = 4 : i64, sc.parallel_access}
    %dma_start3A_21 = arith.constant 0 : i32
    %dma_start3A_22 = arith.constant 0 : i32
    %dma_start3A_23 = tpu.memref_slice %arg9[%dma_start3A_21, %dma_start3A_22] : memref<128x256xf32, #tpu.memory_space<vmem>> -> memref<8x256xf32, #tpu.memory_space<vmem>>
    %dma_start3A_24 = arith.constant 128 : i32
    %dma_start3A_25 = tpu.memref_slice %arg6[%dma_start3A_24] : memref<6416xi32, #tpu.memory_space<vmem>> -> memref<8xi32, #tpu.memory_space<vmem>>
    %dma_start3A_26 = arith.constant 0 : i32
    %dma_start3A_27 = arith.constant 0 : i32
    %dma_start3A_28 = tpu.memref_slice %arg3[%dma_start3A_26, %dma_start3A_27] : memref<22016x256xf32, #tpu.memory_space<hbm>> -> memref<22016x256xf32, #tpu.memory_space<hbm>>
    tpu.enqueue_indirect_dma source(%dma_start3A_28 : memref<22016x256xf32, #tpu.memory_space<hbm>>) target(%dma_start3A_23 : memref<8x256xf32, #tpu.memory_space<vmem>>) offsets(%dma_start3A_25 : memref<8xi32, #tpu.memory_space<vmem>>) semaphore(%arg12 : memref<!tpu.dma_semaphore, #tpu.memory_space<semaphore_mem>>)
    %parallel_loop3A_29 = arith.constant 8 : i32
    %parallel_loop3A_30 = arith.constant 128 : i32
    %parallel_loop3A_31 = arith.constant 1 : i32
    scf.for %parallel_loop3A_170 = %parallel_loop3A_29 to %parallel_loop3A_30 step %parallel_loop3A_31  : i32 {
      %parallel_loop3A_171 = arith.constant 128 : i32
      %parallel_loop3A_172 = arith.addi %parallel_loop3A_171, %parallel_loop3A_170 : i32
      %parallel_loop3A_173 = arith.index_cast %parallel_loop3A_172 : i32 to index
      %parallel_loop3A_174 = tpu.vector_load %arg6[%parallel_loop3A_173] {strides = array<i32>} : memref<6416xi32, #tpu.memory_space<vmem>>, vector<16xi32>,
      %parallel_loop3A_175 = vector.extract_strided_slice %parallel_loop3A_174 {offsets = [0], sizes = [1], strides = [1]} : vector<16xi32> to vector<1xi32>
      %parallel_loop3A_176 = vector.extract %parallel_loop3A_175[0] : i32 from vector<1xi32>
      %parallel_loop3A_177 = arith.constant 3 : i32
      %parallel_loop3A_178 = arith.shrsi %parallel_loop3A_176, %parallel_loop3A_177 : i32
      %parallel_loop3A_179 = arith.constant 86 : i32
      %parallel_loop3A_180 = arith.muli %add3A, %parallel_loop3A_179 : i32
      %parallel_loop3A_181 = arith.subi %parallel_loop3A_178, %parallel_loop3A_180 : i32
      %parallel_loop3A_182 = arith.index_cast %parallel_loop3A_181 : i32 to index
      %parallel_loop3A_183 = arith.constant 0 : index
      %parallel_loop3A_184 = tpu.vector_load %arg7[%parallel_loop3A_182, %parallel_loop3A_183] {strides = array<i32>} : memref<86x256xf32, #tpu.memory_space<vmem>>, vector<16xf32>,
      %parallel_loop3A_185 = arith.index_cast %parallel_loop3A_170 : i32 to index
      %parallel_loop3A_186 = arith.constant 0 : index
      %parallel_loop3A_187 = tpu.vector_load %arg9[%parallel_loop3A_185, %parallel_loop3A_186] {strides = array<i32>} : memref<128x256xf32, #tpu.memory_space<vmem>>, vector<16xf32>,
      tpu.vector_store %arg9[%parallel_loop3A_185, %parallel_loop3A_186], %parallel_loop3A_184 {strides = array<i32>} : memref<128x256xf32, #tpu.memory_space<vmem>>, vector<16xf32>,
      %parallel_loop3A_188 = arith.index_cast %parallel_loop3A_181 : i32 to index
      %parallel_loop3A_189 = arith.constant 16 : index
      %parallel_loop3A_190 = tpu.vector_load %arg7[%parallel_loop3A_188, %parallel_loop3A_189] {strides = array<i32>} : memref<86x256xf32, #tpu.memory_space<vmem>>, vector<16xf32>,
      %parallel_loop3A_191 = arith.index_cast %parallel_loop3A_170 : i32 to index
      %parallel_loop3A_192 = arith.constant 16 : index
      %parallel_loop3A_193 = tpu.vector_load %arg9[%parallel_loop3A_191, %parallel_loop3A_192] {strides = array<i32>} : memref<128x256xf32, #tpu.memory_space<vmem>>, vector<16xf32>,
      tpu.vector_store %arg9[%parallel_loop3A_191, %parallel_loop3A_192], %parallel_loop3A_190 {strides = array<i32>} : memref<128x256xf32, #tpu.memory_space<vmem>>, vector<16xf32>,
      %parallel_loop3A_194 = arith.index_cast %parallel_loop3A_181 : i32 to index
      %parallel_loop3A_195 = arith.constant 32 : index
      %parallel_loop3A_196 = tpu.vector_load %arg7[%parallel_loop3A_194, %parallel_loop3A_195] {strides = array<i32>} : memref<86x256xf32, #tpu.memory_space<vmem>>, vector<16xf32>,
      %parallel_loop3A_197 = arith.index_cast %parallel_loop3A_170 : i32 to index
      %parallel_loop3A_198 = arith.constant 32 : index
      %parallel_loop3A_199 = tpu.vector_load %arg9[%parallel_loop3A_197, %parallel_loop3A_198] {strides = array<i32>} : memref<128x256xf32, #tpu.memory_space<vmem>>, vector<16xf32>,
      tpu.vector_store %arg9[%parallel_loop3A_197, %parallel_loop3A_198], %parallel_loop3A_196 {strides = array<i32>} : memref<128x256xf32, #tpu.memory_space<vmem>>, vector<16xf32>,
      %parallel_loop3A_200 = arith.index_cast %parallel_loop3A_181 : i32 to index
      %parallel_loop3A_201 = arith.constant 48 : index
      %parallel_loop3A_202 = tpu.vector_load %arg7[%parallel_loop3A_200, %parallel_loop3A_201] {strides = array<i32>} : memref<86x256xf32, #tpu.memory_space<vmem>>, vector<16xf32>,
      %parallel_loop3A_203 = arith.index_cast %parallel_loop3A_170 : i32 to index
      %parallel_loop3A_204 = arith.constant 48 : index
      %parallel_loop3A_205 = tpu.vector_load %arg9[%parallel_loop3A_203, %parallel_loop3A_204] {strides = array<i32>} : memref<128x256xf32, #tpu.memory_space<vmem>>, vector<16xf32>,
      tpu.vector_store %arg9[%parallel_loop3A_203, %parallel_loop3A_204], %parallel_loop3A_202 {strides = array<i32>} : memref<128x256xf32, #tpu.memory_space<vmem>>, vector<16xf32>,
      %parallel_loop3A_206 = arith.index_cast %parallel_loop3A_181 : i32 to index
      %parallel_loop3A_207 = arith.constant 64 : index
      %parallel_loop3A_208 = tpu.vector_load %arg7[%parallel_loop3A_206, %parallel_loop3A_207] {strides = array<i32>} : memref<86x256xf32, #tpu.memory_space<vmem>>, vector<16xf32>,
      %parallel_loop3A_209 = arith.index_cast %parallel_loop3A_170 : i32 to index
      %parallel_loop3A_210 = arith.constant 64 : index
      %parallel_loop3A_211 = tpu.vector_load %arg9[%parallel_loop3A_209, %parallel_loop3A_210] {strides = array<i32>} : memref<128x256xf32, #tpu.memory_space<vmem>>, vector<16xf32>,
      tpu.vector_store %arg9[%parallel_loop3A_209, %parallel_loop3A_210], %parallel_loop3A_208 {strides = array<i32>} : memref<128x256xf32, #tpu.memory_space<vmem>>, vector<16xf32>,
      %parallel_loop3A_212 = arith.index_cast %parallel_loop3A_181 : i32 to index
      %parallel_loop3A_213 = arith.constant 80 : index
      %parallel_loop3A_214 = tpu.vector_load %arg7[%parallel_loop3A_212, %parallel_loop3A_213] {strides = array<i32>} : memref<86x256xf32, #tpu.memory_space<vmem>>, vector<16xf32>,
      %parallel_loop3A_215 = arith.index_cast %parallel_loop3A_170 : i32 to index
      %parallel_loop3A_216 = arith.constant 80 : index
      %parallel_loop3A_217 = tpu.vector_load %arg9[%parallel_loop3A_215, %parallel_loop3A_216] {strides = array<i32>} : memref<128x256xf32, #tpu.memory_space<vmem>>, vector<16xf32>,
      tpu.vector_store %arg9[%parallel_loop3A_215, %parallel_loop3A_216], %parallel_loop3A_214 {strides = array<i32>} : memref<128x256xf32, #tpu.memory_space<vmem>>, vector<16xf32>,
      %parallel_loop3A_218 = arith.index_cast %parallel_loop3A_181 : i32 to index
      %parallel_loop3A_219 = arith.constant 96 : index
      %parallel_loop3A_220 = tpu.vector_load %arg7[%parallel_loop3A_218, %parallel_loop3A_219] {strides = array<i32>} : memref<86x256xf32, #tpu.memory_space<vmem>>, vector<16xf32>,
      %parallel_loop3A_221 = arith.index_cast %parallel_loop3A_170 : i32 to index
      %parallel_loop3A_222 = arith.constant 96 : index
      %parallel_loop3A_223 = tpu.vector_load %arg9[%parallel_loop3A_221, %parallel_loop3A_222] {strides = array<i32>} : memref<128x256xf32, #tpu.memory_space<vmem>>, vector<16xf32>,
      tpu.vector_store %arg9[%parallel_loop3A_221, %parallel_loop3A_222], %parallel_loop3A_220 {strides = array<i32>} : memref<128x256xf32, #tpu.memory_space<vmem>>, vector<16xf32>,
      %parallel_loop3A_224 = arith.index_cast %parallel_loop3A_181 : i32 to index
      %parallel_loop3A_225 = arith.constant 112 : index
      %parallel_loop3A_226 = tpu.vector_load %arg7[%parallel_loop3A_224, %parallel_loop3A_225] {strides = array<i32>} : memref<86x256xf32, #tpu.memory_space<vmem>>, vector<16xf32>,
      %parallel_loop3A_227 = arith.index_cast %parallel_loop3A_170 : i32 to index
      %parallel_loop3A_228 = arith.constant 112 : index
      %parallel_loop3A_229 = tpu.vector_load %arg9[%parallel_loop3A_227, %parallel_loop3A_228] {strides = array<i32>} : memref<128x256xf32, #tpu.memory_space<vmem>>, vector<16xf32>,
      tpu.vector_store %arg9[%parallel_loop3A_227, %parallel_loop3A_228], %parallel_loop3A_226 {strides = array<i32>} : memref<128x256xf32, #tpu.memory_space<vmem>>, vector<16xf32>,
      %parallel_loop3A_230 = arith.index_cast %parallel_loop3A_181 : i32 to index
      %parallel_loop3A_231 = arith.constant 128 : index
      %parallel_loop3A_232 = tpu.vector_load %arg7[%parallel_loop3A_230, %parallel_loop3A_231] {strides = array<i32>} : memref<86x256xf32, #tpu.memory_space<vmem>>, vector<16xf32>,
      %parallel_loop3A_233 = arith.index_cast %parallel_loop3A_170 : i32 to index
      %parallel_loop3A_234 = arith.constant 128 : index
      %parallel_loop3A_235 = tpu.vector_load %arg9[%parallel_loop3A_233, %parallel_loop3A_234] {strides = array<i32>} : memref<128x256xf32, #tpu.memory_space<vmem>>, vector<16xf32>,
      tpu.vector_store %arg9[%parallel_loop3A_233, %parallel_loop3A_234], %parallel_loop3A_232 {strides = array<i32>} : memref<128x256xf32, #tpu.memory_space<vmem>>, vector<16xf32>,
      %parallel_loop3A_236 = arith.index_cast %parallel_loop3A_181 : i32 to index
      %parallel_loop3A_237 = arith.constant 144 : index
      %parallel_loop3A_238 = tpu.vector_load %arg7[%parallel_loop3A_236, %parallel_loop3A_237] {strides = array<i32>} : memref<86x256xf32, #tpu.memory_space<vmem>>, vector<16xf32>,
      %parallel_loop3A_239 = arith.index_cast %parallel_loop3A_170 : i32 to index
      %parallel_loop3A_240 = arith.constant 144 : index
      %parallel_loop3A_241 = tpu.vector_load %arg9[%parallel_loop3A_239, %parallel_loop3A_240] {strides = array<i32>} : memref<128x256xf32, #tpu.memory_space<vmem>>, vector<16xf32>,
      tpu.vector_store %arg9[%parallel_loop3A_239, %parallel_loop3A_240], %parallel_loop3A_238 {strides = array<i32>} : memref<128x256xf32, #tpu.memory_space<vmem>>, vector<16xf32>,
      %parallel_loop3A_242 = arith.index_cast %parallel_loop3A_181 : i32 to index
      %parallel_loop3A_243 = arith.constant 160 : index
      %parallel_loop3A_244 = tpu.vector_load %arg7[%parallel_loop3A_242, %parallel_loop3A_243] {strides = array<i32>} : memref<86x256xf32, #tpu.memory_space<vmem>>, vector<16xf32>,
      %parallel_loop3A_245 = arith.index_cast %parallel_loop3A_170 : i32 to index
      %parallel_loop3A_246 = arith.constant 160 : index
      %parallel_loop3A_247 = tpu.vector_load %arg9[%parallel_loop3A_245, %parallel_loop3A_246] {strides = array<i32>} : memref<128x256xf32, #tpu.memory_space<vmem>>, vector<16xf32>,
      tpu.vector_store %arg9[%parallel_loop3A_245, %parallel_loop3A_246], %parallel_loop3A_244 {strides = array<i32>} : memref<128x256xf32, #tpu.memory_space<vmem>>, vector<16xf32>,
      %parallel_loop3A_248 = arith.index_cast %parallel_loop3A_181 : i32 to index
      %parallel_loop3A_249 = arith.constant 176 : index
      %parallel_loop3A_250 = tpu.vector_load %arg7[%parallel_loop3A_248, %parallel_loop3A_249] {strides = array<i32>} : memref<86x256xf32, #tpu.memory_space<vmem>>, vector<16xf32>,
      %parallel_loop3A_251 = arith.index_cast %parallel_loop3A_170 : i32 to index
      %parallel_loop3A_252 = arith.constant 176 : index
      %parallel_loop3A_253 = tpu.vector_load %arg9[%parallel_loop3A_251, %parallel_loop3A_252] {strides = array<i32>} : memref<128x256xf32, #tpu.memory_space<vmem>>, vector<16xf32>,
      tpu.vector_store %arg9[%parallel_loop3A_251, %parallel_loop3A_252], %parallel_loop3A_250 {strides = array<i32>} : memref<128x256xf32, #tpu.memory_space<vmem>>, vector<16xf32>,
      %parallel_loop3A_254 = arith.index_cast %parallel_loop3A_181 : i32 to index
      %parallel_loop3A_255 = arith.constant 192 : index
      %parallel_loop3A_256 = tpu.vector_load %arg7[%parallel_loop3A_254, %parallel_loop3A_255] {strides = array<i32>} : memref<86x256xf32, #tpu.memory_space<vmem>>, vector<16xf32>,
      %parallel_loop3A_257 = arith.index_cast %parallel_loop3A_170 : i32 to index
      %parallel_loop3A_258 = arith.constant 192 : index
      %parallel_loop3A_259 = tpu.vector_load %arg9[%parallel_loop3A_257, %parallel_loop3A_258] {strides = array<i32>} : memref<128x256xf32, #tpu.memory_space<vmem>>, vector<16xf32>,
      tpu.vector_store %arg9[%parallel_loop3A_257, %parallel_loop3A_258], %parallel_loop3A_256 {strides = array<i32>} : memref<128x256xf32, #tpu.memory_space<vmem>>, vector<16xf32>,
      %parallel_loop3A_260 = arith.index_cast %parallel_loop3A_181 : i32 to index
      %parallel_loop3A_261 = arith.constant 208 : index
      %parallel_loop3A_262 = tpu.vector_load %arg7[%parallel_loop3A_260, %parallel_loop3A_261] {strides = array<i32>} : memref<86x256xf32, #tpu.memory_space<vmem>>, vector<16xf32>,
      %parallel_loop3A_263 = arith.index_cast %parallel_loop3A_170 : i32 to index
      %parallel_loop3A_264 = arith.constant 208 : index
      %parallel_loop3A_265 = tpu.vector_load %arg9[%parallel_loop3A_263, %parallel_loop3A_264] {strides = array<i32>} : memref<128x256xf32, #tpu.memory_space<vmem>>, vector<16xf32>,
      tpu.vector_store %arg9[%parallel_loop3A_263, %parallel_loop3A_264], %parallel_loop3A_262 {strides = array<i32>} : memref<128x256xf32, #tpu.memory_space<vmem>>, vector<16xf32>,
      %parallel_loop3A_266 = arith.index_cast %parallel_loop3A_181 : i32 to index
      %parallel_loop3A_267 = arith.constant 224 : index
      %parallel_loop3A_268 = tpu.vector_load %arg7[%parallel_loop3A_266, %parallel_loop3A_267] {strides = array<i32>} : memref<86x256xf32, #tpu.memory_space<vmem>>, vector<16xf32>,
      %parallel_loop3A_269 = arith.index_cast %parallel_loop3A_170 : i32 to index
      %parallel_loop3A_270 = arith.constant 224 : index
      %parallel_loop3A_271 = tpu.vector_load %arg9[%parallel_loop3A_269, %parallel_loop3A_270] {strides = array<i32>} : memref<128x256xf32, #tpu.memory_space<vmem>>, vector<16xf32>,
      tpu.vector_store %arg9[%parallel_loop3A_269, %parallel_loop3A_270], %parallel_loop3A_268 {strides = array<i32>} : memref<128x256xf32, #tpu.memory_space<vmem>>, vector<16xf32>,
      %parallel_loop3A_272 = arith.index_cast %parallel_loop3A_181 : i32 to index
      %parallel_loop3A_273 = arith.constant 240 : index
      %parallel_loop3A_274 = tpu.vector_load %arg7[%parallel_loop3A_272, %parallel_loop3A_273] {strides = array<i32>} : memref<86x256xf32, #tpu.memory_space<vmem>>, vector<16xf32>,
      %parallel_loop3A_275 = arith.index_cast %parallel_loop3A_170 : i32 to index
      %parallel_loop3A_276 = arith.constant 240 : index
      %parallel_loop3A_277 = tpu.vector_load %arg9[%parallel_loop3A_275, %parallel_loop3A_276] {strides = array<i32>} : memref<128x256xf32, #tpu.memory_space<vmem>>, vector<16xf32>,
      tpu.vector_store %arg9[%parallel_loop3A_275, %parallel_loop3A_276], %parallel_loop3A_274 {strides = array<i32>} : memref<128x256xf32, #tpu.memory_space<vmem>>, vector<16xf32>,
    } {sc.loop_unroll_factor = 4 : i64, sc.parallel_access}
    %dma_wait3A = arith.constant 0 : i32
    %dma_wait3A_32 = arith.constant 0 : i32
    %dma_wait3A_33 = tpu.memref_slice %arg8[%dma_wait3A, %dma_wait3A_32] : memref<128x256xf32, #tpu.memory_space<vmem>> -> memref<8x256xf32, #tpu.memory_space<vmem>>
    %dma_wait3A_34 = arith.constant 0 : i32
    %dma_wait3A_35 = tpu.memref_slice %arg6[%dma_wait3A_34] : memref<6416xi32, #tpu.memory_space<vmem>> -> memref<8xi32, #tpu.memory_space<vmem>>
    %dma_wait3A_36 = arith.constant 0 : i32
    %dma_wait3A_37 = arith.constant 0 : i32
    %dma_wait3A_38 = tpu.memref_slice %arg3[%dma_wait3A_36, %dma_wait3A_37] : memref<22016x256xf32, #tpu.memory_space<hbm>> -> memref<22016x256xf32, #tpu.memory_space<hbm>>
    tpu.wait_indirect_dma semaphore(%arg11 : memref<!tpu.dma_semaphore, #tpu.memory_space<semaphore_mem>>) src(%dma_wait3A_38 : memref<22016x256xf32, #tpu.memory_space<hbm>>) dst(%dma_wait3A_33 : memref<8x256xf32, #tpu.memory_space<vmem>>)
    %add3A_39 = arith.constant 0 : i32
    %add3A_40 = arith.addi %mul3A_2, %add3A_39 : i32
    %dma_start3A_41 = arith.constant 0 : i32
    %dma_start3A_42 = tpu.memref_slice %arg5[%add3A_40, %dma_start3A_41] : memref<204800x256xf32, #tpu.memory_space<hbm>> -> memref<128x256xf32, #tpu.memory_space<hbm>>
    %dma_start3A_43 = arith.constant 0 : i32
    %dma_start3A_44 = tpu.memref_slice %arg5[%add3A_40, %dma_start3A_43] : memref<204800x256xf32, #tpu.memory_space<hbm>> -> memref<128x256xf32, #tpu.memory_space<hbm>>
    tpu.enqueue_dma source(%arg8 : memref<128x256xf32, #tpu.memory_space<vmem>>) target(%dma_start3A_44 : memref<128x256xf32, #tpu.memory_space<hbm>>) target_semaphore(%arg14 : memref<!tpu.dma_semaphore, #tpu.memory_space<semaphore_mem>>)
    %dma_start3A_45 = arith.constant 0 : i32
    %dma_start3A_46 = arith.constant 0 : i32
    %dma_start3A_47 = tpu.memref_slice %arg10[%dma_start3A_45, %dma_start3A_46] : memref<128x256xf32, #tpu.memory_space<vmem>> -> memref<8x256xf32, #tpu.memory_space<vmem>>
    %dma_start3A_48 = arith.constant 256 : i32
    %dma_start3A_49 = tpu.memref_slice %arg6[%dma_start3A_48] : memref<6416xi32, #tpu.memory_space<vmem>> -> memref<8xi32, #tpu.memory_space<vmem>>
    %dma_start3A_50 = arith.constant 0 : i32
    %dma_start3A_51 = arith.constant 0 : i32
    %dma_start3A_52 = tpu.memref_slice %arg3[%dma_start3A_50, %dma_start3A_51] : memref<22016x256xf32, #tpu.memory_space<hbm>> -> memref<22016x256xf32, #tpu.memory_space<hbm>>
    tpu.enqueue_indirect_dma source(%dma_start3A_52 : memref<22016x256xf32, #tpu.memory_space<hbm>>) target(%dma_start3A_47 : memref<8x256xf32, #tpu.memory_space<vmem>>) offsets(%dma_start3A_49 : memref<8xi32, #tpu.memory_space<vmem>>) semaphore(%arg13 : memref<!tpu.dma_semaphore, #tpu.memory_space<semaphore_mem>>)
    %parallel_loop3A_53 = arith.constant 8 : i32
    %parallel_loop3A_54 = arith.constant 128 : i32
    %parallel_loop3A_55 = arith.constant 1 : i32
    scf.for %parallel_loop3A_170 = %parallel_loop3A_53 to %parallel_loop3A_54 step %parallel_loop3A_55  : i32 {
      %parallel_loop3A_171 = arith.constant 256 : i32
      %parallel_loop3A_172 = arith.addi %parallel_loop3A_171, %parallel_loop3A_170 : i32
      %parallel_loop3A_173 = arith.index_cast %parallel_loop3A_172 : i32 to index
      %parallel_loop3A_174 = tpu.vector_load %arg6[%parallel_loop3A_173] {strides = array<i32>} : memref<6416xi32, #tpu.memory_space<vmem>>, vector<16xi32>,
      %parallel_loop3A_175 = vector.extract_strided_slice %parallel_loop3A_174 {offsets = [0], sizes = [1], strides = [1]} : vector<16xi32> to vector<1xi32>
      %parallel_loop3A_176 = vector.extract %parallel_loop3A_175[0] : i32 from vector<1xi32>
      %parallel_loop3A_177 = arith.constant 3 : i32
      %parallel_loop3A_178 = arith.shrsi %parallel_loop3A_176, %parallel_loop3A_177 : i32
      %parallel_loop3A_179 = arith.constant 86 : i32
      %parallel_loop3A_180 = arith.muli %add3A, %parallel_loop3A_179 : i32
      %parallel_loop3A_181 = arith.subi %parallel_loop3A_178, %parallel_loop3A_180 : i32
      %parallel_loop3A_182 = arith.index_cast %parallel_loop3A_181 : i32 to index
      %parallel_loop3A_183 = arith.constant 0 : index
      %parallel_loop3A_184 = tpu.vector_load %arg7[%parallel_loop3A_182, %parallel_loop3A_183] {strides = array<i32>} : memref<86x256xf32, #tpu.memory_space<vmem>>, vector<16xf32>,
      %parallel_loop3A_185 = arith.index_cast %parallel_loop3A_170 : i32 to index
      %parallel_loop3A_186 = arith.constant 0 : index
      %parallel_loop3A_187 = tpu.vector_load %arg10[%parallel_loop3A_185, %parallel_loop3A_186] {strides = array<i32>} : memref<128x256xf32, #tpu.memory_space<vmem>>, vector<16xf32>,
      tpu.vector_store %arg10[%parallel_loop3A_185, %parallel_loop3A_186], %parallel_loop3A_184 {strides = array<i32>} : memref<128x256xf32, #tpu.memory_space<vmem>>, vector<16xf32>,
      %parallel_loop3A_188 = arith.index_cast %parallel_loop3A_181 : i32 to index
      %parallel_loop3A_189 = arith.constant 16 : index
      %parallel_loop3A_190 = tpu.vector_load %arg7[%parallel_loop3A_188, %parallel_loop3A_189] {strides = array<i32>} : memref<86x256xf32, #tpu.memory_space<vmem>>, vector<16xf32>,
      %parallel_loop3A_191 = arith.index_cast %parallel_loop3A_170 : i32 to index
      %parallel_loop3A_192 = arith.constant 16 : index
      %parallel_loop3A_193 = tpu.vector_load %arg10[%parallel_loop3A_191, %parallel_loop3A_192] {strides = array<i32>} : memref<128x256xf32, #tpu.memory_space<vmem>>, vector<16xf32>,
      tpu.vector_store %arg10[%parallel_loop3A_191, %parallel_loop3A_192], %parallel_loop3A_190 {strides = array<i32>} : memref<128x256xf32, #tpu.memory_space<vmem>>, vector<16xf32>,
      %parallel_loop3A_194 = arith.index_cast %parallel_loop3A_181 : i32 to index
      %parallel_loop3A_195 = arith.constant 32 : index
      %parallel_loop3A_196 = tpu.vector_load %arg7[%parallel_loop3A_194, %parallel_loop3A_195] {strides = array<i32>} : memref<86x256xf32, #tpu.memory_space<vmem>>, vector<16xf32>,
      %parallel_loop3A_197 = arith.index_cast %parallel_loop3A_170 : i32 to index
      %parallel_loop3A_198 = arith.constant 32 : index
      %parallel_loop3A_199 = tpu.vector_load %arg10[%parallel_loop3A_197, %parallel_loop3A_198] {strides = array<i32>} : memref<128x256xf32, #tpu.memory_space<vmem>>, vector<16xf32>,
      tpu.vector_store %arg10[%parallel_loop3A_197, %parallel_loop3A_198], %parallel_loop3A_196 {strides = array<i32>} : memref<128x256xf32, #tpu.memory_space<vmem>>, vector<16xf32>,
      %parallel_loop3A_200 = arith.index_cast %parallel_loop3A_181 : i32 to index
      %parallel_loop3A_201 = arith.constant 48 : index
      %parallel_loop3A_202 = tpu.vector_load %arg7[%parallel_loop3A_200, %parallel_loop3A_201] {strides = array<i32>} : memref<86x256xf32, #tpu.memory_space<vmem>>, vector<16xf32>,
      %parallel_loop3A_203 = arith.index_cast %parallel_loop3A_170 : i32 to index
      %parallel_loop3A_204 = arith.constant 48 : index
      %parallel_loop3A_205 = tpu.vector_load %arg10[%parallel_loop3A_203, %parallel_loop3A_204] {strides = array<i32>} : memref<128x256xf32, #tpu.memory_space<vmem>>, vector<16xf32>,
      tpu.vector_store %arg10[%parallel_loop3A_203, %parallel_loop3A_204], %parallel_loop3A_202 {strides = array<i32>} : memref<128x256xf32, #tpu.memory_space<vmem>>, vector<16xf32>,
      %parallel_loop3A_206 = arith.index_cast %parallel_loop3A_181 : i32 to index
      %parallel_loop3A_207 = arith.constant 64 : index
      %parallel_loop3A_208 = tpu.vector_load %arg7[%parallel_loop3A_206, %parallel_loop3A_207] {strides = array<i32>} : memref<86x256xf32, #tpu.memory_space<vmem>>, vector<16xf32>,
      %parallel_loop3A_209 = arith.index_cast %parallel_loop3A_170 : i32 to index
      %parallel_loop3A_210 = arith.constant 64 : index
      %parallel_loop3A_211 = tpu.vector_load %arg10[%parallel_loop3A_209, %parallel_loop3A_210] {strides = array<i32>} : memref<128x256xf32, #tpu.memory_space<vmem>>, vector<16xf32>,
      tpu.vector_store %arg10[%parallel_loop3A_209, %parallel_loop3A_210], %parallel_loop3A_208 {strides = array<i32>} : memref<128x256xf32, #tpu.memory_space<vmem>>, vector<16xf32>,
      %parallel_loop3A_212 = arith.index_cast %parallel_loop3A_181 : i32 to index
      %parallel_loop3A_213 = arith.constant 80 : index
      %parallel_loop3A_214 = tpu.vector_load %arg7[%parallel_loop3A_212, %parallel_loop3A_213] {strides = array<i32>} : memref<86x256xf32, #tpu.memory_space<vmem>>, vector<16xf32>,
      %parallel_loop3A_215 = arith.index_cast %parallel_loop3A_170 : i32 to index
      %parallel_loop3A_216 = arith.constant 80 : index
      %parallel_loop3A_217 = tpu.vector_load %arg10[%parallel_loop3A_215, %parallel_loop3A_216] {strides = array<i32>} : memref<128x256xf32, #tpu.memory_space<vmem>>, vector<16xf32>,
      tpu.vector_store %arg10[%parallel_loop3A_215, %parallel_loop3A_216], %parallel_loop3A_214 {strides = array<i32>} : memref<128x256xf32, #tpu.memory_space<vmem>>, vector<16xf32>,
      %parallel_loop3A_218 = arith.index_cast %parallel_loop3A_181 : i32 to index
      %parallel_loop3A_219 = arith.constant 96 : index
      %parallel_loop3A_220 = tpu.vector_load %arg7[%parallel_loop3A_218, %parallel_loop3A_219] {strides = array<i32>} : memref<86x256xf32, #tpu.memory_space<vmem>>, vector<16xf32>,
      %parallel_loop3A_221 = arith.index_cast %parallel_loop3A_170 : i32 to index
      %parallel_loop3A_222 = arith.constant 96 : index
      %parallel_loop3A_223 = tpu.vector_load %arg10[%parallel_loop3A_221, %parallel_loop3A_222] {strides = array<i32>} : memref<128x256xf32, #tpu.memory_space<vmem>>, vector<16xf32>,
      tpu.vector_store %arg10[%parallel_loop3A_221, %parallel_loop3A_222], %parallel_loop3A_220 {strides = array<i32>} : memref<128x256xf32, #tpu.memory_space<vmem>>, vector<16xf32>,
      %parallel_loop3A_224 = arith.index_cast %parallel_loop3A_181 : i32 to index
      %parallel_loop3A_225 = arith.constant 112 : index
      %parallel_loop3A_226 = tpu.vector_load %arg7[%parallel_loop3A_224, %parallel_loop3A_225] {strides = array<i32>} : memref<86x256xf32, #tpu.memory_space<vmem>>, vector<16xf32>,
      %parallel_loop3A_227 = arith.index_cast %parallel_loop3A_170 : i32 to index
      %parallel_loop3A_228 = arith.constant 112 : index
      %parallel_loop3A_229 = tpu.vector_load %arg10[%parallel_loop3A_227, %parallel_loop3A_228] {strides = array<i32>} : memref<128x256xf32, #tpu.memory_space<vmem>>, vector<16xf32>,
      tpu.vector_store %arg10[%parallel_loop3A_227, %parallel_loop3A_228], %parallel_loop3A_226 {strides = array<i32>} : memref<128x256xf32, #tpu.memory_space<vmem>>, vector<16xf32>,
      %parallel_loop3A_230 = arith.index_cast %parallel_loop3A_181 : i32 to index
      %parallel_loop3A_231 = arith.constant 128 : index
      %parallel_loop3A_232 = tpu.vector_load %arg7[%parallel_loop3A_230, %parallel_loop3A_231] {strides = array<i32>} : memref<86x256xf32, #tpu.memory_space<vmem>>, vector<16xf32>,
      %parallel_loop3A_233 = arith.index_cast %parallel_loop3A_170 : i32 to index
      %parallel_loop3A_234 = arith.constant 128 : index
      %parallel_loop3A_235 = tpu.vector_load %arg10[%parallel_loop3A_233, %parallel_loop3A_234] {strides = array<i32>} : memref<128x256xf32, #tpu.memory_space<vmem>>, vector<16xf32>,
      tpu.vector_store %arg10[%parallel_loop3A_233, %parallel_loop3A_234], %parallel_loop3A_232 {strides = array<i32>} : memref<128x256xf32, #tpu.memory_space<vmem>>, vector<16xf32>,
      %parallel_loop3A_236 = arith.index_cast %parallel_loop3A_181 : i32 to index
      %parallel_loop3A_237 = arith.constant 144 : index
      %parallel_loop3A_238 = tpu.vector_load %arg7[%parallel_loop3A_236, %parallel_loop3A_237] {strides = array<i32>} : memref<86x256xf32, #tpu.memory_space<vmem>>, vector<16xf32>,
      %parallel_loop3A_239 = arith.index_cast %parallel_loop3A_170 : i32 to index
      %parallel_loop3A_240 = arith.constant 144 : index
      %parallel_loop3A_241 = tpu.vector_load %arg10[%parallel_loop3A_239, %parallel_loop3A_240] {strides = array<i32>} : memref<128x256xf32, #tpu.memory_space<vmem>>, vector<16xf32>,
      tpu.vector_store %arg10[%parallel_loop3A_239, %parallel_loop3A_240], %parallel_loop3A_238 {strides = array<i32>} : memref<128x256xf32, #tpu.memory_space<vmem>>, vector<16xf32>,
      %parallel_loop3A_242 = arith.index_cast %parallel_loop3A_181 : i32 to index
      %parallel_loop3A_243 = arith.constant 160 : index
      %parallel_loop3A_244 = tpu.vector_load %arg7[%parallel_loop3A_242, %parallel_loop3A_243] {strides = array<i32>} : memref<86x256xf32, #tpu.memory_space<vmem>>, vector<16xf32>,
      %parallel_loop3A_245 = arith.index_cast %parallel_loop3A_170 : i32 to index
      %parallel_loop3A_246 = arith.constant 160 : index
      %parallel_loop3A_247 = tpu.vector_load %arg10[%parallel_loop3A_245, %parallel_loop3A_246] {strides = array<i32>} : memref<128x256xf32, #tpu.memory_space<vmem>>, vector<16xf32>,
      tpu.vector_store %arg10[%parallel_loop3A_245, %parallel_loop3A_246], %parallel_loop3A_244 {strides = array<i32>} : memref<128x256xf32, #tpu.memory_space<vmem>>, vector<16xf32>,
      %parallel_loop3A_248 = arith.index_cast %parallel_loop3A_181 : i32 to index
      %parallel_loop3A_249 = arith.constant 176 : index
      %parallel_loop3A_250 = tpu.vector_load %arg7[%parallel_loop3A_248, %parallel_loop3A_249] {strides = array<i32>} : memref<86x256xf32, #tpu.memory_space<vmem>>, vector<16xf32>,
      %parallel_loop3A_251 = arith.index_cast %parallel_loop3A_170 : i32 to index
      %parallel_loop3A_252 = arith.constant 176 : index
      %parallel_loop3A_253 = tpu.vector_load %arg10[%parallel_loop3A_251, %parallel_loop3A_252] {strides = array<i32>} : memref<128x256xf32, #tpu.memory_space<vmem>>, vector<16xf32>,
      tpu.vector_store %arg10[%parallel_loop3A_251, %parallel_loop3A_252], %parallel_loop3A_250 {strides = array<i32>} : memref<128x256xf32, #tpu.memory_space<vmem>>, vector<16xf32>,
      %parallel_loop3A_254 = arith.index_cast %parallel_loop3A_181 : i32 to index
      %parallel_loop3A_255 = arith.constant 192 : index
      %parallel_loop3A_256 = tpu.vector_load %arg7[%parallel_loop3A_254, %parallel_loop3A_255] {strides = array<i32>} : memref<86x256xf32, #tpu.memory_space<vmem>>, vector<16xf32>,
      %parallel_loop3A_257 = arith.index_cast %parallel_loop3A_170 : i32 to index
      %parallel_loop3A_258 = arith.constant 192 : index
      %parallel_loop3A_259 = tpu.vector_load %arg10[%parallel_loop3A_257, %parallel_loop3A_258] {strides = array<i32>} : memref<128x256xf32, #tpu.memory_space<vmem>>, vector<16xf32>,
      tpu.vector_store %arg10[%parallel_loop3A_257, %parallel_loop3A_258], %parallel_loop3A_256 {strides = array<i32>} : memref<128x256xf32, #tpu.memory_space<vmem>>, vector<16xf32>,
      %parallel_loop3A_260 = arith.index_cast %parallel_loop3A_181 : i32 to index
      %parallel_loop3A_261 = arith.constant 208 : index
      %parallel_loop3A_262 = tpu.vector_load %arg7[%parallel_loop3A_260, %parallel_loop3A_261] {strides = array<i32>} : memref<86x256xf32, #tpu.memory_space<vmem>>, vector<16xf32>,
      %parallel_loop3A_263 = arith.index_cast %parallel_loop3A_170 : i32 to index
      %parallel_loop3A_264 = arith.constant 208 : index
      %parallel_loop3A_265 = tpu.vector_load %arg10[%parallel_loop3A_263, %parallel_loop3A_264] {strides = array<i32>} : memref<128x256xf32, #tpu.memory_space<vmem>>, vector<16xf32>,
      tpu.vector_store %arg10[%parallel_loop3A_263, %parallel_loop3A_264], %parallel_loop3A_262 {strides = array<i32>} : memref<128x256xf32, #tpu.memory_space<vmem>>, vector<16xf32>,
      %parallel_loop3A_266 = arith.index_cast %parallel_loop3A_181 : i32 to index
      %parallel_loop3A_267 = arith.constant 224 : index
      %parallel_loop3A_268 = tpu.vector_load %arg7[%parallel_loop3A_266, %parallel_loop3A_267] {strides = array<i32>} : memref<86x256xf32, #tpu.memory_space<vmem>>, vector<16xf32>,
      %parallel_loop3A_269 = arith.index_cast %parallel_loop3A_170 : i32 to index
      %parallel_loop3A_270 = arith.constant 224 : index
      %parallel_loop3A_271 = tpu.vector_load %arg10[%parallel_loop3A_269, %parallel_loop3A_270] {strides = array<i32>} : memref<128x256xf32, #tpu.memory_space<vmem>>, vector<16xf32>,
      tpu.vector_store %arg10[%parallel_loop3A_269, %parallel_loop3A_270], %parallel_loop3A_268 {strides = array<i32>} : memref<128x256xf32, #tpu.memory_space<vmem>>, vector<16xf32>,
      %parallel_loop3A_272 = arith.index_cast %parallel_loop3A_181 : i32 to index
      %parallel_loop3A_273 = arith.constant 240 : index
      %parallel_loop3A_274 = tpu.vector_load %arg7[%parallel_loop3A_272, %parallel_loop3A_273] {strides = array<i32>} : memref<86x256xf32, #tpu.memory_space<vmem>>, vector<16xf32>,
      %parallel_loop3A_275 = arith.index_cast %parallel_loop3A_170 : i32 to index
      %parallel_loop3A_276 = arith.constant 240 : index
      %parallel_loop3A_277 = tpu.vector_load %arg10[%parallel_loop3A_275, %parallel_loop3A_276] {strides = array<i32>} : memref<128x256xf32, #tpu.memory_space<vmem>>, vector<16xf32>,
      tpu.vector_store %arg10[%parallel_loop3A_275, %parallel_loop3A_276], %parallel_loop3A_274 {strides = array<i32>} : memref<128x256xf32, #tpu.memory_space<vmem>>, vector<16xf32>,
    } {sc.loop_unroll_factor = 4 : i64, sc.parallel_access}
    %scan3A_56 = arith.constant 0 : i32
    %scan3A_57 = arith.constant 0 : i32
    %scan3A_58 = arith.constant 15 : i32
    %scan3A_59 = arith.addi %scan3A_57, %scan3A_58 : i32
    %scan3A_60 = arith.constant 1 : i32
    scf.for %scan3A_170 = %scan3A_57 to %scan3A_59 step %scan3A_60  : i32 {
      %mul3A_171 = arith.constant 3 : i32
      %mul3A_172 = arith.muli %mul3A_171, %scan3A_170 : i32
      %add3A_173 = arith.constant 1 : i32
      %add3A_174 = arith.addi %add3A_173, %mul3A_172 : i32
      %add3A_175 = arith.constant 0 : i32
      %add3A_176 = arith.addi %add3A_174, %add3A_175 : i32
      %mul3A_177 = arith.constant 128 : i32
      %mul3A_178 = arith.muli %add3A_176, %mul3A_177 : i32
      %dma_wait3A_179 = arith.constant 0 : i32
      %dma_wait3A_180 = arith.constant 0 : i32
      %dma_wait3A_181 = tpu.memref_slice %arg9[%dma_wait3A_179, %dma_wait3A_180] : memref<128x256xf32, #tpu.memory_space<vmem>> -> memref<8x256xf32, #tpu.memory_space<vmem>>
      %dma_wait3A_182 = tpu.memref_slice %arg6[%mul3A_178] : memref<6416xi32, #tpu.memory_space<vmem>> -> memref<8xi32, #tpu.memory_space<vmem>>
      %dma_wait3A_183 = arith.constant 0 : i32
      %dma_wait3A_184 = arith.constant 0 : i32
      %dma_wait3A_185 = tpu.memref_slice %arg3[%dma_wait3A_183, %dma_wait3A_184] : memref<22016x256xf32, #tpu.memory_space<hbm>> -> memref<22016x256xf32, #tpu.memory_space<hbm>>
      tpu.wait_indirect_dma semaphore(%arg12 : memref<!tpu.dma_semaphore, #tpu.memory_space<semaphore_mem>>) src(%dma_wait3A_185 : memref<22016x256xf32, #tpu.memory_space<hbm>>) dst(%dma_wait3A_181 : memref<8x256xf32, #tpu.memory_space<vmem>>)
      %mul3A_186 = arith.constant 128 : i32
      %mul3A_187 = arith.muli %add3A_176, %mul3A_186 : i32
      %add3A_188 = arith.addi %mul3A_2, %mul3A_187 : i32
      %dma_start3A_189 = arith.constant 0 : i32
      %dma_start3A_190 = tpu.memref_slice %arg5[%add3A_188, %dma_start3A_189] : memref<204800x256xf32, #tpu.memory_space<hbm>> -> memref<128x256xf32, #tpu.memory_space<hbm>>
      %dma_start3A_191 = arith.constant 0 : i32
      %dma_start3A_192 = tpu.memref_slice %arg5[%add3A_188, %dma_start3A_191] : memref<204800x256xf32, #tpu.memory_space<hbm>> -> memref<128x256xf32, #tpu.memory_space<hbm>>
      tpu.enqueue_dma source(%arg9 : memref<128x256xf32, #tpu.memory_space<vmem>>) target(%dma_start3A_192 : memref<128x256xf32, #tpu.memory_space<hbm>>) target_semaphore(%arg15 : memref<!tpu.dma_semaphore, #tpu.memory_space<semaphore_mem>>)
      %sub3A = arith.constant 1 : i32
      %sub3A_193 = arith.subi %add3A_176, %sub3A : i32
      %mul3A_194 = arith.constant 128 : i32
      %mul3A_195 = arith.muli %sub3A_193, %mul3A_194 : i32
      %add3A_196 = arith.addi %mul3A_2, %mul3A_195 : i32
      %dma_wait3A_197 = arith.constant 0 : i32
      %dma_wait3A_198 = tpu.memref_slice %arg5[%add3A_196, %dma_wait3A_197] : memref<204800x256xf32, #tpu.memory_space<hbm>> -> memref<128x256xf32, #tpu.memory_space<hbm>>
      %dma_wait3A_199 = arith.constant 0 : i32
      %dma_wait3A_200 = tpu.memref_slice %arg5[%add3A_196, %dma_wait3A_199] : memref<204800x256xf32, #tpu.memory_space<hbm>> -> memref<128x256xf32, #tpu.memory_space<hbm>>
      tpu.wait_dma2 semaphore(%arg14 : memref<!tpu.dma_semaphore, #tpu.memory_space<semaphore_mem>>) src(%arg8 : memref<128x256xf32, #tpu.memory_space<vmem>>) dst(%dma_wait3A_200 : memref<128x256xf32, #tpu.memory_space<hbm>>)
      %add3A_201 = arith.constant 2 : i32
      %add3A_202 = arith.addi %add3A_176, %add3A_201 : i32
      %mul3A_203 = arith.constant 128 : i32
      %mul3A_204 = arith.muli %add3A_202, %mul3A_203 : i32
      %dma_start3A_205 = arith.constant 0 : i32
      %dma_start3A_206 = arith.constant 0 : i32
      %dma_start3A_207 = tpu.memref_slice %arg8[%dma_start3A_205, %dma_start3A_206] : memref<128x256xf32, #tpu.memory_space<vmem>> -> memref<8x256xf32, #tpu.memory_space<vmem>>
      %dma_start3A_208 = tpu.memref_slice %arg6[%mul3A_204] : memref<6416xi32, #tpu.memory_space<vmem>> -> memref<8xi32, #tpu.memory_space<vmem>>
      %dma_start3A_209 = arith.constant 0 : i32
      %dma_start3A_210 = arith.constant 0 : i32
      %dma_start3A_211 = tpu.memref_slice %arg3[%dma_start3A_209, %dma_start3A_210] : memref<22016x256xf32, #tpu.memory_space<hbm>> -> memref<22016x256xf32, #tpu.memory_space<hbm>>
      tpu.enqueue_indirect_dma source(%dma_start3A_211 : memref<22016x256xf32, #tpu.memory_space<hbm>>) target(%dma_start3A_207 : memref<8x256xf32, #tpu.memory_space<vmem>>) offsets(%dma_start3A_208 : memref<8xi32, #tpu.memory_space<vmem>>) semaphore(%arg11 : memref<!tpu.dma_semaphore, #tpu.memory_space<semaphore_mem>>)
      %add3A_212 = arith.constant 2 : i32
      %add3A_213 = arith.addi %add3A_176, %add3A_212 : i32
      %parallel_loop3A_214 = arith.constant 8 : i32
      %parallel_loop3A_215 = arith.constant 128 : i32
      %parallel_loop3A_216 = arith.constant 1 : i32
      scf.for %parallel_loop3A_311 = %parallel_loop3A_214 to %parallel_loop3A_215 step %parallel_loop3A_216  : i32 {
        %parallel_loop3A_312 = arith.constant 128 : i32
        %parallel_loop3A_313 = arith.muli %add3A_213, %parallel_loop3A_312 : i32
        %parallel_loop3A_314 = arith.addi %parallel_loop3A_313, %parallel_loop3A_311 : i32
        %parallel_loop3A_315 = arith.index_cast %parallel_loop3A_314 : i32 to index
        %parallel_loop3A_316 = tpu.vector_load %arg6[%parallel_loop3A_315] {strides = array<i32>} : memref<6416xi32, #tpu.memory_space<vmem>>, vector<16xi32>,
        %parallel_loop3A_317 = vector.extract_strided_slice %parallel_loop3A_316 {offsets = [0], sizes = [1], strides = [1]} : vector<16xi32> to vector<1xi32>
        %parallel_loop3A_318 = vector.extract %parallel_loop3A_317[0] : i32 from vector<1xi32>
        %parallel_loop3A_319 = arith.constant 3 : i32
        %parallel_loop3A_320 = arith.shrsi %parallel_loop3A_318, %parallel_loop3A_319 : i32
        %parallel_loop3A_321 = arith.constant 86 : i32
        %parallel_loop3A_322 = arith.muli %add3A, %parallel_loop3A_321 : i32
        %parallel_loop3A_323 = arith.subi %parallel_loop3A_320, %parallel_loop3A_322 : i32
        %parallel_loop3A_324 = arith.index_cast %parallel_loop3A_323 : i32 to index
        %parallel_loop3A_325 = arith.constant 0 : index
        %parallel_loop3A_326 = tpu.vector_load %arg7[%parallel_loop3A_324, %parallel_loop3A_325] {strides = array<i32>} : memref<86x256xf32, #tpu.memory_space<vmem>>, vector<16xf32>,
        %parallel_loop3A_327 = arith.index_cast %parallel_loop3A_311 : i32 to index
        %parallel_loop3A_328 = arith.constant 0 : index
        %parallel_loop3A_329 = tpu.vector_load %arg8[%parallel_loop3A_327, %parallel_loop3A_328] {strides = array<i32>} : memref<128x256xf32, #tpu.memory_space<vmem>>, vector<16xf32>,
        tpu.vector_store %arg8[%parallel_loop3A_327, %parallel_loop3A_328], %parallel_loop3A_326 {strides = array<i32>} : memref<128x256xf32, #tpu.memory_space<vmem>>, vector<16xf32>,
        %parallel_loop3A_330 = arith.index_cast %parallel_loop3A_323 : i32 to index
        %parallel_loop3A_331 = arith.constant 16 : index
        %parallel_loop3A_332 = tpu.vector_load %arg7[%parallel_loop3A_330, %parallel_loop3A_331] {strides = array<i32>} : memref<86x256xf32, #tpu.memory_space<vmem>>, vector<16xf32>,
        %parallel_loop3A_333 = arith.index_cast %parallel_loop3A_311 : i32 to index
        %parallel_loop3A_334 = arith.constant 16 : index
        %parallel_loop3A_335 = tpu.vector_load %arg8[%parallel_loop3A_333, %parallel_loop3A_334] {strides = array<i32>} : memref<128x256xf32, #tpu.memory_space<vmem>>, vector<16xf32>,
        tpu.vector_store %arg8[%parallel_loop3A_333, %parallel_loop3A_334], %parallel_loop3A_332 {strides = array<i32>} : memref<128x256xf32, #tpu.memory_space<vmem>>, vector<16xf32>,
        %parallel_loop3A_336 = arith.index_cast %parallel_loop3A_323 : i32 to index
        %parallel_loop3A_337 = arith.constant 32 : index
        %parallel_loop3A_338 = tpu.vector_load %arg7[%parallel_loop3A_336, %parallel_loop3A_337] {strides = array<i32>} : memref<86x256xf32, #tpu.memory_space<vmem>>, vector<16xf32>,
        %parallel_loop3A_339 = arith.index_cast %parallel_loop3A_311 : i32 to index
        %parallel_loop3A_340 = arith.constant 32 : index
        %parallel_loop3A_341 = tpu.vector_load %arg8[%parallel_loop3A_339, %parallel_loop3A_340] {strides = array<i32>} : memref<128x256xf32, #tpu.memory_space<vmem>>, vector<16xf32>,
        tpu.vector_store %arg8[%parallel_loop3A_339, %parallel_loop3A_340], %parallel_loop3A_338 {strides = array<i32>} : memref<128x256xf32, #tpu.memory_space<vmem>>, vector<16xf32>,
        %parallel_loop3A_342 = arith.index_cast %parallel_loop3A_323 : i32 to index
        %parallel_loop3A_343 = arith.constant 48 : index
        %parallel_loop3A_344 = tpu.vector_load %arg7[%parallel_loop3A_342, %parallel_loop3A_343] {strides = array<i32>} : memref<86x256xf32, #tpu.memory_space<vmem>>, vector<16xf32>,
        %parallel_loop3A_345 = arith.index_cast %parallel_loop3A_311 : i32 to index
        %parallel_loop3A_346 = arith.constant 48 : index
        %parallel_loop3A_347 = tpu.vector_load %arg8[%parallel_loop3A_345, %parallel_loop3A_346] {strides = array<i32>} : memref<128x256xf32, #tpu.memory_space<vmem>>, vector<16xf32>,
        tpu.vector_store %arg8[%parallel_loop3A_345, %parallel_loop3A_346], %parallel_loop3A_344 {strides = array<i32>} : memref<128x256xf32, #tpu.memory_space<vmem>>, vector<16xf32>,
        %parallel_loop3A_348 = arith.index_cast %parallel_loop3A_323 : i32 to index
        %parallel_loop3A_349 = arith.constant 64 : index
        %parallel_loop3A_350 = tpu.vector_load %arg7[%parallel_loop3A_348, %parallel_loop3A_349] {strides = array<i32>} : memref<86x256xf32, #tpu.memory_space<vmem>>, vector<16xf32>,
        %parallel_loop3A_351 = arith.index_cast %parallel_loop3A_311 : i32 to index
        %parallel_loop3A_352 = arith.constant 64 : index
        %parallel_loop3A_353 = tpu.vector_load %arg8[%parallel_loop3A_351, %parallel_loop3A_352] {strides = array<i32>} : memref<128x256xf32, #tpu.memory_space<vmem>>, vector<16xf32>,
        tpu.vector_store %arg8[%parallel_loop3A_351, %parallel_loop3A_352], %parallel_loop3A_350 {strides = array<i32>} : memref<128x256xf32, #tpu.memory_space<vmem>>, vector<16xf32>,
        %parallel_loop3A_354 = arith.index_cast %parallel_loop3A_323 : i32 to index
        %parallel_loop3A_355 = arith.constant 80 : index
        %parallel_loop3A_356 = tpu.vector_load %arg7[%parallel_loop3A_354, %parallel_loop3A_355] {strides = array<i32>} : memref<86x256xf32, #tpu.memory_space<vmem>>, vector<16xf32>,
        %parallel_loop3A_357 = arith.index_cast %parallel_loop3A_311 : i32 to index
        %parallel_loop3A_358 = arith.constant 80 : index
        %parallel_loop3A_359 = tpu.vector_load %arg8[%parallel_loop3A_357, %parallel_loop3A_358] {strides = array<i32>} : memref<128x256xf32, #tpu.memory_space<vmem>>, vector<16xf32>,
        tpu.vector_store %arg8[%parallel_loop3A_357, %parallel_loop3A_358], %parallel_loop3A_356 {strides = array<i32>} : memref<128x256xf32, #tpu.memory_space<vmem>>, vector<16xf32>,
        %parallel_loop3A_360 = arith.index_cast %parallel_loop3A_323 : i32 to index
        %parallel_loop3A_361 = arith.constant 96 : index
        %parallel_loop3A_362 = tpu.vector_load %arg7[%parallel_loop3A_360, %parallel_loop3A_361] {strides = array<i32>} : memref<86x256xf32, #tpu.memory_space<vmem>>, vector<16xf32>,
        %parallel_loop3A_363 = arith.index_cast %parallel_loop3A_311 : i32 to index
        %parallel_loop3A_364 = arith.constant 96 : index
        %parallel_loop3A_365 = tpu.vector_load %arg8[%parallel_loop3A_363, %parallel_loop3A_364] {strides = array<i32>} : memref<128x256xf32, #tpu.memory_space<vmem>>, vector<16xf32>,
        tpu.vector_store %arg8[%parallel_loop3A_363, %parallel_loop3A_364], %parallel_loop3A_362 {strides = array<i32>} : memref<128x256xf32, #tpu.memory_space<vmem>>, vector<16xf32>,
        %parallel_loop3A_366 = arith.index_cast %parallel_loop3A_323 : i32 to index
        %parallel_loop3A_367 = arith.constant 112 : index
        %parallel_loop3A_368 = tpu.vector_load %arg7[%parallel_loop3A_366, %parallel_loop3A_367] {strides = array<i32>} : memref<86x256xf32, #tpu.memory_space<vmem>>, vector<16xf32>,
        %parallel_loop3A_369 = arith.index_cast %parallel_loop3A_311 : i32 to index
        %parallel_loop3A_370 = arith.constant 112 : index
        %parallel_loop3A_371 = tpu.vector_load %arg8[%parallel_loop3A_369, %parallel_loop3A_370] {strides = array<i32>} : memref<128x256xf32, #tpu.memory_space<vmem>>, vector<16xf32>,
        tpu.vector_store %arg8[%parallel_loop3A_369, %parallel_loop3A_370], %parallel_loop3A_368 {strides = array<i32>} : memref<128x256xf32, #tpu.memory_space<vmem>>, vector<16xf32>,
        %parallel_loop3A_372 = arith.index_cast %parallel_loop3A_323 : i32 to index
        %parallel_loop3A_373 = arith.constant 128 : index
        %parallel_loop3A_374 = tpu.vector_load %arg7[%parallel_loop3A_372, %parallel_loop3A_373] {strides = array<i32>} : memref<86x256xf32, #tpu.memory_space<vmem>>, vector<16xf32>,
        %parallel_loop3A_375 = arith.index_cast %parallel_loop3A_311 : i32 to index
        %parallel_loop3A_376 = arith.constant 128 : index
        %parallel_loop3A_377 = tpu.vector_load %arg8[%parallel_loop3A_375, %parallel_loop3A_376] {strides = array<i32>} : memref<128x256xf32, #tpu.memory_space<vmem>>, vector<16xf32>,
        tpu.vector_store %arg8[%parallel_loop3A_375, %parallel_loop3A_376], %parallel_loop3A_374 {strides = array<i32>} : memref<128x256xf32, #tpu.memory_space<vmem>>, vector<16xf32>,
        %parallel_loop3A_378 = arith.index_cast %parallel_loop3A_323 : i32 to index
        %parallel_loop3A_379 = arith.constant 144 : index
        %parallel_loop3A_380 = tpu.vector_load %arg7[%parallel_loop3A_378, %parallel_loop3A_379] {strides = array<i32>} : memref<86x256xf32, #tpu.memory_space<vmem>>, vector<16xf32>,
        %parallel_loop3A_381 = arith.index_cast %parallel_loop3A_311 : i32 to index
        %parallel_loop3A_382 = arith.constant 144 : index
        %parallel_loop3A_383 = tpu.vector_load %arg8[%parallel_loop3A_381, %parallel_loop3A_382] {strides = array<i32>} : memref<128x256xf32, #tpu.memory_space<vmem>>, vector<16xf32>,
        tpu.vector_store %arg8[%parallel_loop3A_381, %parallel_loop3A_382], %parallel_loop3A_380 {strides = array<i32>} : memref<128x256xf32, #tpu.memory_space<vmem>>, vector<16xf32>,
        %parallel_loop3A_384 = arith.index_cast %parallel_loop3A_323 : i32 to index
        %parallel_loop3A_385 = arith.constant 160 : index
        %parallel_loop3A_386 = tpu.vector_load %arg7[%parallel_loop3A_384, %parallel_loop3A_385] {strides = array<i32>} : memref<86x256xf32, #tpu.memory_space<vmem>>, vector<16xf32>,
        %parallel_loop3A_387 = arith.index_cast %parallel_loop3A_311 : i32 to index
        %parallel_loop3A_388 = arith.constant 160 : index
        %parallel_loop3A_389 = tpu.vector_load %arg8[%parallel_loop3A_387, %parallel_loop3A_388] {strides = array<i32>} : memref<128x256xf32, #tpu.memory_space<vmem>>, vector<16xf32>,
        tpu.vector_store %arg8[%parallel_loop3A_387, %parallel_loop3A_388], %parallel_loop3A_386 {strides = array<i32>} : memref<128x256xf32, #tpu.memory_space<vmem>>, vector<16xf32>,
        %parallel_loop3A_390 = arith.index_cast %parallel_loop3A_323 : i32 to index
        %parallel_loop3A_391 = arith.constant 176 : index
        %parallel_loop3A_392 = tpu.vector_load %arg7[%parallel_loop3A_390, %parallel_loop3A_391] {strides = array<i32>} : memref<86x256xf32, #tpu.memory_space<vmem>>, vector<16xf32>,
        %parallel_loop3A_393 = arith.index_cast %parallel_loop3A_311 : i32 to index
        %parallel_loop3A_394 = arith.constant 176 : index
        %parallel_loop3A_395 = tpu.vector_load %arg8[%parallel_loop3A_393, %parallel_loop3A_394] {strides = array<i32>} : memref<128x256xf32, #tpu.memory_space<vmem>>, vector<16xf32>,
        tpu.vector_store %arg8[%parallel_loop3A_393, %parallel_loop3A_394], %parallel_loop3A_392 {strides = array<i32>} : memref<128x256xf32, #tpu.memory_space<vmem>>, vector<16xf32>,
        %parallel_loop3A_396 = arith.index_cast %parallel_loop3A_323 : i32 to index
        %parallel_loop3A_397 = arith.constant 192 : index
        %parallel_loop3A_398 = tpu.vector_load %arg7[%parallel_loop3A_396, %parallel_loop3A_397] {strides = array<i32>} : memref<86x256xf32, #tpu.memory_space<vmem>>, vector<16xf32>,
        %parallel_loop3A_399 = arith.index_cast %parallel_loop3A_311 : i32 to index
        %parallel_loop3A_400 = arith.constant 192 : index
        %parallel_loop3A_401 = tpu.vector_load %arg8[%parallel_loop3A_399, %parallel_loop3A_400] {strides = array<i32>} : memref<128x256xf32, #tpu.memory_space<vmem>>, vector<16xf32>,
        tpu.vector_store %arg8[%parallel_loop3A_399, %parallel_loop3A_400], %parallel_loop3A_398 {strides = array<i32>} : memref<128x256xf32, #tpu.memory_space<vmem>>, vector<16xf32>,
        %parallel_loop3A_402 = arith.index_cast %parallel_loop3A_323 : i32 to index
        %parallel_loop3A_403 = arith.constant 208 : index
        %parallel_loop3A_404 = tpu.vector_load %arg7[%parallel_loop3A_402, %parallel_loop3A_403] {strides = array<i32>} : memref<86x256xf32, #tpu.memory_space<vmem>>, vector<16xf32>,
        %parallel_loop3A_405 = arith.index_cast %parallel_loop3A_311 : i32 to index
        %parallel_loop3A_406 = arith.constant 208 : index
        %parallel_loop3A_407 = tpu.vector_load %arg8[%parallel_loop3A_405, %parallel_loop3A_406] {strides = array<i32>} : memref<128x256xf32, #tpu.memory_space<vmem>>, vector<16xf32>,
        tpu.vector_store %arg8[%parallel_loop3A_405, %parallel_loop3A_406], %parallel_loop3A_404 {strides = array<i32>} : memref<128x256xf32, #tpu.memory_space<vmem>>, vector<16xf32>,
        %parallel_loop3A_408 = arith.index_cast %parallel_loop3A_323 : i32 to index
        %parallel_loop3A_409 = arith.constant 224 : index
        %parallel_loop3A_410 = tpu.vector_load %arg7[%parallel_loop3A_408, %parallel_loop3A_409] {strides = array<i32>} : memref<86x256xf32, #tpu.memory_space<vmem>>, vector<16xf32>,
        %parallel_loop3A_411 = arith.index_cast %parallel_loop3A_311 : i32 to index
        %parallel_loop3A_412 = arith.constant 224 : index
        %parallel_loop3A_413 = tpu.vector_load %arg8[%parallel_loop3A_411, %parallel_loop3A_412] {strides = array<i32>} : memref<128x256xf32, #tpu.memory_space<vmem>>, vector<16xf32>,
        tpu.vector_store %arg8[%parallel_loop3A_411, %parallel_loop3A_412], %parallel_loop3A_410 {strides = array<i32>} : memref<128x256xf32, #tpu.memory_space<vmem>>, vector<16xf32>,
        %parallel_loop3A_414 = arith.index_cast %parallel_loop3A_323 : i32 to index
        %parallel_loop3A_415 = arith.constant 240 : index
        %parallel_loop3A_416 = tpu.vector_load %arg7[%parallel_loop3A_414, %parallel_loop3A_415] {strides = array<i32>} : memref<86x256xf32, #tpu.memory_space<vmem>>, vector<16xf32>,
        %parallel_loop3A_417 = arith.index_cast %parallel_loop3A_311 : i32 to index
        %parallel_loop3A_418 = arith.constant 240 : index
        %parallel_loop3A_419 = tpu.vector_load %arg8[%parallel_loop3A_417, %parallel_loop3A_418] {strides = array<i32>} : memref<128x256xf32, #tpu.memory_space<vmem>>, vector<16xf32>,
        tpu.vector_store %arg8[%parallel_loop3A_417, %parallel_loop3A_418], %parallel_loop3A_416 {strides = array<i32>} : memref<128x256xf32, #tpu.memory_space<vmem>>, vector<16xf32>,
      } {sc.loop_unroll_factor = 4 : i64, sc.parallel_access}
      %mul3A_217 = arith.constant 3 : i32
      %mul3A_218 = arith.muli %mul3A_217, %scan3A_170 : i32
      %add3A_219 = arith.constant 1 : i32
      %add3A_220 = arith.addi %add3A_219, %mul3A_218 : i32
      %add3A_221 = arith.constant 1 : i32
      %add3A_222 = arith.addi %add3A_220, %add3A_221 : i32
      %mul3A_223 = arith.constant 128 : i32
      %mul3A_224 = arith.muli %add3A_222, %mul3A_223 : i32
      %dma_wait3A_225 = arith.constant 0 : i32
      %dma_wait3A_226 = arith.constant 0 : i32
      %dma_wait3A_227 = tpu.memref_slice %arg10[%dma_wait3A_225, %dma_wait3A_226] : memref<128x256xf32, #tpu.memory_space<vmem>> -> memref<8x256xf32, #tpu.memory_space<vmem>>
      %dma_wait3A_228 = tpu.memref_slice %arg6[%mul3A_224] : memref<6416xi32, #tpu.memory_space<vmem>> -> memref<8xi32, #tpu.memory_space<vmem>>
      %dma_wait3A_229 = arith.constant 0 : i32
      %dma_wait3A_230 = arith.constant 0 : i32
      %dma_wait3A_231 = tpu.memref_slice %arg3[%dma_wait3A_229, %dma_wait3A_230] : memref<22016x256xf32, #tpu.memory_space<hbm>> -> memref<22016x256xf32, #tpu.memory_space<hbm>>
      tpu.wait_indirect_dma semaphore(%arg13 : memref<!tpu.dma_semaphore, #tpu.memory_space<semaphore_mem>>) src(%dma_wait3A_231 : memref<22016x256xf32, #tpu.memory_space<hbm>>) dst(%dma_wait3A_227 : memref<8x256xf32, #tpu.memory_space<vmem>>)
      %mul3A_232 = arith.constant 128 : i32
      %mul3A_233 = arith.muli %add3A_222, %mul3A_232 : i32
      %add3A_234 = arith.addi %mul3A_2, %mul3A_233 : i32
      %dma_start3A_235 = arith.constant 0 : i32
      %dma_start3A_236 = tpu.memref_slice %arg5[%add3A_234, %dma_start3A_235] : memref<204800x256xf32, #tpu.memory_space<hbm>> -> memref<128x256xf32, #tpu.memory_space<hbm>>
      %dma_start3A_237 = arith.constant 0 : i32
      %dma_start3A_238 = tpu.memref_slice %arg5[%add3A_234, %dma_start3A_237] : memref<204800x256xf32, #tpu.memory_space<hbm>> -> memref<128x256xf32, #tpu.memory_space<hbm>>
      tpu.enqueue_dma source(%arg10 : memref<128x256xf32, #tpu.memory_space<vmem>>) target(%dma_start3A_238 : memref<128x256xf32, #tpu.memory_space<hbm>>) target_semaphore(%arg16 : memref<!tpu.dma_semaphore, #tpu.memory_space<semaphore_mem>>)
      %sub3A_239 = arith.constant 1 : i32
      %sub3A_240 = arith.subi %add3A_222, %sub3A_239 : i32
      %mul3A_241 = arith.constant 128 : i32
      %mul3A_242 = arith.muli %sub3A_240, %mul3A_241 : i32
      %add3A_243 = arith.addi %mul3A_2, %mul3A_242 : i32
      %dma_wait3A_244 = arith.constant 0 : i32
      %dma_wait3A_245 = tpu.memref_slice %arg5[%add3A_243, %dma_wait3A_244] : memref<204800x256xf32, #tpu.memory_space<hbm>> -> memref<128x256xf32, #tpu.memory_space<hbm>>
      %dma_wait3A_246 = arith.constant 0 : i32
      %dma_wait3A_247 = tpu.memref_slice %arg5[%add3A_243, %dma_wait3A_246] : memref<204800x256xf32, #tpu.memory_space<hbm>> -> memref<128x256xf32, #tpu.memory_space<hbm>>
      tpu.wait_dma2 semaphore(%arg15 : memref<!tpu.dma_semaphore, #tpu.memory_space<semaphore_mem>>) src(%arg9 : memref<128x256xf32, #tpu.memory_space<vmem>>) dst(%dma_wait3A_247 : memref<128x256xf32, #tpu.memory_space<hbm>>)
      %add3A_248 = arith.constant 2 : i32
      %add3A_249 = arith.addi %add3A_222, %add3A_248 : i32
      %mul3A_250 = arith.constant 128 : i32
      %mul3A_251 = arith.muli %add3A_249, %mul3A_250 : i32
      %dma_start3A_252 = arith.constant 0 : i32
      %dma_start3A_253 = arith.constant 0 : i32
      %dma_start3A_254 = tpu.memref_slice %arg9[%dma_start3A_252, %dma_start3A_253] : memref<128x256xf32, #tpu.memory_space<vmem>> -> memref<8x256xf32, #tpu.memory_space<vmem>>
      %dma_start3A_255 = tpu.memref_slice %arg6[%mul3A_251] : memref<6416xi32, #tpu.memory_space<vmem>> -> memref<8xi32, #tpu.memory_space<vmem>>
      %dma_start3A_256 = arith.constant 0 : i32
      %dma_start3A_257 = arith.constant 0 : i32
      %dma_start3A_258 = tpu.memref_slice %arg3[%dma_start3A_256, %dma_start3A_257] : memref<22016x256xf32, #tpu.memory_space<hbm>> -> memref<22016x256xf32, #tpu.memory_space<hbm>>
      tpu.enqueue_indirect_dma source(%dma_start3A_258 : memref<22016x256xf32, #tpu.memory_space<hbm>>) target(%dma_start3A_254 : memref<8x256xf32, #tpu.memory_space<vmem>>) offsets(%dma_start3A_255 : memref<8xi32, #tpu.memory_space<vmem>>) semaphore(%arg12 : memref<!tpu.dma_semaphore, #tpu.memory_space<semaphore_mem>>)
      %add3A_259 = arith.constant 2 : i32
      %add3A_260 = arith.addi %add3A_222, %add3A_259 : i32
      %parallel_loop3A_261 = arith.constant 8 : i32
      %parallel_loop3A_262 = arith.constant 128 : i32
      %parallel_loop3A_263 = arith.constant 1 : i32
      scf.for %parallel_loop3A_311 = %parallel_loop3A_261 to %parallel_loop3A_262 step %parallel_loop3A_263  : i32 {
        %parallel_loop3A_312 = arith.constant 128 : i32
        %parallel_loop3A_313 = arith.muli %add3A_260, %parallel_loop3A_312 : i32
        %parallel_loop3A_314 = arith.addi %parallel_loop3A_313, %parallel_loop3A_311 : i32
        %parallel_loop3A_315 = arith.index_cast %parallel_loop3A_314 : i32 to index
        %parallel_loop3A_316 = tpu.vector_load %arg6[%parallel_loop3A_315] {strides = array<i32>} : memref<6416xi32, #tpu.memory_space<vmem>>, vector<16xi32>,
        %parallel_loop3A_317 = vector.extract_strided_slice %parallel_loop3A_316 {offsets = [0], sizes = [1], strides = [1]} : vector<16xi32> to vector<1xi32>
        %parallel_loop3A_318 = vector.extract %parallel_loop3A_317[0] : i32 from vector<1xi32>
        %parallel_loop3A_319 = arith.constant 3 : i32
        %parallel_loop3A_320 = arith.shrsi %parallel_loop3A_318, %parallel_loop3A_319 : i32
        %parallel_loop3A_321 = arith.constant 86 : i32
        %parallel_loop3A_322 = arith.muli %add3A, %parallel_loop3A_321 : i32
        %parallel_loop3A_323 = arith.subi %parallel_loop3A_320, %parallel_loop3A_322 : i32
        %parallel_loop3A_324 = arith.index_cast %parallel_loop3A_323 : i32 to index
        %parallel_loop3A_325 = arith.constant 0 : index
        %parallel_loop3A_326 = tpu.vector_load %arg7[%parallel_loop3A_324, %parallel_loop3A_325] {strides = array<i32>} : memref<86x256xf32, #tpu.memory_space<vmem>>, vector<16xf32>,
        %parallel_loop3A_327 = arith.index_cast %parallel_loop3A_311 : i32 to index
        %parallel_loop3A_328 = arith.constant 0 : index
        %parallel_loop3A_329 = tpu.vector_load %arg9[%parallel_loop3A_327, %parallel_loop3A_328] {strides = array<i32>} : memref<128x256xf32, #tpu.memory_space<vmem>>, vector<16xf32>,
        tpu.vector_store %arg9[%parallel_loop3A_327, %parallel_loop3A_328], %parallel_loop3A_326 {strides = array<i32>} : memref<128x256xf32, #tpu.memory_space<vmem>>, vector<16xf32>,
        %parallel_loop3A_330 = arith.index_cast %parallel_loop3A_323 : i32 to index
        %parallel_loop3A_331 = arith.constant 16 : index
        %parallel_loop3A_332 = tpu.vector_load %arg7[%parallel_loop3A_330, %parallel_loop3A_331] {strides = array<i32>} : memref<86x256xf32, #tpu.memory_space<vmem>>, vector<16xf32>,
        %parallel_loop3A_333 = arith.index_cast %parallel_loop3A_311 : i32 to index
        %parallel_loop3A_334 = arith.constant 16 : index
        %parallel_loop3A_335 = tpu.vector_load %arg9[%parallel_loop3A_333, %parallel_loop3A_334] {strides = array<i32>} : memref<128x256xf32, #tpu.memory_space<vmem>>, vector<16xf32>,
        tpu.vector_store %arg9[%parallel_loop3A_333, %parallel_loop3A_334], %parallel_loop3A_332 {strides = array<i32>} : memref<128x256xf32, #tpu.memory_space<vmem>>, vector<16xf32>,
        %parallel_loop3A_336 = arith.index_cast %parallel_loop3A_323 : i32 to index
        %parallel_loop3A_337 = arith.constant 32 : index
        %parallel_loop3A_338 = tpu.vector_load %arg7[%parallel_loop3A_336, %parallel_loop3A_337] {strides = array<i32>} : memref<86x256xf32, #tpu.memory_space<vmem>>, vector<16xf32>,
        %parallel_loop3A_339 = arith.index_cast %parallel_loop3A_311 : i32 to index
        %parallel_loop3A_340 = arith.constant 32 : index
        %parallel_loop3A_341 = tpu.vector_load %arg9[%parallel_loop3A_339, %parallel_loop3A_340] {strides = array<i32>} : memref<128x256xf32, #tpu.memory_space<vmem>>, vector<16xf32>,
        tpu.vector_store %arg9[%parallel_loop3A_339, %parallel_loop3A_340], %parallel_loop3A_338 {strides = array<i32>} : memref<128x256xf32, #tpu.memory_space<vmem>>, vector<16xf32>,
        %parallel_loop3A_342 = arith.index_cast %parallel_loop3A_323 : i32 to index
        %parallel_loop3A_343 = arith.constant 48 : index
        %parallel_loop3A_344 = tpu.vector_load %arg7[%parallel_loop3A_342, %parallel_loop3A_343] {strides = array<i32>} : memref<86x256xf32, #tpu.memory_space<vmem>>, vector<16xf32>,
        %parallel_loop3A_345 = arith.index_cast %parallel_loop3A_311 : i32 to index
        %parallel_loop3A_346 = arith.constant 48 : index
        %parallel_loop3A_347 = tpu.vector_load %arg9[%parallel_loop3A_345, %parallel_loop3A_346] {strides = array<i32>} : memref<128x256xf32, #tpu.memory_space<vmem>>, vector<16xf32>,
        tpu.vector_store %arg9[%parallel_loop3A_345, %parallel_loop3A_346], %parallel_loop3A_344 {strides = array<i32>} : memref<128x256xf32, #tpu.memory_space<vmem>>, vector<16xf32>,
        %parallel_loop3A_348 = arith.index_cast %parallel_loop3A_323 : i32 to index
        %parallel_loop3A_349 = arith.constant 64 : index
        %parallel_loop3A_350 = tpu.vector_load %arg7[%parallel_loop3A_348, %parallel_loop3A_349] {strides = array<i32>} : memref<86x256xf32, #tpu.memory_space<vmem>>, vector<16xf32>,
        %parallel_loop3A_351 = arith.index_cast %parallel_loop3A_311 : i32 to index
        %parallel_loop3A_352 = arith.constant 64 : index
        %parallel_loop3A_353 = tpu.vector_load %arg9[%parallel_loop3A_351, %parallel_loop3A_352] {strides = array<i32>} : memref<128x256xf32, #tpu.memory_space<vmem>>, vector<16xf32>,
        tpu.vector_store %arg9[%parallel_loop3A_351, %parallel_loop3A_352], %parallel_loop3A_350 {strides = array<i32>} : memref<128x256xf32, #tpu.memory_space<vmem>>, vector<16xf32>,
        %parallel_loop3A_354 = arith.index_cast %parallel_loop3A_323 : i32 to index
        %parallel_loop3A_355 = arith.constant 80 : index
        %parallel_loop3A_356 = tpu.vector_load %arg7[%parallel_loop3A_354, %parallel_loop3A_355] {strides = array<i32>} : memref<86x256xf32, #tpu.memory_space<vmem>>, vector<16xf32>,
        %parallel_loop3A_357 = arith.index_cast %parallel_loop3A_311 : i32 to index
        %parallel_loop3A_358 = arith.constant 80 : index
        %parallel_loop3A_359 = tpu.vector_load %arg9[%parallel_loop3A_357, %parallel_loop3A_358] {strides = array<i32>} : memref<128x256xf32, #tpu.memory_space<vmem>>, vector<16xf32>,
        tpu.vector_store %arg9[%parallel_loop3A_357, %parallel_loop3A_358], %parallel_loop3A_356 {strides = array<i32>} : memref<128x256xf32, #tpu.memory_space<vmem>>, vector<16xf32>,
        %parallel_loop3A_360 = arith.index_cast %parallel_loop3A_323 : i32 to index
        %parallel_loop3A_361 = arith.constant 96 : index
        %parallel_loop3A_362 = tpu.vector_load %arg7[%parallel_loop3A_360, %parallel_loop3A_361] {strides = array<i32>} : memref<86x256xf32, #tpu.memory_space<vmem>>, vector<16xf32>,
        %parallel_loop3A_363 = arith.index_cast %parallel_loop3A_311 : i32 to index
        %parallel_loop3A_364 = arith.constant 96 : index
        %parallel_loop3A_365 = tpu.vector_load %arg9[%parallel_loop3A_363, %parallel_loop3A_364] {strides = array<i32>} : memref<128x256xf32, #tpu.memory_space<vmem>>, vector<16xf32>,
        tpu.vector_store %arg9[%parallel_loop3A_363, %parallel_loop3A_364], %parallel_loop3A_362 {strides = array<i32>} : memref<128x256xf32, #tpu.memory_space<vmem>>, vector<16xf32>,
        %parallel_loop3A_366 = arith.index_cast %parallel_loop3A_323 : i32 to index
        %parallel_loop3A_367 = arith.constant 112 : index
        %parallel_loop3A_368 = tpu.vector_load %arg7[%parallel_loop3A_366, %parallel_loop3A_367] {strides = array<i32>} : memref<86x256xf32, #tpu.memory_space<vmem>>, vector<16xf32>,
        %parallel_loop3A_369 = arith.index_cast %parallel_loop3A_311 : i32 to index
        %parallel_loop3A_370 = arith.constant 112 : index
        %parallel_loop3A_371 = tpu.vector_load %arg9[%parallel_loop3A_369, %parallel_loop3A_370] {strides = array<i32>} : memref<128x256xf32, #tpu.memory_space<vmem>>, vector<16xf32>,
        tpu.vector_store %arg9[%parallel_loop3A_369, %parallel_loop3A_370], %parallel_loop3A_368 {strides = array<i32>} : memref<128x256xf32, #tpu.memory_space<vmem>>, vector<16xf32>,
        %parallel_loop3A_372 = arith.index_cast %parallel_loop3A_323 : i32 to index
        %parallel_loop3A_373 = arith.constant 128 : index
        %parallel_loop3A_374 = tpu.vector_load %arg7[%parallel_loop3A_372, %parallel_loop3A_373] {strides = array<i32>} : memref<86x256xf32, #tpu.memory_space<vmem>>, vector<16xf32>,
        %parallel_loop3A_375 = arith.index_cast %parallel_loop3A_311 : i32 to index
        %parallel_loop3A_376 = arith.constant 128 : index
        %parallel_loop3A_377 = tpu.vector_load %arg9[%parallel_loop3A_375, %parallel_loop3A_376] {strides = array<i32>} : memref<128x256xf32, #tpu.memory_space<vmem>>, vector<16xf32>,
        tpu.vector_store %arg9[%parallel_loop3A_375, %parallel_loop3A_376], %parallel_loop3A_374 {strides = array<i32>} : memref<128x256xf32, #tpu.memory_space<vmem>>, vector<16xf32>,
        %parallel_loop3A_378 = arith.index_cast %parallel_loop3A_323 : i32 to index
        %parallel_loop3A_379 = arith.constant 144 : index
        %parallel_loop3A_380 = tpu.vector_load %arg7[%parallel_loop3A_378, %parallel_loop3A_379] {strides = array<i32>} : memref<86x256xf32, #tpu.memory_space<vmem>>, vector<16xf32>,
        %parallel_loop3A_381 = arith.index_cast %parallel_loop3A_311 : i32 to index
        %parallel_loop3A_382 = arith.constant 144 : index
        %parallel_loop3A_383 = tpu.vector_load %arg9[%parallel_loop3A_381, %parallel_loop3A_382] {strides = array<i32>} : memref<128x256xf32, #tpu.memory_space<vmem>>, vector<16xf32>,
        tpu.vector_store %arg9[%parallel_loop3A_381, %parallel_loop3A_382], %parallel_loop3A_380 {strides = array<i32>} : memref<128x256xf32, #tpu.memory_space<vmem>>, vector<16xf32>,
        %parallel_loop3A_384 = arith.index_cast %parallel_loop3A_323 : i32 to index
        %parallel_loop3A_385 = arith.constant 160 : index
        %parallel_loop3A_386 = tpu.vector_load %arg7[%parallel_loop3A_384, %parallel_loop3A_385] {strides = array<i32>} : memref<86x256xf32, #tpu.memory_space<vmem>>, vector<16xf32>,
        %parallel_loop3A_387 = arith.index_cast %parallel_loop3A_311 : i32 to index
        %parallel_loop3A_388 = arith.constant 160 : index
        %parallel_loop3A_389 = tpu.vector_load %arg9[%parallel_loop3A_387, %parallel_loop3A_388] {strides = array<i32>} : memref<128x256xf32, #tpu.memory_space<vmem>>, vector<16xf32>,
        tpu.vector_store %arg9[%parallel_loop3A_387, %parallel_loop3A_388], %parallel_loop3A_386 {strides = array<i32>} : memref<128x256xf32, #tpu.memory_space<vmem>>, vector<16xf32>,
        %parallel_loop3A_390 = arith.index_cast %parallel_loop3A_323 : i32 to index
        %parallel_loop3A_391 = arith.constant 176 : index
        %parallel_loop3A_392 = tpu.vector_load %arg7[%parallel_loop3A_390, %parallel_loop3A_391] {strides = array<i32>} : memref<86x256xf32, #tpu.memory_space<vmem>>, vector<16xf32>,
        %parallel_loop3A_393 = arith.index_cast %parallel_loop3A_311 : i32 to index
        %parallel_loop3A_394 = arith.constant 176 : index
        %parallel_loop3A_395 = tpu.vector_load %arg9[%parallel_loop3A_393, %parallel_loop3A_394] {strides = array<i32>} : memref<128x256xf32, #tpu.memory_space<vmem>>, vector<16xf32>,
        tpu.vector_store %arg9[%parallel_loop3A_393, %parallel_loop3A_394], %parallel_loop3A_392 {strides = array<i32>} : memref<128x256xf32, #tpu.memory_space<vmem>>, vector<16xf32>,
        %parallel_loop3A_396 = arith.index_cast %parallel_loop3A_323 : i32 to index
        %parallel_loop3A_397 = arith.constant 192 : index
        %parallel_loop3A_398 = tpu.vector_load %arg7[%parallel_loop3A_396, %parallel_loop3A_397] {strides = array<i32>} : memref<86x256xf32, #tpu.memory_space<vmem>>, vector<16xf32>,
        %parallel_loop3A_399 = arith.index_cast %parallel_loop3A_311 : i32 to index
        %parallel_loop3A_400 = arith.constant 192 : index
        %parallel_loop3A_401 = tpu.vector_load %arg9[%parallel_loop3A_399, %parallel_loop3A_400] {strides = array<i32>} : memref<128x256xf32, #tpu.memory_space<vmem>>, vector<16xf32>,
        tpu.vector_store %arg9[%parallel_loop3A_399, %parallel_loop3A_400], %parallel_loop3A_398 {strides = array<i32>} : memref<128x256xf32, #tpu.memory_space<vmem>>, vector<16xf32>,
        %parallel_loop3A_402 = arith.index_cast %parallel_loop3A_323 : i32 to index
        %parallel_loop3A_403 = arith.constant 208 : index
        %parallel_loop3A_404 = tpu.vector_load %arg7[%parallel_loop3A_402, %parallel_loop3A_403] {strides = array<i32>} : memref<86x256xf32, #tpu.memory_space<vmem>>, vector<16xf32>,
        %parallel_loop3A_405 = arith.index_cast %parallel_loop3A_311 : i32 to index
        %parallel_loop3A_406 = arith.constant 208 : index
        %parallel_loop3A_407 = tpu.vector_load %arg9[%parallel_loop3A_405, %parallel_loop3A_406] {strides = array<i32>} : memref<128x256xf32, #tpu.memory_space<vmem>>, vector<16xf32>,
        tpu.vector_store %arg9[%parallel_loop3A_405, %parallel_loop3A_406], %parallel_loop3A_404 {strides = array<i32>} : memref<128x256xf32, #tpu.memory_space<vmem>>, vector<16xf32>,
        %parallel_loop3A_408 = arith.index_cast %parallel_loop3A_323 : i32 to index
        %parallel_loop3A_409 = arith.constant 224 : index
        %parallel_loop3A_410 = tpu.vector_load %arg7[%parallel_loop3A_408, %parallel_loop3A_409] {strides = array<i32>} : memref<86x256xf32, #tpu.memory_space<vmem>>, vector<16xf32>,
        %parallel_loop3A_411 = arith.index_cast %parallel_loop3A_311 : i32 to index
        %parallel_loop3A_412 = arith.constant 224 : index
        %parallel_loop3A_413 = tpu.vector_load %arg9[%parallel_loop3A_411, %parallel_loop3A_412] {strides = array<i32>} : memref<128x256xf32, #tpu.memory_space<vmem>>, vector<16xf32>,
        tpu.vector_store %arg9[%parallel_loop3A_411, %parallel_loop3A_412], %parallel_loop3A_410 {strides = array<i32>} : memref<128x256xf32, #tpu.memory_space<vmem>>, vector<16xf32>,
        %parallel_loop3A_414 = arith.index_cast %parallel_loop3A_323 : i32 to index
        %parallel_loop3A_415 = arith.constant 240 : index
        %parallel_loop3A_416 = tpu.vector_load %arg7[%parallel_loop3A_414, %parallel_loop3A_415] {strides = array<i32>} : memref<86x256xf32, #tpu.memory_space<vmem>>, vector<16xf32>,
        %parallel_loop3A_417 = arith.index_cast %parallel_loop3A_311 : i32 to index
        %parallel_loop3A_418 = arith.constant 240 : index
        %parallel_loop3A_419 = tpu.vector_load %arg9[%parallel_loop3A_417, %parallel_loop3A_418] {strides = array<i32>} : memref<128x256xf32, #tpu.memory_space<vmem>>, vector<16xf32>,
        tpu.vector_store %arg9[%parallel_loop3A_417, %parallel_loop3A_418], %parallel_loop3A_416 {strides = array<i32>} : memref<128x256xf32, #tpu.memory_space<vmem>>, vector<16xf32>,
      } {sc.loop_unroll_factor = 4 : i64, sc.parallel_access}
      %mul3A_264 = arith.constant 3 : i32
      %mul3A_265 = arith.muli %mul3A_264, %scan3A_170 : i32
      %add3A_266 = arith.constant 1 : i32
      %add3A_267 = arith.addi %add3A_266, %mul3A_265 : i32
      %add3A_268 = arith.constant 2 : i32
      %add3A_269 = arith.addi %add3A_267, %add3A_268 : i32
      %mul3A_270 = arith.constant 128 : i32
      %mul3A_271 = arith.muli %add3A_269, %mul3A_270 : i32
      %dma_wait3A_272 = arith.constant 0 : i32
      %dma_wait3A_273 = arith.constant 0 : i32
      %dma_wait3A_274 = tpu.memref_slice %arg8[%dma_wait3A_272, %dma_wait3A_273] : memref<128x256xf32, #tpu.memory_space<vmem>> -> memref<8x256xf32, #tpu.memory_space<vmem>>
      %dma_wait3A_275 = tpu.memref_slice %arg6[%mul3A_271] : memref<6416xi32, #tpu.memory_space<vmem>> -> memref<8xi32, #tpu.memory_space<vmem>>
      %dma_wait3A_276 = arith.constant 0 : i32
      %dma_wait3A_277 = arith.constant 0 : i32
      %dma_wait3A_278 = tpu.memref_slice %arg3[%dma_wait3A_276, %dma_wait3A_277] : memref<22016x256xf32, #tpu.memory_space<hbm>> -> memref<22016x256xf32, #tpu.memory_space<hbm>>
      tpu.wait_indirect_dma semaphore(%arg11 : memref<!tpu.dma_semaphore, #tpu.memory_space<semaphore_mem>>) src(%dma_wait3A_278 : memref<22016x256xf32, #tpu.memory_space<hbm>>) dst(%dma_wait3A_274 : memref<8x256xf32, #tpu.memory_space<vmem>>)
      %mul3A_279 = arith.constant 128 : i32
      %mul3A_280 = arith.muli %add3A_269, %mul3A_279 : i32
      %add3A_281 = arith.addi %mul3A_2, %mul3A_280 : i32
      %dma_start3A_282 = arith.constant 0 : i32
      %dma_start3A_283 = tpu.memref_slice %arg5[%add3A_281, %dma_start3A_282] : memref<204800x256xf32, #tpu.memory_space<hbm>> -> memref<128x256xf32, #tpu.memory_space<hbm>>
      %dma_start3A_284 = arith.constant 0 : i32
      %dma_start3A_285 = tpu.memref_slice %arg5[%add3A_281, %dma_start3A_284] : memref<204800x256xf32, #tpu.memory_space<hbm>> -> memref<128x256xf32, #tpu.memory_space<hbm>>
      tpu.enqueue_dma source(%arg8 : memref<128x256xf32, #tpu.memory_space<vmem>>) target(%dma_start3A_285 : memref<128x256xf32, #tpu.memory_space<hbm>>) target_semaphore(%arg14 : memref<!tpu.dma_semaphore, #tpu.memory_space<semaphore_mem>>)
      %sub3A_286 = arith.constant 1 : i32
      %sub3A_287 = arith.subi %add3A_269, %sub3A_286 : i32
      %mul3A_288 = arith.constant 128 : i32
      %mul3A_289 = arith.muli %sub3A_287, %mul3A_288 : i32
      %add3A_290 = arith.addi %mul3A_2, %mul3A_289 : i32
      %dma_wait3A_291 = arith.constant 0 : i32
      %dma_wait3A_292 = tpu.memref_slice %arg5[%add3A_290, %dma_wait3A_291] : memref<204800x256xf32, #tpu.memory_space<hbm>> -> memref<128x256xf32, #tpu.memory_space<hbm>>
      %dma_wait3A_293 = arith.constant 0 : i32
      %dma_wait3A_294 = tpu.memref_slice %arg5[%add3A_290, %dma_wait3A_293] : memref<204800x256xf32, #tpu.memory_space<hbm>> -> memref<128x256xf32, #tpu.memory_space<hbm>>
      tpu.wait_dma2 semaphore(%arg16 : memref<!tpu.dma_semaphore, #tpu.memory_space<semaphore_mem>>) src(%arg10 : memref<128x256xf32, #tpu.memory_space<vmem>>) dst(%dma_wait3A_294 : memref<128x256xf32, #tpu.memory_space<hbm>>)
      %add3A_295 = arith.constant 2 : i32
      %add3A_296 = arith.addi %add3A_269, %add3A_295 : i32
      %mul3A_297 = arith.constant 128 : i32
      %mul3A_298 = arith.muli %add3A_296, %mul3A_297 : i32
      %dma_start3A_299 = arith.constant 0 : i32
      %dma_start3A_300 = arith.constant 0 : i32
      %dma_start3A_301 = tpu.memref_slice %arg10[%dma_start3A_299, %dma_start3A_300] : memref<128x256xf32, #tpu.memory_space<vmem>> -> memref<8x256xf32, #tpu.memory_space<vmem>>
      %dma_start3A_302 = tpu.memref_slice %arg6[%mul3A_298] : memref<6416xi32, #tpu.memory_space<vmem>> -> memref<8xi32, #tpu.memory_space<vmem>>
      %dma_start3A_303 = arith.constant 0 : i32
      %dma_start3A_304 = arith.constant 0 : i32
      %dma_start3A_305 = tpu.memref_slice %arg3[%dma_start3A_303, %dma_start3A_304] : memref<22016x256xf32, #tpu.memory_space<hbm>> -> memref<22016x256xf32, #tpu.memory_space<hbm>>
      tpu.enqueue_indirect_dma source(%dma_start3A_305 : memref<22016x256xf32, #tpu.memory_space<hbm>>) target(%dma_start3A_301 : memref<8x256xf32, #tpu.memory_space<vmem>>) offsets(%dma_start3A_302 : memref<8xi32, #tpu.memory_space<vmem>>) semaphore(%arg13 : memref<!tpu.dma_semaphore, #tpu.memory_space<semaphore_mem>>)
      %add3A_306 = arith.constant 2 : i32
      %add3A_307 = arith.addi %add3A_269, %add3A_306 : i32
      %parallel_loop3A_308 = arith.constant 8 : i32
      %parallel_loop3A_309 = arith.constant 128 : i32
      %parallel_loop3A_310 = arith.constant 1 : i32
      scf.for %parallel_loop3A_311 = %parallel_loop3A_308 to %parallel_loop3A_309 step %parallel_loop3A_310  : i32 {
        %parallel_loop3A_312 = arith.constant 128 : i32
        %parallel_loop3A_313 = arith.muli %add3A_307, %parallel_loop3A_312 : i32
        %parallel_loop3A_314 = arith.addi %parallel_loop3A_313, %parallel_loop3A_311 : i32
        %parallel_loop3A_315 = arith.index_cast %parallel_loop3A_314 : i32 to index
        %parallel_loop3A_316 = tpu.vector_load %arg6[%parallel_loop3A_315] {strides = array<i32>} : memref<6416xi32, #tpu.memory_space<vmem>>, vector<16xi32>,
        %parallel_loop3A_317 = vector.extract_strided_slice %parallel_loop3A_316 {offsets = [0], sizes = [1], strides = [1]} : vector<16xi32> to vector<1xi32>
        %parallel_loop3A_318 = vector.extract %parallel_loop3A_317[0] : i32 from vector<1xi32>
        %parallel_loop3A_319 = arith.constant 3 : i32
        %parallel_loop3A_320 = arith.shrsi %parallel_loop3A_318, %parallel_loop3A_319 : i32
        %parallel_loop3A_321 = arith.constant 86 : i32
        %parallel_loop3A_322 = arith.muli %add3A, %parallel_loop3A_321 : i32
        %parallel_loop3A_323 = arith.subi %parallel_loop3A_320, %parallel_loop3A_322 : i32
        %parallel_loop3A_324 = arith.index_cast %parallel_loop3A_323 : i32 to index
        %parallel_loop3A_325 = arith.constant 0 : index
        %parallel_loop3A_326 = tpu.vector_load %arg7[%parallel_loop3A_324, %parallel_loop3A_325] {strides = array<i32>} : memref<86x256xf32, #tpu.memory_space<vmem>>, vector<16xf32>,
        %parallel_loop3A_327 = arith.index_cast %parallel_loop3A_311 : i32 to index
        %parallel_loop3A_328 = arith.constant 0 : index
        %parallel_loop3A_329 = tpu.vector_load %arg10[%parallel_loop3A_327, %parallel_loop3A_328] {strides = array<i32>} : memref<128x256xf32, #tpu.memory_space<vmem>>, vector<16xf32>,
        tpu.vector_store %arg10[%parallel_loop3A_327, %parallel_loop3A_328], %parallel_loop3A_326 {strides = array<i32>} : memref<128x256xf32, #tpu.memory_space<vmem>>, vector<16xf32>,
        %parallel_loop3A_330 = arith.index_cast %parallel_loop3A_323 : i32 to index
        %parallel_loop3A_331 = arith.constant 16 : index
        %parallel_loop3A_332 = tpu.vector_load %arg7[%parallel_loop3A_330, %parallel_loop3A_331] {strides = array<i32>} : memref<86x256xf32, #tpu.memory_space<vmem>>, vector<16xf32>,
        %parallel_loop3A_333 = arith.index_cast %parallel_loop3A_311 : i32 to index
        %parallel_loop3A_334 = arith.constant 16 : index
        %parallel_loop3A_335 = tpu.vector_load %arg10[%parallel_loop3A_333, %parallel_loop3A_334] {strides = array<i32>} : memref<128x256xf32, #tpu.memory_space<vmem>>, vector<16xf32>,
        tpu.vector_store %arg10[%parallel_loop3A_333, %parallel_loop3A_334], %parallel_loop3A_332 {strides = array<i32>} : memref<128x256xf32, #tpu.memory_space<vmem>>, vector<16xf32>,
        %parallel_loop3A_336 = arith.index_cast %parallel_loop3A_323 : i32 to index
        %parallel_loop3A_337 = arith.constant 32 : index
        %parallel_loop3A_338 = tpu.vector_load %arg7[%parallel_loop3A_336, %parallel_loop3A_337] {strides = array<i32>} : memref<86x256xf32, #tpu.memory_space<vmem>>, vector<16xf32>,
        %parallel_loop3A_339 = arith.index_cast %parallel_loop3A_311 : i32 to index
        %parallel_loop3A_340 = arith.constant 32 : index
        %parallel_loop3A_341 = tpu.vector_load %arg10[%parallel_loop3A_339, %parallel_loop3A_340] {strides = array<i32>} : memref<128x256xf32, #tpu.memory_space<vmem>>, vector<16xf32>,
        tpu.vector_store %arg10[%parallel_loop3A_339, %parallel_loop3A_340], %parallel_loop3A_338 {strides = array<i32>} : memref<128x256xf32, #tpu.memory_space<vmem>>, vector<16xf32>,
        %parallel_loop3A_342 = arith.index_cast %parallel_loop3A_323 : i32 to index
        %parallel_loop3A_343 = arith.constant 48 : index
        %parallel_loop3A_344 = tpu.vector_load %arg7[%parallel_loop3A_342, %parallel_loop3A_343] {strides = array<i32>} : memref<86x256xf32, #tpu.memory_space<vmem>>, vector<16xf32>,
        %parallel_loop3A_345 = arith.index_cast %parallel_loop3A_311 : i32 to index
        %parallel_loop3A_346 = arith.constant 48 : index
        %parallel_loop3A_347 = tpu.vector_load %arg10[%parallel_loop3A_345, %parallel_loop3A_346] {strides = array<i32>} : memref<128x256xf32, #tpu.memory_space<vmem>>, vector<16xf32>,
        tpu.vector_store %arg10[%parallel_loop3A_345, %parallel_loop3A_346], %parallel_loop3A_344 {strides = array<i32>} : memref<128x256xf32, #tpu.memory_space<vmem>>, vector<16xf32>,
        %parallel_loop3A_348 = arith.index_cast %parallel_loop3A_323 : i32 to index
        %parallel_loop3A_349 = arith.constant 64 : index
        %parallel_loop3A_350 = tpu.vector_load %arg7[%parallel_loop3A_348, %parallel_loop3A_349] {strides = array<i32>} : memref<86x256xf32, #tpu.memory_space<vmem>>, vector<16xf32>,
        %parallel_loop3A_351 = arith.index_cast %parallel_loop3A_311 : i32 to index
        %parallel_loop3A_352 = arith.constant 64 : index
        %parallel_loop3A_353 = tpu.vector_load %arg10[%parallel_loop3A_351, %parallel_loop3A_352] {strides = array<i32>} : memref<128x256xf32, #tpu.memory_space<vmem>>, vector<16xf32>,
        tpu.vector_store %arg10[%parallel_loop3A_351, %parallel_loop3A_352], %parallel_loop3A_350 {strides = array<i32>} : memref<128x256xf32, #tpu.memory_space<vmem>>, vector<16xf32>,
        %parallel_loop3A_354 = arith.index_cast %parallel_loop3A_323 : i32 to index
        %parallel_loop3A_355 = arith.constant 80 : index
        %parallel_loop3A_356 = tpu.vector_load %arg7[%parallel_loop3A_354, %parallel_loop3A_355] {strides = array<i32>} : memref<86x256xf32, #tpu.memory_space<vmem>>, vector<16xf32>,
        %parallel_loop3A_357 = arith.index_cast %parallel_loop3A_311 : i32 to index
        %parallel_loop3A_358 = arith.constant 80 : index
        %parallel_loop3A_359 = tpu.vector_load %arg10[%parallel_loop3A_357, %parallel_loop3A_358] {strides = array<i32>} : memref<128x256xf32, #tpu.memory_space<vmem>>, vector<16xf32>,
        tpu.vector_store %arg10[%parallel_loop3A_357, %parallel_loop3A_358], %parallel_loop3A_356 {strides = array<i32>} : memref<128x256xf32, #tpu.memory_space<vmem>>, vector<16xf32>,
        %parallel_loop3A_360 = arith.index_cast %parallel_loop3A_323 : i32 to index
        %parallel_loop3A_361 = arith.constant 96 : index
        %parallel_loop3A_362 = tpu.vector_load %arg7[%parallel_loop3A_360, %parallel_loop3A_361] {strides = array<i32>} : memref<86x256xf32, #tpu.memory_space<vmem>>, vector<16xf32>,
        %parallel_loop3A_363 = arith.index_cast %parallel_loop3A_311 : i32 to index
        %parallel_loop3A_364 = arith.constant 96 : index
        %parallel_loop3A_365 = tpu.vector_load %arg10[%parallel_loop3A_363, %parallel_loop3A_364] {strides = array<i32>} : memref<128x256xf32, #tpu.memory_space<vmem>>, vector<16xf32>,
        tpu.vector_store %arg10[%parallel_loop3A_363, %parallel_loop3A_364], %parallel_loop3A_362 {strides = array<i32>} : memref<128x256xf32, #tpu.memory_space<vmem>>, vector<16xf32>,
        %parallel_loop3A_366 = arith.index_cast %parallel_loop3A_323 : i32 to index
        %parallel_loop3A_367 = arith.constant 112 : index
        %parallel_loop3A_368 = tpu.vector_load %arg7[%parallel_loop3A_366, %parallel_loop3A_367] {strides = array<i32>} : memref<86x256xf32, #tpu.memory_space<vmem>>, vector<16xf32>,
        %parallel_loop3A_369 = arith.index_cast %parallel_loop3A_311 : i32 to index
        %parallel_loop3A_370 = arith.constant 112 : index
        %parallel_loop3A_371 = tpu.vector_load %arg10[%parallel_loop3A_369, %parallel_loop3A_370] {strides = array<i32>} : memref<128x256xf32, #tpu.memory_space<vmem>>, vector<16xf32>,
        tpu.vector_store %arg10[%parallel_loop3A_369, %parallel_loop3A_370], %parallel_loop3A_368 {strides = array<i32>} : memref<128x256xf32, #tpu.memory_space<vmem>>, vector<16xf32>,
        %parallel_loop3A_372 = arith.index_cast %parallel_loop3A_323 : i32 to index
        %parallel_loop3A_373 = arith.constant 128 : index
        %parallel_loop3A_374 = tpu.vector_load %arg7[%parallel_loop3A_372, %parallel_loop3A_373] {strides = array<i32>} : memref<86x256xf32, #tpu.memory_space<vmem>>, vector<16xf32>,
        %parallel_loop3A_375 = arith.index_cast %parallel_loop3A_311 : i32 to index
        %parallel_loop3A_376 = arith.constant 128 : index
        %parallel_loop3A_377 = tpu.vector_load %arg10[%parallel_loop3A_375, %parallel_loop3A_376] {strides = array<i32>} : memref<128x256xf32, #tpu.memory_space<vmem>>, vector<16xf32>,
        tpu.vector_store %arg10[%parallel_loop3A_375, %parallel_loop3A_376], %parallel_loop3A_374 {strides = array<i32>} : memref<128x256xf32, #tpu.memory_space<vmem>>, vector<16xf32>,
        %parallel_loop3A_378 = arith.index_cast %parallel_loop3A_323 : i32 to index
        %parallel_loop3A_379 = arith.constant 144 : index
        %parallel_loop3A_380 = tpu.vector_load %arg7[%parallel_loop3A_378, %parallel_loop3A_379] {strides = array<i32>} : memref<86x256xf32, #tpu.memory_space<vmem>>, vector<16xf32>,
        %parallel_loop3A_381 = arith.index_cast %parallel_loop3A_311 : i32 to index
        %parallel_loop3A_382 = arith.constant 144 : index
        %parallel_loop3A_383 = tpu.vector_load %arg10[%parallel_loop3A_381, %parallel_loop3A_382] {strides = array<i32>} : memref<128x256xf32, #tpu.memory_space<vmem>>, vector<16xf32>,
        tpu.vector_store %arg10[%parallel_loop3A_381, %parallel_loop3A_382], %parallel_loop3A_380 {strides = array<i32>} : memref<128x256xf32, #tpu.memory_space<vmem>>, vector<16xf32>,
        %parallel_loop3A_384 = arith.index_cast %parallel_loop3A_323 : i32 to index
        %parallel_loop3A_385 = arith.constant 160 : index
        %parallel_loop3A_386 = tpu.vector_load %arg7[%parallel_loop3A_384, %parallel_loop3A_385] {strides = array<i32>} : memref<86x256xf32, #tpu.memory_space<vmem>>, vector<16xf32>,
        %parallel_loop3A_387 = arith.index_cast %parallel_loop3A_311 : i32 to index
        %parallel_loop3A_388 = arith.constant 160 : index
        %parallel_loop3A_389 = tpu.vector_load %arg10[%parallel_loop3A_387, %parallel_loop3A_388] {strides = array<i32>} : memref<128x256xf32, #tpu.memory_space<vmem>>, vector<16xf32>,
        tpu.vector_store %arg10[%parallel_loop3A_387, %parallel_loop3A_388], %parallel_loop3A_386 {strides = array<i32>} : memref<128x256xf32, #tpu.memory_space<vmem>>, vector<16xf32>,
        %parallel_loop3A_390 = arith.index_cast %parallel_loop3A_323 : i32 to index
        %parallel_loop3A_391 = arith.constant 176 : index
        %parallel_loop3A_392 = tpu.vector_load %arg7[%parallel_loop3A_390, %parallel_loop3A_391] {strides = array<i32>} : memref<86x256xf32, #tpu.memory_space<vmem>>, vector<16xf32>,
        %parallel_loop3A_393 = arith.index_cast %parallel_loop3A_311 : i32 to index
        %parallel_loop3A_394 = arith.constant 176 : index
        %parallel_loop3A_395 = tpu.vector_load %arg10[%parallel_loop3A_393, %parallel_loop3A_394] {strides = array<i32>} : memref<128x256xf32, #tpu.memory_space<vmem>>, vector<16xf32>,
        tpu.vector_store %arg10[%parallel_loop3A_393, %parallel_loop3A_394], %parallel_loop3A_392 {strides = array<i32>} : memref<128x256xf32, #tpu.memory_space<vmem>>, vector<16xf32>,
        %parallel_loop3A_396 = arith.index_cast %parallel_loop3A_323 : i32 to index
        %parallel_loop3A_397 = arith.constant 192 : index
        %parallel_loop3A_398 = tpu.vector_load %arg7[%parallel_loop3A_396, %parallel_loop3A_397] {strides = array<i32>} : memref<86x256xf32, #tpu.memory_space<vmem>>, vector<16xf32>,
        %parallel_loop3A_399 = arith.index_cast %parallel_loop3A_311 : i32 to index
        %parallel_loop3A_400 = arith.constant 192 : index
        %parallel_loop3A_401 = tpu.vector_load %arg10[%parallel_loop3A_399, %parallel_loop3A_400] {strides = array<i32>} : memref<128x256xf32, #tpu.memory_space<vmem>>, vector<16xf32>,
        tpu.vector_store %arg10[%parallel_loop3A_399, %parallel_loop3A_400], %parallel_loop3A_398 {strides = array<i32>} : memref<128x256xf32, #tpu.memory_space<vmem>>, vector<16xf32>,
        %parallel_loop3A_402 = arith.index_cast %parallel_loop3A_323 : i32 to index
        %parallel_loop3A_403 = arith.constant 208 : index
        %parallel_loop3A_404 = tpu.vector_load %arg7[%parallel_loop3A_402, %parallel_loop3A_403] {strides = array<i32>} : memref<86x256xf32, #tpu.memory_space<vmem>>, vector<16xf32>,
        %parallel_loop3A_405 = arith.index_cast %parallel_loop3A_311 : i32 to index
        %parallel_loop3A_406 = arith.constant 208 : index
        %parallel_loop3A_407 = tpu.vector_load %arg10[%parallel_loop3A_405, %parallel_loop3A_406] {strides = array<i32>} : memref<128x256xf32, #tpu.memory_space<vmem>>, vector<16xf32>,
        tpu.vector_store %arg10[%parallel_loop3A_405, %parallel_loop3A_406], %parallel_loop3A_404 {strides = array<i32>} : memref<128x256xf32, #tpu.memory_space<vmem>>, vector<16xf32>,
        %parallel_loop3A_408 = arith.index_cast %parallel_loop3A_323 : i32 to index
        %parallel_loop3A_409 = arith.constant 224 : index
        %parallel_loop3A_410 = tpu.vector_load %arg7[%parallel_loop3A_408, %parallel_loop3A_409] {strides = array<i32>} : memref<86x256xf32, #tpu.memory_space<vmem>>, vector<16xf32>,
        %parallel_loop3A_411 = arith.index_cast %parallel_loop3A_311 : i32 to index
        %parallel_loop3A_412 = arith.constant 224 : index
        %parallel_loop3A_413 = tpu.vector_load %arg10[%parallel_loop3A_411, %parallel_loop3A_412] {strides = array<i32>} : memref<128x256xf32, #tpu.memory_space<vmem>>, vector<16xf32>,
        tpu.vector_store %arg10[%parallel_loop3A_411, %parallel_loop3A_412], %parallel_loop3A_410 {strides = array<i32>} : memref<128x256xf32, #tpu.memory_space<vmem>>, vector<16xf32>,
        %parallel_loop3A_414 = arith.index_cast %parallel_loop3A_323 : i32 to index
        %parallel_loop3A_415 = arith.constant 240 : index
        %parallel_loop3A_416 = tpu.vector_load %arg7[%parallel_loop3A_414, %parallel_loop3A_415] {strides = array<i32>} : memref<86x256xf32, #tpu.memory_space<vmem>>, vector<16xf32>,
        %parallel_loop3A_417 = arith.index_cast %parallel_loop3A_311 : i32 to index
        %parallel_loop3A_418 = arith.constant 240 : index
        %parallel_loop3A_419 = tpu.vector_load %arg10[%parallel_loop3A_417, %parallel_loop3A_418] {strides = array<i32>} : memref<128x256xf32, #tpu.memory_space<vmem>>, vector<16xf32>,
        tpu.vector_store %arg10[%parallel_loop3A_417, %parallel_loop3A_418], %parallel_loop3A_416 {strides = array<i32>} : memref<128x256xf32, #tpu.memory_space<vmem>>, vector<16xf32>,
      } {sc.loop_unroll_factor = 4 : i64, sc.parallel_access}
    }
    %scan3A_61 = arith.constant 15 : i32
    %dma_wait3A_62 = arith.constant 0 : i32
    %dma_wait3A_63 = arith.constant 0 : i32
    %dma_wait3A_64 = tpu.memref_slice %arg9[%dma_wait3A_62, %dma_wait3A_63] : memref<128x256xf32, #tpu.memory_space<vmem>> -> memref<8x256xf32, #tpu.memory_space<vmem>>
    %dma_wait3A_65 = arith.constant 5888 : i32
    %dma_wait3A_66 = tpu.memref_slice %arg6[%dma_wait3A_65] : memref<6416xi32, #tpu.memory_space<vmem>> -> memref<8xi32, #tpu.memory_space<vmem>>
    %dma_wait3A_67 = arith.constant 0 : i32
    %dma_wait3A_68 = arith.constant 0 : i32
    %dma_wait3A_69 = tpu.memref_slice %arg3[%dma_wait3A_67, %dma_wait3A_68] : memref<22016x256xf32, #tpu.memory_space<hbm>> -> memref<22016x256xf32, #tpu.memory_space<hbm>>
    tpu.wait_indirect_dma semaphore(%arg12 : memref<!tpu.dma_semaphore, #tpu.memory_space<semaphore_mem>>) src(%dma_wait3A_69 : memref<22016x256xf32, #tpu.memory_space<hbm>>) dst(%dma_wait3A_64 : memref<8x256xf32, #tpu.memory_space<vmem>>)
    %add3A_70 = arith.constant 5888 : i32
    %add3A_71 = arith.addi %mul3A_2, %add3A_70 : i32
    %dma_start3A_72 = arith.constant 0 : i32
    %dma_start3A_73 = tpu.memref_slice %arg5[%add3A_71, %dma_start3A_72] : memref<204800x256xf32, #tpu.memory_space<hbm>> -> memref<128x256xf32, #tpu.memory_space<hbm>>
    %dma_start3A_74 = arith.constant 0 : i32
    %dma_start3A_75 = tpu.memref_slice %arg5[%add3A_71, %dma_start3A_74] : memref<204800x256xf32, #tpu.memory_space<hbm>> -> memref<128x256xf32, #tpu.memory_space<hbm>>
    tpu.enqueue_dma source(%arg9 : memref<128x256xf32, #tpu.memory_space<vmem>>) target(%dma_start3A_75 : memref<128x256xf32, #tpu.memory_space<hbm>>) target_semaphore(%arg15 : memref<!tpu.dma_semaphore, #tpu.memory_space<semaphore_mem>>)
    %add3A_76 = arith.constant 5760 : i32
    %add3A_77 = arith.addi %mul3A_2, %add3A_76 : i32
    %dma_wait3A_78 = arith.constant 0 : i32
    %dma_wait3A_79 = tpu.memref_slice %arg5[%add3A_77, %dma_wait3A_78] : memref<204800x256xf32, #tpu.memory_space<hbm>> -> memref<128x256xf32, #tpu.memory_space<hbm>>
    %dma_wait3A_80 = arith.constant 0 : i32
    %dma_wait3A_81 = tpu.memref_slice %arg5[%add3A_77, %dma_wait3A_80] : memref<204800x256xf32, #tpu.memory_space<hbm>> -> memref<128x256xf32, #tpu.memory_space<hbm>>
    tpu.wait_dma2 semaphore(%arg14 : memref<!tpu.dma_semaphore, #tpu.memory_space<semaphore_mem>>) src(%arg8 : memref<128x256xf32, #tpu.memory_space<vmem>>) dst(%dma_wait3A_81 : memref<128x256xf32, #tpu.memory_space<hbm>>)
    %dma_start3A_82 = arith.constant 0 : i32
    %dma_start3A_83 = arith.constant 0 : i32
    %dma_start3A_84 = tpu.memref_slice %arg8[%dma_start3A_82, %dma_start3A_83] : memref<128x256xf32, #tpu.memory_space<vmem>> -> memref<8x256xf32, #tpu.memory_space<vmem>>
    %dma_start3A_85 = arith.constant 6144 : i32
    %dma_start3A_86 = tpu.memref_slice %arg6[%dma_start3A_85] : memref<6416xi32, #tpu.memory_space<vmem>> -> memref<8xi32, #tpu.memory_space<vmem>>
    %dma_start3A_87 = arith.constant 0 : i32
    %dma_start3A_88 = arith.constant 0 : i32
    %dma_start3A_89 = tpu.memref_slice %arg3[%dma_start3A_87, %dma_start3A_88] : memref<22016x256xf32, #tpu.memory_space<hbm>> -> memref<22016x256xf32, #tpu.memory_space<hbm>>
    tpu.enqueue_indirect_dma source(%dma_start3A_89 : memref<22016x256xf32, #tpu.memory_space<hbm>>) target(%dma_start3A_84 : memref<8x256xf32, #tpu.memory_space<vmem>>) offsets(%dma_start3A_86 : memref<8xi32, #tpu.memory_space<vmem>>) semaphore(%arg11 : memref<!tpu.dma_semaphore, #tpu.memory_space<semaphore_mem>>)
    %parallel_loop3A_90 = arith.constant 8 : i32
    %parallel_loop3A_91 = arith.constant 128 : i32
    %parallel_loop3A_92 = arith.constant 1 : i32
    scf.for %parallel_loop3A_170 = %parallel_loop3A_90 to %parallel_loop3A_91 step %parallel_loop3A_92  : i32 {
      %parallel_loop3A_171 = arith.constant 6144 : i32
      %parallel_loop3A_172 = arith.addi %parallel_loop3A_171, %parallel_loop3A_170 : i32
      %parallel_loop3A_173 = arith.index_cast %parallel_loop3A_172 : i32 to index
      %parallel_loop3A_174 = tpu.vector_load %arg6[%parallel_loop3A_173] {strides = array<i32>} : memref<6416xi32, #tpu.memory_space<vmem>>, vector<16xi32>,
      %parallel_loop3A_175 = vector.extract_strided_slice %parallel_loop3A_174 {offsets = [0], sizes = [1], strides = [1]} : vector<16xi32> to vector<1xi32>
      %parallel_loop3A_176 = vector.extract %parallel_loop3A_175[0] : i32 from vector<1xi32>
      %parallel_loop3A_177 = arith.constant 3 : i32
      %parallel_loop3A_178 = arith.shrsi %parallel_loop3A_176, %parallel_loop3A_177 : i32
      %parallel_loop3A_179 = arith.constant 86 : i32
      %parallel_loop3A_180 = arith.muli %add3A, %parallel_loop3A_179 : i32
      %parallel_loop3A_181 = arith.subi %parallel_loop3A_178, %parallel_loop3A_180 : i32
      %parallel_loop3A_182 = arith.index_cast %parallel_loop3A_181 : i32 to index
      %parallel_loop3A_183 = arith.constant 0 : index
      %parallel_loop3A_184 = tpu.vector_load %arg7[%parallel_loop3A_182, %parallel_loop3A_183] {strides = array<i32>} : memref<86x256xf32, #tpu.memory_space<vmem>>, vector<16xf32>,
      %parallel_loop3A_185 = arith.index_cast %parallel_loop3A_170 : i32 to index
      %parallel_loop3A_186 = arith.constant 0 : index
      %parallel_loop3A_187 = tpu.vector_load %arg8[%parallel_loop3A_185, %parallel_loop3A_186] {strides = array<i32>} : memref<128x256xf32, #tpu.memory_space<vmem>>, vector<16xf32>,
      tpu.vector_store %arg8[%parallel_loop3A_185, %parallel_loop3A_186], %parallel_loop3A_184 {strides = array<i32>} : memref<128x256xf32, #tpu.memory_space<vmem>>, vector<16xf32>,
      %parallel_loop3A_188 = arith.index_cast %parallel_loop3A_181 : i32 to index
      %parallel_loop3A_189 = arith.constant 16 : index
      %parallel_loop3A_190 = tpu.vector_load %arg7[%parallel_loop3A_188, %parallel_loop3A_189] {strides = array<i32>} : memref<86x256xf32, #tpu.memory_space<vmem>>, vector<16xf32>,
      %parallel_loop3A_191 = arith.index_cast %parallel_loop3A_170 : i32 to index
      %parallel_loop3A_192 = arith.constant 16 : index
      %parallel_loop3A_193 = tpu.vector_load %arg8[%parallel_loop3A_191, %parallel_loop3A_192] {strides = array<i32>} : memref<128x256xf32, #tpu.memory_space<vmem>>, vector<16xf32>,
      tpu.vector_store %arg8[%parallel_loop3A_191, %parallel_loop3A_192], %parallel_loop3A_190 {strides = array<i32>} : memref<128x256xf32, #tpu.memory_space<vmem>>, vector<16xf32>,
      %parallel_loop3A_194 = arith.index_cast %parallel_loop3A_181 : i32 to index
      %parallel_loop3A_195 = arith.constant 32 : index
      %parallel_loop3A_196 = tpu.vector_load %arg7[%parallel_loop3A_194, %parallel_loop3A_195] {strides = array<i32>} : memref<86x256xf32, #tpu.memory_space<vmem>>, vector<16xf32>,
      %parallel_loop3A_197 = arith.index_cast %parallel_loop3A_170 : i32 to index
      %parallel_loop3A_198 = arith.constant 32 : index
      %parallel_loop3A_199 = tpu.vector_load %arg8[%parallel_loop3A_197, %parallel_loop3A_198] {strides = array<i32>} : memref<128x256xf32, #tpu.memory_space<vmem>>, vector<16xf32>,
      tpu.vector_store %arg8[%parallel_loop3A_197, %parallel_loop3A_198], %parallel_loop3A_196 {strides = array<i32>} : memref<128x256xf32, #tpu.memory_space<vmem>>, vector<16xf32>,
      %parallel_loop3A_200 = arith.index_cast %parallel_loop3A_181 : i32 to index
      %parallel_loop3A_201 = arith.constant 48 : index
      %parallel_loop3A_202 = tpu.vector_load %arg7[%parallel_loop3A_200, %parallel_loop3A_201] {strides = array<i32>} : memref<86x256xf32, #tpu.memory_space<vmem>>, vector<16xf32>,
      %parallel_loop3A_203 = arith.index_cast %parallel_loop3A_170 : i32 to index
      %parallel_loop3A_204 = arith.constant 48 : index
      %parallel_loop3A_205 = tpu.vector_load %arg8[%parallel_loop3A_203, %parallel_loop3A_204] {strides = array<i32>} : memref<128x256xf32, #tpu.memory_space<vmem>>, vector<16xf32>,
      tpu.vector_store %arg8[%parallel_loop3A_203, %parallel_loop3A_204], %parallel_loop3A_202 {strides = array<i32>} : memref<128x256xf32, #tpu.memory_space<vmem>>, vector<16xf32>,
      %parallel_loop3A_206 = arith.index_cast %parallel_loop3A_181 : i32 to index
      %parallel_loop3A_207 = arith.constant 64 : index
      %parallel_loop3A_208 = tpu.vector_load %arg7[%parallel_loop3A_206, %parallel_loop3A_207] {strides = array<i32>} : memref<86x256xf32, #tpu.memory_space<vmem>>, vector<16xf32>,
      %parallel_loop3A_209 = arith.index_cast %parallel_loop3A_170 : i32 to index
      %parallel_loop3A_210 = arith.constant 64 : index
      %parallel_loop3A_211 = tpu.vector_load %arg8[%parallel_loop3A_209, %parallel_loop3A_210] {strides = array<i32>} : memref<128x256xf32, #tpu.memory_space<vmem>>, vector<16xf32>,
      tpu.vector_store %arg8[%parallel_loop3A_209, %parallel_loop3A_210], %parallel_loop3A_208 {strides = array<i32>} : memref<128x256xf32, #tpu.memory_space<vmem>>, vector<16xf32>,
      %parallel_loop3A_212 = arith.index_cast %parallel_loop3A_181 : i32 to index
      %parallel_loop3A_213 = arith.constant 80 : index
      %parallel_loop3A_214 = tpu.vector_load %arg7[%parallel_loop3A_212, %parallel_loop3A_213] {strides = array<i32>} : memref<86x256xf32, #tpu.memory_space<vmem>>, vector<16xf32>,
      %parallel_loop3A_215 = arith.index_cast %parallel_loop3A_170 : i32 to index
      %parallel_loop3A_216 = arith.constant 80 : index
      %parallel_loop3A_217 = tpu.vector_load %arg8[%parallel_loop3A_215, %parallel_loop3A_216] {strides = array<i32>} : memref<128x256xf32, #tpu.memory_space<vmem>>, vector<16xf32>,
      tpu.vector_store %arg8[%parallel_loop3A_215, %parallel_loop3A_216], %parallel_loop3A_214 {strides = array<i32>} : memref<128x256xf32, #tpu.memory_space<vmem>>, vector<16xf32>,
      %parallel_loop3A_218 = arith.index_cast %parallel_loop3A_181 : i32 to index
      %parallel_loop3A_219 = arith.constant 96 : index
      %parallel_loop3A_220 = tpu.vector_load %arg7[%parallel_loop3A_218, %parallel_loop3A_219] {strides = array<i32>} : memref<86x256xf32, #tpu.memory_space<vmem>>, vector<16xf32>,
      %parallel_loop3A_221 = arith.index_cast %parallel_loop3A_170 : i32 to index
      %parallel_loop3A_222 = arith.constant 96 : index
      %parallel_loop3A_223 = tpu.vector_load %arg8[%parallel_loop3A_221, %parallel_loop3A_222] {strides = array<i32>} : memref<128x256xf32, #tpu.memory_space<vmem>>, vector<16xf32>,
      tpu.vector_store %arg8[%parallel_loop3A_221, %parallel_loop3A_222], %parallel_loop3A_220 {strides = array<i32>} : memref<128x256xf32, #tpu.memory_space<vmem>>, vector<16xf32>,
      %parallel_loop3A_224 = arith.index_cast %parallel_loop3A_181 : i32 to index
      %parallel_loop3A_225 = arith.constant 112 : index
      %parallel_loop3A_226 = tpu.vector_load %arg7[%parallel_loop3A_224, %parallel_loop3A_225] {strides = array<i32>} : memref<86x256xf32, #tpu.memory_space<vmem>>, vector<16xf32>,
      %parallel_loop3A_227 = arith.index_cast %parallel_loop3A_170 : i32 to index
      %parallel_loop3A_228 = arith.constant 112 : index
      %parallel_loop3A_229 = tpu.vector_load %arg8[%parallel_loop3A_227, %parallel_loop3A_228] {strides = array<i32>} : memref<128x256xf32, #tpu.memory_space<vmem>>, vector<16xf32>,
      tpu.vector_store %arg8[%parallel_loop3A_227, %parallel_loop3A_228], %parallel_loop3A_226 {strides = array<i32>} : memref<128x256xf32, #tpu.memory_space<vmem>>, vector<16xf32>,
      %parallel_loop3A_230 = arith.index_cast %parallel_loop3A_181 : i32 to index
      %parallel_loop3A_231 = arith.constant 128 : index
      %parallel_loop3A_232 = tpu.vector_load %arg7[%parallel_loop3A_230, %parallel_loop3A_231] {strides = array<i32>} : memref<86x256xf32, #tpu.memory_space<vmem>>, vector<16xf32>,
      %parallel_loop3A_233 = arith.index_cast %parallel_loop3A_170 : i32 to index
      %parallel_loop3A_234 = arith.constant 128 : index
      %parallel_loop3A_235 = tpu.vector_load %arg8[%parallel_loop3A_233, %parallel_loop3A_234] {strides = array<i32>} : memref<128x256xf32, #tpu.memory_space<vmem>>, vector<16xf32>,
      tpu.vector_store %arg8[%parallel_loop3A_233, %parallel_loop3A_234], %parallel_loop3A_232 {strides = array<i32>} : memref<128x256xf32, #tpu.memory_space<vmem>>, vector<16xf32>,
      %parallel_loop3A_236 = arith.index_cast %parallel_loop3A_181 : i32 to index
      %parallel_loop3A_237 = arith.constant 144 : index
      %parallel_loop3A_238 = tpu.vector_load %arg7[%parallel_loop3A_236, %parallel_loop3A_237] {strides = array<i32>} : memref<86x256xf32, #tpu.memory_space<vmem>>, vector<16xf32>,
      %parallel_loop3A_239 = arith.index_cast %parallel_loop3A_170 : i32 to index
      %parallel_loop3A_240 = arith.constant 144 : index
      %parallel_loop3A_241 = tpu.vector_load %arg8[%parallel_loop3A_239, %parallel_loop3A_240] {strides = array<i32>} : memref<128x256xf32, #tpu.memory_space<vmem>>, vector<16xf32>,
      tpu.vector_store %arg8[%parallel_loop3A_239, %parallel_loop3A_240], %parallel_loop3A_238 {strides = array<i32>} : memref<128x256xf32, #tpu.memory_space<vmem>>, vector<16xf32>,
      %parallel_loop3A_242 = arith.index_cast %parallel_loop3A_181 : i32 to index
      %parallel_loop3A_243 = arith.constant 160 : index
      %parallel_loop3A_244 = tpu.vector_load %arg7[%parallel_loop3A_242, %parallel_loop3A_243] {strides = array<i32>} : memref<86x256xf32, #tpu.memory_space<vmem>>, vector<16xf32>,
      %parallel_loop3A_245 = arith.index_cast %parallel_loop3A_170 : i32 to index
      %parallel_loop3A_246 = arith.constant 160 : index
      %parallel_loop3A_247 = tpu.vector_load %arg8[%parallel_loop3A_245, %parallel_loop3A_246] {strides = array<i32>} : memref<128x256xf32, #tpu.memory_space<vmem>>, vector<16xf32>,
      tpu.vector_store %arg8[%parallel_loop3A_245, %parallel_loop3A_246], %parallel_loop3A_244 {strides = array<i32>} : memref<128x256xf32, #tpu.memory_space<vmem>>, vector<16xf32>,
      %parallel_loop3A_248 = arith.index_cast %parallel_loop3A_181 : i32 to index
      %parallel_loop3A_249 = arith.constant 176 : index
      %parallel_loop3A_250 = tpu.vector_load %arg7[%parallel_loop3A_248, %parallel_loop3A_249] {strides = array<i32>} : memref<86x256xf32, #tpu.memory_space<vmem>>, vector<16xf32>,
      %parallel_loop3A_251 = arith.index_cast %parallel_loop3A_170 : i32 to index
      %parallel_loop3A_252 = arith.constant 176 : index
      %parallel_loop3A_253 = tpu.vector_load %arg8[%parallel_loop3A_251, %parallel_loop3A_252] {strides = array<i32>} : memref<128x256xf32, #tpu.memory_space<vmem>>, vector<16xf32>,
      tpu.vector_store %arg8[%parallel_loop3A_251, %parallel_loop3A_252], %parallel_loop3A_250 {strides = array<i32>} : memref<128x256xf32, #tpu.memory_space<vmem>>, vector<16xf32>,
      %parallel_loop3A_254 = arith.index_cast %parallel_loop3A_181 : i32 to index
      %parallel_loop3A_255 = arith.constant 192 : index
      %parallel_loop3A_256 = tpu.vector_load %arg7[%parallel_loop3A_254, %parallel_loop3A_255] {strides = array<i32>} : memref<86x256xf32, #tpu.memory_space<vmem>>, vector<16xf32>,
      %parallel_loop3A_257 = arith.index_cast %parallel_loop3A_170 : i32 to index
      %parallel_loop3A_258 = arith.constant 192 : index
      %parallel_loop3A_259 = tpu.vector_load %arg8[%parallel_loop3A_257, %parallel_loop3A_258] {strides = array<i32>} : memref<128x256xf32, #tpu.memory_space<vmem>>, vector<16xf32>,
      tpu.vector_store %arg8[%parallel_loop3A_257, %parallel_loop3A_258], %parallel_loop3A_256 {strides = array<i32>} : memref<128x256xf32, #tpu.memory_space<vmem>>, vector<16xf32>,
      %parallel_loop3A_260 = arith.index_cast %parallel_loop3A_181 : i32 to index
      %parallel_loop3A_261 = arith.constant 208 : index
      %parallel_loop3A_262 = tpu.vector_load %arg7[%parallel_loop3A_260, %parallel_loop3A_261] {strides = array<i32>} : memref<86x256xf32, #tpu.memory_space<vmem>>, vector<16xf32>,
      %parallel_loop3A_263 = arith.index_cast %parallel_loop3A_170 : i32 to index
      %parallel_loop3A_264 = arith.constant 208 : index
      %parallel_loop3A_265 = tpu.vector_load %arg8[%parallel_loop3A_263, %parallel_loop3A_264] {strides = array<i32>} : memref<128x256xf32, #tpu.memory_space<vmem>>, vector<16xf32>,
      tpu.vector_store %arg8[%parallel_loop3A_263, %parallel_loop3A_264], %parallel_loop3A_262 {strides = array<i32>} : memref<128x256xf32, #tpu.memory_space<vmem>>, vector<16xf32>,
      %parallel_loop3A_266 = arith.index_cast %parallel_loop3A_181 : i32 to index
      %parallel_loop3A_267 = arith.constant 224 : index
      %parallel_loop3A_268 = tpu.vector_load %arg7[%parallel_loop3A_266, %parallel_loop3A_267] {strides = array<i32>} : memref<86x256xf32, #tpu.memory_space<vmem>>, vector<16xf32>,
      %parallel_loop3A_269 = arith.index_cast %parallel_loop3A_170 : i32 to index
      %parallel_loop3A_270 = arith.constant 224 : index
      %parallel_loop3A_271 = tpu.vector_load %arg8[%parallel_loop3A_269, %parallel_loop3A_270] {strides = array<i32>} : memref<128x256xf32, #tpu.memory_space<vmem>>, vector<16xf32>,
      tpu.vector_store %arg8[%parallel_loop3A_269, %parallel_loop3A_270], %parallel_loop3A_268 {strides = array<i32>} : memref<128x256xf32, #tpu.memory_space<vmem>>, vector<16xf32>,
      %parallel_loop3A_272 = arith.index_cast %parallel_loop3A_181 : i32 to index
      %parallel_loop3A_273 = arith.constant 240 : index
      %parallel_loop3A_274 = tpu.vector_load %arg7[%parallel_loop3A_272, %parallel_loop3A_273] {strides = array<i32>} : memref<86x256xf32, #tpu.memory_space<vmem>>, vector<16xf32>,
      %parallel_loop3A_275 = arith.index_cast %parallel_loop3A_170 : i32 to index
      %parallel_loop3A_276 = arith.constant 240 : index
      %parallel_loop3A_277 = tpu.vector_load %arg8[%parallel_loop3A_275, %parallel_loop3A_276] {strides = array<i32>} : memref<128x256xf32, #tpu.memory_space<vmem>>, vector<16xf32>,
      tpu.vector_store %arg8[%parallel_loop3A_275, %parallel_loop3A_276], %parallel_loop3A_274 {strides = array<i32>} : memref<128x256xf32, #tpu.memory_space<vmem>>, vector<16xf32>,
    } {sc.loop_unroll_factor = 4 : i64, sc.parallel_access}
    %dma_wait3A_93 = arith.constant 0 : i32
    %dma_wait3A_94 = arith.constant 0 : i32
    %dma_wait3A_95 = tpu.memref_slice %arg10[%dma_wait3A_93, %dma_wait3A_94] : memref<128x256xf32, #tpu.memory_space<vmem>> -> memref<8x256xf32, #tpu.memory_space<vmem>>
    %dma_wait3A_96 = arith.constant 6016 : i32
    %dma_wait3A_97 = tpu.memref_slice %arg6[%dma_wait3A_96] : memref<6416xi32, #tpu.memory_space<vmem>> -> memref<8xi32, #tpu.memory_space<vmem>>
    %dma_wait3A_98 = arith.constant 0 : i32
    %dma_wait3A_99 = arith.constant 0 : i32
    %dma_wait3A_100 = tpu.memref_slice %arg3[%dma_wait3A_98, %dma_wait3A_99] : memref<22016x256xf32, #tpu.memory_space<hbm>> -> memref<22016x256xf32, #tpu.memory_space<hbm>>
    tpu.wait_indirect_dma semaphore(%arg13 : memref<!tpu.dma_semaphore, #tpu.memory_space<semaphore_mem>>) src(%dma_wait3A_100 : memref<22016x256xf32, #tpu.memory_space<hbm>>) dst(%dma_wait3A_95 : memref<8x256xf32, #tpu.memory_space<vmem>>)
    %add3A_101 = arith.constant 6016 : i32
    %add3A_102 = arith.addi %mul3A_2, %add3A_101 : i32
    %dma_start3A_103 = arith.constant 0 : i32
    %dma_start3A_104 = tpu.memref_slice %arg5[%add3A_102, %dma_start3A_103] : memref<204800x256xf32, #tpu.memory_space<hbm>> -> memref<128x256xf32, #tpu.memory_space<hbm>>
    %dma_start3A_105 = arith.constant 0 : i32
    %dma_start3A_106 = tpu.memref_slice %arg5[%add3A_102, %dma_start3A_105] : memref<204800x256xf32, #tpu.memory_space<hbm>> -> memref<128x256xf32, #tpu.memory_space<hbm>>
    tpu.enqueue_dma source(%arg10 : memref<128x256xf32, #tpu.memory_space<vmem>>) target(%dma_start3A_106 : memref<128x256xf32, #tpu.memory_space<hbm>>) target_semaphore(%arg16 : memref<!tpu.dma_semaphore, #tpu.memory_space<semaphore_mem>>)
    %add3A_107 = arith.constant 5888 : i32
    %add3A_108 = arith.addi %mul3A_2, %add3A_107 : i32
    %dma_wait3A_109 = arith.constant 0 : i32
    %dma_wait3A_110 = tpu.memref_slice %arg5[%add3A_108, %dma_wait3A_109] : memref<204800x256xf32, #tpu.memory_space<hbm>> -> memref<128x256xf32, #tpu.memory_space<hbm>>
    %dma_wait3A_111 = arith.constant 0 : i32
    %dma_wait3A_112 = tpu.memref_slice %arg5[%add3A_108, %dma_wait3A_111] : memref<204800x256xf32, #tpu.memory_space<hbm>> -> memref<128x256xf32, #tpu.memory_space<hbm>>
    tpu.wait_dma2 semaphore(%arg15 : memref<!tpu.dma_semaphore, #tpu.memory_space<semaphore_mem>>) src(%arg9 : memref<128x256xf32, #tpu.memory_space<vmem>>) dst(%dma_wait3A_112 : memref<128x256xf32, #tpu.memory_space<hbm>>)
    %dma_start3A_113 = arith.constant 0 : i32
    %dma_start3A_114 = arith.constant 0 : i32
    %dma_start3A_115 = tpu.memref_slice %arg9[%dma_start3A_113, %dma_start3A_114] : memref<128x256xf32, #tpu.memory_space<vmem>> -> memref<8x256xf32, #tpu.memory_space<vmem>>
    %dma_start3A_116 = arith.constant 6272 : i32
    %dma_start3A_117 = tpu.memref_slice %arg6[%dma_start3A_116] : memref<6416xi32, #tpu.memory_space<vmem>> -> memref<8xi32, #tpu.memory_space<vmem>>
    %dma_start3A_118 = arith.constant 0 : i32
    %dma_start3A_119 = arith.constant 0 : i32
    %dma_start3A_120 = tpu.memref_slice %arg3[%dma_start3A_118, %dma_start3A_119] : memref<22016x256xf32, #tpu.memory_space<hbm>> -> memref<22016x256xf32, #tpu.memory_space<hbm>>
    tpu.enqueue_indirect_dma source(%dma_start3A_120 : memref<22016x256xf32, #tpu.memory_space<hbm>>) target(%dma_start3A_115 : memref<8x256xf32, #tpu.memory_space<vmem>>) offsets(%dma_start3A_117 : memref<8xi32, #tpu.memory_space<vmem>>) semaphore(%arg12 : memref<!tpu.dma_semaphore, #tpu.memory_space<semaphore_mem>>)
    %parallel_loop3A_121 = arith.constant 8 : i32
    %parallel_loop3A_122 = arith.constant 128 : i32
    %parallel_loop3A_123 = arith.constant 1 : i32
    scf.for %parallel_loop3A_170 = %parallel_loop3A_121 to %parallel_loop3A_122 step %parallel_loop3A_123  : i32 {
      %parallel_loop3A_171 = arith.constant 6272 : i32
      %parallel_loop3A_172 = arith.addi %parallel_loop3A_171, %parallel_loop3A_170 : i32
      %parallel_loop3A_173 = arith.index_cast %parallel_loop3A_172 : i32 to index
      %parallel_loop3A_174 = tpu.vector_load %arg6[%parallel_loop3A_173] {strides = array<i32>} : memref<6416xi32, #tpu.memory_space<vmem>>, vector<16xi32>,
      %parallel_loop3A_175 = vector.extract_strided_slice %parallel_loop3A_174 {offsets = [0], sizes = [1], strides = [1]} : vector<16xi32> to vector<1xi32>
      %parallel_loop3A_176 = vector.extract %parallel_loop3A_175[0] : i32 from vector<1xi32>
      %parallel_loop3A_177 = arith.constant 3 : i32
      %parallel_loop3A_178 = arith.shrsi %parallel_loop3A_176, %parallel_loop3A_177 : i32
      %parallel_loop3A_179 = arith.constant 86 : i32
      %parallel_loop3A_180 = arith.muli %add3A, %parallel_loop3A_179 : i32
      %parallel_loop3A_181 = arith.subi %parallel_loop3A_178, %parallel_loop3A_180 : i32
      %parallel_loop3A_182 = arith.index_cast %parallel_loop3A_181 : i32 to index
      %parallel_loop3A_183 = arith.constant 0 : index
      %parallel_loop3A_184 = tpu.vector_load %arg7[%parallel_loop3A_182, %parallel_loop3A_183] {strides = array<i32>} : memref<86x256xf32, #tpu.memory_space<vmem>>, vector<16xf32>,
      %parallel_loop3A_185 = arith.index_cast %parallel_loop3A_170 : i32 to index
      %parallel_loop3A_186 = arith.constant 0 : index
      %parallel_loop3A_187 = tpu.vector_load %arg9[%parallel_loop3A_185, %parallel_loop3A_186] {strides = array<i32>} : memref<128x256xf32, #tpu.memory_space<vmem>>, vector<16xf32>,
      tpu.vector_store %arg9[%parallel_loop3A_185, %parallel_loop3A_186], %parallel_loop3A_184 {strides = array<i32>} : memref<128x256xf32, #tpu.memory_space<vmem>>, vector<16xf32>,
      %parallel_loop3A_188 = arith.index_cast %parallel_loop3A_181 : i32 to index
      %parallel_loop3A_189 = arith.constant 16 : index
      %parallel_loop3A_190 = tpu.vector_load %arg7[%parallel_loop3A_188, %parallel_loop3A_189] {strides = array<i32>} : memref<86x256xf32, #tpu.memory_space<vmem>>, vector<16xf32>,
      %parallel_loop3A_191 = arith.index_cast %parallel_loop3A_170 : i32 to index
      %parallel_loop3A_192 = arith.constant 16 : index
      %parallel_loop3A_193 = tpu.vector_load %arg9[%parallel_loop3A_191, %parallel_loop3A_192] {strides = array<i32>} : memref<128x256xf32, #tpu.memory_space<vmem>>, vector<16xf32>,
      tpu.vector_store %arg9[%parallel_loop3A_191, %parallel_loop3A_192], %parallel_loop3A_190 {strides = array<i32>} : memref<128x256xf32, #tpu.memory_space<vmem>>, vector<16xf32>,
      %parallel_loop3A_194 = arith.index_cast %parallel_loop3A_181 : i32 to index
      %parallel_loop3A_195 = arith.constant 32 : index
      %parallel_loop3A_196 = tpu.vector_load %arg7[%parallel_loop3A_194, %parallel_loop3A_195] {strides = array<i32>} : memref<86x256xf32, #tpu.memory_space<vmem>>, vector<16xf32>,
      %parallel_loop3A_197 = arith.index_cast %parallel_loop3A_170 : i32 to index
      %parallel_loop3A_198 = arith.constant 32 : index
      %parallel_loop3A_199 = tpu.vector_load %arg9[%parallel_loop3A_197, %parallel_loop3A_198] {strides = array<i32>} : memref<128x256xf32, #tpu.memory_space<vmem>>, vector<16xf32>,
      tpu.vector_store %arg9[%parallel_loop3A_197, %parallel_loop3A_198], %parallel_loop3A_196 {strides = array<i32>} : memref<128x256xf32, #tpu.memory_space<vmem>>, vector<16xf32>,
      %parallel_loop3A_200 = arith.index_cast %parallel_loop3A_181 : i32 to index
      %parallel_loop3A_201 = arith.constant 48 : index
      %parallel_loop3A_202 = tpu.vector_load %arg7[%parallel_loop3A_200, %parallel_loop3A_201] {strides = array<i32>} : memref<86x256xf32, #tpu.memory_space<vmem>>, vector<16xf32>,
      %parallel_loop3A_203 = arith.index_cast %parallel_loop3A_170 : i32 to index
      %parallel_loop3A_204 = arith.constant 48 : index
      %parallel_loop3A_205 = tpu.vector_load %arg9[%parallel_loop3A_203, %parallel_loop3A_204] {strides = array<i32>} : memref<128x256xf32, #tpu.memory_space<vmem>>, vector<16xf32>,
      tpu.vector_store %arg9[%parallel_loop3A_203, %parallel_loop3A_204], %parallel_loop3A_202 {strides = array<i32>} : memref<128x256xf32, #tpu.memory_space<vmem>>, vector<16xf32>,
      %parallel_loop3A_206 = arith.index_cast %parallel_loop3A_181 : i32 to index
      %parallel_loop3A_207 = arith.constant 64 : index
      %parallel_loop3A_208 = tpu.vector_load %arg7[%parallel_loop3A_206, %parallel_loop3A_207] {strides = array<i32>} : memref<86x256xf32, #tpu.memory_space<vmem>>, vector<16xf32>,
      %parallel_loop3A_209 = arith.index_cast %parallel_loop3A_170 : i32 to index
      %parallel_loop3A_210 = arith.constant 64 : index
      %parallel_loop3A_211 = tpu.vector_load %arg9[%parallel_loop3A_209, %parallel_loop3A_210] {strides = array<i32>} : memref<128x256xf32, #tpu.memory_space<vmem>>, vector<16xf32>,
      tpu.vector_store %arg9[%parallel_loop3A_209, %parallel_loop3A_210], %parallel_loop3A_208 {strides = array<i32>} : memref<128x256xf32, #tpu.memory_space<vmem>>, vector<16xf32>,
      %parallel_loop3A_212 = arith.index_cast %parallel_loop3A_181 : i32 to index
      %parallel_loop3A_213 = arith.constant 80 : index
      %parallel_loop3A_214 = tpu.vector_load %arg7[%parallel_loop3A_212, %parallel_loop3A_213] {strides = array<i32>} : memref<86x256xf32, #tpu.memory_space<vmem>>, vector<16xf32>,
      %parallel_loop3A_215 = arith.index_cast %parallel_loop3A_170 : i32 to index
      %parallel_loop3A_216 = arith.constant 80 : index
      %parallel_loop3A_217 = tpu.vector_load %arg9[%parallel_loop3A_215, %parallel_loop3A_216] {strides = array<i32>} : memref<128x256xf32, #tpu.memory_space<vmem>>, vector<16xf32>,
      tpu.vector_store %arg9[%parallel_loop3A_215, %parallel_loop3A_216], %parallel_loop3A_214 {strides = array<i32>} : memref<128x256xf32, #tpu.memory_space<vmem>>, vector<16xf32>,
      %parallel_loop3A_218 = arith.index_cast %parallel_loop3A_181 : i32 to index
      %parallel_loop3A_219 = arith.constant 96 : index
      %parallel_loop3A_220 = tpu.vector_load %arg7[%parallel_loop3A_218, %parallel_loop3A_219] {strides = array<i32>} : memref<86x256xf32, #tpu.memory_space<vmem>>, vector<16xf32>,
      %parallel_loop3A_221 = arith.index_cast %parallel_loop3A_170 : i32 to index
      %parallel_loop3A_222 = arith.constant 96 : index
      %parallel_loop3A_223 = tpu.vector_load %arg9[%parallel_loop3A_221, %parallel_loop3A_222] {strides = array<i32>} : memref<128x256xf32, #tpu.memory_space<vmem>>, vector<16xf32>,
      tpu.vector_store %arg9[%parallel_loop3A_221, %parallel_loop3A_222], %parallel_loop3A_220 {strides = array<i32>} : memref<128x256xf32, #tpu.memory_space<vmem>>, vector<16xf32>,
      %parallel_loop3A_224 = arith.index_cast %parallel_loop3A_181 : i32 to index
      %parallel_loop3A_225 = arith.constant 112 : index
      %parallel_loop3A_226 = tpu.vector_load %arg7[%parallel_loop3A_224, %parallel_loop3A_225] {strides = array<i32>} : memref<86x256xf32, #tpu.memory_space<vmem>>, vector<16xf32>,
      %parallel_loop3A_227 = arith.index_cast %parallel_loop3A_170 : i32 to index
      %parallel_loop3A_228 = arith.constant 112 : index
      %parallel_loop3A_229 = tpu.vector_load %arg9[%parallel_loop3A_227, %parallel_loop3A_228] {strides = array<i32>} : memref<128x256xf32, #tpu.memory_space<vmem>>, vector<16xf32>,
      tpu.vector_store %arg9[%parallel_loop3A_227, %parallel_loop3A_228], %parallel_loop3A_226 {strides = array<i32>} : memref<128x256xf32, #tpu.memory_space<vmem>>, vector<16xf32>,
      %parallel_loop3A_230 = arith.index_cast %parallel_loop3A_181 : i32 to index
      %parallel_loop3A_231 = arith.constant 128 : index
      %parallel_loop3A_232 = tpu.vector_load %arg7[%parallel_loop3A_230, %parallel_loop3A_231] {strides = array<i32>} : memref<86x256xf32, #tpu.memory_space<vmem>>, vector<16xf32>,
      %parallel_loop3A_233 = arith.index_cast %parallel_loop3A_170 : i32 to index
      %parallel_loop3A_234 = arith.constant 128 : index
      %parallel_loop3A_235 = tpu.vector_load %arg9[%parallel_loop3A_233, %parallel_loop3A_234] {strides = array<i32>} : memref<128x256xf32, #tpu.memory_space<vmem>>, vector<16xf32>,
      tpu.vector_store %arg9[%parallel_loop3A_233, %parallel_loop3A_234], %parallel_loop3A_232 {strides = array<i32>} : memref<128x256xf32, #tpu.memory_space<vmem>>, vector<16xf32>,
      %parallel_loop3A_236 = arith.index_cast %parallel_loop3A_181 : i32 to index
      %parallel_loop3A_237 = arith.constant 144 : index
      %parallel_loop3A_238 = tpu.vector_load %arg7[%parallel_loop3A_236, %parallel_loop3A_237] {strides = array<i32>} : memref<86x256xf32, #tpu.memory_space<vmem>>, vector<16xf32>,
      %parallel_loop3A_239 = arith.index_cast %parallel_loop3A_170 : i32 to index
      %parallel_loop3A_240 = arith.constant 144 : index
      %parallel_loop3A_241 = tpu.vector_load %arg9[%parallel_loop3A_239, %parallel_loop3A_240] {strides = array<i32>} : memref<128x256xf32, #tpu.memory_space<vmem>>, vector<16xf32>,
      tpu.vector_store %arg9[%parallel_loop3A_239, %parallel_loop3A_240], %parallel_loop3A_238 {strides = array<i32>} : memref<128x256xf32, #tpu.memory_space<vmem>>, vector<16xf32>,
      %parallel_loop3A_242 = arith.index_cast %parallel_loop3A_181 : i32 to index
      %parallel_loop3A_243 = arith.constant 160 : index
      %parallel_loop3A_244 = tpu.vector_load %arg7[%parallel_loop3A_242, %parallel_loop3A_243] {strides = array<i32>} : memref<86x256xf32, #tpu.memory_space<vmem>>, vector<16xf32>,
      %parallel_loop3A_245 = arith.index_cast %parallel_loop3A_170 : i32 to index
      %parallel_loop3A_246 = arith.constant 160 : index
      %parallel_loop3A_247 = tpu.vector_load %arg9[%parallel_loop3A_245, %parallel_loop3A_246] {strides = array<i32>} : memref<128x256xf32, #tpu.memory_space<vmem>>, vector<16xf32>,
      tpu.vector_store %arg9[%parallel_loop3A_245, %parallel_loop3A_246], %parallel_loop3A_244 {strides = array<i32>} : memref<128x256xf32, #tpu.memory_space<vmem>>, vector<16xf32>,
      %parallel_loop3A_248 = arith.index_cast %parallel_loop3A_181 : i32 to index
      %parallel_loop3A_249 = arith.constant 176 : index
      %parallel_loop3A_250 = tpu.vector_load %arg7[%parallel_loop3A_248, %parallel_loop3A_249] {strides = array<i32>} : memref<86x256xf32, #tpu.memory_space<vmem>>, vector<16xf32>,
      %parallel_loop3A_251 = arith.index_cast %parallel_loop3A_170 : i32 to index
      %parallel_loop3A_252 = arith.constant 176 : index
      %parallel_loop3A_253 = tpu.vector_load %arg9[%parallel_loop3A_251, %parallel_loop3A_252] {strides = array<i32>} : memref<128x256xf32, #tpu.memory_space<vmem>>, vector<16xf32>,
      tpu.vector_store %arg9[%parallel_loop3A_251, %parallel_loop3A_252], %parallel_loop3A_250 {strides = array<i32>} : memref<128x256xf32, #tpu.memory_space<vmem>>, vector<16xf32>,
      %parallel_loop3A_254 = arith.index_cast %parallel_loop3A_181 : i32 to index
      %parallel_loop3A_255 = arith.constant 192 : index
      %parallel_loop3A_256 = tpu.vector_load %arg7[%parallel_loop3A_254, %parallel_loop3A_255] {strides = array<i32>} : memref<86x256xf32, #tpu.memory_space<vmem>>, vector<16xf32>,
      %parallel_loop3A_257 = arith.index_cast %parallel_loop3A_170 : i32 to index
      %parallel_loop3A_258 = arith.constant 192 : index
      %parallel_loop3A_259 = tpu.vector_load %arg9[%parallel_loop3A_257, %parallel_loop3A_258] {strides = array<i32>} : memref<128x256xf32, #tpu.memory_space<vmem>>, vector<16xf32>,
      tpu.vector_store %arg9[%parallel_loop3A_257, %parallel_loop3A_258], %parallel_loop3A_256 {strides = array<i32>} : memref<128x256xf32, #tpu.memory_space<vmem>>, vector<16xf32>,
      %parallel_loop3A_260 = arith.index_cast %parallel_loop3A_181 : i32 to index
      %parallel_loop3A_261 = arith.constant 208 : index
      %parallel_loop3A_262 = tpu.vector_load %arg7[%parallel_loop3A_260, %parallel_loop3A_261] {strides = array<i32>} : memref<86x256xf32, #tpu.memory_space<vmem>>, vector<16xf32>,
      %parallel_loop3A_263 = arith.index_cast %parallel_loop3A_170 : i32 to index
      %parallel_loop3A_264 = arith.constant 208 : index
      %parallel_loop3A_265 = tpu.vector_load %arg9[%parallel_loop3A_263, %parallel_loop3A_264] {strides = array<i32>} : memref<128x256xf32, #tpu.memory_space<vmem>>, vector<16xf32>,
      tpu.vector_store %arg9[%parallel_loop3A_263, %parallel_loop3A_264], %parallel_loop3A_262 {strides = array<i32>} : memref<128x256xf32, #tpu.memory_space<vmem>>, vector<16xf32>,
      %parallel_loop3A_266 = arith.index_cast %parallel_loop3A_181 : i32 to index
      %parallel_loop3A_267 = arith.constant 224 : index
      %parallel_loop3A_268 = tpu.vector_load %arg7[%parallel_loop3A_266, %parallel_loop3A_267] {strides = array<i32>} : memref<86x256xf32, #tpu.memory_space<vmem>>, vector<16xf32>,
      %parallel_loop3A_269 = arith.index_cast %parallel_loop3A_170 : i32 to index
      %parallel_loop3A_270 = arith.constant 224 : index
      %parallel_loop3A_271 = tpu.vector_load %arg9[%parallel_loop3A_269, %parallel_loop3A_270] {strides = array<i32>} : memref<128x256xf32, #tpu.memory_space<vmem>>, vector<16xf32>,
      tpu.vector_store %arg9[%parallel_loop3A_269, %parallel_loop3A_270], %parallel_loop3A_268 {strides = array<i32>} : memref<128x256xf32, #tpu.memory_space<vmem>>, vector<16xf32>,
      %parallel_loop3A_272 = arith.index_cast %parallel_loop3A_181 : i32 to index
      %parallel_loop3A_273 = arith.constant 240 : index
      %parallel_loop3A_274 = tpu.vector_load %arg7[%parallel_loop3A_272, %parallel_loop3A_273] {strides = array<i32>} : memref<86x256xf32, #tpu.memory_space<vmem>>, vector<16xf32>,
      %parallel_loop3A_275 = arith.index_cast %parallel_loop3A_170 : i32 to index
      %parallel_loop3A_276 = arith.constant 240 : index
      %parallel_loop3A_277 = tpu.vector_load %arg9[%parallel_loop3A_275, %parallel_loop3A_276] {strides = array<i32>} : memref<128x256xf32, #tpu.memory_space<vmem>>, vector<16xf32>,
      tpu.vector_store %arg9[%parallel_loop3A_275, %parallel_loop3A_276], %parallel_loop3A_274 {strides = array<i32>} : memref<128x256xf32, #tpu.memory_space<vmem>>, vector<16xf32>,
    } {sc.loop_unroll_factor = 4 : i64, sc.parallel_access}
    %dma_wait3A_124 = arith.constant 0 : i32
    %dma_wait3A_125 = arith.constant 0 : i32
    %dma_wait3A_126 = tpu.memref_slice %arg8[%dma_wait3A_124, %dma_wait3A_125] : memref<128x256xf32, #tpu.memory_space<vmem>> -> memref<8x256xf32, #tpu.memory_space<vmem>>
    %dma_wait3A_127 = arith.constant 6144 : i32
    %dma_wait3A_128 = tpu.memref_slice %arg6[%dma_wait3A_127] : memref<6416xi32, #tpu.memory_space<vmem>> -> memref<8xi32, #tpu.memory_space<vmem>>
    %dma_wait3A_129 = arith.constant 0 : i32
    %dma_wait3A_130 = arith.constant 0 : i32
    %dma_wait3A_131 = tpu.memref_slice %arg3[%dma_wait3A_129, %dma_wait3A_130] : memref<22016x256xf32, #tpu.memory_space<hbm>> -> memref<22016x256xf32, #tpu.memory_space<hbm>>
    tpu.wait_indirect_dma semaphore(%arg11 : memref<!tpu.dma_semaphore, #tpu.memory_space<semaphore_mem>>) src(%dma_wait3A_131 : memref<22016x256xf32, #tpu.memory_space<hbm>>) dst(%dma_wait3A_126 : memref<8x256xf32, #tpu.memory_space<vmem>>)
    %add3A_132 = arith.constant 6144 : i32
    %add3A_133 = arith.addi %mul3A_2, %add3A_132 : i32
    %dma_start3A_134 = arith.constant 0 : i32
    %dma_start3A_135 = tpu.memref_slice %arg5[%add3A_133, %dma_start3A_134] : memref<204800x256xf32, #tpu.memory_space<hbm>> -> memref<128x256xf32, #tpu.memory_space<hbm>>
    %dma_start3A_136 = arith.constant 0 : i32
    %dma_start3A_137 = tpu.memref_slice %arg5[%add3A_133, %dma_start3A_136] : memref<204800x256xf32, #tpu.memory_space<hbm>> -> memref<128x256xf32, #tpu.memory_space<hbm>>
    tpu.enqueue_dma source(%arg8 : memref<128x256xf32, #tpu.memory_space<vmem>>) target(%dma_start3A_137 : memref<128x256xf32, #tpu.memory_space<hbm>>) target_semaphore(%arg14 : memref<!tpu.dma_semaphore, #tpu.memory_space<semaphore_mem>>)
    %dma_wait3A_138 = arith.constant 0 : i32
    %dma_wait3A_139 = arith.constant 0 : i32
    %dma_wait3A_140 = tpu.memref_slice %arg9[%dma_wait3A_138, %dma_wait3A_139] : memref<128x256xf32, #tpu.memory_space<vmem>> -> memref<8x256xf32, #tpu.memory_space<vmem>>
    %dma_wait3A_141 = arith.constant 6272 : i32
    %dma_wait3A_142 = tpu.memref_slice %arg6[%dma_wait3A_141] : memref<6416xi32, #tpu.memory_space<vmem>> -> memref<8xi32, #tpu.memory_space<vmem>>
    %dma_wait3A_143 = arith.constant 0 : i32
    %dma_wait3A_144 = arith.constant 0 : i32
    %dma_wait3A_145 = tpu.memref_slice %arg3[%dma_wait3A_143, %dma_wait3A_144] : memref<22016x256xf32, #tpu.memory_space<hbm>> -> memref<22016x256xf32, #tpu.memory_space<hbm>>
    tpu.wait_indirect_dma semaphore(%arg12 : memref<!tpu.dma_semaphore, #tpu.memory_space<semaphore_mem>>) src(%dma_wait3A_145 : memref<22016x256xf32, #tpu.memory_space<hbm>>) dst(%dma_wait3A_140 : memref<8x256xf32, #tpu.memory_space<vmem>>)
    %add3A_146 = arith.constant 6272 : i32
    %add3A_147 = arith.addi %mul3A_2, %add3A_146 : i32
    %dma_start3A_148 = arith.constant 0 : i32
    %dma_start3A_149 = tpu.memref_slice %arg5[%add3A_147, %dma_start3A_148] : memref<204800x256xf32, #tpu.memory_space<hbm>> -> memref<128x256xf32, #tpu.memory_space<hbm>>
    %dma_start3A_150 = arith.constant 0 : i32
    %dma_start3A_151 = tpu.memref_slice %arg5[%add3A_147, %dma_start3A_150] : memref<204800x256xf32, #tpu.memory_space<hbm>> -> memref<128x256xf32, #tpu.memory_space<hbm>>
    tpu.enqueue_dma source(%arg9 : memref<128x256xf32, #tpu.memory_space<vmem>>) target(%dma_start3A_151 : memref<128x256xf32, #tpu.memory_space<hbm>>) target_semaphore(%arg15 : memref<!tpu.dma_semaphore, #tpu.memory_space<semaphore_mem>>)
    %add3A_152 = arith.constant 6016 : i32
    %add3A_153 = arith.addi %mul3A_2, %add3A_152 : i32
    %dma_wait3A_154 = arith.constant 0 : i32
    %dma_wait3A_155 = tpu.memref_slice %arg5[%add3A_153, %dma_wait3A_154] : memref<204800x256xf32, #tpu.memory_space<hbm>> -> memref<128x256xf32, #tpu.memory_space<hbm>>
    %dma_wait3A_156 = arith.constant 0 : i32
    %dma_wait3A_157 = tpu.memref_slice %arg5[%add3A_153, %dma_wait3A_156] : memref<204800x256xf32, #tpu.memory_space<hbm>> -> memref<128x256xf32, #tpu.memory_space<hbm>>
    tpu.wait_dma2 semaphore(%arg16 : memref<!tpu.dma_semaphore, #tpu.memory_space<semaphore_mem>>) src(%arg10 : memref<128x256xf32, #tpu.memory_space<vmem>>) dst(%dma_wait3A_157 : memref<128x256xf32, #tpu.memory_space<hbm>>)
    %add3A_158 = arith.constant 6144 : i32
    %add3A_159 = arith.addi %mul3A_2, %add3A_158 : i32
    %dma_wait3A_160 = arith.constant 0 : i32
    %dma_wait3A_161 = tpu.memref_slice %arg5[%add3A_159, %dma_wait3A_160] : memref<204800x256xf32, #tpu.memory_space<hbm>> -> memref<128x256xf32, #tpu.memory_space<hbm>>
    %dma_wait3A_162 = arith.constant 0 : i32
    %dma_wait3A_163 = tpu.memref_slice %arg5[%add3A_159, %dma_wait3A_162] : memref<204800x256xf32, #tpu.memory_space<hbm>> -> memref<128x256xf32, #tpu.memory_space<hbm>>
    tpu.wait_dma2 semaphore(%arg14 : memref<!tpu.dma_semaphore, #tpu.memory_space<semaphore_mem>>) src(%arg8 : memref<128x256xf32, #tpu.memory_space<vmem>>) dst(%dma_wait3A_163 : memref<128x256xf32, #tpu.memory_space<hbm>>)
    %add3A_164 = arith.constant 6272 : i32
    %add3A_165 = arith.addi %mul3A_2, %add3A_164 : i32
    %dma_wait3A_166 = arith.constant 0 : i32
    %dma_wait3A_167 = tpu.memref_slice %arg5[%add3A_165, %dma_wait3A_166] : memref<204800x256xf32, #tpu.memory_space<hbm>> -> memref<128x256xf32, #tpu.memory_space<hbm>>
    %dma_wait3A_168 = arith.constant 0 : i32
    %dma_wait3A_169 = tpu.memref_slice %arg5[%add3A_165, %dma_wait3A_168] : memref<204800x256xf32, #tpu.memory_space<hbm>> -> memref<128x256xf32, #tpu.memory_space<hbm>>
    tpu.wait_dma2 semaphore(%arg15 : memref<!tpu.dma_semaphore, #tpu.memory_space<semaphore_mem>>) src(%arg9 : memref<128x256xf32, #tpu.memory_space<vmem>>) dst(%dma_wait3A_169 : memref<128x256xf32, #tpu.memory_space<hbm>>)
    return
  }
}

module attributes {stable_mosaic.version = 14 : i64} {
  func.func @_fuse_body(%arg0: memref<86x1xi32, #tpu.memory_space<vmem>>, %arg1: memref<86x1xi32, #tpu.memory_space<vmem>>, %arg2: memref<86x128xf32, #tpu.memory_space<vmem>>, %arg3: memref<8x64xf32, #tpu.memory_space<vmem>>, %arg4: memref<20x64xf32, #tpu.memory_space<vmem>>, %arg5: memref<86x256xf32, #tpu.memory_space<vmem>>) attributes {dimension_semantics = [], scalar_prefetch = 0 : i64, scratch_operands = 0 : i64, tpu.core_type = #tpu.core_type<tc>} {
    %get3A = arith.constant 0 : index
    %get3A_0 = arith.constant 0 : index
    %get3A_1 = vector.load %arg0[%get3A, %get3A_0] : memref<86x1xi32, #tpu.memory_space<vmem>>, vector<86x1xi32>
    %get3A_2 = arith.constant 0 : index
    %get3A_3 = arith.constant 0 : index
    %get3A_4 = vector.load %arg1[%get3A_2, %get3A_3] : memref<86x1xi32, #tpu.memory_space<vmem>>, vector<86x1xi32>
    %iota3A = tpu.iota {dimensions = array<i32: 1>} : vector<86x8xi32>
    %eq3A = vector.broadcast %get3A_1 : vector<86x1xi32> to vector<86x8xi32>
    %eq3A_5 = arith.cmpi eq, %eq3A, %iota3A : vector<86x8xi32>
    %convert_element_type3A = arith.extui %eq3A_5 : vector<86x8xi1> to vector<86x8xi32>
    %convert_element_type3A_6 = arith.sitofp %convert_element_type3A : vector<86x8xi32> to vector<86x8xf32>
    %iota3A_7 = tpu.iota {dimensions = array<i32: 1>} : vector<86x20xi32>
    %eq3A_8 = vector.broadcast %get3A_4 : vector<86x1xi32> to vector<86x20xi32>
    %eq3A_9 = arith.cmpi eq, %eq3A_8, %iota3A_7 : vector<86x20xi32>
    %convert_element_type3A_10 = arith.extui %eq3A_9 : vector<86x20xi1> to vector<86x20xi32>
    %convert_element_type3A_11 = arith.sitofp %convert_element_type3A_10 : vector<86x20xi32> to vector<86x20xf32>
    %get3A_12 = arith.constant 0 : index
    %get3A_13 = arith.constant 0 : index
    %get3A_14 = vector.load %arg3[%get3A_12, %get3A_13] : memref<8x64xf32, #tpu.memory_space<vmem>>, vector<8x64xf32>
    %dot_general3A = arith.constant dense<0.000000e+00> : vector<86x64xf32>
    %dot_general3A_15 = tpu.matmul %convert_element_type3A_6, %get3A_14, %dot_general3A {dimension_numbers = #tpu.dot_dimension_numbers<[1], [0], [0], [1], [0, 0, 1, 1], [], []>, transpose_lhs_hint = false} : vector<86x8xf32>, vector<8x64xf32>, vector<86x64xf32> -> vector<86x64xf32>
    %get3A_16 = arith.constant 0 : index
    %get3A_17 = arith.constant 0 : index
    %get3A_18 = vector.load %arg4[%get3A_16, %get3A_17] : memref<20x64xf32, #tpu.memory_space<vmem>>, vector<20x64xf32>
    %dot_general3A_19 = arith.constant dense<0.000000e+00> : vector<86x64xf32>
    %dot_general3A_20 = tpu.matmul %convert_element_type3A_11, %get3A_18, %dot_general3A_19 {dimension_numbers = #tpu.dot_dimension_numbers<[1], [0], [0], [1], [0, 0, 1, 1], [], []>, transpose_lhs_hint = false} : vector<86x20xf32>, vector<20x64xf32>, vector<86x64xf32> -> vector<86x64xf32>
    %get3A_21 = arith.constant 0 : index
    %get3A_22 = arith.constant 0 : index
    %get3A_23 = vector.load %arg2[%get3A_21, %get3A_22] : memref<86x128xf32, #tpu.memory_space<vmem>>, vector<86x128xf32>
    %concatenate3A = tpu.concatenate %get3A_23, %dot_general3A_15, %dot_general3A_20 in 1 : vector<86x128xf32>, vector<86x64xf32>, vector<86x64xf32> -> vector<86x256xf32>
    %swap3A = arith.constant 0 : index
    %swap3A_24 = arith.constant 0 : index
    %swap3A_25 = vector.load %arg5[%swap3A, %swap3A_24] : memref<86x256xf32, #tpu.memory_space<vmem>>, vector<86x256xf32>
    tpu.vector_store %arg5[%swap3A, %swap3A_24], %concatenate3A {strides = array<i32>} : memref<86x256xf32, #tpu.memory_space<vmem>>, vector<86x256xf32>,
    return
  }
}

</mosaic_0001>

<sc_bundles>
// kernel: sc_embed_gather.3.cloned.1.call-start
scs
__scs_entry_jumppad:
0x0: {  	(pc) =	sbr.rel $0x88, $3  }
0x1: {  	(tag) =	ssettag $0x0;
	lr =	simm.s32 $0x1  }
0x2: {  	[smem:$0x3F9B] =	sst lr;
	_ =	strace $0xD0000000  }
0x3: {  	_ = 	snop  }
0x4: {  	_ = 	snop  }
0x5: {  	_ = 	snop  }
0x6: {  	_ = 	snop  }
0x7: {  	_ = 	snop  }
__scs_overlays_trampoline_lowered:
0x8: {  	[smem:$0x3FAA] =	sst s0  }
0x9: {  	[smem:$0x3FAB] =	sst s1  }
0xa: {  	[smem:$0x3FAC] =	sst s2  }
0xb: {  	[smem:$0x3FAD] =	sst s3  }
0xc: {  	[smem:$0x3FAE] =	sst s4  }
0xd: {  	[smem:$0x3FAF] =	sst s5  }
0xe: {  	[smem:$0x3FB0] =	sst s6  }
0xf: {  	[smem:$0x3FB1] =	sst s7  }
0x10: {  	[smem:$0x3FB2] =	sst s8  }
0x11: {  	[smem:$0x3FB3] =	sst s9;
	s0 =	simm.s32 @!p0 $0x0  }
0x12: {  	s1 =	sld [smem:$0x3F99];
	s0 =	simm.s32 @p0 $0x1  }
0x13: {  	[smem:$0x3FB4] =	sst s0;
	s0 =	simm.s32 @!p1 $0x0  }
0x14: {  	s2 =	sld [smem:$0x3F98];
	s0 =	simm.s32 @p1 $0x1  }
0x15: {  	[smem:$0x3FB5] =	sst s0;
	s0 =	simm.s32 @!p2 $0x0  }
0x16: {  	s3 =	sld [smem:$0x3FDB];
	s0 =	simm.s32 @p2 $0x1  }
0x17: {  	s4 =	simm.s32 $0x1BF5;
	[smem:$0x3FB7] =	sst s0  }
0x18: {  	s0 =	sld [smem:$0x3F9A];
	_ =	swait.ge [sflag:s4], $0x0  }
0x19: {  	s7 =	sld [smem:$0x3F9B]  }
0x1a: {  	s8 =	sadd.s32 $0xFFFFE003, lr  }
0x1b: {  	s9 =	sadd.s32 $0xFFFFFEF7, lr;
	s5 =	simm.s32 $0xFFFFFFFF;
	p2 =	slt.u32 s8, $0xFFFFF086  }
0x1c: {  	p1 =	slt.u32 s9, $0xF7A;
	s5 =	simm.s32 @!p2 $0x0  }
0x1d: {  	s5 =	simm.s32 @p1 $0x1;
	p0 =	seq.s32 s7, s2  }
0x1e: {  	s7 =	smul.u32 @!p0 $0xF7A, s2;
	p2 =	seq.s32 @!p0 s5, $0x0  }
0x1f: {  	s9 =	smul.u32 $0xF7A, s1;
	s8 =	simm.s32 @!p0 $0x1BF5;
	p2 =	por !p2, p0  }
0x20: {  	[sflag:s8] =	ssyncset.s32 @!p0 $0xFFFFF086;
	s6 =	sadd.s32 @!p0 s3, s7;
	s7 =	simm.s32 @!p0 $0x108  }
0x21: {  	s3 =	sadd.s32 s3, s9;
	s6 =	sadd.s32 @!p0 $0x88, s6;
	s7 =	simm.s32 @p2 $0x1082  }
0x22: {  	[simem:s7], [sflag:s8] =	dma.local @!p0 [hbm:s6], $0xF7A  }
0x23: {  	s9 =	sor.u32 $0xD0000000, s2;
	s6 =	simm.s32 $0x108;
	_ =	swait.ge @!p0 [sflag:s8], $0x0  }
0x24: {  	s3 =	sadd.s32 $0x88, s3;
	s6 =	simm.s32 @!p1 $0x1082;
	[sflag:s4] =	ssyncset.s32 $0xFFFFF086  }
0x25: {  	[simem:s6], [sflag:s4] =	dma.local [hbm:s3], $0xF7A  }
0x26: {  	[smem:$0x3F9B] =	sst s1;
	(tag) =	ssettag s2;
	_ =	strace s9  }
0x27: {  	s1 =	sld [smem:$0x3FAB]  }
0x28: {  	s2 =	sld [smem:$0x3FAC]  }
0x29: {  	s4 =	sld [smem:$0x3FAE]  }
0x2a: {  	p0 =	seq.s32 s5, $0x0;
	s5 =	sld [smem:$0x3FAF]  }
0x2b: {  	s6 =	sld [smem:$0x3FB0]  }
0x2c: {  	s7 =	sld [smem:$0x3FB1]  }
0x2d: {  	s3 =	simm.s32 $0x108;
	s8 =	sld [smem:$0x3FB2]  }
0x2e: {  	s3 =	simm.s32 @!p0 $0x1082;
	s9 =	sld [smem:$0x3FB3]  }
0x2f: {  	lr =	sadd.s32 s0, s3;
	s0 =	sld [smem:$0x3FAA]  }
0x30: {  	s3 =	sld [smem:$0x3FAD]  }
0x31: {  	[smem:$0x3FB6] =	sst s10  }
0x32: {  	s10 =	sld [smem:$0x3FB4];
	_ =	sdelay $0x3  }
0x33: {  	p0 =	seq.s32 s10, $0x1;
	s10 =	sld [smem:$0x3FB6];
	_ =	sdelay $0x3  }
0x34: {  	[smem:$0x3FB6] =	sst s10  }
0x35: {  	s10 =	sld [smem:$0x3FB5];
	_ =	sdelay $0x3  }
0x36: {  	p1 =	seq.s32 s10, $0x1;
	s10 =	sld [smem:$0x3FB6];
	_ =	sdelay $0x3  }
0x37: {  	[smem:$0x3FB6] =	sst s10  }
0x38: {  	s10 =	sld [smem:$0x3FB7]  }
0x39: {  	_ = 	snop;
	(pc) =	sbr.ind lr, $3  }
0x3a: {  	_ = 	snop  }
0x3b: {  	_ = 	snop  }
0x3c: {  	p2 =	seq.s32 s10, $0x1;
	s10 =	sld [smem:$0x3FB6]  }
0x3d: {  	_ =	shalt  }
0x3e: {  	_ =	shalt  }
0x3f: {  	_ =	shalt  }
0x40: {  	_ =	shalt  }
0x41: {  	_ =	shalt  }
0x42: {  	_ =	shalt  }
0x43: {  	_ =	shalt  }
0x44: {  	_ =	shalt  }
0x45: {  	_ =	shalt  }
0x46: {  	_ =	shalt  }
0x47: {  	_ =	shalt  }
0x48: {  	_ =	shalt  }
0x49: {  	_ =	shalt  }
0x4a: {  	_ =	shalt  }
0x4b: {  	_ =	shalt  }
0x4c: {  	_ =	shalt  }
0x4d: {  	_ =	shalt  }
0x4e: {  	_ =	shalt  }
0x4f: {  	_ =	shalt  }
0x50: {  	_ =	shalt  }
0x51: {  	_ =	shalt  }
0x52: {  	_ =	shalt  }
0x53: {  	_ =	shalt  }
0x54: {  	_ =	shalt  }
0x55: {  	_ =	shalt  }
0x56: {  	_ =	shalt  }
0x57: {  	_ =	shalt  }
0x58: {  	_ =	shalt  }
0x59: {  	_ =	shalt  }
0x5a: {  	_ =	shalt  }
0x5b: {  	_ =	shalt  }
0x5c: {  	_ =	shalt  }
0x5d: {  	_ =	shalt  }
0x5e: {  	_ =	shalt  }
0x5f: {  	_ =	shalt  }
0x60: {  	_ =	shalt  }
0x61: {  	_ =	shalt  }
0x62: {  	_ =	shalt  }
0x63: {  	_ =	shalt  }
0x64: {  	_ =	shalt  }
0x65: {  	_ =	shalt  }
0x66: {  	_ =	shalt  }
0x67: {  	_ =	shalt  }
0x68: {  	_ =	shalt  }
0x69: {  	_ =	shalt  }
0x6a: {  	_ =	shalt  }
0x6b: {  	_ =	shalt  }
0x6c: {  	_ =	shalt  }
0x6d: {  	_ =	shalt  }
0x6e: {  	_ =	shalt  }
0x6f: {  	_ =	shalt  }
0x70: {  	_ =	shalt  }
0x71: {  	_ =	shalt  }
0x72: {  	_ =	shalt  }
0x73: {  	_ =	shalt  }
0x74: {  	_ =	shalt  }
0x75: {  	_ =	shalt  }
0x76: {  	_ =	shalt  }
0x77: {  	_ =	shalt  }
0x78: {  	_ =	shalt  }
0x79: {  	_ =	shalt  }
0x7a: {  	_ =	shalt  }
0x7b: {  	_ =	shalt  }
0x7c: {  	_ =	shalt  }
0x7d: {  	_ =	shalt  }
0x7e: {  	_ =	shalt  }
0x7f: {  	_ =	shalt  }
0x80: {  	_ =	shalt  }
0x81: {  	_ =	shalt  }
0x82: {  	_ =	shalt  }
0x83: {  	_ =	shalt  }
0x84: {  	_ =	shalt  }
0x85: {  	_ =	shalt  }
0x86: {  	_ =	shalt  }
0x87: {  	_ =	shalt  }
.Lfunc_end0:
.L_simem_size_0:
called_computation_lowered:
.L_overlay_start_0:
0x88: {  	s2 =	sld [smem:$0x3FD9]  }
0x89: {  	s3 =	sld [smem:$0x3FFE];
	_ =	sdelay $0x1  }
0x8a: {  	s1 =	srdreg.scid  }
0x8b: {  	s0 =	sand.u32 $0x1, s1  }
0x8c: {  	s17 =	sshll.u32 s0, $0xA;
	s2 =	sadd.s32 s3, s2  }
0x8d: {  	s2 =	sadd.s32 s2, s17  }
0x8e: {  	[smem:$0x3FC2] =	sst s2  }
0x8f: {  	_ = 	snop  }
0x90: {  	s2 =	sld [smem:$0x3FC9]  }
0x91: {  	s18 =	sld [smem:$0x3FD0];
	(tm) =	ssettm $0x1  }
0x92: {  	s4 =	sld [smem:$0x3FFB];
	_ =	sdelay $0x3  }
0x93: {  	_ =	strace s4  }
0x94: {  	s4 =	sld [smem:$0x3FFC];
	_ =	sdelay $0x3  }
0x95: {  	_ =	strace s4  }
0x96: {  	s4 =	sld [smem:$0x3FFD];
	_ =	sdelay $0x3  }
0x97: {  	_ =	strace s4  }
0x98: {  	_ =	strace $0x8FFFFFFF  }
0x99: {  	s19 =	sld [smem:$0x3FDB];
	_ =	sdelay $0x1  }
0x9a: {  	s5 =	simm.s32 $_scs_section_size  }
0x9b: {  	s6 =	simm.s32 $_size__tile_overlayer_lowered;
	s7 =	simm.s32 $_tile_overlayer_lowered  }
0x9c: {  	s22 =	simm.s32 $0x1BFF;
	s21 =	sshll.u32 s7, $0x1;
	s4 =	sadd.s32 s5, s19  }
0x9d: {  	s8 =	simm.s32 $0x0;
	s20 =	sshll.u32 s6, $0x1;
	s6 =	sadd.s32 s21, s4  }
0x9e: {  	[timem:s8], [sflag:s22] =	dma.local [hbm:s6], s20  }
0x9f: {  	_ =	swait.ge [sflag:s22], s20  }
0xa0: {  	s5 =	ssub.s32 $0x0, s20;
	[sflag:s22] =	ssyncset.done $0x0  }
0xa1: {  	[sflag:s22] =	ssyncadd.s32 s5;
	_ =	sdelay $0x1  }
0xa2: {  	s23 =	simm.s32 $0x1B8B  }
0xa3: {  	_ =	swait.ge [sflag:s23], $0x1  }
0xa4: {  	[sflag:s23] =	ssyncset.done $0x0  }
0xa5: {  	s25 =	simm.s32 $0x1B8E;
	s24 =	sld [smem:$0x3FFE];
	[sflag:s23] =	ssyncadd.s32 $0xFFFFFFFF  }
0xa6: {  	s26 =	simm.s32 $execute0_lowered;
	[smem:$0x3FD2] =	sst s25  }
0xa7: {  	s6 =	sshll.u32 s26, $0x1;
	_ =	strace $0x80000046;
	[dreg:$0x1] =	wrdreg $0xFFFFFFFF  }
0xa8: {  	s28 =	simm.s32 $_size_execute0_lowered;
	s4 =	sadd.s32 s4, s6;
	[dreg:$0x0] =	wrdreg $0x0  }
0xa9: {  	s6 =	sshll.u32 s28, $0x1;
	[dreg:$0x2] =	wrdreg s4  }
0xaa: {  	[dreg:$0x3] =	wrdreg s6  }
0xab: {  	[dreg:$0x4] =	wrdreg $0xC0  }
0xac: {  	_ =	task [dreg:s8], $0x5FFFF  }
0xad: {  	[dreg:$0x1] =	wrdreg $0xFFFFFFFF  }
0xae: {  	[dreg:$0x0] =	wrdreg $0x60  }
0xaf: {  	[dreg:$0x2] =	wrdreg s2  }
0xb0: {  	[dreg:$0x3] =	wrdreg s24  }
0xb1: {  	[dreg:$0x4] =	wrdreg s18  }
0xb2: {  	[dreg:$0x5] =	wrdreg $0x9  }
0xb3: {  	_ =	task.clear_ibuf [dreg:s8], $0x6FFFF;
	_ =	strace $0x90000046  }
0xb4: {  	s29 =	simm.s32 $0x9;
	_ =	strace $0x80000048  }
0xb5: {  	_ =	swait.ge [sflag:s29], $0x1  }
0xb6: {  	[sflag:s29] =	ssyncadd.s32 $0xFFFFFFFF  }
0xb7: {  	_ =	strace $0x90000048  }
0xb8: {  	_ =	sfence  }
0xb9: {  	s30 =	sld [smem:$0x0];
	_ =	sdelay $0x2  }
0xba: {  	s31 =	sshll.u32 s1, $0xD;
	s1 =	sshrl.u32 s1, $0x2  }
0xbb: {  	s3 =	sand.u32 $0x4000, s31;
	s1 =	sadd.s32 s1, s30  }
0xbc: {  	s0 =	sor.u32 s3, s0;
	s1 =	sshll.u32 s1, $0x11  }
0xbd: {  	s0 =	sor.u32 s1, s0  }
0xbe: {  	s0 =	sadd.s32 $0x8F2B, s0  }
0xbf: {  	[sflag:s0] =	ssyncadd.remote.s32 $0x1  }
0xc0: {  	_ =	sfence.sel $0xFFFF  }
0xc1: {  	[dreg:$0x0] =	wrdreg $0xFFFFFFFF;
	(pc) =	sbr.abs _section_cstart, $3  }
0xc2: {  	[dreg:$0x1] =	wrdreg $0xFFFFFFFF  }
0xc3: {  	_ =	task.clear_ibuf [dreg:s8], $0x2FFFF;
	_ =	strace $0x9FFFFFFF  }
0xc4: {  	(tm) =	ssettm $0x7FFFFFFF  }
0xc5: {  	_ =	shalt  }
tec
execute0_lowered:
.L_overlay_start_1:
0x0: {  	(tag) =	ssettag $0x1  }
0x1: {  	s0 =	rddreg [dreg:$0x0]  }
0x2: {  	s1 =	rddreg [dreg:$0x1]  }
0x3: {  	s7 =	rddreg [dreg:$0x2]  }
0x4: {  	s2 =	srdreg.scid;
	s3 =	stileid.u32  }
0x5: {  	s8 =	simm.s32 $0x0;
	s2 =	sand.u32 $0x1, s2;
	s3 =	sshll.u32 s3, $0x1  }
0x6: {  	[smem:$0x7FF] =	sst s8;
	s4 =	sadd.s32 $0x1800, s1;
	s3 =	sor.u32 s2, s3  }
0x7: {  	s1 =	sadd.s32 $0xC00, s1;
	_ =	strace $0x80000047;
	s9 =	smul.u32 $0x1900, s3  }
0x8: {  	[smem:$0x7F2] =	sst s4;
	s2 =	ssub.s32 $0x2, s2;
	s6 =	smul.u32 $0x32000, s3  }
0x9: {  	[smem:$0x7F3] =	sst s1;
	s21 =	sshrl.u32 s2, $0x1  }
0xa: {  	s5 =	smul.u32 $0x190000, s3;
	s24 =	sadd.s32 s7, s6;
	[smem:$0x7F7] =	sst s9  }
0xb: {  	s1 =	ssub.s32 s2, s21;
	s25 =	sor.u32 $0x80, s9;
	[smem:$0x7F5] =	sst s24  }
0xc: {  	s22 =	sshrl.u32 s9, $0x3;
	s26 =	sadd.s32 $0x100, s9;
	[smem:$0x7F6] =	sst s25  }
0xd: {  	s23 =	sshrl.u32 s5, $0x3;
	s31 =	smax.u32 s1, $0x1;
	[smem:$0x7F8] =	sst s26  }
0xe: {  	s0 =	sadd.s32 s0, s22;
	s22 =	smul.u32 $0x56, s3;
	[smem:$0x7FD] =	sst s31  }
0xf: {  	[smem:$0x7F4] =	sst s0;
	s0 =	sadd.s32 s7, s23  }
0x10: {  	s28 =	sadd.s32 $0x2E000, s0;
	[dreg:$0x4] =	wrdreg s22  }
0x11: {  	s29 =	sadd.s32 $0x2F000, s0;
	[smem:$0x7F9] =	sst s28  }
0x12: {  	v1 =	vlaneseq.u32;
	s20 =	smul.u32 $0x2B0, s3;
	s30 =	sadd.s32 $0x30000, s0;
	[smem:$0x7FA] =	sst s29  }
0x13: {  	v0 =	vand.u32 $0x7, v1;
	v2 =	vshrl.u32 v1, $0x3;
	s0 =	sadd.s32 $0x31000, s0;
	[smem:$0x7FB] =	sst s30  }
0x14: {  	vm0 =	vmmov $0xffff;
	v2 =	vmul.u32 $0x8, v2;
	s2 =	simm.s32 $0x0;
	v1 =	vor.u32 s20, v0;
	[smem:$0x7FC] =	sst s0  }
.LBB2_1:
0x15: {  	s0 =	sld [smem:$0x7F3];
	_ =	sdelay $0x1  }
0x16: {  	[smem:$0x7F1] =	sst s2;
	s1 =	simm.s32 $0x1980;
	s30 =	simm.s32 $0x7  }
0x17: {  	[tilespmem:s1], [sflag:$0x7] =	stream.linear.gather [hbm4b:s0+s8], $0x5800, $0x38;
	[tilespmem:$0x1F180] =	vst v63  }
0x18: {  	_ =	swait.ge [sflag:s30], $0x5800  }
0x19: {  	s31 =	sld [smem:$0x7F4]  }
0x1a: {  	[sflag:s30] =	ssyncset.done $0x0  }
0x1b: {  	[sflag:s30] =	ssyncadd.s32 $0xFFFFA800  }
0x1c: {  	[tilespmem:s8], [sflag:$0x7] =	stream.linear.gather [hbm4b:s31+s8], $0x1900, $0x38;
	[tilespmem:$0x1F180] =	vst v63  }
0x1d: {  	_ =	swait.ge [sflag:s30], $0x1900  }
0x1e: {  	[sflag:s30] =	ssyncset.done $0x0  }
0x1f: {  	s0 =	simm.s32 $0x0;
	s1 =	simm.s32 $0x40;
	[sflag:s30] =	ssyncadd.s32 $0xFFFFE700  }
.LBB2_2:
0x20: {  	p0 =	sne.s32 s1, $0x63C0;
	v3 =	vld [tilespmem:s0+$0x0];
	_ =	sdelay $0x2  }
.Ltmp0:
0x21: {  	(pc) =	sbr.rel @p0 .LBB2_2-.Ltmp0, $4  }
0x22: {  	_ = 	snop  }
0x23: {  	v3 =	vshll.u32 v3, $0x3  }
0x24: {  	v3 =	vadd.s32 v3, v1  }
0x25: {  	[tilespmem:s0+$0x0] =	vst v3;
	s0 =	sshra.s32 s1, $0x2;
	s1 =	sadd.s32 $0x40, s1  }
0x26: {  	v3 =	vld [tilespmem:s0+$0x0];
	_ =	sdelay $0x4  }
0x27: {  	v3 =	vshll.u32 v3, $0x3  }
0x28: {  	v3 =	vadd.s32 v3, v1  }
0x29: {  	[tilespmem:s0+$0x0] =	vst v3  }
0x2a: {  	v3 =	vld.msk [tilespmem:$0x0], $0xff;
	_ =	sdelay $0x4  }
0x2b: {  	v4 =	vshll.u32 v3, $0x1  }
0x2c: {  	v3 =	vand.u32 $0x7, v3;
	v4 =	vand.u32 $0xFFFFFFF0, v4  }
0x2d: {  	v3 =	vor.u32 v3, v4  }
0x2e: {  	v3 =	vperm.xlane v3, v0;
	_ =	sdelay $0x1  }
0x2f: {  	v3 =	vadd.s32 v2, v3;
	_ =	sdelay $0x1  }
0x30: {  	s6 =	sld [smem:$0x7F2];
	_ =	sdelay $0x1  }
0x31: {  	s4 =	simm.s32 $0x0;
	s1 =	simm.s32 $0x7180;
	s7 =	simm.s32 $0xB  }
0x32: {  	[tilespmem:s1], [sflag:$0x1] =	stream.indirect_vreg.gather [hbm4b:s6+s4], $0x80, v3, vm0, $0xb8;
	[tilespmem:$0x1F180] =	vst v63  }
0x33: {  	v3 =	vld [tilespmem:s7+$0x0];
	_ =	sdelay $0x4  }
0x34: {  	(v2sf) =	vpush v3, $0x0;
	_ =	sdelay $0x7  }
0x35: {  	v3 =	vld [tilespmem:s7+$0xFFFFFFFD]  }
0x36: {  	v4 =	vld [tilespmem:s7+$0xFFFFFFFE]  }
0x37: {  	v5 =	vld [tilespmem:s7+$0xFFFFFFFF];
	_ =	sdelay $0x2  }
0x38: {  	(v2sf) =	vpush v3, $0x0  }
0x39: {  	(v2sf) =	vpush v4, $0x0  }
0x3a: {  	(v2sf) =	vpush v5, $0x0;
	s8 =	spop (v2sf)  }
0x3b: {  	s0 =	sshra.s32 s8, $0x3  }
0x3c: {  	s0 =	ssub.s32 s0, s22  }
0x3d: {  	s9 =	sshll.u32 s0, $0x8;
	s0 =	sshll.u32 s0, $0x7  }
0x3e: {  	s1 =	sand.u32 $0xFFFFF800, s9;
	s0 =	sand.u32 $0x380, s0  }
0x3f: {  	s2 =	sor.u32 s0, s1  }
0x40: {  	v3 =	vld [tilespmem:s2+$0x1980]  }
0x41: {  	s10 =	simm.s32 $0x800  }
0x42: {  	s11 =	simm.s32 $0x400;
	s0 =	sand.u32 $0x7800, s10  }
0x43: {  	s1 =	sand.u32 $0x200, s11;
	s3 =	sadd.s32 $0x7180, s0  }
0x44: {  	s5 =	sor.u32 s1, s3  }
0x45: {  	[tilespmem:s5+$0x180] =	vst v3  }
0x46: {  	v3 =	vld [tilespmem:s2+$0x1990]  }
0x47: {  	s12 =	spop (v2sf)  }
0x48: {  	s13 =	spop (v2sf);
	s0 =	sshra.s32 s12, $0x3  }
0x49: {  	s6 =	spop (v2sf);
	s0 =	ssub.s32 s0, s22  }
0x4a: {  	s1 =	sshra.s32 s13, $0x3;
	s7 =	sshll.u32 s0, $0x8;
	s0 =	sshll.u32 s0, $0x7  }
0x4b: {  	s1 =	ssub.s32 s1, s22;
	s14 =	sshra.s32 s6, $0x3;
	s7 =	sand.u32 $0xFFFFF800, s7;
	[tilespmem:s5+$0x190] =	vst v3  }
0x4c: {  	s0 =	sand.u32 $0x380, s0;
	s8 =	sshll.u32 s1, $0x8;
	s1 =	sshll.u32 s1, $0x7;
	v3 =	vld [tilespmem:s2+$0x19A0]  }
0x4d: {  	s7 =	sor.u32 s0, s7;
	s15 =	sand.u32 $0xFFFFF800, s8;
	s0 =	ssub.s32 s14, s22  }
0x4e: {  	s1 =	sand.u32 $0x380, s1;
	v4 =	vld [tilespmem:s7+$0x1980];
	s16 =	sshll.u32 s0, $0x8;
	s0 =	sshll.u32 s0, $0x7  }
0x4f: {  	s1 =	sor.u32 s1, s15;
	s6 =	sand.u32 $0xFFFFF800, s16;
	s0 =	sand.u32 $0x380, s0  }
0x50: {  	v5 =	vld [tilespmem:s1+$0x1980];
	s0 =	sor.u32 s0, s6  }
0x51: {  	v6 =	vld [tilespmem:s0+$0x1980];
	[tilespmem:s5+$0x1A0] =	vst v3  }
0x52: {  	s17 =	simm.s32 $0x480;
	v3 =	vld [tilespmem:s2+$0x19B0]  }
0x53: {  	s19 =	simm.s32 $0x500;
	s18 =	sand.u32 $0x280, s17;
	[tilespmem:s5+$0x0] =	vst v4  }
0x54: {  	s8 =	sadd.s32 s18, s3;
	s6 =	sand.u32 $0x300, s19;
	v4 =	vld [tilespmem:s7+$0x1990]  }
0x55: {  	s6 =	sadd.s32 s6, s3;
	[tilespmem:s8+$0x0] =	vst v5  }
0x56: {  	v5 =	vld [tilespmem:s1+$0x1990];
	[tilespmem:s6+$0x0] =	vst v6  }
0x57: {  	v6 =	vld [tilespmem:s0+$0x1990];
	[tilespmem:s5+$0x1B0] =	vst v3  }
0x58: {  	v3 =	vld [tilespmem:s2+$0x19C0]  }
0x59: {  	[tilespmem:s5+$0x10] =	vst v4  }
0x5a: {  	v4 =	vld [tilespmem:s7+$0x19A0]  }
0x5b: {  	[tilespmem:s8+$0x10] =	vst v5  }
0x5c: {  	v5 =	vld [tilespmem:s1+$0x19A0];
	[tilespmem:s6+$0x10] =	vst v6  }
0x5d: {  	v6 =	vld [tilespmem:s0+$0x19A0];
	[tilespmem:s5+$0x1C0] =	vst v3  }
0x5e: {  	v3 =	vld [tilespmem:s2+$0x19D0]  }
0x5f: {  	[tilespmem:s5+$0x20] =	vst v4  }
0x60: {  	v4 =	vld [tilespmem:s7+$0x19B0]  }
0x61: {  	[tilespmem:s8+$0x20] =	vst v5  }
0x62: {  	v5 =	vld [tilespmem:s1+$0x19B0];
	[tilespmem:s6+$0x20] =	vst v6  }
0x63: {  	v6 =	vld [tilespmem:s0+$0x19B0];
	[tilespmem:s5+$0x1D0] =	vst v3  }
0x64: {  	v3 =	vld [tilespmem:s2+$0x19E0]  }
0x65: {  	[tilespmem:s5+$0x30] =	vst v4  }
0x66: {  	s20 =	simm.s32 $0xF;
	v4 =	vld [tilespmem:s7+$0x19C0]  }
0x67: {  	v7 =	vld [tilespmem:s20+$0x0];
	[tilespmem:s8+$0x30] =	vst v5  }
0x68: {  	v5 =	vld [tilespmem:s1+$0x19C0];
	[tilespmem:s6+$0x30] =	vst v6  }
0x69: {  	v6 =	vld [tilespmem:s0+$0x19C0];
	[tilespmem:s5+$0x1E0] =	vst v3  }
0x6a: {  	v3 =	vld [tilespmem:s2+$0x19F0]  }
0x6b: {  	v9 =	vld [tilespmem:s20+$0xFFFFFFFE];
	[tilespmem:s5+$0x40] =	vst v4  }
0x6c: {  	(v2sf) =	vpush v7, $0x0;
	v4 =	vld [tilespmem:s7+$0x19D0]  }
0x6d: {  	[tilespmem:s8+$0x40] =	vst v5;
	v5 =	vld [tilespmem:s20+$0xFFFFFFFD]  }
0x6e: {  	v8 =	vld [tilespmem:s1+$0x19D0];
	[tilespmem:s6+$0x40] =	vst v6  }
0x6f: {  	p0 =	por $0x0, $0x0;
	s9 =	simm.s32 $0x1;
	v6 =	vld [tilespmem:s0+$0x19D0];
	[tilespmem:s5+$0x1F0] =	vst v3  }
0x70: {  	s9 =	simm.s32 @!p0 $0x0;
	v3 =	vld [tilespmem:s2+$0x1D80]  }
0x71: {  	s9 =	sshll.u32 s9, $0x9  }
0x72: {  	s9 =	sadd.s32 $0x0, s9;
	[tilespmem:s5+$0x50] =	vst v4;
	v4 =	vld [tilespmem:s20+$0xFFFFFFFF]  }
0x73: {  	s3 =	sadd.s32 $0x980, s9;
	(v2sf) =	vpush v5, $0x0;
	v7 =	vld [tilespmem:s7+$0x19E0];
	[tilespmem:s8+$0x50] =	vst v8  }
0x74: {  	s10 =	sor.u32 $0x400, s3;
	(v2sf) =	vpush v9, $0x0;
	v8 =	vld [tilespmem:s1+$0x19E0];
	[tilespmem:s6+$0x50] =	vst v6  }
0x75: {  	v5 =	vld [tilespmem:s0+$0x19E0];
	[tilespmem:s10+$0x7180] =	vst v3  }
0x76: {  	v3 =	vld [tilespmem:s2+$0x1D90];
	_ =	sdelay $0x1  }
0x77: {  	[tilespmem:s5+$0x60] =	vst v7  }
0x78: {  	(v2sf) =	vpush v4, $0x0;
	v4 =	vld [tilespmem:s7+$0x19F0];
	[tilespmem:s8+$0x60] =	vst v8  }
0x79: {  	s21 =	sor.u32 $0x410, s3;
	v6 =	vld [tilespmem:s1+$0x19F0];
	[tilespmem:s6+$0x60] =	vst v5  }
0x7a: {  	s23 =	sand.u32 $0x3, s4;
	s4 =	sand.u32 $0x7, s4;
	s24 =	spop (v2sf);
	v5 =	vld [tilespmem:s0+$0x19F0];
	[tilespmem:s21+$0x7180] =	vst v3  }
0x7b: {  	s4 =	sshll.u32 s4, $0x7;
	s11 =	sshra.s32 s24, $0x3;
	v3 =	vld [tilespmem:s2+$0x1DA0]  }
0x7c: {  	s4 =	sadd.s32 $0x0, s4;
	s15 =	simm.s32 $0xC00;
	s25 =	ssub.s32 s11, s22  }
0x7d: {  	s26 =	sor.u32 $0x420, s3;
	s24 =	sand.u32 $0x7800, s15;
	s12 =	sshll.u32 s25, $0x8;
	[tilespmem:s5+$0x70] =	vst v4  }
0x7e: {  	s10 =	sshll.u32 s23, $0x8;
	v4 =	vld [tilespmem:s7+$0x1D80];
	[tilespmem:s8+$0x70] =	vst v6;
	s8 =	sadd.s32 $0x880, s4;
	s4 =	sadd.s32 $0x800, s9  }
0x7f: {  	s9 =	sand.u32 $0xFFFFF800, s12;
	s10 =	sadd.s32 $0x0, s10;
	v6 =	vld [tilespmem:s1+$0x1D80];
	s18 =	sor.u32 $0x400, s4;
	[tilespmem:s6+$0x70] =	vst v5  }
0x80: {  	s19 =	sor.u32 $0x400, s8;
	s5 =	sadd.s32 $0x900, s10;
	s10 =	sshll.u32 s25, $0x7;
	v5 =	vld [tilespmem:s0+$0x1D80];
	[tilespmem:s26+$0x7180] =	vst v3  }
0x81: {  	s14 =	spop (v2sf);
	s25 =	simm.s32 $0x600;
	s11 =	sand.u32 $0x380, s10;
	v3 =	vld [tilespmem:s2+$0x1DB0]  }
0x82: {  	s12 =	sor.u32 $0x400, s5;
	s17 =	spop (v2sf);
	s6 =	sor.u32 s11, s9  }
0x83: {  	s15 =	sand.u32 $0x200, s25;
	s14 =	sshra.s32 s14, $0x3;
	[tilespmem:s18+$0x7180] =	vst v4;
	v4 =	vld [tilespmem:s6+$0x1980];
	s18 =	sadd.s32 $0x7180, s24  }
0x84: {  	v7 =	vld [tilespmem:s7+$0x1D90];
	[tilespmem:s19+$0x7180] =	vst v6;
	s21 =	sor.u32 s15, s18;
	s15 =	sshra.s32 s17, $0x3;
	s17 =	ssub.s32 s14, s22  }
0x85: {  	s16 =	sor.u32 $0x430, s3;
	v6 =	vld [tilespmem:s1+$0x1D90];
	s14 =	sshll.u32 s17, $0x8;
	s9 =	sshll.u32 s17, $0x7;
	[tilespmem:s12+$0x7180] =	vst v5  }
0x86: {  	s14 =	sand.u32 $0xFFFFF800, s14;
	s9 =	sand.u32 $0x380, s9;
	v5 =	vld [tilespmem:s0+$0x1D90];
	[tilespmem:s16+$0x7180] =	vst v3  }
0x87: {  	s9 =	sor.u32 s9, s14;
	v3 =	vld [tilespmem:s2+$0x1DC0]  }
0x88: {  	s23 =	sor.u32 $0x410, s4;
	s10 =	ssub.s32 s15, s22;
	[tilespmem:s21+$0x180] =	vst v4;
	v8 =	vld [tilespmem:s9+$0x1980]  }
0x89: {  	s20 =	sor.u32 $0x410, s8;
	s19 =	sshll.u32 s10, $0x8;
	s10 =	sshll.u32 s10, $0x7;
	[tilespmem:s23+$0x7180] =	vst v7;
	v4 =	vld [tilespmem:s6+$0x1990]  }
0x8a: {  	s13 =	sor.u32 $0x410, s5;
	s11 =	sand.u32 $0xFFFFF800, s19;
	s10 =	sand.u32 $0x380, s10;
	v7 =	vld [tilespmem:s7+$0x1DA0];
	[tilespmem:s20+$0x7180] =	vst v6  }
0x8b: {  	s12 =	sor.u32 s10, s11;
	s26 =	spop (v2sf);
	s20 =	sor.u32 $0x440, s3;
	v6 =	vld [tilespmem:s1+$0x1DA0];
	[tilespmem:s13+$0x7180] =	vst v5  }
0x8c: {  	v5 =	vld [tilespmem:s12+$0x1980];
	s16 =	sshra.s32 s26, $0x3;
	[tilespmem:s20+$0x7180] =	vst v3  }
0x8d: {  	s11 =	simm.s32 $0x680;
	s23 =	sor.u32 $0x420, s4;
	[tilespmem:s21+$0x0] =	vst v8;
	s22 =	ssub.s32 s16, s22;
	v3 =	vld [tilespmem:s2+$0x1DD0]  }
0x8e: {  	s10 =	sand.u32 $0x280, s11;
	[tilespmem:s21+$0x190] =	vst v4;
	v8 =	vld [tilespmem:s9+$0x1990];
	s15 =	sshll.u32 s22, $0x8;
	s14 =	sshll.u32 s22, $0x7  }
0x8f: {  	[tilespmem:s23+$0x7180] =	vst v7;
	v4 =	vld [tilespmem:s6+$0x19A0];
	s26 =	sor.u32 $0x420, s8;
	s24 =	sand.u32 $0xFFFFF800, s15;
	s25 =	sand.u32 $0x380, s14  }
0x90: {  	s10 =	sadd.s32 s10, s18;
	[tilespmem:s26+$0x7180] =	vst v6;
	v6 =	vld [tilespmem:s0+$0x1DA0];
	s13 =	sor.u32 s25, s24  }
0x91: {  	[tilespmem:s10+$0x0] =	vst v5;
	s15 =	sor.u32 $0x450, s3;
	v7 =	vld [tilespmem:s13+$0x1980]  }
0x92: {  	v5 =	vld [tilespmem:s12+$0x1990];
	[tilespmem:s15+$0x7180] =	vst v3  }
0x93: {  	s19 =	simm.s32 $0x700;
	[tilespmem:s21+$0x10] =	vst v8;
	v3 =	vld [tilespmem:s2+$0x1DE0]  }
0x94: {  	s17 =	sor.u32 $0x420, s5;
	s16 =	sand.u32 $0x300, s19;
	[tilespmem:s21+$0x1A0] =	vst v4;
	v8 =	vld [tilespmem:s9+$0x19A0]  }
0x95: {  	s31 =	sadd.s32 s16, s18;
	v4 =	vld [tilespmem:s6+$0x19B0];
	[tilespmem:s17+$0x7180] =	vst v6  }
0x96: {  	v6 =	vld [tilespmem:s7+$0x1DB0];
	[tilespmem:s31+$0x0] =	vst v7  }
0x97: {  	s18 =	sor.u32 $0x460, s3;
	[tilespmem:s10+$0x10] =	vst v5;
	v7 =	vld [tilespmem:s13+$0x1990]  }
0x98: {  	v5 =	vld [tilespmem:s12+$0x19A0];
	[tilespmem:s18+$0x7180] =	vst v3  }
0x99: {  	[tilespmem:s21+$0x20] =	vst v8;
	v3 =	vld [tilespmem:s2+$0x1DF0]  }
0x9a: {  	s20 =	sor.u32 $0x430, s4;
	[tilespmem:s21+$0x1B0] =	vst v4  }
0x9b: {  	v4 =	vld [tilespmem:s6+$0x19C0];
	[tilespmem:s20+$0x7180] =	vst v6  }
0x9c: {  	v8 =	vld [tilespmem:s9+$0x19B0];
	[tilespmem:s31+$0x10] =	vst v7  }
0x9d: {  	s3 =	sor.u32 $0x470, s3;
	[tilespmem:s10+$0x20] =	vst v5;
	v7 =	vld [tilespmem:s13+$0x19A0]  }
0x9e: {  	s26 =	sor.u32 $0x470, s8;
	v6 =	vld [tilespmem:s1+$0x1DB0];
	[tilespmem:s3+$0x7180] =	vst v3  }
0x9f: {  	s11 =	sor.u32 $0x440, s8;
	s23 =	sor.u32 $0x450, s8;
	v3 =	vld [tilespmem:s0+$0x1DB0];
	[dreg:$0x1e] =	wrdreg s26  }
0xa0: {  	s22 =	sor.u32 $0x430, s8;
	s17 =	sor.u32 $0x460, s8;
	s8 =	sor.u32 $0x470, s5;
	[tilespmem:s21+$0x1C0] =	vst v4  }
0xa1: {  	v5 =	vld [tilespmem:s12+$0x19B0];
	[dreg:$0x13] =	wrdreg s8  }
0xa2: {  	[tilespmem:s31+$0x20] =	vst v7  }
0xa3: {  	s26 =	simm.s32 $0x4;
	v4 =	vld [tilespmem:s6+$0x19D0];
	[tilespmem:s22+$0x7180] =	vst v6  }
0xa4: {  	s29 =	sor.u32 $0x450, s4;
	s24 =	sor.u32 $0x430, s5;
	s18 =	sand.u32 $0x7, s26;
	[tilespmem:s21+$0x30] =	vst v8;
	v7 =	vld [tilespmem:s7+$0x1DC0]  }
0xa5: {  	s16 =	sor.u32 $0x450, s5;
	s3 =	sshll.u32 s18, $0x7;
	s22 =	sor.u32 $0x460, s4;
	v6 =	vld [tilespmem:s13+$0x19B0];
	[tilespmem:s24+$0x7180] =	vst v3  }
0xa6: {  	s3 =	sadd.s32 $0x400, s3;
	v3 =	vld [tilespmem:s9+$0x19C0];
	s24 =	sor.u32 $0x470, s4;
	[dreg:$0xd] =	wrdreg s22  }
0xa7: {  	s14 =	sor.u32 $0x460, s5;
	s8 =	sadd.s32 $0x880, s3;
	[smem:$0x7E9] =	sst s24  }
0xa8: {  	s25 =	sor.u32 $0x440, s5;
	s5 =	sor.u32 $0x440, s4;
	s4 =	sor.u32 $0x400, s8;
	[tilespmem:s10+$0x30] =	vst v5  }
0xa9: {  	s28 =	simm.s32 $0x2;
	v8 =	vld [tilespmem:s1+$0x1DC0];
	[smem:$0x7EA] =	sst s4  }
0xaa: {  	s20 =	sand.u32 $0x3, s28;
	s18 =	sor.u32 $0x410, s8;
	[tilespmem:s21+$0x1D0] =	vst v4  }
0xab: {  	s2 =	sshll.u32 s20, $0x8;
	s20 =	sor.u32 $0x420, s8;
	v63 =	vld [tilespmem:s12+$0x19C0];
	[smem:$0x7EB] =	sst s18  }
0xac: {  	s22 =	sor.u32 $0x430, s8;
	[smem:$0x7EC] =	sst s20  }
0xad: {  	[dreg:$0x19] =	wrdreg s22  }
0xae: {  	s2 =	sadd.s32 $0x400, s2;
	s24 =	sor.u32 $0x450, s8;
	[tilespmem:s31+$0x30] =	vst v6  }
0xaf: {  	s15 =	sadd.s32 $0x900, s2;
	s2 =	sor.u32 $0x460, s8;
	v5 =	vld [tilespmem:s6+$0x19E0];
	[smem:$0x7ED] =	sst s24  }
0xb0: {  	[dreg:$0x8] =	wrdreg s2  }
0xb1: {  	s4 =	sor.u32 $0x440, s8;
	[tilespmem:s5+$0x7180] =	vst v7;
	s5 =	sor.u32 $0x400, s15  }
0xb2: {  	s24 =	sor.u32 $0x470, s8;
	s8 =	sor.u32 $0x410, s15;
	v6 =	vld [tilespmem:s13+$0x19C0];
	[smem:$0x7EE] =	sst s5  }
0xb3: {  	[smem:$0x7EF] =	sst s8  }
0xb4: {  	s18 =	sor.u32 $0x420, s15;
	[tilespmem:s21+$0x40] =	vst v3  }
0xb5: {  	s20 =	sor.u32 $0x430, s15;
	v3 =	vld [tilespmem:s0+$0x1DC0];
	[smem:$0x7F0] =	sst s18  }
0xb6: {  	[dreg:$0x1f] =	wrdreg s20  }
0xb7: {  	s22 =	sor.u32 $0x460, s15;
	[tilespmem:s11+$0x7180] =	vst v8  }
0xb8: {  	[dreg:$0xe] =	wrdreg s22  }
0xb9: {  	s30 =	sor.u32 $0x470, s15;
	s5 =	sor.u32 $0x440, s15;
	s8 =	simm.s32 $0xC;
	v7 =	vld [tilespmem:s9+$0x19D0]  }
0xba: {  	s18 =	sor.u32 $0x450, s15;
	s15 =	simm.s32 $0x13;
	s11 =	simm.s32 $0x400;
	[tilespmem:s10+$0x40] =	vst v63;
	v4 =	vld [tilespmem:s7+$0x1DD0]  }
.LBB2_4:
0xbb: {  	v8 =	vld [tilespmem:s15+$0x0];
	[tilespmem:s21+$0x1E0] =	vst v5  }
0xbc: {  	[tilespmem:s31+$0x40] =	vst v6;
	v6 =	vld [tilespmem:s15+$0xFFFFFFFD]  }
0xbd: {  	v5 =	vld [tilespmem:s6+$0x19F0]  }
0xbe: {  	[tilespmem:s25+$0x7180] =	vst v3;
	v3 =	vld [tilespmem:s15+$0xFFFFFFFE]  }
0xbf: {  	[tilespmem:s21+$0x50] =	vst v7  }
0xc0: {  	[tilespmem:s29+$0x7180] =	vst v4;
	v4 =	vld [tilespmem:s12+$0x19D0]  }
0xc1: {  	s2 =	smov.u32 s5;
	p0 =	por !p0, !p0;
	s5 =	simm.s32 $0x1;
	(v2sf) =	vpush v8, $0x0;
	v7 =	vld [tilespmem:s15+$0xFFFFFFFF]  }
0xc2: {  	s5 =	simm.s32 @!p0 $0x0;
	v8 =	vld [tilespmem:s13+$0x19D0];
	(v2sf) =	vpush v6, $0x0  }
0xc3: {  	s5 =	sshll.u32 s5, $0x9;
	[tilespmem:s21+$0x1F0] =	vst v5;
	(v2sf) =	vpush v3, $0x0;
	v3 =	vld [tilespmem:s9+$0x19E0]  }
0xc4: {  	[smem:$0x7E2] =	sst s24;
	s5 =	sadd.s32 s11, s5;
	v5 =	vld [tilespmem:s6+$0x1D80]  }
0xc5: {  	[smem:$0x7E7] =	sst s4;
	s25 =	sadd.s32 $0x800, s5;
	v6 =	vld [tilespmem:s1+$0x1DD0];
	[tilespmem:s10+$0x50] =	vst v4  }
0xc6: {  	[smem:$0x7E4] =	sst s2;
	s4 =	sor.u32 $0x430, s25;
	(v2sf) =	vpush v7, $0x0;
	v7 =	vld [tilespmem:s12+$0x19E0]  }
0xc7: {  	s22 =	sadd.s32 $0x980, s5;
	[smem:$0x7E3] =	sst s4;
	s4 =	sor.u32 $0x450, s25;
	v4 =	vld [tilespmem:s0+$0x1DD0];
	[tilespmem:s31+$0x50] =	vst v8  }
0xc8: {  	s28 =	sadd.s32 $0x2, s28;
	s29 =	sor.u32 $0x400, s22;
	[smem:$0x7E5] =	sst s4;
	v8 =	vld [tilespmem:s13+$0x19E0];
	[tilespmem:s21+$0x60] =	vst v3  }
0xc9: {  	s26 =	sadd.s32 $0x4, s26;
	s19 =	sadd.s32 $0x200, s19;
	s4 =	sld [smem:$0x7ED];
	[tilespmem:s29+$0x7180] =	vst v5;
	v5 =	vld [tilespmem:s9+$0x19F0]  }
0xca: {  	s11 =	sadd.s32 $0x400, s11;
	s24 =	sor.u32 $0x400, s25;
	s3 =	sor.u32 $0x440, s25;
	[tilespmem:s23+$0x7180] =	vst v6;
	v3 =	vld [tilespmem:s6+$0x1D90]  }
0xcb: {  	s5 =	sor.u32 $0x410, s25;
	[smem:$0x7E6] =	sst s3;
	s3 =	sor.u32 $0x470, s25;
	v6 =	vld [tilespmem:s7+$0x1DE0];
	[tilespmem:s10+$0x60] =	vst v7  }
0xcc: {  	s20 =	sor.u32 $0x420, s25;
	[smem:$0x7DF] =	sst s3;
	s3 =	smov.u32 s4;
	[tilespmem:s16+$0x7180] =	vst v4;
	v4 =	vld [tilespmem:s1+$0x1DE0]  }
0xcd: {  	s4 =	sand.u32 $0x7, s26;
	[smem:$0x7E1] =	sst s3;
	s3 =	sor.u32 $0x420, s22;
	[tilespmem:s31+$0x60] =	vst v8  }
0xce: {  	s23 =	rddreg [dreg:$0xd];
	s16 =	smov.u32 s18;
	s18 =	sor.u32 $0x410, s22;
	v7 =	vld [tilespmem:s12+$0x19F0];
	[tilespmem:s21+$0x70] =	vst v5  }
0xcf: {  	s29 =	sor.u32 $0x460, s25;
	[smem:$0x7E0] =	sst s16;
	v8 =	vld [tilespmem:s13+$0x19F0];
	s21 =	sand.u32 $0x3, s28;
	[tilespmem:s18+$0x7180] =	vst v3  }
0xd0: {  	s25 =	smov.u32 s29;
	s16 =	spop (v2sf);
	v5 =	vld [tilespmem:s9+$0x1D80];
	[tilespmem:s23+$0x7180] =	vst v6;
	s2 =	sshll.u32 s21, $0x8  }
0xd1: {  	[tilespmem:s17+$0x7180] =	vst v4;
	s17 =	sshll.u32 s4, $0x7;
	s21 =	sshra.s32 s16, $0x3;
	s4 =	rddreg [dreg:$0x4];
	v3 =	vld [tilespmem:s6+$0x1DA0]  }
0xd2: {  	[dreg:$0xd] =	wrdreg s25;
	s18 =	sadd.s32 $0xFFFFFF00, s19;
	v6 =	vld [tilespmem:s7+$0x1DF0];
	s25 =	ssub.s32 s21, s4  }
0xd3: {  	[tilespmem:s10+$0x70] =	vst v7;
	s21 =	sld [smem:$0x7E9];
	s2 =	sadd.s32 s11, s2;
	s23 =	spop (v2sf)  }
0xd4: {  	v4 =	vld [tilespmem:s0+$0x1DE0];
	[tilespmem:s31+$0x70] =	vst v8;
	s16 =	sshll.u32 s25, $0x8;
	s7 =	sshll.u32 s25, $0x7;
	s10 =	spop (v2sf)  }
0xd5: {  	v7 =	vld [tilespmem:s12+$0x1D80];
	s25 =	sld [smem:$0x7EA];
	s23 =	sshra.s32 s23, $0x3;
	s10 =	sshra.s32 s10, $0x3;
	[tilespmem:s24+$0x7180] =	vst v5  }
0xd6: {  	v8 =	vld [tilespmem:s13+$0x1D80];
	s7 =	sand.u32 $0x380, s7;
	s29 =	spop (v2sf);
	s10 =	ssub.s32 s10, s4;
	[tilespmem:s3+$0x7180] =	vst v3  }
0xd7: {  	s3 =	sand.u32 $0xFFFFF800, s16;
	s16 =	sshra.s32 s29, $0x3;
	v5 =	vld [tilespmem:s9+$0x1D90];
	[tilespmem:s21+$0x7180] =	vst v6;
	s21 =	sld [smem:$0x7EE]  }
0xd8: {  	v3 =	vld [tilespmem:s6+$0x1DB0];
	s24 =	sor.u32 s7, s3;
	s7 =	ssub.s32 s23, s4;
	s23 =	sadd.s32 $0x800, s11  }
0xd9: {  	[tilespmem:s14+$0x7180] =	vst v4;
	s14 =	ssub.s32 s16, s4;
	s3 =	sand.u32 $0x200, s18;
	s4 =	sshll.u32 s10, $0x8  }
0xda: {  	[tilespmem:s25+$0x7180] =	vst v7;
	s16 =	sand.u32 $0x7800, s23;
	s23 =	sor.u32 $0x430, s22;
	s25 =	sshll.u32 s7, $0x8  }
0xdb: {  	v6 =	vld [tilespmem:s1+$0x1DF0];
	s1 =	sshll.u32 s7, $0x7;
	s7 =	sshll.u32 s10, $0x7;
	s10 =	sshll.u32 s14, $0x8  }
0xdc: {  	v4 =	vld [tilespmem:s24+$0x1980];
	[tilespmem:s21+$0x7180] =	vst v8;
	s18 =	sadd.s32 $0x7180, s16;
	s25 =	sand.u32 $0xFFFFF800, s25;
	s1 =	sand.u32 $0x380, s1  }
0xdd: {  	s16 =	rddreg [dreg:$0x1e];
	v8 =	vld [tilespmem:s13+$0x1D90];
	s21 =	sor.u32 s3, s18;
	s3 =	sand.u32 $0xFFFFF800, s4;
	[tilespmem:s23+$0x7180] =	vst v3  }
0xde: {  	s4 =	sand.u32 $0x380, s7;
	s1 =	sor.u32 s1, s25;
	s25 =	sld [smem:$0x7EF];
	v3 =	vld [tilespmem:s6+$0x1DC0]  }
0xdf: {  	v7 =	vld [tilespmem:s12+$0x1D90];
	[tilespmem:s5+$0x7180] =	vst v5;
	s5 =	sand.u32 $0xFFFFF800, s10;
	s10 =	sadd.s32 $0xFFFFFF80, s19;
	s23 =	sshll.u32 s14, $0x7  }
0xe0: {  	[tilespmem:s16+$0x7180] =	vst v6;
	s7 =	sand.u32 $0x380, s23;
	s23 =	sld [smem:$0x7EB];
	v6 =	vld [tilespmem:s0+$0x1DF0];
	s0 =	sor.u32 s4, s3  }
0xe1: {  	[tilespmem:s21+$0x180] =	vst v4;
	s4 =	sor.u32 $0x440, s22;
	s16 =	sand.u32 $0x300, s19;
	s3 =	sadd.s32 $0x900, s2  }
0xe2: {  	v4 =	vld [tilespmem:s9+$0x1DA0];
	s14 =	sor.u32 s7, s5;
	s2 =	sor.u32 $0x400, s3;
	s5 =	rddreg [dreg:$0x13];
	[tilespmem:s25+$0x7180] =	vst v8  }
0xe3: {  	v5 =	vld [tilespmem:s24+$0x1990];
	s31 =	sadd.s32 s16, s18;
	s25 =	sadd.s32 s11, s17;
	[smem:$0x7EE] =	sst s2;
	[tilespmem:s4+$0x7180] =	vst v3  }
0xe4: {  	s2 =	smov.u32 s30;
	[tilespmem:s23+$0x7180] =	vst v7;
	s23 =	sand.u32 $0x280, s10;
	s7 =	sadd.s32 $0x880, s25;
	v3 =	vld [tilespmem:s6+$0x1DD0]  }
0xe5: {  	s10 =	sadd.s32 s23, s18;
	s16 =	sor.u32 $0x400, s7;
	s17 =	sor.u32 $0x410, s7  }
0xe6: {  	v8 =	vld [tilespmem:s1+$0x1980];
	s18 =	sld [smem:$0x7EC];
	s25 =	sor.u32 $0x430, s7;
	s4 =	sor.u32 $0x410, s3  }
0xe7: {  	v7 =	vld [tilespmem:s12+$0x1DA0];
	s23 =	sor.u32 $0x450, s22;
	[tilespmem:s20+$0x7180] =	vst v4;
	[smem:$0x7EF] =	sst s4;
	s4 =	sor.u32 $0x440, s7  }
0xe8: {  	s30 =	sor.u32 $0x470, s7;
	s20 =	sor.u32 $0x420, s7;
	[tilespmem:s21+$0x190] =	vst v5;
	[smem:$0x7E8] =	sst s4  }
0xe9: {  	v5 =	vld [tilespmem:s24+$0x19A0];
	s4 =	sor.u32 $0x450, s7;
	[tilespmem:s23+$0x7180] =	vst v3;
	s23 =	sor.u32 $0x460, s7;
	s7 =	sld [smem:$0x7DF]  }
0xea: {  	v4 =	vld [tilespmem:s0+$0x1980];
	[tilespmem:s5+$0x7180] =	vst v6  }
0xeb: {  	v6 =	vld [tilespmem:s14+$0x1980]  }
0xec: {  	[tilespmem:s18+$0x7180] =	vst v7;
	v7 =	vld [tilespmem:s13+$0x1DA0];
	s18 =	smov.u32 s7  }
0xed: {  	[smem:$0x7E9] =	sst s18  }
0xee: {  	s18 =	sld [smem:$0x7F0]  }
0xef: {  	[tilespmem:s10+$0x0] =	vst v4  }
0xf0: {  	[smem:$0x7EA] =	sst s16;
	[tilespmem:s31+$0x0] =	vst v6  }
0xf1: {  	[smem:$0x7EB] =	sst s17;
	s17 =	sor.u32 $0x420, s3;
	v6 =	vld [tilespmem:s14+$0x1990];
	[tilespmem:s18+$0x7180] =	vst v7;
	s18 =	smov.u32 s12  }
0xf2: {  	[tilespmem:s21+$0x0] =	vst v8;
	v4 =	vld [tilespmem:s0+$0x1990];
	s12 =	smov.u32 s0;
	s0 =	smov.u32 s17;
	s17 =	rddreg [dreg:$0x8]  }
0xf3: {  	v8 =	vld [tilespmem:s1+$0x1990];
	[smem:$0x7F0] =	sst s0;
	s0 =	smov.u32 s17;
	s17 =	smov.u32 s23  }
0xf4: {  	[dreg:$0x8] =	wrdreg s17  }
0xf5: {  	s16 =	sor.u32 $0x460, s22;
	v3 =	vld [tilespmem:s6+$0x1DE0];
	s17 =	sld [smem:$0x7E2]  }
0xf6: {  	[smem:$0x7EC] =	sst s20;
	s20 =	sor.u32 $0x450, s3;
	[tilespmem:s21+$0x1A0] =	vst v5;
	s7 =	smov.u32 s9  }
0xf7: {  	v5 =	vld [tilespmem:s24+$0x19B0];
	s9 =	smov.u32 s1;
	s1 =	smov.u32 s13;
	s13 =	smov.u32 s14  }
0xf8: {  	[tilespmem:s21+$0x10] =	vst v8;
	s14 =	smov.u32 s17;
	s17 =	smov.u32 s0;
	s0 =	smov.u32 s1  }
0xf9: {  	v7 =	vld [tilespmem:s7+$0x1DB0];
	s1 =	smov.u32 s18;
	s18 =	smov.u32 s20;
	s20 =	smov.u32 s2  }
0xfa: {  	v8 =	vld [tilespmem:s9+$0x19A0];
	[tilespmem:s16+$0x7180] =	vst v3;
	[dreg:$0x13] =	wrdreg s20  }
0xfb: {  	[tilespmem:s10+$0x10] =	vst v4;
	v3 =	vld [tilespmem:s6+$0x1DF0];
	s20 =	sld [smem:$0x7E3]  }
0xfc: {  	[tilespmem:s21+$0x1B0] =	vst v5;
	v4 =	vld [tilespmem:s12+$0x19A0]  }
0xfd: {  	s6 =	smov.u32 s24;
	[tilespmem:s31+$0x10] =	vst v6  }
0xfe: {  	v5 =	vld [tilespmem:s6+$0x19C0];
	[tilespmem:s20+$0x7180] =	vst v7  }
0xff: {  	v6 =	vld [tilespmem:s13+$0x19A0];
	[tilespmem:s21+$0x20] =	vst v8  }
0x100: {  	[smem:$0x7ED] =	sst s4;
	v8 =	vld [tilespmem:s9+$0x19B0]  }
0x101: {  	s16 =	sld [smem:$0x7E0];
	s2 =	sor.u32 $0x470, s22;
	v7 =	vld [tilespmem:s1+$0x1DB0];
	[tilespmem:s10+$0x20] =	vst v4  }
0x102: {  	s24 =	smov.u32 s30;
	s30 =	rddreg [dreg:$0xe];
	[tilespmem:s2+$0x7180] =	vst v3;
	v4 =	vld [tilespmem:s12+$0x19B0]  }
0x103: {  	s23 =	sld [smem:$0x7E1];
	v3 =	vld [tilespmem:s0+$0x1DB0];
	[tilespmem:s21+$0x1C0] =	vst v5  }
0x104: {  	s4 =	sor.u32 $0x460, s3;
	[dreg:$0x1e] =	wrdreg s14;
	[tilespmem:s31+$0x20] =	vst v6;
	v5 =	vld [tilespmem:s6+$0x19D0]  }
0x105: {  	s14 =	smov.u32 s30;
	s30 =	smov.u32 s4;
	s4 =	rddreg [dreg:$0x19];
	v6 =	vld [tilespmem:s13+$0x19B0];
	[tilespmem:s21+$0x30] =	vst v8  }
0x106: {  	s22 =	rddreg [dreg:$0x1f];
	[tilespmem:s4+$0x7180] =	vst v7;
	v7 =	vld [tilespmem:s7+$0x1DC0]  }
0x107: {  	[dreg:$0xe] =	wrdreg s30;
	[tilespmem:s10+$0x30] =	vst v4;
	v8 =	vld [tilespmem:s9+$0x19C0]  }
0x108: {  	s8 =	sadd.s32 $0x4, s8;
	s20 =	smov.u32 s25;
	[tilespmem:s22+$0x7180] =	vst v3;
	s4 =	sld [smem:$0x7E6];
	v4 =	vld [tilespmem:s1+$0x1DC0]  }
0x109: {  	p1 =	slt.u32 s8, $0x7C;
	[dreg:$0x19] =	wrdreg s20;
	[tilespmem:s21+$0x1D0] =	vst v5;
	v9 =	vld [tilespmem:s12+$0x19C0]  }
.Ltmp1:
0x10a: {  	s29 =	sor.u32 $0x430, s3;
	s20 =	sld [smem:$0x7E7];
	[tilespmem:s31+$0x30] =	vst v6;
	v5 =	vld [tilespmem:s6+$0x19E0];
	(pc) =	sbr.rel @p1 .LBB2_4-.Ltmp1, $4  }
0x10b: {  	s5 =	sor.u32 $0x440, s3;
	s3 =	sor.u32 $0x470, s3;
	s22 =	sld [smem:$0x7E8];
	v6 =	vld [tilespmem:s13+$0x19C0];
	[tilespmem:s4+$0x7180] =	vst v7  }
0x10c: {  	s30 =	smov.u32 s3;
	s3 =	smov.u32 s29;
	s29 =	sld [smem:$0x7E5];
	v3 =	vld [tilespmem:s0+$0x1DC0];
	[tilespmem:s21+$0x40] =	vst v8  }
0x10d: {  	[dreg:$0x1f] =	wrdreg s3;
	[tilespmem:s20+$0x7180] =	vst v4;
	v7 =	vld [tilespmem:s9+$0x19D0]  }
0x10e: {  	s15 =	sadd.s32 $0x4, s15;
	s25 =	sld [smem:$0x7E4];
	s4 =	smov.u32 s22;
	[tilespmem:s10+$0x40] =	vst v9;
	v4 =	vld [tilespmem:s7+$0x1DD0]  }
0x10f: {  	_ = 	snop  }
0x110: {  	[tilespmem:s31+$0x40] =	vst v6;
	v6 =	vld [tilespmem:s12+$0x19D0];
	_ =	sdelay $0x3  }
0x111: {  	v8 =	vld [tilespmem:s13+$0x19D0];
	[tilespmem:s21+$0x50] =	vst v7  }
0x112: {  	v7 =	vld [tilespmem:s9+$0x19E0];
	[tilespmem:s10+$0x50] =	vst v6  }
0x113: {  	v6 =	vld [tilespmem:s12+$0x19E0];
	_ =	sdelay $0x1  }
0x114: {  	[tilespmem:s21+$0x1E0] =	vst v5  }
0x115: {  	v5 =	vld [tilespmem:s6+$0x19F0];
	[tilespmem:s31+$0x50] =	vst v8  }
0x116: {  	v8 =	vld [tilespmem:s13+$0x19E0];
	[tilespmem:s21+$0x60] =	vst v7  }
0x117: {  	v7 =	vld [tilespmem:s9+$0x19F0];
	[tilespmem:s10+$0x60] =	vst v6  }
0x118: {  	v6 =	vld [tilespmem:s12+$0x19F0];
	_ =	sdelay $0x1  }
0x119: {  	p0 =	por !p0, !p0;
	s3 =	simm.s32 $0x1;
	[tilespmem:s21+$0x1F0] =	vst v5  }
0x11a: {  	s3 =	simm.s32 @!p0 $0x0;
	v5 =	vld [tilespmem:s6+$0x1D80];
	[tilespmem:s31+$0x60] =	vst v8  }
0x11b: {  	s3 =	sshll.u32 s3, $0x9;
	v8 =	vld [tilespmem:s13+$0x19F0];
	[tilespmem:s21+$0x70] =	vst v7  }
0x11c: {  	s3 =	sadd.s32 s11, s3;
	[tilespmem:s10+$0x70] =	vst v6;
	v6 =	vld [tilespmem:s9+$0x1D80]  }
0x11d: {  	s8 =	sadd.s32 $0x980, s3  }
0x11e: {  	s19 =	sor.u32 $0x400, s8  }
0x11f: {  	[tilespmem:s19+$0x7180] =	vst v5;
	s10 =	sadd.s32 $0x800, s3  }
0x120: {  	[tilespmem:s31+$0x70] =	vst v8;
	v7 =	vld [tilespmem:s12+$0x1D80];
	s20 =	sor.u32 $0x400, s10  }
0x121: {  	[tilespmem:s20+$0x7180] =	vst v6  }
0x122: {  	v5 =	vld [tilespmem:s6+$0x1D90];
	s2 =	sld [smem:$0x7EA]  }
0x123: {  	v6 =	vld [tilespmem:s9+$0x1D90]  }
0x124: {  	v8 =	vld [tilespmem:s13+$0x1D80]  }
0x125: {  	[tilespmem:s2+$0x7180] =	vst v7  }
0x126: {  	s21 =	sor.u32 $0x410, s8;
	s2 =	sld [smem:$0x7EE]  }
0x127: {  	s22 =	sor.u32 $0x410, s10;
	[tilespmem:s21+$0x7180] =	vst v5  }
0x128: {  	v7 =	vld [tilespmem:s12+$0x1D90];
	[tilespmem:s22+$0x7180] =	vst v6  }
0x129: {  	[tilespmem:s2+$0x7180] =	vst v8  }
0x12a: {  	v5 =	vld [tilespmem:s6+$0x1DA0];
	s2 =	sld [smem:$0x7EB]  }
0x12b: {  	v6 =	vld [tilespmem:s9+$0x1DA0]  }
0x12c: {  	v8 =	vld [tilespmem:s13+$0x1D90]  }
0x12d: {  	[tilespmem:s2+$0x7180] =	vst v7  }
0x12e: {  	s26 =	sor.u32 $0x420, s8;
	s2 =	sld [smem:$0x7EF]  }
0x12f: {  	s28 =	sor.u32 $0x420, s10;
	[tilespmem:s26+$0x7180] =	vst v5  }
0x130: {  	v7 =	vld [tilespmem:s12+$0x1DA0];
	[tilespmem:s28+$0x7180] =	vst v6  }
0x131: {  	[tilespmem:s2+$0x7180] =	vst v8  }
0x132: {  	s2 =	sld [smem:$0x7EC];
	_ =	sdelay $0x1  }
0x133: {  	v8 =	vld [tilespmem:s13+$0x1DA0]  }
0x134: {  	v6 =	vld [tilespmem:s9+$0x1DB0];
	[tilespmem:s2+$0x7180] =	vst v7  }
0x135: {  	v5 =	vld [tilespmem:s6+$0x1DB0];
	s2 =	sld [smem:$0x7F0]  }
0x136: {  	[tilespmem:s25+$0x7180] =	vst v3  }
0x137: {  	v7 =	vld [tilespmem:s12+$0x1DB0];
	[tilespmem:s29+$0x7180] =	vst v4  }
0x138: {  	s11 =	sor.u32 $0x430, s10;
	[tilespmem:s2+$0x7180] =	vst v8  }
0x139: {  	[tilespmem:s11+$0x7180] =	vst v6;
	s2 =	sor.u32 $0x430, s8;
	v3 =	vld [tilespmem:s13+$0x1DB0]  }
0x13a: {  	v4 =	vld [tilespmem:s1+$0x1DD0];
	[tilespmem:s2+$0x7180] =	vst v5  }
0x13b: {  	v5 =	vld [tilespmem:s0+$0x1DD0];
	s2 =	rddreg [dreg:$0x19]  }
0x13c: {  	v6 =	vld [tilespmem:s6+$0x1DC0];
	[tilespmem:s2+$0x7180] =	vst v7  }
0x13d: {  	v7 =	vld [tilespmem:s9+$0x1DC0];
	s2 =	rddreg [dreg:$0x1f]  }
0x13e: {  	[tilespmem:s2+$0x7180] =	vst v3;
	v3 =	vld [tilespmem:s12+$0x1DC0]  }
0x13f: {  	[tilespmem:s23+$0x7180] =	vst v4;
	v4 =	vld [tilespmem:s13+$0x1DC0]  }
0x140: {  	s15 =	sor.u32 $0x440, s8;
	[tilespmem:s16+$0x7180] =	vst v5;
	v5 =	vld [tilespmem:s1+$0x1DE0]  }
0x141: {  	v8 =	vld [tilespmem:s7+$0x1DE0];
	s16 =	sor.u32 $0x440, s10;
	[tilespmem:s15+$0x7180] =	vst v6  }
0x142: {  	[tilespmem:s16+$0x7180] =	vst v7;
	v6 =	vld [tilespmem:s6+$0x1DD0]  }
0x143: {  	[tilespmem:s4+$0x7180] =	vst v3;
	v3 =	vld [tilespmem:s9+$0x1DD0]  }
0x144: {  	[tilespmem:s5+$0x7180] =	vst v4  }
0x145: {  	s2 =	rddreg [dreg:$0xd];
	v7 =	vld [tilespmem:s13+$0x1DD0];
	[tilespmem:s17+$0x7180] =	vst v5  }
0x146: {  	v5 =	vld [tilespmem:s0+$0x1DE0];
	s17 =	sor.u32 $0x450, s8;
	[tilespmem:s2+$0x7180] =	vst v8  }
0x147: {  	s19 =	sor.u32 $0x450, s10;
	v4 =	vld [tilespmem:s12+$0x1DD0];
	[tilespmem:s17+$0x7180] =	vst v6  }
0x148: {  	[tilespmem:s19+$0x7180] =	vst v3  }
0x149: {  	v6 =	vld [tilespmem:s6+$0x1DE0];
	s2 =	sld [smem:$0x7ED]  }
0x14a: {  	v3 =	vld [tilespmem:s9+$0x1DE0];
	[tilespmem:s18+$0x7180] =	vst v7  }
0x14b: {  	v8 =	vld [tilespmem:s7+$0x1DF0];
	[tilespmem:s14+$0x7180] =	vst v5  }
0x14c: {  	[tilespmem:s2+$0x7180] =	vst v4  }
0x14d: {  	s20 =	sor.u32 $0x460, s8;
	v4 =	vld [tilespmem:s12+$0x1DE0];
	s2 =	sld [smem:$0x7E9]  }
0x14e: {  	s21 =	sor.u32 $0x460, s10;
	[tilespmem:s20+$0x7180] =	vst v6  }
0x14f: {  	v5 =	vld [tilespmem:s13+$0x1DE0];
	[tilespmem:s21+$0x7180] =	vst v3  }
0x150: {  	v7 =	vld [tilespmem:s1+$0x1DF0];
	[tilespmem:s2+$0x7180] =	vst v8  }
0x151: {  	v6 =	vld [tilespmem:s6+$0x1DF0];
	s22 =	rddreg [dreg:$0x8]  }
0x152: {  	v3 =	vld [tilespmem:s9+$0x1DF0];
	[tilespmem:s22+$0x7180] =	vst v4  }
0x153: {  	v8 =	vld [tilespmem:s0+$0x1DF0];
	s0 =	rddreg [dreg:$0xe]  }
0x154: {  	[tilespmem:s0+$0x7180] =	vst v5  }
0x155: {  	v4 =	vld [tilespmem:s12+$0x1DF0];
	s0 =	rddreg [dreg:$0x1e]  }
0x156: {  	s23 =	sor.u32 $0x470, s8;
	v5 =	vld [tilespmem:s13+$0x1DF0];
	[tilespmem:s0+$0x7180] =	vst v7  }
0x157: {  	s25 =	sor.u32 $0x470, s10;
	s0 =	rddreg [dreg:$0x13];
	[tilespmem:s23+$0x7180] =	vst v6  }
0x158: {  	[tilespmem:s25+$0x7180] =	vst v3  }
0x159: {  	[tilespmem:s0+$0x7180] =	vst v8  }
0x15a: {  	[tilespmem:s24+$0x7180] =	vst v4  }
0x15b: {  	[tilespmem:s30+$0x7180] =	vst v5  }
0x15c: {  	v3 =	vld.msk [tilespmem:$0x80], $0xff;
	_ =	sdelay $0x4  }
0x15d: {  	v4 =	vshll.u32 v3, $0x1  }
0x15e: {  	v3 =	vand.u32 $0x7, v3;
	v4 =	vand.u32 $0xFFFFFFF0, v4  }
0x15f: {  	v3 =	vor.u32 v3, v4  }
0x160: {  	v3 =	vperm.xlane v3, v0;
	_ =	sdelay $0x1  }
0x161: {  	v3 =	vadd.s32 v2, v3;
	_ =	sdelay $0x1  }
0x162: {  	s1 =	sld [smem:$0x7F2];
	_ =	sdelay $0x1  }
0x163: {  	s3 =	simm.s32 $0x8B;
	s26 =	simm.s32 $0x0;
	s28 =	simm.s32 $0xF180  }
0x164: {  	[tilespmem:s28], [sflag:$0x2] =	stream.indirect_vreg.gather [hbm4b:s1+s26], $0x80, v3, vm0, $0xb8;
	[tilespmem:$0x1F180] =	vst v63  }
0x165: {  	v3 =	vld [tilespmem:s3+$0x0];
	_ =	sdelay $0x4  }
0x166: {  	(v2sf) =	vpush v3, $0x0;
	v3 =	vld [tilespmem:s3+$0xFFFFFFFD]  }
0x167: {  	v4 =	vld [tilespmem:s3+$0xFFFFFFFE];
	_ =	sdelay $0x1  }
0x168: {  	v5 =	vld [tilespmem:s3+$0xFFFFFFFF];
	_ =	sdelay $0x1  }
0x169: {  	(v2sf) =	vpush v3, $0x0  }
0x16a: {  	(v2sf) =	vpush v4, $0x0;
	_ =	sdelay $0x1  }
0x16b: {  	(v2sf) =	vpush v5, $0x0;
	_ =	sdelay $0x6  }
0x16c: {  	s4 =	spop (v2sf)  }
0x16d: {  	s19 =	rddreg [dreg:$0x4];
	s0 =	sshra.s32 s4, $0x3  }
0x16e: {  	s0 =	ssub.s32 s0, s19  }
0x16f: {  	s7 =	simm.s32 $0x400;
	s5 =	sshll.u32 s0, $0x8;
	s0 =	sshll.u32 s0, $0x7  }
0x170: {  	s6 =	simm.s32 $0x800;
	s1 =	sand.u32 $0xFFFFF800, s5;
	s0 =	sand.u32 $0x380, s0  }
0x171: {  	s2 =	sor.u32 s0, s1;
	s0 =	sand.u32 $0x7800, s6;
	s8 =	spop (v2sf)  }
0x172: {  	s1 =	sand.u32 $0x200, s7;
	v3 =	vld [tilespmem:s2+$0x1980];
	s11 =	sshra.s32 s8, $0x3;
	s12 =	spop (v2sf)  }
0x173: {  	s9 =	sor.u32 s1, s0;
	s0 =	ssub.s32 s11, s19;
	s1 =	sshra.s32 s12, $0x3  }
0x174: {  	s14 =	spop (v2sf);
	s13 =	sshll.u32 s0, $0x8;
	s0 =	sshll.u32 s0, $0x7  }
0x175: {  	s1 =	ssub.s32 s1, s19;
	s4 =	sand.u32 $0xFFFFF800, s13;
	s0 =	sand.u32 $0x380, s0  }
0x176: {  	s15 =	sshra.s32 s14, $0x3;
	s16 =	sshll.u32 s1, $0x8;
	s0 =	sor.u32 s0, s4  }
0x177: {  	s1 =	sshll.u32 s1, $0x7;
	s4 =	ssub.s32 s15, s19;
	s5 =	sand.u32 $0xFFFFF800, s16;
	[tilespmem:s9+$0xF300] =	vst v3;
	v4 =	vld [tilespmem:s0+$0x1980]  }
0x178: {  	s1 =	sand.u32 $0x380, s1;
	s17 =	sshll.u32 s4, $0x8;
	s4 =	sshll.u32 s4, $0x7;
	v3 =	vld [tilespmem:s2+$0x1990]  }
0x179: {  	s24 =	sor.u32 s1, s5;
	s18 =	sand.u32 $0xFFFFF800, s17;
	s4 =	sand.u32 $0x380, s4  }
0x17a: {  	v5 =	vld [tilespmem:s24+$0x1980];
	s26 =	sor.u32 s4, s18  }
0x17b: {  	v6 =	vld [tilespmem:s26+$0x1980]  }
0x17c: {  	[tilespmem:s9+$0xF180] =	vst v4  }
0x17d: {  	[tilespmem:s9+$0xF310] =	vst v3;
	v4 =	vld [tilespmem:s0+$0x1990]  }
0x17e: {  	v3 =	vld [tilespmem:s2+$0x19A0]  }
0x17f: {  	[tilespmem:s9+$0xF200] =	vst v5  }
0x180: {  	v5 =	vld [tilespmem:s24+$0x1990];
	[tilespmem:s9+$0xF280] =	vst v6  }
0x181: {  	v6 =	vld [tilespmem:s26+$0x1990]  }
0x182: {  	[tilespmem:s9+$0xF190] =	vst v4  }
0x183: {  	[tilespmem:s9+$0xF320] =	vst v3;
	v4 =	vld [tilespmem:s0+$0x19A0]  }
0x184: {  	v3 =	vld [tilespmem:s2+$0x19B0]  }
0x185: {  	[tilespmem:s9+$0xF210] =	vst v5  }
0x186: {  	v5 =	vld [tilespmem:s24+$0x19A0];
	[tilespmem:s9+$0xF290] =	vst v6  }
0x187: {  	v6 =	vld [tilespmem:s26+$0x19A0]  }
0x188: {  	[tilespmem:s9+$0xF1A0] =	vst v4  }
0x189: {  	[tilespmem:s9+$0xF330] =	vst v3;
	v4 =	vld [tilespmem:s0+$0x19B0]  }
0x18a: {  	v3 =	vld [tilespmem:s2+$0x19C0]  }
0x18b: {  	[tilespmem:s9+$0xF220] =	vst v5  }
0x18c: {  	v5 =	vld [tilespmem:s24+$0x19B0];
	[tilespmem:s9+$0xF2A0] =	vst v6  }
0x18d: {  	v6 =	vld [tilespmem:s26+$0x19B0]  }
0x18e: {  	[tilespmem:s9+$0xF1B0] =	vst v4  }
0x18f: {  	[tilespmem:s9+$0xF340] =	vst v3;
	v4 =	vld [tilespmem:s0+$0x19C0]  }
0x190: {  	s20 =	simm.s32 $0x8F;
	v3 =	vld [tilespmem:s2+$0x19D0]  }
0x191: {  	v7 =	vld [tilespmem:s20+$0x0];
	[tilespmem:s9+$0xF230] =	vst v5  }
0x192: {  	v5 =	vld [tilespmem:s24+$0x19C0];
	[tilespmem:s9+$0xF2B0] =	vst v6  }
0x193: {  	v6 =	vld [tilespmem:s26+$0x19C0]  }
0x194: {  	v8 =	vld [tilespmem:s20+$0xFFFFFFFD];
	[tilespmem:s9+$0xF1C0] =	vst v4  }
0x195: {  	[tilespmem:s9+$0xF350] =	vst v3;
	v4 =	vld [tilespmem:s0+$0x19D0]  }
0x196: {  	v3 =	vld [tilespmem:s2+$0x19E0]  }
0x197: {  	v9 =	vld [tilespmem:s20+$0xFFFFFFFE];
	[tilespmem:s9+$0xF240] =	vst v5  }
0x198: {  	v5 =	vld [tilespmem:s24+$0x19D0];
	[tilespmem:s9+$0xF2C0] =	vst v6  }
0x199: {  	(v2sf) =	vpush v7, $0x0;
	v7 =	vld [tilespmem:s26+$0x19D0]  }
0x19a: {  	v6 =	vld [tilespmem:s20+$0xFFFFFFFF];
	[tilespmem:s9+$0xF1D0] =	vst v4  }
0x19b: {  	[tilespmem:s9+$0xF360] =	vst v3;
	v4 =	vld [tilespmem:s0+$0x19E0]  }
0x19c: {  	v3 =	vld [tilespmem:s2+$0x19F0]  }
0x19d: {  	(v2sf) =	vpush v8, $0x0;
	[tilespmem:s9+$0xF250] =	vst v5  }
0x19e: {  	(v2sf) =	vpush v9, $0x0;
	v5 =	vld [tilespmem:s24+$0x19E0];
	[tilespmem:s9+$0xF2D0] =	vst v7  }
0x19f: {  	(v2sf) =	vpush v6, $0x0;
	v6 =	vld [tilespmem:s26+$0x19E0]  }
0x1a0: {  	[tilespmem:s9+$0xF1E0] =	vst v4  }
0x1a1: {  	p0 =	por $0x0, $0x0;
	s4 =	simm.s32 $0x1;
	[tilespmem:s9+$0xF370] =	vst v3;
	v4 =	vld [tilespmem:s0+$0x19F0]  }
0x1a2: {  	s4 =	simm.s32 @!p0 $0x0;
	v3 =	vld [tilespmem:s2+$0x1D80]  }
0x1a3: {  	s4 =	sshll.u32 s4, $0x9;
	[tilespmem:s9+$0xF260] =	vst v5  }
0x1a4: {  	s17 =	sadd.s32 $0x800, s4;
	v5 =	vld [tilespmem:s24+$0x19F0];
	[tilespmem:s9+$0xF2E0] =	vst v6  }
0x1a5: {  	s5 =	sadd.s32 $0x180, s17;
	v6 =	vld [tilespmem:s26+$0x19F0]  }
0x1a6: {  	s21 =	sor.u32 $0x400, s5;
	[tilespmem:s9+$0xF1F0] =	vst v4  }
0x1a7: {  	[tilespmem:s21+$0xF180] =	vst v3;
	v4 =	vld [tilespmem:s0+$0x1D80]  }
0x1a8: {  	v3 =	vld [tilespmem:s2+$0x1D90]  }
0x1a9: {  	s23 =	spop (v2sf);
	[tilespmem:s9+$0xF270] =	vst v5  }
0x1aa: {  	s4 =	sshra.s32 s23, $0x3;
	s10 =	sadd.s32 $0x80, s17;
	s1 =	sor.u32 $0x400, s17;
	v5 =	vld [tilespmem:s24+$0x1D80];
	[tilespmem:s9+$0xF2F0] =	vst v6  }
0x1ab: {  	s6 =	ssub.s32 s4, s19;
	s18 =	sor.u32 $0x410, s17;
	s22 =	sor.u32 $0x410, s5;
	v6 =	vld [tilespmem:s26+$0x1D80]  }
0x1ac: {  	s25 =	sor.u32 $0x400, s10;
	s11 =	sor.u32 $0x420, s5;
	s12 =	sor.u32 $0x410, s10;
	[tilespmem:s1+$0xF180] =	vst v4  }
0x1ad: {  	s13 =	sshll.u32 s6, $0x8;
	s3 =	sshll.u32 s6, $0x7;
	s23 =	sor.u32 $0x430, s5;
	[tilespmem:s22+$0xF180] =	vst v3;
	v4 =	vld [tilespmem:s0+$0x1D90]  }
0x1ae: {  	s15 =	sand.u32 $0xFFFFF800, s13;
	s14 =	spop (v2sf);
	s21 =	sadd.s32 $0x100, s17;
	v3 =	vld [tilespmem:s2+$0x1DA0]  }
0x1af: {  	s3 =	sand.u32 $0x380, s3;
	s4 =	sshra.s32 s14, $0x3;
	s28 =	sor.u32 $0x400, s21;
	[tilespmem:s25+$0xF180] =	vst v5  }
0x1b0: {  	s7 =	sor.u32 s3, s15;
	s16 =	spop (v2sf);
	s15 =	ssub.s32 s4, s19;
	v7 =	vld [tilespmem:s24+$0x1D90];
	[tilespmem:s28+$0xF180] =	vst v6  }
0x1b1: {  	s4 =	simm.s32 $0xC00;
	s6 =	sshll.u32 s15, $0x8;
	s20 =	spop (v2sf);
	v6 =	vld [tilespmem:s26+$0x1D90]  }
0x1b2: {  	s13 =	sor.u32 $0x410, s21;
	s14 =	sshra.s32 s20, $0x3;
	v5 =	vld [tilespmem:s7+$0x1980];
	s22 =	sshra.s32 s16, $0x3;
	[tilespmem:s18+$0xF180] =	vst v4  }
0x1b3: {  	s25 =	sand.u32 $0x7800, s4;
	s1 =	ssub.s32 s14, s19;
	s8 =	ssub.s32 s22, s19;
	[tilespmem:s11+$0xF180] =	vst v3;
	v4 =	vld [tilespmem:s0+$0x1DA0]  }
0x1b4: {  	s20 =	sshll.u32 s1, $0x8;
	s18 =	sshll.u32 s15, $0x7;
	s11 =	simm.s32 $0x600;
	v3 =	vld [tilespmem:s2+$0x1DB0]  }
0x1b5: {  	s22 =	sand.u32 $0xFFFFF800, s6;
	[tilespmem:s12+$0xF180] =	vst v7;
	s3 =	sand.u32 $0x380, s18;
	s28 =	sand.u32 $0x200, s11  }
0x1b6: {  	v7 =	vld [tilespmem:s24+$0x1DA0];
	s3 =	sor.u32 s3, s22;
	s16 =	sor.u32 s28, s25;
	s25 =	sshll.u32 s1, $0x7;
	[tilespmem:s13+$0xF180] =	vst v6  }
0x1b7: {  	s6 =	sand.u32 $0xFFFFF800, s20;
	v6 =	vld [tilespmem:s3+$0x1980];
	s1 =	sor.u32 $0x420, s17;
	[tilespmem:s16+$0xF300] =	vst v5;
	s12 =	sand.u32 $0x380, s25  }
0x1b8: {  	s19 =	sshll.u32 s8, $0x8;
	s8 =	sshll.u32 s8, $0x7;
	v5 =	vld [tilespmem:s7+$0x1990];
	s12 =	sor.u32 s12, s6;
	[tilespmem:s1+$0xF180] =	vst v4  }
0x1b9: {  	s8 =	sand.u32 $0x380, s8;
	v4 =	vld [tilespmem:s12+$0x1980];
	[tilespmem:s23+$0xF180] =	vst v3;
	s23 =	sand.u32 $0xFFFFF800, s19  }
0x1ba: {  	s13 =	sor.u32 $0x420, s10;
	v3 =	vld [tilespmem:s2+$0x1DC0];
	s9 =	sor.u32 s8, s23  }
0x1bb: {  	[tilespmem:s13+$0xF180] =	vst v7;
	v8 =	vld [tilespmem:s9+$0x1980]  }
0x1bc: {  	[tilespmem:s16+$0xF180] =	vst v6;
	v6 =	vld [tilespmem:s26+$0x1DA0]  }
0x1bd: {  	v7 =	vld [tilespmem:s3+$0x1990];
	[tilespmem:s16+$0xF310] =	vst v5  }
0x1be: {  	s28 =	sor.u32 $0x440, s5;
	v5 =	vld [tilespmem:s7+$0x19A0];
	[tilespmem:s16+$0xF280] =	vst v4  }
0x1bf: {  	v4 =	vld [tilespmem:s12+$0x1990];
	[tilespmem:s28+$0xF180] =	vst v3  }
0x1c0: {  	s15 =	sor.u32 $0x420, s21;
	v3 =	vld [tilespmem:s2+$0x1DD0];
	[tilespmem:s16+$0xF200] =	vst v8  }
0x1c1: {  	[tilespmem:s15+$0xF180] =	vst v6;
	v8 =	vld [tilespmem:s9+$0x1990]  }
0x1c2: {  	v6 =	vld [tilespmem:s0+$0x1DB0];
	[tilespmem:s16+$0xF190] =	vst v7  }
0x1c3: {  	v7 =	vld [tilespmem:s3+$0x19A0];
	[tilespmem:s16+$0xF320] =	vst v5  }
0x1c4: {  	s14 =	sor.u32 $0x450, s5;
	v5 =	vld [tilespmem:s7+$0x19B0];
	[tilespmem:s16+$0xF290] =	vst v4  }
0x1c5: {  	v4 =	vld [tilespmem:s12+$0x19A0];
	[tilespmem:s14+$0xF180] =	vst v3  }
0x1c6: {  	s19 =	sor.u32 $0x430, s17;
	v3 =	vld [tilespmem:s2+$0x1DE0];
	[tilespmem:s16+$0xF210] =	vst v8  }
0x1c7: {  	[tilespmem:s19+$0xF180] =	vst v6;
	v8 =	vld [tilespmem:s9+$0x19A0]  }
0x1c8: {  	v6 =	vld [tilespmem:s24+$0x1DB0];
	[tilespmem:s16+$0xF1A0] =	vst v7  }
0x1c9: {  	v7 =	vld [tilespmem:s3+$0x19B0];
	[tilespmem:s16+$0xF330] =	vst v5  }
0x1ca: {  	s18 =	sor.u32 $0x460, s5;
	v5 =	vld [tilespmem:s7+$0x19C0];
	[tilespmem:s16+$0xF2A0] =	vst v4  }
0x1cb: {  	v4 =	vld [tilespmem:s12+$0x19B0];
	[tilespmem:s18+$0xF180] =	vst v3  }
0x1cc: {  	s22 =	sor.u32 $0x430, s10;
	v3 =	vld [tilespmem:s2+$0x1DF0];
	[tilespmem:s16+$0xF220] =	vst v8  }
0x1cd: {  	[tilespmem:s22+$0xF180] =	vst v6;
	v8 =	vld [tilespmem:s9+$0x19B0]  }
0x1ce: {  	v6 =	vld [tilespmem:s0+$0x1DC0];
	[tilespmem:s16+$0xF1B0] =	vst v7  }
0x1cf: {  	v7 =	vld [tilespmem:s3+$0x19C0];
	[tilespmem:s16+$0xF340] =	vst v5  }
0x1d0: {  	s20 =	sor.u32 $0x470, s5;
	v5 =	vld [tilespmem:s7+$0x19D0];
	[tilespmem:s16+$0xF2B0] =	vst v4  }
0x1d1: {  	[tilespmem:s20+$0xF180] =	vst v3;
	v3 =	vld [tilespmem:s26+$0x1DB0]  }
0x1d2: {  	s25 =	sor.u32 $0x440, s17;
	v4 =	vld [tilespmem:s24+$0x1DC0];
	[tilespmem:s16+$0xF230] =	vst v8  }
0x1d3: {  	[tilespmem:s25+$0xF180] =	vst v6;
	v8 =	vld [tilespmem:s9+$0x19C0]  }
0x1d4: {  	v63 =	vld [tilespmem:s12+$0x19C0];
	[tilespmem:s16+$0xF1C0] =	vst v7  }
0x1d5: {  	s31 =	sor.u32 $0x450, s10;
	s23 =	sor.u32 $0x430, s21;
	v6 =	vld [tilespmem:s3+$0x19D0];
	[tilespmem:s16+$0xF350] =	vst v5  }
0x1d6: {  	s30 =	sor.u32 $0x450, s21;
	s29 =	sor.u32 $0x460, s21;
	s28 =	sor.u32 $0x440, s10;
	v5 =	vld [tilespmem:s7+$0x19E0];
	[tilespmem:s23+$0xF180] =	vst v3  }
0x1d7: {  	s1 =	sor.u32 $0x470, s17;
	s13 =	sor.u32 $0x470, s21;
	s8 =	simm.s32 $0xC;
	[tilespmem:s28+$0xF180] =	vst v4;
	v3 =	vld [tilespmem:s26+$0x1DC0]  }
0x1d8: {  	s15 =	sor.u32 $0x470, s10;
	s19 =	sor.u32 $0x460, s10;
	s14 =	sor.u32 $0x440, s21;
	v4 =	vld [tilespmem:s0+$0x1DD0];
	[tilespmem:s16+$0xF240] =	vst v8  }
0x1d9: {  	s21 =	simm.s32 $0x93;
	s22 =	sor.u32 $0x450, s17;
	s20 =	sor.u32 $0x460, s17;
	[tilespmem:s16+$0xF2C0] =	vst v63;
	v7 =	vld [tilespmem:s9+$0x19D0]  }
.LBB2_6:
0x1da: {  	_ = 	snop  }
0x1db: {  	v8 =	vld [tilespmem:s21+$0x0];
	[tilespmem:s16+$0xF360] =	vst v5  }
0x1dc: {  	[tilespmem:s14+$0xF180] =	vst v3;
	v3 =	vld [tilespmem:s21+$0xFFFFFFFD]  }
0x1dd: {  	[tilespmem:s16+$0xF1D0] =	vst v6;
	v6 =	vld [tilespmem:s21+$0xFFFFFFFE]  }
0x1de: {  	v5 =	vld [tilespmem:s7+$0x19F0]  }
0x1df: {  	p0 =	por !p0, !p0;
	s2 =	simm.s32 $0x1;
	[tilespmem:s16+$0xF250] =	vst v7;
	v7 =	vld [tilespmem:s21+$0xFFFFFFFF]  }
0x1e0: {  	s2 =	simm.s32 @!p0 $0x0;
	[tilespmem:s22+$0xF180] =	vst v4;
	v4 =	vld [tilespmem:s12+$0x19D0]  }
0x1e1: {  	s2 =	sshll.u32 s2, $0x9  }
0x1e2: {  	s10 =	sadd.s32 s2, s4;
	(v2sf) =	vpush v8, $0x0;
	v8 =	vld [tilespmem:s3+$0x19E0]  }
0x1e3: {  	[smem:$0x7D7] =	sst s13;
	s13 =	sadd.s32 $0x80, s10;
	(v2sf) =	vpush v3, $0x0;
	[tilespmem:s16+$0xF370] =	vst v5;
	v5 =	vld [tilespmem:s9+$0x19E0]  }
0x1e4: {  	[smem:$0x7D2] =	sst s15;
	s5 =	sor.u32 $0x410, s13;
	(v2sf) =	vpush v6, $0x0;
	v3 =	vld [tilespmem:s7+$0x1D80]  }
0x1e5: {  	s22 =	sadd.s32 $0x100, s10;
	s17 =	sor.u32 $0x420, s13;
	[smem:$0x7D1] =	sst s5;
	v6 =	vld [tilespmem:s24+$0x1DD0];
	[tilespmem:s16+$0xF2D0] =	vst v4;
	(v2sf) =	vpush v7, $0x0  }
0x1e6: {  	s11 =	sadd.s32 $0x200, s11;
	s6 =	sor.u32 $0x410, s22;
	[smem:$0x7D6] =	sst s17;
	v4 =	vld [tilespmem:s26+$0x1DD0]  }
0x1e7: {  	s23 =	sadd.s32 $0x180, s10;
	s18 =	sor.u32 $0x420, s22;
	[smem:$0x7D3] =	sst s6;
	[tilespmem:s16+$0xF1E0] =	vst v8;
	v7 =	vld [tilespmem:s12+$0x19E0]  }
0x1e8: {  	s28 =	sor.u32 $0x400, s23;
	s17 =	sor.u32 $0x430, s22;
	[smem:$0x7D9] =	sst s18;
	v8 =	vld [tilespmem:s3+$0x19F0];
	[tilespmem:s16+$0xF260] =	vst v5  }
0x1e9: {  	s4 =	sadd.s32 $0x400, s4;
	s6 =	sor.u32 $0x430, s13;
	[smem:$0x7DC] =	sst s17;
	[tilespmem:s28+$0xF180] =	vst v3;
	v5 =	vld [tilespmem:s9+$0x19F0]  }
0x1ea: {  	s15 =	sor.u32 $0x400, s10;
	s18 =	sor.u32 $0x430, s10;
	[smem:$0x7DB] =	sst s6;
	[tilespmem:s31+$0xF180] =	vst v6;
	v6 =	vld [tilespmem:s0+$0x1DE0]  }
0x1eb: {  	s25 =	sor.u32 $0x400, s13;
	s17 =	sor.u32 $0x440, s10;
	[smem:$0x7DA] =	sst s18;
	[tilespmem:s30+$0xF180] =	vst v4;
	v3 =	vld [tilespmem:s7+$0x1D90]  }
0x1ec: {  	s14 =	sor.u32 $0x400, s22;
	[smem:$0x7DD] =	sst s17;
	s18 =	sor.u32 $0x450, s10;
	[tilespmem:s16+$0xF2E0] =	vst v7;
	v4 =	vld [tilespmem:s24+$0x1DE0]  }
0x1ed: {  	s5 =	sor.u32 $0x410, s10;
	[smem:$0x7D8] =	sst s18;
	s28 =	sor.u32 $0x420, s10;
	[tilespmem:s16+$0xF1F0] =	vst v8;
	v7 =	vld [tilespmem:s12+$0x19F0]  }
0x1ee: {  	s6 =	sor.u32 $0x440, s22;
	[smem:$0x7D4] =	sst s28;
	s28 =	sor.u32 $0x440, s13;
	v8 =	vld [tilespmem:s3+$0x1D80];
	[tilespmem:s16+$0xF270] =	vst v5  }
0x1ef: {  	s18 =	sor.u32 $0x460, s10;
	[smem:$0x7DE] =	sst s28;
	s28 =	sor.u32 $0x410, s23;
	[tilespmem:s20+$0xF180] =	vst v6;
	v5 =	vld [tilespmem:s9+$0x1D80]  }
0x1f0: {  	s17 =	sor.u32 $0x460, s13;
	[smem:$0x7D5] =	sst s6;
	s6 =	smov.u32 s18;
	[tilespmem:s28+$0xF180] =	vst v3;
	v6 =	vld [tilespmem:s0+$0x1DF0]  }
0x1f1: {  	s20 =	smov.u32 s17;
	s28 =	spop (v2sf);
	[tilespmem:s19+$0xF180] =	vst v4;
	s0 =	smov.u32 s3;
	v3 =	vld [tilespmem:s7+$0x1DA0]  }
0x1f2: {  	v4 =	vld [tilespmem:s26+$0x1DE0];
	s19 =	rddreg [dreg:$0x4];
	s28 =	sshra.s32 s28, $0x3;
	[tilespmem:s16+$0xF2F0] =	vst v7;
	s18 =	spop (v2sf)  }
0x1f3: {  	[tilespmem:s15+$0xF180] =	vst v8;
	s15 =	sor.u32 $0x420, s23;
	s28 =	ssub.s32 s28, s19;
	s16 =	spop (v2sf)  }
0x1f4: {  	v7 =	vld [tilespmem:s12+$0x1D80];
	s17 =	sshll.u32 s28, $0x8;
	s3 =	sshll.u32 s28, $0x7;
	s28 =	spop (v2sf);
	[tilespmem:s25+$0xF180] =	vst v5  }
0x1f5: {  	v8 =	vld [tilespmem:s0+$0x1D90];
	s17 =	sand.u32 $0xFFFFF800, s17;
	s3 =	sand.u32 $0x380, s3;
	s16 =	sshra.s32 s16, $0x3;
	[tilespmem:s1+$0xF180] =	vst v6  }
0x1f6: {  	s25 =	sor.u32 s3, s17;
	s1 =	sand.u32 $0x200, s11;
	[tilespmem:s15+$0xF180] =	vst v3;
	s15 =	sshra.s32 s18, $0x3;
	v6 =	vld [tilespmem:s24+$0x1DF0]  }
0x1f7: {  	s18 =	sshra.s32 s28, $0x3;
	s24 =	sand.u32 $0x7800, s4;
	v3 =	vld [tilespmem:s7+$0x1DB0];
	s28 =	ssub.s32 s15, s19  }
0x1f8: {  	v5 =	vld [tilespmem:s9+$0x1D90];
	s15 =	ssub.s32 s16, s19;
	s17 =	ssub.s32 s18, s19;
	s19 =	smov.u32 s20  }
0x1f9: {  	[tilespmem:s29+$0xF180] =	vst v4;
	s20 =	smov.u32 s6;
	v4 =	vld [tilespmem:s25+$0x1980];
	s16 =	sor.u32 $0x430, s23;
	s18 =	sshll.u32 s28, $0x8  }
0x1fa: {  	[tilespmem:s14+$0xF180] =	vst v7;
	s6 =	sshll.u32 s17, $0x8;
	s14 =	sshll.u32 s17, $0x7;
	s17 =	sld [smem:$0x7D1]  }
0x1fb: {  	[tilespmem:s5+$0xF180] =	vst v8;
	s3 =	sshll.u32 s28, $0x7;
	s28 =	sshll.u32 s15, $0x8;
	s15 =	sshll.u32 s15, $0x7  }
0x1fc: {  	v7 =	vld [tilespmem:s12+$0x1D90];
	[tilespmem:s16+$0xF180] =	vst v3;
	s16 =	sor.u32 s1, s24;
	s24 =	sand.u32 $0xFFFFF800, s28;
	s28 =	sld [smem:$0x7D2]  }
0x1fd: {  	v8 =	vld [tilespmem:s0+$0x1DA0];
	s18 =	sand.u32 $0xFFFFF800, s18;
	s3 =	sand.u32 $0x380, s3;
	s15 =	sand.u32 $0x380, s15;
	[tilespmem:s17+$0xF180] =	vst v5  }
0x1fe: {  	s3 =	sor.u32 s3, s18;
	v3 =	vld [tilespmem:s7+$0x1DC0];
	[tilespmem:s16+$0xF300] =	vst v4;
	s18 =	sor.u32 s15, s24;
	s24 =	sld [smem:$0x7D3]  }
0x1ff: {  	v4 =	vld [tilespmem:s9+$0x1DA0];
	[tilespmem:s28+$0xF180] =	vst v6;
	s28 =	sld [smem:$0x7D4]  }
0x200: {  	v5 =	vld [tilespmem:s25+$0x1990]  }
0x201: {  	s5 =	sand.u32 $0xFFFFF800, s6;
	s6 =	sand.u32 $0x380, s14;
	s17 =	sld [smem:$0x7D6];
	[tilespmem:s24+$0xF180] =	vst v7;
	v7 =	vld [tilespmem:s3+$0x1980]  }
0x202: {  	s5 =	sor.u32 s6, s5;
	s6 =	sor.u32 $0x440, s23;
	v6 =	vld [tilespmem:s26+$0x1DF0];
	[tilespmem:s28+$0xF180] =	vst v8  }
0x203: {  	s26 =	smov.u32 s12;
	s12 =	smov.u32 s5;
	v8 =	vld [tilespmem:s18+$0x1980];
	[tilespmem:s6+$0xF180] =	vst v3  }
0x204: {  	s24 =	smov.u32 s9;
	s9 =	smov.u32 s18;
	[tilespmem:s17+$0xF180] =	vst v4;
	v4 =	vld [tilespmem:s12+$0x1980];
	s18 =	sld [smem:$0x7D7]  }
0x205: {  	v3 =	vld [tilespmem:s7+$0x1DD0];
	[tilespmem:s16+$0xF310] =	vst v5  }
0x206: {  	v5 =	vld [tilespmem:s25+$0x19A0];
	[tilespmem:s16+$0xF180] =	vst v7  }
0x207: {  	[tilespmem:s18+$0xF180] =	vst v6;
	v7 =	vld [tilespmem:s3+$0x1990]  }
0x208: {  	v6 =	vld [tilespmem:s26+$0x1DA0];
	[tilespmem:s16+$0xF200] =	vst v8  }
0x209: {  	s28 =	sor.u32 $0x450, s23;
	[tilespmem:s16+$0xF280] =	vst v4;
	v8 =	vld [tilespmem:s9+$0x1990]  }
0x20a: {  	s5 =	sld [smem:$0x7D9];
	[tilespmem:s28+$0xF180] =	vst v3;
	v4 =	vld [tilespmem:s12+$0x1990]  }
0x20b: {  	v3 =	vld [tilespmem:s7+$0x1DE0];
	[tilespmem:s16+$0xF320] =	vst v5  }
0x20c: {  	v5 =	vld [tilespmem:s25+$0x19B0];
	[tilespmem:s16+$0xF190] =	vst v7  }
0x20d: {  	[tilespmem:s5+$0xF180] =	vst v6;
	v6 =	vld [tilespmem:s0+$0x1DB0]  }
0x20e: {  	s10 =	sor.u32 $0x470, s10;
	v7 =	vld [tilespmem:s3+$0x19A0];
	[tilespmem:s16+$0xF210] =	vst v8  }
0x20f: {  	s1 =	smov.u32 s10;
	s10 =	sld [smem:$0x7DA];
	s6 =	sor.u32 $0x460, s23;
	[tilespmem:s16+$0xF290] =	vst v4;
	v8 =	vld [tilespmem:s9+$0x19A0]  }
0x210: {  	[tilespmem:s6+$0xF180] =	vst v3;
	v4 =	vld [tilespmem:s12+$0x19A0]  }
0x211: {  	v3 =	vld [tilespmem:s7+$0x1DF0];
	[tilespmem:s16+$0xF330] =	vst v5  }
0x212: {  	s7 =	smov.u32 s25;
	[tilespmem:s10+$0xF180] =	vst v6  }
0x213: {  	v5 =	vld [tilespmem:s7+$0x19C0];
	[tilespmem:s16+$0xF1A0] =	vst v7  }
0x214: {  	v7 =	vld [tilespmem:s3+$0x19B0]  }
0x215: {  	v6 =	vld [tilespmem:s24+$0x1DB0];
	[tilespmem:s16+$0xF220] =	vst v8  }
0x216: {  	s17 =	sor.u32 $0x470, s23;
	[tilespmem:s16+$0xF2A0] =	vst v4;
	v8 =	vld [tilespmem:s9+$0x19B0]  }
0x217: {  	s18 =	sld [smem:$0x7DB];
	[tilespmem:s17+$0xF180] =	vst v3;
	v3 =	vld [tilespmem:s26+$0x1DB0]  }
0x218: {  	v4 =	vld [tilespmem:s12+$0x19B0];
	[tilespmem:s16+$0xF340] =	vst v5  }
0x219: {  	s23 =	sld [smem:$0x7DC];
	v5 =	vld [tilespmem:s7+$0x19D0];
	[tilespmem:s16+$0xF1B0] =	vst v7  }
0x21a: {  	[tilespmem:s18+$0xF180] =	vst v6;
	v6 =	vld [tilespmem:s0+$0x1DC0]  }
0x21b: {  	v7 =	vld [tilespmem:s3+$0x19C0];
	[tilespmem:s16+$0xF230] =	vst v8  }
0x21c: {  	s25 =	sld [smem:$0x7DD];
	[tilespmem:s23+$0xF180] =	vst v3;
	v8 =	vld [tilespmem:s9+$0x19C0]  }
0x21d: {  	s8 =	sadd.s32 $0x4, s8;
	[tilespmem:s16+$0xF2B0] =	vst v4;
	v4 =	vld [tilespmem:s24+$0x1DC0]  }
0x21e: {  	p1 =	slt.u32 s8, $0x7C;
	v9 =	vld [tilespmem:s12+$0x19C0];
	[tilespmem:s16+$0xF350] =	vst v5  }
.Ltmp2:
0x21f: {  	s28 =	sld [smem:$0x7DE];
	v3 =	vld [tilespmem:s26+$0x1DC0];
	[tilespmem:s25+$0xF180] =	vst v6;
	(pc) =	sbr.rel @p1 .LBB2_6-.Ltmp2, $4  }
0x220: {  	s21 =	sadd.s32 $0x4, s21;
	s2 =	sor.u32 $0x460, s22;
	v5 =	vld [tilespmem:s7+$0x19E0];
	[tilespmem:s16+$0xF1C0] =	vst v7  }
0x221: {  	s31 =	sor.u32 $0x450, s13;
	s30 =	sor.u32 $0x450, s22;
	s22 =	sor.u32 $0x470, s22;
	[tilespmem:s16+$0xF240] =	vst v8;
	v6 =	vld [tilespmem:s3+$0x19D0]  }
0x222: {  	s13 =	sor.u32 $0x470, s13;
	s29 =	smov.u32 s2;
	s14 =	sld [smem:$0x7D5];
	v7 =	vld [tilespmem:s9+$0x19D0];
	[tilespmem:s28+$0xF180] =	vst v4  }
0x223: {  	s15 =	smov.u32 s13;
	s13 =	smov.u32 s22;
	s22 =	sld [smem:$0x7D8];
	[tilespmem:s16+$0xF2C0] =	vst v9;
	v4 =	vld [tilespmem:s0+$0x1DD0]  }
0x224: {  	v8 =	vld [tilespmem:s12+$0x19D0];
	_ =	sdelay $0x2  }
0x225: {  	[tilespmem:s16+$0xF1D0] =	vst v6  }
0x226: {  	[tilespmem:s16+$0xF250] =	vst v7;
	v6 =	vld [tilespmem:s3+$0x19E0]  }
0x227: {  	v7 =	vld [tilespmem:s9+$0x19E0];
	[tilespmem:s16+$0xF2D0] =	vst v8  }
0x228: {  	v8 =	vld [tilespmem:s12+$0x19E0]  }
0x229: {  	[tilespmem:s16+$0xF360] =	vst v5  }
0x22a: {  	v5 =	vld [tilespmem:s7+$0x19F0]  }
0x22b: {  	[tilespmem:s16+$0xF1E0] =	vst v6  }
0x22c: {  	v6 =	vld [tilespmem:s3+$0x19F0];
	[tilespmem:s16+$0xF260] =	vst v7  }
0x22d: {  	v7 =	vld [tilespmem:s9+$0x19F0];
	[tilespmem:s16+$0xF2E0] =	vst v8  }
0x22e: {  	v8 =	vld [tilespmem:s12+$0x19F0]  }
0x22f: {  	p0 =	por !p0, !p0;
	s2 =	simm.s32 $0x1;
	[tilespmem:s16+$0xF370] =	vst v5  }
0x230: {  	s2 =	simm.s32 @!p0 $0x0;
	v5 =	vld [tilespmem:s7+$0x1D80]  }
0x231: {  	s2 =	sshll.u32 s2, $0x9;
	[tilespmem:s16+$0xF1F0] =	vst v6  }
0x232: {  	s2 =	sadd.s32 s2, s4;
	v6 =	vld [tilespmem:s3+$0x1D80];
	[tilespmem:s16+$0xF270] =	vst v7  }
0x233: {  	s8 =	sadd.s32 $0x180, s2;
	v7 =	vld [tilespmem:s9+$0x1D80];
	[tilespmem:s16+$0xF2F0] =	vst v8  }
0x234: {  	s5 =	sor.u32 $0x400, s8;
	v8 =	vld [tilespmem:s12+$0x1D80]  }
0x235: {  	[tilespmem:s5+$0xF180] =	vst v5  }
0x236: {  	s4 =	sadd.s32 $0x80, s2;
	s10 =	sor.u32 $0x400, s2;
	v5 =	vld [tilespmem:s7+$0x1D90]  }
0x237: {  	s11 =	sadd.s32 $0x100, s2;
	s25 =	sor.u32 $0x400, s4;
	[tilespmem:s10+$0xF180] =	vst v6  }
0x238: {  	s6 =	sor.u32 $0x400, s11;
	[tilespmem:s25+$0xF180] =	vst v7;
	v6 =	vld [tilespmem:s3+$0x1D90]  }
0x239: {  	v7 =	vld [tilespmem:s9+$0x1D90];
	[tilespmem:s6+$0xF180] =	vst v8  }
0x23a: {  	s10 =	sor.u32 $0x410, s8;
	v8 =	vld [tilespmem:s12+$0x1D90]  }
0x23b: {  	[tilespmem:s10+$0xF180] =	vst v5  }
0x23c: {  	s16 =	sor.u32 $0x410, s2;
	v5 =	vld [tilespmem:s7+$0x1DA0]  }
0x23d: {  	s17 =	sor.u32 $0x410, s4;
	[tilespmem:s16+$0xF180] =	vst v6  }
0x23e: {  	s18 =	sor.u32 $0x410, s11;
	[tilespmem:s17+$0xF180] =	vst v7;
	v6 =	vld [tilespmem:s3+$0x1DA0]  }
0x23f: {  	v7 =	vld [tilespmem:s9+$0x1DA0];
	[tilespmem:s18+$0xF180] =	vst v8  }
0x240: {  	s21 =	sor.u32 $0x420, s8;
	v8 =	vld [tilespmem:s12+$0x1DA0]  }
0x241: {  	[tilespmem:s21+$0xF180] =	vst v5  }
0x242: {  	[tilespmem:s14+$0xF180] =	vst v3;
	s23 =	sor.u32 $0x420, s2;
	v5 =	vld [tilespmem:s7+$0x1DB0]  }
0x243: {  	s25 =	sor.u32 $0x420, s4;
	[tilespmem:s23+$0xF180] =	vst v6  }
0x244: {  	s6 =	sor.u32 $0x420, s11;
	[tilespmem:s25+$0xF180] =	vst v7;
	v6 =	vld [tilespmem:s3+$0x1DB0]  }
0x245: {  	v7 =	vld [tilespmem:s9+$0x1DB0];
	[tilespmem:s6+$0xF180] =	vst v8  }
0x246: {  	[tilespmem:s22+$0xF180] =	vst v4;
	s10 =	sor.u32 $0x430, s8;
	v3 =	vld [tilespmem:s12+$0x1DB0]  }
0x247: {  	v4 =	vld [tilespmem:s24+$0x1DD0];
	[tilespmem:s10+$0xF180] =	vst v5  }
0x248: {  	s14 =	sor.u32 $0x430, s2;
	v5 =	vld [tilespmem:s7+$0x1DC0]  }
0x249: {  	s16 =	sor.u32 $0x430, s4;
	v8 =	vld [tilespmem:s26+$0x1DD0];
	[tilespmem:s14+$0xF180] =	vst v6  }
0x24a: {  	s17 =	sor.u32 $0x430, s11;
	[tilespmem:s16+$0xF180] =	vst v7;
	v6 =	vld [tilespmem:s3+$0x1DC0]  }
0x24b: {  	[tilespmem:s17+$0xF180] =	vst v3;
	v3 =	vld [tilespmem:s9+$0x1DC0]  }
0x24c: {  	[tilespmem:s31+$0xF180] =	vst v4;
	s18 =	sor.u32 $0x440, s8;
	v4 =	vld [tilespmem:s12+$0x1DC0]  }
0x24d: {  	v7 =	vld [tilespmem:s0+$0x1DE0];
	[tilespmem:s18+$0xF180] =	vst v5  }
0x24e: {  	s21 =	sor.u32 $0x440, s2;
	[tilespmem:s30+$0xF180] =	vst v8;
	v8 =	vld [tilespmem:s24+$0x1DE0]  }
0x24f: {  	s22 =	sor.u32 $0x440, s4;
	v5 =	vld [tilespmem:s7+$0x1DD0];
	[tilespmem:s21+$0xF180] =	vst v6  }
0x250: {  	s23 =	sor.u32 $0x440, s11;
	[tilespmem:s22+$0xF180] =	vst v3;
	v3 =	vld [tilespmem:s3+$0x1DD0]  }
0x251: {  	[tilespmem:s23+$0xF180] =	vst v4;
	v4 =	vld [tilespmem:s9+$0x1DD0]  }
0x252: {  	[tilespmem:s20+$0xF180] =	vst v7;
	v6 =	vld [tilespmem:s12+$0x1DD0]  }
0x253: {  	s25 =	sor.u32 $0x450, s8;
	v7 =	vld [tilespmem:s26+$0x1DE0];
	[tilespmem:s19+$0xF180] =	vst v8  }
0x254: {  	s6 =	sor.u32 $0x450, s2;
	v8 =	vld [tilespmem:s0+$0x1DF0];
	[tilespmem:s25+$0xF180] =	vst v5  }
0x255: {  	s14 =	sor.u32 $0x450, s4;
	v5 =	vld [tilespmem:s7+$0x1DE0];
	[tilespmem:s6+$0xF180] =	vst v3  }
0x256: {  	s16 =	sor.u32 $0x450, s11;
	[tilespmem:s14+$0xF180] =	vst v4;
	v3 =	vld [tilespmem:s3+$0x1DE0]  }
0x257: {  	[tilespmem:s16+$0xF180] =	vst v6;
	v4 =	vld [tilespmem:s9+$0x1DE0]  }
0x258: {  	[tilespmem:s29+$0xF180] =	vst v7;
	v6 =	vld [tilespmem:s12+$0x1DE0]  }
0x259: {  	s17 =	sor.u32 $0x460, s8;
	v7 =	vld [tilespmem:s24+$0x1DF0];
	[tilespmem:s1+$0xF180] =	vst v8  }
0x25a: {  	s18 =	sor.u32 $0x460, s2;
	v8 =	vld [tilespmem:s26+$0x1DF0];
	[tilespmem:s17+$0xF180] =	vst v5  }
0x25b: {  	s19 =	sor.u32 $0x460, s4;
	v5 =	vld [tilespmem:s7+$0x1DF0];
	[tilespmem:s18+$0xF180] =	vst v3  }
0x25c: {  	s20 =	sor.u32 $0x460, s11;
	[tilespmem:s19+$0xF180] =	vst v4;
	v3 =	vld [tilespmem:s3+$0x1DF0]  }
0x25d: {  	[tilespmem:s20+$0xF180] =	vst v6;
	v4 =	vld [tilespmem:s9+$0x1DF0]  }
0x25e: {  	[tilespmem:s15+$0xF180] =	vst v7;
	v6 =	vld [tilespmem:s12+$0x1DF0]  }
0x25f: {  	s21 =	sor.u32 $0x470, s8;
	[tilespmem:s13+$0xF180] =	vst v8  }
0x260: {  	s22 =	sor.u32 $0x470, s2;
	[tilespmem:s21+$0xF180] =	vst v5  }
0x261: {  	s23 =	sor.u32 $0x470, s4;
	[tilespmem:s22+$0xF180] =	vst v3  }
0x262: {  	s24 =	sor.u32 $0x470, s11;
	[tilespmem:s23+$0xF180] =	vst v4  }
0x263: {  	s25 =	simm.s32 $0x1;
	[tilespmem:s24+$0xF180] =	vst v6  }
0x264: {  	_ =	swait.ge [sflag:s25], $0x800  }
0x265: {  	s2 =	sld [smem:$0x7F5]  }
0x266: {  	[sflag:s25] =	ssyncset.done $0x0  }
0x267: {  	s26 =	simm.s32 $0x0;
	s3 =	simm.s32 $0x7180;
	[sflag:s25] =	ssyncadd.s32 $0xFFFFF800  }
0x268: {  	[hbm4b:s2+s26] =	stream.linear.scatter [tilespmem:s3], [sflag:$0x4], $0x8000, $0x38;
	[tilespmem:$0x1F180] =	vst v63  }
0x269: {  	v3 =	vld.msk [tilespmem:$0x100], $0xff;
	_ =	sdelay $0x4  }
0x26a: {  	v4 =	vshll.u32 v3, $0x1  }
0x26b: {  	v3 =	vand.u32 $0x7, v3;
	v4 =	vand.u32 $0xFFFFFFF0, v4  }
0x26c: {  	v3 =	vor.u32 v3, v4  }
0x26d: {  	v3 =	vperm.xlane v3, v0;
	_ =	sdelay $0x1  }
0x26e: {  	v3 =	vadd.s32 v2, v3;
	_ =	sdelay $0x1  }
0x26f: {  	s4 =	sld [smem:$0x7F2];
	_ =	sdelay $0x1  }
0x270: {  	s5 =	simm.s32 $0x17180;
	s6 =	simm.s32 $0x10B  }
0x271: {  	[tilespmem:s5], [sflag:$0x3] =	stream.indirect_vreg.gather [hbm4b:s4+s26], $0x80, v3, vm0, $0xb8;
	[tilespmem:$0x1F180] =	vst v63  }
0x272: {  	v3 =	vld [tilespmem:s6+$0x0];
	_ =	sdelay $0x4  }
0x273: {  	(v2sf) =	vpush v3, $0x0  }
0x274: {  	v3 =	vld [tilespmem:s6+$0xFFFFFFFD];
	_ =	sdelay $0x1  }
0x275: {  	v4 =	vld [tilespmem:s6+$0xFFFFFFFE];
	_ =	sdelay $0x2  }
0x276: {  	v5 =	vld [tilespmem:s6+$0xFFFFFFFF];
	(v2sf) =	vpush v3, $0x0;
	_ =	sdelay $0x1  }
0x277: {  	(v2sf) =	vpush v4, $0x0;
	_ =	sdelay $0x2  }
0x278: {  	(v2sf) =	vpush v5, $0x0;
	_ =	sdelay $0x3  }
0x279: {  	s7 =	spop (v2sf)  }
0x27a: {  	s19 =	rddreg [dreg:$0x4];
	s0 =	sshra.s32 s7, $0x3  }
0x27b: {  	s0 =	ssub.s32 s0, s19  }
0x27c: {  	s8 =	sshll.u32 s0, $0x8;
	s0 =	sshll.u32 s0, $0x7  }
0x27d: {  	s1 =	sand.u32 $0xFFFFF800, s8;
	s0 =	sand.u32 $0x380, s0  }
0x27e: {  	s10 =	simm.s32 $0x400;
	s9 =	simm.s32 $0x800;
	s2 =	sor.u32 s0, s1  }
0x27f: {  	s0 =	sand.u32 $0x7800, s9;
	s1 =	sand.u32 $0x200, s10;
	s12 =	spop (v2sf)  }
0x280: {  	v3 =	vld [tilespmem:s2+$0x1980];
	s11 =	sor.u32 s1, s0;
	s0 =	sshra.s32 s12, $0x3  }
0x281: {  	s14 =	spop (v2sf);
	s0 =	ssub.s32 s0, s19  }
0x282: {  	s13 =	sadd.s32 $0x17180, s11;
	s15 =	sshll.u32 s0, $0x8;
	s0 =	sshll.u32 s0, $0x7  }
0x283: {  	s1 =	sshra.s32 s14, $0x3;
	s5 =	sand.u32 $0xFFFFF800, s15;
	s0 =	sand.u32 $0x380, s0  }
0x284: {  	s6 =	spop (v2sf);
	s1 =	ssub.s32 s1, s19;
	s0 =	sor.u32 s0, s5  }
0x285: {  	s16 =	sshra.s32 s6, $0x3;
	s17 =	sshll.u32 s1, $0x8;
	s1 =	sshll.u32 s1, $0x7;
	[tilespmem:s13+$0x180] =	vst v3;
	v4 =	vld [tilespmem:s0+$0x1980]  }
0x286: {  	s5 =	ssub.s32 s16, s19;
	s6 =	sand.u32 $0xFFFFF800, s17;
	s1 =	sand.u32 $0x380, s1;
	v3 =	vld [tilespmem:s2+$0x1990]  }
0x287: {  	s18 =	sshll.u32 s5, $0x8;
	s5 =	sshll.u32 s5, $0x7;
	s24 =	sor.u32 s1, s6  }
0x288: {  	s20 =	sand.u32 $0xFFFFF800, s18;
	s5 =	sand.u32 $0x380, s5;
	v5 =	vld [tilespmem:s24+$0x1980]  }
0x289: {  	s28 =	sor.u32 s5, s20  }
0x28a: {  	v6 =	vld [tilespmem:s28+$0x1980];
	[tilespmem:s11+$0x17180] =	vst v4  }
0x28b: {  	[tilespmem:s13+$0x190] =	vst v3;
	v4 =	vld [tilespmem:s0+$0x1990]  }
0x28c: {  	v3 =	vld [tilespmem:s2+$0x19A0]  }
0x28d: {  	[tilespmem:s13+$0x80] =	vst v5  }
0x28e: {  	v5 =	vld [tilespmem:s24+$0x1990]  }
0x28f: {  	[tilespmem:s13+$0x100] =	vst v6  }
0x290: {  	v6 =	vld [tilespmem:s28+$0x1990];
	[tilespmem:s13+$0x10] =	vst v4  }
0x291: {  	[tilespmem:s13+$0x1A0] =	vst v3;
	v4 =	vld [tilespmem:s0+$0x19A0]  }
0x292: {  	v3 =	vld [tilespmem:s2+$0x19B0]  }
0x293: {  	[tilespmem:s13+$0x90] =	vst v5  }
0x294: {  	v5 =	vld [tilespmem:s24+$0x19A0]  }
0x295: {  	[tilespmem:s13+$0x110] =	vst v6  }
0x296: {  	v6 =	vld [tilespmem:s28+$0x19A0];
	[tilespmem:s13+$0x20] =	vst v4  }
0x297: {  	[tilespmem:s13+$0x1B0] =	vst v3;
	v4 =	vld [tilespmem:s0+$0x19B0]  }
0x298: {  	v3 =	vld [tilespmem:s2+$0x19C0]  }
0x299: {  	[tilespmem:s13+$0xA0] =	vst v5  }
0x29a: {  	v5 =	vld [tilespmem:s24+$0x19B0]  }
0x29b: {  	[tilespmem:s13+$0x120] =	vst v6  }
0x29c: {  	v6 =	vld [tilespmem:s28+$0x19B0];
	[tilespmem:s13+$0x30] =	vst v4  }
0x29d: {  	[tilespmem:s13+$0x1C0] =	vst v3;
	v4 =	vld [tilespmem:s0+$0x19C0]  }
0x29e: {  	s21 =	simm.s32 $0x10F;
	v3 =	vld [tilespmem:s2+$0x19D0]  }
0x29f: {  	v7 =	vld [tilespmem:s21+$0x0];
	[tilespmem:s13+$0xB0] =	vst v5  }
0x2a0: {  	v5 =	vld [tilespmem:s24+$0x19C0]  }
0x2a1: {  	v8 =	vld [tilespmem:s21+$0xFFFFFFFD];
	[tilespmem:s13+$0x130] =	vst v6  }
0x2a2: {  	v6 =	vld [tilespmem:s28+$0x19C0];
	[tilespmem:s13+$0x40] =	vst v4  }
0x2a3: {  	[tilespmem:s13+$0x1D0] =	vst v3;
	v4 =	vld [tilespmem:s0+$0x19D0]  }
0x2a4: {  	v3 =	vld [tilespmem:s2+$0x19E0]  }
0x2a5: {  	v9 =	vld [tilespmem:s21+$0xFFFFFFFE];
	[tilespmem:s13+$0xC0] =	vst v5  }
0x2a6: {  	v5 =	vld [tilespmem:s24+$0x19D0]  }
0x2a7: {  	[tilespmem:s13+$0x140] =	vst v6;
	v6 =	vld [tilespmem:s21+$0xFFFFFFFF]  }
0x2a8: {  	(v2sf) =	vpush v7, $0x0;
	v7 =	vld [tilespmem:s28+$0x19D0];
	[tilespmem:s13+$0x50] =	vst v4  }
0x2a9: {  	[tilespmem:s13+$0x1E0] =	vst v3;
	v4 =	vld [tilespmem:s0+$0x19E0]  }
0x2aa: {  	v3 =	vld [tilespmem:s2+$0x19F0];
	_ =	sdelay $0x1  }
0x2ab: {  	(v2sf) =	vpush v8, $0x0;
	[tilespmem:s13+$0xD0] =	vst v5  }
0x2ac: {  	(v2sf) =	vpush v9, $0x0;
	v5 =	vld [tilespmem:s24+$0x19E0];
	[tilespmem:s13+$0x150] =	vst v7  }
0x2ad: {  	(v2sf) =	vpush v6, $0x0;
	v6 =	vld [tilespmem:s28+$0x19E0];
	[tilespmem:s13+$0x60] =	vst v4  }
0x2ae: {  	p0 =	por $0x0, $0x0;
	s4 =	simm.s32 $0x1;
	[tilespmem:s13+$0x1F0] =	vst v3;
	v4 =	vld [tilespmem:s0+$0x19F0]  }
0x2af: {  	s4 =	simm.s32 @!p0 $0x0;
	v3 =	vld [tilespmem:s2+$0x1D80]  }
0x2b0: {  	s4 =	sshll.u32 s4, $0x9  }
0x2b1: {  	s17 =	sadd.s32 $0x800, s4;
	[tilespmem:s13+$0xE0] =	vst v5  }
0x2b2: {  	s5 =	sadd.s32 $0x180, s17;
	v5 =	vld [tilespmem:s24+$0x19F0];
	[tilespmem:s13+$0x160] =	vst v6  }
0x2b3: {  	s22 =	sor.u32 $0x400, s5;
	v6 =	vld [tilespmem:s28+$0x19F0];
	[tilespmem:s13+$0x70] =	vst v4  }
0x2b4: {  	[tilespmem:s22+$0x17180] =	vst v3;
	v4 =	vld [tilespmem:s0+$0x1D80]  }
0x2b5: {  	s31 =	simm.s32 $0x600;
	v3 =	vld [tilespmem:s2+$0x1D90]  }
0x2b6: {  	s4 =	simm.s32 $0xC00;
	s10 =	sadd.s32 $0x80, s17;
	s6 =	sor.u32 $0x400, s17  }
0x2b7: {  	s25 =	sor.u32 $0x400, s10;
	s12 =	sor.u32 $0x410, s10;
	s26 =	spop (v2sf);
	[tilespmem:s13+$0xF0] =	vst v5  }
0x2b8: {  	s20 =	sor.u32 $0x410, s17;
	s23 =	sor.u32 $0x410, s5;
	s7 =	sshra.s32 s26, $0x3;
	v5 =	vld [tilespmem:s24+$0x1D80];
	[tilespmem:s13+$0x170] =	vst v6  }
0x2b9: {  	s14 =	sor.u32 $0x420, s5;
	s26 =	sand.u32 $0x7800, s4;
	s11 =	ssub.s32 s7, s19;
	v6 =	vld [tilespmem:s28+$0x1D80];
	[tilespmem:s6+$0x17180] =	vst v4  }
0x2ba: {  	s15 =	sshll.u32 s11, $0x8;
	s3 =	sshll.u32 s11, $0x7;
	s16 =	spop (v2sf);
	[tilespmem:s23+$0x17180] =	vst v3;
	v4 =	vld [tilespmem:s0+$0x1D90]  }
0x2bb: {  	s18 =	sand.u32 $0xFFFFF800, s15;
	s3 =	sand.u32 $0x380, s3;
	s22 =	spop (v2sf);
	v3 =	vld [tilespmem:s2+$0x1DA0]  }
0x2bc: {  	s7 =	sor.u32 s3, s18;
	s21 =	sadd.s32 $0x100, s17;
	s23 =	spop (v2sf)  }
0x2bd: {  	s1 =	sor.u32 $0x400, s21;
	s13 =	sor.u32 $0x410, s21;
	[tilespmem:s25+$0x17180] =	vst v5;
	v5 =	vld [tilespmem:s7+$0x1980];
	s3 =	sshra.s32 s23, $0x3  }
0x2be: {  	s25 =	sshra.s32 s22, $0x3;
	v7 =	vld [tilespmem:s24+$0x1D90];
	[tilespmem:s1+$0x17180] =	vst v6;
	s1 =	sand.u32 $0x200, s31;
	s6 =	ssub.s32 s3, s19  }
0x2bf: {  	s15 =	ssub.s32 s25, s19;
	v6 =	vld [tilespmem:s28+$0x1D90];
	s8 =	sor.u32 s1, s26;
	s25 =	sshll.u32 s6, $0x7;
	[tilespmem:s20+$0x17180] =	vst v4  }
0x2c0: {  	s1 =	sor.u32 $0x420, s17;
	s20 =	sshll.u32 s15, $0x8;
	[tilespmem:s14+$0x17180] =	vst v3;
	s14 =	sshra.s32 s16, $0x3;
	v4 =	vld [tilespmem:s0+$0x1DA0]  }
0x2c1: {  	s15 =	sshll.u32 s15, $0x7;
	s16 =	sadd.s32 $0x17180, s8;
	v3 =	vld [tilespmem:s2+$0x1DB0];
	s14 =	ssub.s32 s14, s19  }
0x2c2: {  	s23 =	sand.u32 $0x380, s15;
	[tilespmem:s16+$0x180] =	vst v5;
	s11 =	sshll.u32 s14, $0x8;
	s14 =	sshll.u32 s14, $0x7  }
0x2c3: {  	[tilespmem:s12+$0x17180] =	vst v7;
	s19 =	sshll.u32 s6, $0x8;
	v5 =	vld [tilespmem:s7+$0x1990];
	s3 =	sand.u32 $0xFFFFF800, s11;
	s9 =	sand.u32 $0x380, s14  }
0x2c4: {  	s15 =	sand.u32 $0x380, s25;
	v7 =	vld [tilespmem:s24+$0x1DA0];
	[tilespmem:s13+$0x17180] =	vst v6;
	s6 =	sand.u32 $0xFFFFF800, s19;
	s3 =	sor.u32 s9, s3  }
0x2c5: {  	s18 =	sor.u32 $0x430, s5;
	s12 =	sor.u32 s15, s6;
	v6 =	vld [tilespmem:s3+$0x1980];
	[tilespmem:s1+$0x17180] =	vst v4  }
0x2c6: {  	s22 =	sand.u32 $0xFFFFF800, s20;
	v4 =	vld [tilespmem:s12+$0x1980];
	[tilespmem:s18+$0x17180] =	vst v3  }
0x2c7: {  	s9 =	sor.u32 s23, s22;
	v3 =	vld [tilespmem:s2+$0x1DC0]  }
0x2c8: {  	s11 =	sor.u32 $0x420, s10;
	v8 =	vld [tilespmem:s9+$0x1980];
	[tilespmem:s16+$0x190] =	vst v5  }
0x2c9: {  	[tilespmem:s11+$0x17180] =	vst v7;
	v5 =	vld [tilespmem:s7+$0x19A0]  }
0x2ca: {  	[tilespmem:s8+$0x17180] =	vst v6;
	v6 =	vld [tilespmem:s28+$0x1DA0]  }
0x2cb: {  	s26 =	sor.u32 $0x440, s5;
	[tilespmem:s16+$0x100] =	vst v4;
	v7 =	vld [tilespmem:s3+$0x1990]  }
0x2cc: {  	v4 =	vld [tilespmem:s12+$0x1990];
	[tilespmem:s26+$0x17180] =	vst v3  }
0x2cd: {  	[tilespmem:s16+$0x80] =	vst v8;
	v3 =	vld [tilespmem:s2+$0x1DD0]  }
0x2ce: {  	s14 =	sor.u32 $0x420, s21;
	v8 =	vld [tilespmem:s9+$0x1990];
	[tilespmem:s16+$0x1A0] =	vst v5  }
0x2cf: {  	v5 =	vld [tilespmem:s7+$0x19B0];
	[tilespmem:s14+$0x17180] =	vst v6  }
0x2d0: {  	v6 =	vld [tilespmem:s0+$0x1DB0];
	[tilespmem:s16+$0x10] =	vst v7  }
0x2d1: {  	s13 =	sor.u32 $0x450, s5;
	[tilespmem:s16+$0x110] =	vst v4;
	v7 =	vld [tilespmem:s3+$0x19A0]  }
0x2d2: {  	v4 =	vld [tilespmem:s12+$0x19A0];
	[tilespmem:s13+$0x17180] =	vst v3  }
0x2d3: {  	[tilespmem:s16+$0x90] =	vst v8;
	v3 =	vld [tilespmem:s2+$0x1DE0]  }
0x2d4: {  	s18 =	sor.u32 $0x430, s17;
	v8 =	vld [tilespmem:s9+$0x19A0];
	[tilespmem:s16+$0x1B0] =	vst v5  }
0x2d5: {  	v5 =	vld [tilespmem:s7+$0x19C0];
	[tilespmem:s18+$0x17180] =	vst v6  }
0x2d6: {  	v6 =	vld [tilespmem:s24+$0x1DB0];
	[tilespmem:s16+$0x20] =	vst v7  }
0x2d7: {  	s15 =	sor.u32 $0x460, s5;
	[tilespmem:s16+$0x120] =	vst v4;
	v7 =	vld [tilespmem:s3+$0x19B0]  }
0x2d8: {  	v4 =	vld [tilespmem:s12+$0x19B0];
	[tilespmem:s15+$0x17180] =	vst v3  }
0x2d9: {  	[tilespmem:s16+$0xA0] =	vst v8;
	v3 =	vld [tilespmem:s2+$0x1DF0]  }
0x2da: {  	s20 =	sor.u32 $0x430, s10;
	v8 =	vld [tilespmem:s9+$0x19B0];
	[tilespmem:s16+$0x1C0] =	vst v5  }
0x2db: {  	[tilespmem:s20+$0x17180] =	vst v6;
	v6 =	vld [tilespmem:s0+$0x1DC0]  }
0x2dc: {  	v5 =	vld [tilespmem:s7+$0x19D0];
	[tilespmem:s16+$0x30] =	vst v7  }
0x2dd: {  	s19 =	sor.u32 $0x470, s5;
	[tilespmem:s16+$0x130] =	vst v4;
	v4 =	vld [tilespmem:s24+$0x1DC0]  }
0x2de: {  	[tilespmem:s19+$0x17180] =	vst v3;
	v3 =	vld [tilespmem:s28+$0x1DB0]  }
0x2df: {  	s23 =	sor.u32 $0x440, s17;
	[tilespmem:s16+$0xB0] =	vst v8;
	v7 =	vld [tilespmem:s3+$0x19C0]  }
0x2e0: {  	v8 =	vld [tilespmem:s9+$0x19C0];
	[tilespmem:s23+$0x17180] =	vst v6  }
0x2e1: {  	s25 =	sor.u32 $0x440, s10;
	v63 =	vld [tilespmem:s12+$0x19C0];
	[tilespmem:s16+$0x1D0] =	vst v5  }
0x2e2: {  	s22 =	sor.u32 $0x430, s21;
	v5 =	vld [tilespmem:s7+$0x19E0];
	[tilespmem:s25+$0x17180] =	vst v4  }
0x2e3: {  	s30 =	sor.u32 $0x450, s21;
	s29 =	sor.u32 $0x460, s21;
	s1 =	sor.u32 $0x470, s17;
	v4 =	vld [tilespmem:s0+$0x1DD0];
	[tilespmem:s22+$0x17180] =	vst v3  }
0x2e4: {  	s8 =	simm.s32 $0xC;
	s26 =	sor.u32 $0x450, s10;
	s14 =	sor.u32 $0x440, s21;
	[tilespmem:s16+$0x40] =	vst v7;
	v3 =	vld [tilespmem:s28+$0x1DC0]  }
0x2e5: {  	s13 =	sor.u32 $0x470, s21;
	s21 =	simm.s32 $0x113;
	s18 =	sor.u32 $0x470, s10;
	[tilespmem:s16+$0xC0] =	vst v8;
	v6 =	vld [tilespmem:s3+$0x19D0]  }
0x2e6: {  	s15 =	sor.u32 $0x450, s17;
	s20 =	sor.u32 $0x460, s17;
	s19 =	sor.u32 $0x460, s10;
	[tilespmem:s16+$0x140] =	vst v63;
	v7 =	vld [tilespmem:s9+$0x19D0]  }
.LBB2_8:
0x2e7: {  	_ = 	snop  }
0x2e8: {  	v8 =	vld [tilespmem:s21+$0x0];
	[tilespmem:s16+$0x1E0] =	vst v5  }
0x2e9: {  	[tilespmem:s14+$0x17180] =	vst v3;
	v3 =	vld [tilespmem:s21+$0xFFFFFFFD]  }
0x2ea: {  	v5 =	vld [tilespmem:s7+$0x19F0]  }
0x2eb: {  	[tilespmem:s16+$0x50] =	vst v6;
	v6 =	vld [tilespmem:s21+$0xFFFFFFFE]  }
0x2ec: {  	p0 =	por !p0, !p0;
	s2 =	simm.s32 $0x1;
	[tilespmem:s15+$0x17180] =	vst v4;
	v4 =	vld [tilespmem:s12+$0x19D0]  }
0x2ed: {  	s2 =	simm.s32 @!p0 $0x0;
	[tilespmem:s16+$0xD0] =	vst v7;
	v7 =	vld [tilespmem:s21+$0xFFFFFFFF]  }
0x2ee: {  	s2 =	sshll.u32 s2, $0x9;
	(v2sf) =	vpush v8, $0x0;
	v8 =	vld [tilespmem:s3+$0x19E0]  }
0x2ef: {  	[smem:$0x7C9] =	sst s13;
	s13 =	sadd.s32 s2, s4;
	[tilespmem:s16+$0x1F0] =	vst v5;
	v5 =	vld [tilespmem:s9+$0x19E0]  }
0x2f0: {  	s10 =	sadd.s32 $0x80, s13;
	(v2sf) =	vpush v3, $0x0;
	v3 =	vld [tilespmem:s7+$0x1D80]  }
0x2f1: {  	s22 =	sadd.s32 $0x100, s13;
	s5 =	sor.u32 $0x410, s10;
	(v2sf) =	vpush v6, $0x0;
	v6 =	vld [tilespmem:s24+$0x1DD0];
	[tilespmem:s16+$0x150] =	vst v4  }
0x2f2: {  	s11 =	sor.u32 $0x410, s22;
	[smem:$0x7C3] =	sst s5;
	v4 =	vld [tilespmem:s28+$0x1DD0]  }
0x2f3: {  	s23 =	sadd.s32 $0x180, s13;
	s17 =	sor.u32 $0x420, s10;
	[smem:$0x7C4] =	sst s11;
	(v2sf) =	vpush v7, $0x0;
	[tilespmem:s16+$0x60] =	vst v8;
	v7 =	vld [tilespmem:s12+$0x19E0]  }
0x2f4: {  	s6 =	sor.u32 $0x400, s23;
	[smem:$0x7C7] =	sst s17;
	s11 =	sor.u32 $0x420, s13;
	v8 =	vld [tilespmem:s3+$0x19F0];
	[tilespmem:s16+$0xE0] =	vst v5  }
0x2f5: {  	s31 =	sadd.s32 $0x200, s31;
	s17 =	sor.u32 $0x430, s10;
	[smem:$0x7C5] =	sst s11;
	[tilespmem:s6+$0x17180] =	vst v3;
	v5 =	vld [tilespmem:s9+$0x19F0]  }
0x2f6: {  	s2 =	smov.u32 s18;
	[smem:$0x7CD] =	sst s17;
	s11 =	sor.u32 $0x430, s13;
	[tilespmem:s26+$0x17180] =	vst v6;
	v6 =	vld [tilespmem:s0+$0x1DE0]  }
0x2f7: {  	s4 =	sadd.s32 $0x400, s4;
	s17 =	sor.u32 $0x440, s10;
	[smem:$0x7CC] =	sst s11;
	[tilespmem:s30+$0x17180] =	vst v4;
	v3 =	vld [tilespmem:s7+$0x1D90]  }
0x2f8: {  	s18 =	sor.u32 $0x460, s13;
	[smem:$0x7D0] =	sst s17;
	s11 =	sor.u32 $0x450, s10;
	[tilespmem:s16+$0x160] =	vst v7;
	v4 =	vld [tilespmem:s24+$0x1DE0]  }
0x2f9: {  	s25 =	sor.u32 $0x400, s10;
	s17 =	sor.u32 $0x450, s13;
	[smem:$0x7C6] =	sst s11;
	[tilespmem:s16+$0x70] =	vst v8;
	v7 =	vld [tilespmem:s12+$0x19F0]  }
0x2fa: {  	[smem:$0x7C8] =	sst s17;
	s11 =	smov.u32 s28;
	s6 =	sor.u32 $0x420, s22;
	v8 =	vld [tilespmem:s3+$0x1D80];
	[tilespmem:s16+$0xF0] =	vst v5  }
0x2fb: {  	s28 =	sor.u32 $0x410, s23;
	[smem:$0x7CB] =	sst s6;
	s6 =	sor.u32 $0x430, s22;
	[tilespmem:s20+$0x17180] =	vst v6;
	v5 =	vld [tilespmem:s9+$0x1D80]  }
0x2fc: {  	s14 =	sor.u32 $0x400, s22;
	[smem:$0x7CE] =	sst s6;
	s6 =	sor.u32 $0x440, s13;
	[tilespmem:s28+$0x17180] =	vst v3;
	v6 =	vld [tilespmem:s0+$0x1DF0]  }
0x2fd: {  	s15 =	sor.u32 $0x400, s13;
	s17 =	sor.u32 $0x460, s10;
	[smem:$0x7CF] =	sst s6;
	[tilespmem:s19+$0x17180] =	vst v4;
	v3 =	vld [tilespmem:s7+$0x1DA0]  }
0x2fe: {  	s6 =	smov.u32 s18;
	s18 =	spop (v2sf);
	s20 =	smov.u32 s17;
	v4 =	vld [tilespmem:s11+$0x1DE0];
	[tilespmem:s16+$0x170] =	vst v7  }
0x2ff: {  	s17 =	sshra.s32 s18, $0x3;
	s0 =	smov.u32 s3;
	s19 =	rddreg [dreg:$0x4];
	[tilespmem:s15+$0x17180] =	vst v8;
	v7 =	vld [tilespmem:s12+$0x1D80]  }
0x300: {  	s5 =	sor.u32 $0x410, s13;
	s3 =	ssub.s32 s17, s19;
	s15 =	sor.u32 $0x420, s23;
	v8 =	vld [tilespmem:s0+$0x1D90];
	[tilespmem:s25+$0x17180] =	vst v5  }
0x301: {  	s18 =	spop (v2sf);
	s17 =	sshll.u32 s3, $0x8;
	s3 =	sshll.u32 s3, $0x7;
	[tilespmem:s1+$0x17180] =	vst v6;
	v5 =	vld [tilespmem:s9+$0x1D90]  }
0x302: {  	s16 =	spop (v2sf);
	s17 =	sand.u32 $0xFFFFF800, s17;
	s3 =	sand.u32 $0x380, s3;
	[tilespmem:s15+$0x17180] =	vst v3;
	v6 =	vld [tilespmem:s24+$0x1DF0]  }
0x303: {  	s25 =	sor.u32 s3, s17;
	[tilespmem:s29+$0x17180] =	vst v4;
	s1 =	sand.u32 $0x200, s31;
	s24 =	sand.u32 $0x7800, s4;
	v3 =	vld [tilespmem:s7+$0x1DB0]  }
0x304: {  	s28 =	spop (v2sf);
	v4 =	vld [tilespmem:s25+$0x1980];
	[tilespmem:s14+$0x17180] =	vst v7;
	s14 =	sor.u32 s1, s24;
	s24 =	sld [smem:$0x7C3]  }
0x305: {  	s16 =	sshra.s32 s16, $0x3;
	s15 =	sshra.s32 s18, $0x3;
	s18 =	sshra.s32 s28, $0x3  }
0x306: {  	s3 =	ssub.s32 s15, s19;
	s15 =	ssub.s32 s16, s19;
	s17 =	ssub.s32 s18, s19;
	[tilespmem:s5+$0x17180] =	vst v8  }
0x307: {  	s19 =	smov.u32 s20;
	s20 =	smov.u32 s6;
	s16 =	sor.u32 $0x430, s23;
	v7 =	vld [tilespmem:s12+$0x1D90];
	[tilespmem:s24+$0x17180] =	vst v5  }
0x308: {  	s18 =	sshll.u32 s3, $0x8;
	s3 =	sshll.u32 s3, $0x7;
	v8 =	vld [tilespmem:s0+$0x1DA0];
	[tilespmem:s16+$0x17180] =	vst v3;
	s16 =	sadd.s32 $0x17180, s14  }
0x309: {  	s6 =	sshll.u32 s15, $0x8;
	s5 =	sshll.u32 s15, $0x7;
	s18 =	sand.u32 $0xFFFFF800, s18;
	v3 =	vld [tilespmem:s7+$0x1DC0];
	[tilespmem:s16+$0x180] =	vst v4  }
0x30a: {  	s6 =	sand.u32 $0xFFFFF800, s6;
	s5 =	sand.u32 $0x380, s5;
	v4 =	vld [tilespmem:s9+$0x1DA0];
	[tilespmem:s2+$0x17180] =	vst v6;
	s2 =	sld [smem:$0x7C4]  }
0x30b: {  	s3 =	sand.u32 $0x380, s3;
	s5 =	sor.u32 s5, s6;
	s6 =	sld [smem:$0x7C5]  }
0x30c: {  	s13 =	sor.u32 $0x470, s13;
	s3 =	sor.u32 s3, s18;
	v5 =	vld [tilespmem:s25+$0x1990]  }
0x30d: {  	s1 =	smov.u32 s13;
	s15 =	sshll.u32 s17, $0x8;
	s17 =	sshll.u32 s17, $0x7;
	[tilespmem:s2+$0x17180] =	vst v7;
	v7 =	vld [tilespmem:s3+$0x1980]  }
0x30e: {  	s13 =	sld [smem:$0x7C7];
	s15 =	sand.u32 $0xFFFFF800, s15;
	s24 =	sand.u32 $0x380, s17;
	[tilespmem:s6+$0x17180] =	vst v8;
	v8 =	vld [tilespmem:s5+$0x1980]  }
0x30f: {  	s15 =	sor.u32 s24, s15;
	v6 =	vld [tilespmem:s11+$0x1DF0];
	s11 =	sor.u32 $0x440, s23  }
0x310: {  	s28 =	smov.u32 s12;
	s12 =	smov.u32 s15;
	[tilespmem:s11+$0x17180] =	vst v3  }
0x311: {  	[tilespmem:s13+$0x17180] =	vst v4;
	v4 =	vld [tilespmem:s12+$0x1980]  }
0x312: {  	s17 =	sld [smem:$0x7C9];
	v3 =	vld [tilespmem:s7+$0x1DD0];
	[tilespmem:s16+$0x190] =	vst v5  }
0x313: {  	s26 =	sor.u32 $0x440, s22;
	s30 =	sor.u32 $0x450, s22;
	v5 =	vld [tilespmem:s25+$0x19A0];
	[tilespmem:s14+$0x17180] =	vst v7  }
0x314: {  	[smem:$0x7CA] =	sst s26;
	s24 =	smov.u32 s9;
	s9 =	smov.u32 s5;
	[tilespmem:s16+$0x80] =	vst v8;
	v7 =	vld [tilespmem:s3+$0x1990]  }
0x315: {  	s26 =	sor.u32 $0x470, s10;
	s10 =	sor.u32 $0x460, s22;
	s22 =	sor.u32 $0x470, s22;
	[tilespmem:s17+$0x17180] =	vst v6;
	v8 =	vld [tilespmem:s9+$0x1990]  }
0x316: {  	s13 =	smov.u32 s22;
	s22 =	sor.u32 $0x450, s23;
	v6 =	vld [tilespmem:s28+$0x1DA0];
	[tilespmem:s16+$0x100] =	vst v4  }
0x317: {  	[tilespmem:s22+$0x17180] =	vst v3;
	v4 =	vld [tilespmem:s12+$0x1990]  }
0x318: {  	s5 =	sld [smem:$0x7CB];
	v3 =	vld [tilespmem:s7+$0x1DE0];
	[tilespmem:s16+$0x1A0] =	vst v5  }
0x319: {  	[tilespmem:s16+$0x10] =	vst v7  }
0x31a: {  	v5 =	vld [tilespmem:s25+$0x19B0];
	[tilespmem:s16+$0x90] =	vst v8  }
0x31b: {  	[tilespmem:s5+$0x17180] =	vst v6;
	v6 =	vld [tilespmem:s0+$0x1DB0]  }
0x31c: {  	v8 =	vld [tilespmem:s9+$0x19A0]  }
0x31d: {  	s29 =	smov.u32 s10;
	s10 =	sld [smem:$0x7CC];
	s6 =	sor.u32 $0x460, s23;
	v7 =	vld [tilespmem:s3+$0x19A0];
	[tilespmem:s16+$0x110] =	vst v4  }
0x31e: {  	[tilespmem:s6+$0x17180] =	vst v3;
	v4 =	vld [tilespmem:s12+$0x19A0]  }
0x31f: {  	v3 =	vld [tilespmem:s7+$0x1DF0];
	s7 =	smov.u32 s25;
	[tilespmem:s16+$0x1B0] =	vst v5  }
0x320: {  	v5 =	vld [tilespmem:s7+$0x19C0];
	[tilespmem:s10+$0x17180] =	vst v6  }
0x321: {  	v6 =	vld [tilespmem:s24+$0x1DB0];
	[tilespmem:s16+$0xA0] =	vst v8  }
0x322: {  	[tilespmem:s16+$0x20] =	vst v7;
	v8 =	vld [tilespmem:s9+$0x19B0]  }
0x323: {  	s11 =	sor.u32 $0x470, s23;
	s17 =	sld [smem:$0x7CD];
	v7 =	vld [tilespmem:s3+$0x19B0];
	[tilespmem:s16+$0x120] =	vst v4  }
0x324: {  	[tilespmem:s11+$0x17180] =	vst v3  }
0x325: {  	v3 =	vld [tilespmem:s28+$0x1DB0];
	[tilespmem:s16+$0x1C0] =	vst v5  }
0x326: {  	v4 =	vld [tilespmem:s12+$0x19B0];
	[tilespmem:s17+$0x17180] =	vst v6  }
0x327: {  	s22 =	sld [smem:$0x7CE];
	v5 =	vld [tilespmem:s7+$0x19D0];
	[tilespmem:s16+$0xB0] =	vst v8  }
0x328: {  	[tilespmem:s16+$0x30] =	vst v7;
	v8 =	vld [tilespmem:s9+$0x19C0]  }
0x329: {  	v6 =	vld [tilespmem:s0+$0x1DC0]  }
0x32a: {  	v7 =	vld [tilespmem:s3+$0x19C0];
	[tilespmem:s22+$0x17180] =	vst v3  }
0x32b: {  	s8 =	sadd.s32 $0x4, s8;
	s23 =	sld [smem:$0x7CF];
	[tilespmem:s16+$0x130] =	vst v4;
	v4 =	vld [tilespmem:s24+$0x1DC0]  }
0x32c: {  	p1 =	slt.u32 s8, $0x7C;
	v9 =	vld [tilespmem:s12+$0x19C0];
	[tilespmem:s16+$0x1D0] =	vst v5  }
.Ltmp3:
0x32d: {  	s25 =	sld [smem:$0x7D0];
	v3 =	vld [tilespmem:s28+$0x1DC0];
	[tilespmem:s16+$0xC0] =	vst v8;
	(pc) =	sbr.rel @p1 .LBB2_8-.Ltmp3, $4  }
0x32e: {  	v5 =	vld [tilespmem:s7+$0x19E0];
	[tilespmem:s23+$0x17180] =	vst v6  }
0x32f: {  	s18 =	smov.u32 s26;
	s26 =	sld [smem:$0x7C6];
	[tilespmem:s16+$0x40] =	vst v7;
	v7 =	vld [tilespmem:s9+$0x19D0]  }
0x330: {  	s15 =	sld [smem:$0x7C8];
	[tilespmem:s25+$0x17180] =	vst v4;
	v6 =	vld [tilespmem:s3+$0x19D0]  }
0x331: {  	s21 =	sadd.s32 $0x4, s21;
	s14 =	sld [smem:$0x7CA];
	[tilespmem:s16+$0x140] =	vst v9;
	v4 =	vld [tilespmem:s0+$0x1DD0]  }
0x332: {  	v8 =	vld [tilespmem:s12+$0x19D0];
	_ =	sdelay $0x2  }
0x333: {  	[tilespmem:s16+$0x50] =	vst v6  }
0x334: {  	[tilespmem:s16+$0xD0] =	vst v7;
	v6 =	vld [tilespmem:s3+$0x19E0]  }
0x335: {  	v7 =	vld [tilespmem:s9+$0x19E0];
	[tilespmem:s16+$0x150] =	vst v8  }
0x336: {  	v8 =	vld [tilespmem:s12+$0x19E0];
	_ =	sdelay $0x1  }
0x337: {  	[tilespmem:s16+$0x1E0] =	vst v5  }
0x338: {  	v5 =	vld [tilespmem:s7+$0x19F0];
	[tilespmem:s16+$0x60] =	vst v6  }
0x339: {  	[tilespmem:s16+$0xE0] =	vst v7;
	v6 =	vld [tilespmem:s3+$0x19F0]  }
0x33a: {  	v7 =	vld [tilespmem:s9+$0x19F0];
	[tilespmem:s16+$0x160] =	vst v8  }
0x33b: {  	v8 =	vld [tilespmem:s12+$0x19F0];
	_ =	sdelay $0x1  }
0x33c: {  	p0 =	por !p0, !p0;
	s2 =	simm.s32 $0x1;
	[tilespmem:s16+$0x1F0] =	vst v5  }
0x33d: {  	s2 =	simm.s32 @!p0 $0x0;
	v5 =	vld [tilespmem:s7+$0x1D80];
	[tilespmem:s16+$0x70] =	vst v6  }
0x33e: {  	s2 =	sshll.u32 s2, $0x9;
	[tilespmem:s16+$0xF0] =	vst v7;
	v6 =	vld [tilespmem:s3+$0x1D80]  }
0x33f: {  	s2 =	sadd.s32 s2, s4;
	v7 =	vld [tilespmem:s9+$0x1D80];
	[tilespmem:s16+$0x170] =	vst v8  }
0x340: {  	s8 =	sadd.s32 $0x180, s2;
	v8 =	vld [tilespmem:s12+$0x1D80]  }
0x341: {  	s5 =	sor.u32 $0x400, s8  }
0x342: {  	s4 =	sadd.s32 $0x80, s2;
	s10 =	sor.u32 $0x400, s2;
	[tilespmem:s5+$0x17180] =	vst v5  }
0x343: {  	s11 =	sadd.s32 $0x100, s2;
	s21 =	sor.u32 $0x400, s4;
	v5 =	vld [tilespmem:s7+$0x1D90];
	[tilespmem:s10+$0x17180] =	vst v6  }
0x344: {  	s22 =	sor.u32 $0x400, s11;
	[tilespmem:s21+$0x17180] =	vst v7;
	v6 =	vld [tilespmem:s3+$0x1D90]  }
0x345: {  	v7 =	vld [tilespmem:s9+$0x1D90];
	[tilespmem:s22+$0x17180] =	vst v8  }
0x346: {  	v8 =	vld [tilespmem:s12+$0x1D90]  }
0x347: {  	s23 =	sor.u32 $0x410, s8  }
0x348: {  	s25 =	sor.u32 $0x410, s2;
	[tilespmem:s23+$0x17180] =	vst v5  }
0x349: {  	s31 =	sor.u32 $0x410, s4;
	v5 =	vld [tilespmem:s7+$0x1DA0];
	[tilespmem:s25+$0x17180] =	vst v6  }
0x34a: {  	s6 =	sor.u32 $0x410, s11;
	[tilespmem:s31+$0x17180] =	vst v7;
	v6 =	vld [tilespmem:s3+$0x1DA0]  }
0x34b: {  	v7 =	vld [tilespmem:s9+$0x1DA0];
	[tilespmem:s6+$0x17180] =	vst v8  }
0x34c: {  	v8 =	vld [tilespmem:s12+$0x1DA0]  }
0x34d: {  	s10 =	sor.u32 $0x420, s8  }
0x34e: {  	s16 =	sor.u32 $0x420, s2;
	[tilespmem:s10+$0x17180] =	vst v5  }
0x34f: {  	s17 =	sor.u32 $0x420, s4;
	v5 =	vld [tilespmem:s7+$0x1DB0];
	[tilespmem:s16+$0x17180] =	vst v6  }
0x350: {  	s21 =	sor.u32 $0x420, s11;
	[tilespmem:s17+$0x17180] =	vst v7;
	v6 =	vld [tilespmem:s3+$0x1DB0]  }
0x351: {  	v7 =	vld [tilespmem:s9+$0x1DB0];
	[tilespmem:s21+$0x17180] =	vst v8  }
0x352: {  	[tilespmem:s14+$0x17180] =	vst v3;
	v3 =	vld [tilespmem:s12+$0x1DB0]  }
0x353: {  	v47 =	vld [tilespmem:s24+$0x1DD0];
	[tilespmem:s15+$0x17180] =	vst v4;
	s22 =	sor.u32 $0x430, s8  }
0x354: {  	v48 =	vld [tilespmem:s28+$0x1DD0];
	s23 =	sor.u32 $0x430, s2;
	[tilespmem:s22+$0x17180] =	vst v5  }
0x355: {  	s25 =	sor.u32 $0x430, s4;
	v5 =	vld [tilespmem:s7+$0x1DC0];
	[tilespmem:s23+$0x17180] =	vst v6  }
0x356: {  	s31 =	sor.u32 $0x430, s11;
	[tilespmem:s25+$0x17180] =	vst v7;
	v6 =	vld [tilespmem:s3+$0x1DC0]  }
0x357: {  	[tilespmem:s31+$0x17180] =	vst v3;
	v3 =	vld [tilespmem:s9+$0x1DC0]  }
0x358: {  	[tilespmem:s26+$0x17180] =	vst v47;
	v50 =	vld [tilespmem:s0+$0x1DE0]  }
0x359: {  	v51 =	vld [tilespmem:s24+$0x1DE0];
	[tilespmem:s30+$0x17180] =	vst v48;
	s6 =	sor.u32 $0x440, s8  }
0x35a: {  	s10 =	sor.u32 $0x440, s2;
	[tilespmem:s6+$0x17180] =	vst v5;
	v49 =	vld [tilespmem:s12+$0x1DC0]  }
0x35b: {  	s14 =	sor.u32 $0x440, s4;
	v52 =	vld [tilespmem:s7+$0x1DD0];
	[tilespmem:s10+$0x17180] =	vst v6  }
0x35c: {  	[tilespmem:s14+$0x17180] =	vst v3;
	v3 =	vld [tilespmem:s3+$0x1DD0]  }
0x35d: {  	v55 =	vld [tilespmem:s28+$0x1DE0];
	[tilespmem:s20+$0x17180] =	vst v50  }
0x35e: {  	s15 =	sor.u32 $0x440, s11;
	[tilespmem:s19+$0x17180] =	vst v51;
	v53 =	vld [tilespmem:s9+$0x1DD0]  }
0x35f: {  	v56 =	vld [tilespmem:s0+$0x1DF0];
	s16 =	sor.u32 $0x450, s8;
	[tilespmem:s15+$0x17180] =	vst v49  }
0x360: {  	s17 =	sor.u32 $0x450, s2;
	[tilespmem:s16+$0x17180] =	vst v52;
	v54 =	vld [tilespmem:s12+$0x1DD0]  }
0x361: {  	[tilespmem:s17+$0x17180] =	vst v3;
	v3 =	vld [tilespmem:s7+$0x1DE0]  }
0x362: {  	s19 =	sor.u32 $0x450, s4;
	[tilespmem:s29+$0x17180] =	vst v55;
	v57 =	vld [tilespmem:s3+$0x1DE0]  }
0x363: {  	v60 =	vld [tilespmem:s24+$0x1DF0];
	[tilespmem:s19+$0x17180] =	vst v53  }
0x364: {  	s20 =	sor.u32 $0x450, s11;
	[tilespmem:s1+$0x17180] =	vst v56;
	v58 =	vld [tilespmem:s9+$0x1DE0]  }
0x365: {  	v61 =	vld [tilespmem:s28+$0x1DF0];
	s21 =	sor.u32 $0x460, s8;
	[tilespmem:s20+$0x17180] =	vst v54  }
0x366: {  	s22 =	sor.u32 $0x460, s2;
	v59 =	vld [tilespmem:s12+$0x1DE0];
	[tilespmem:s21+$0x17180] =	vst v3  }
0x367: {  	v3 =	vld [tilespmem:s7+$0x1DF0];
	[tilespmem:s22+$0x17180] =	vst v57  }
0x368: {  	[tilespmem:s18+$0x17180] =	vst v60;
	s23 =	sor.u32 $0x460, s4;
	v4 =	vld [tilespmem:s3+$0x1DF0]  }
0x369: {  	[tilespmem:s23+$0x17180] =	vst v58  }
0x36a: {  	s24 =	sor.u32 $0x460, s11;
	[tilespmem:s13+$0x17180] =	vst v61;
	v62 =	vld [tilespmem:s9+$0x1DF0]  }
0x36b: {  	s25 =	sor.u32 $0x470, s8;
	[tilespmem:s24+$0x17180] =	vst v59  }
0x36c: {  	s26 =	sor.u32 $0x470, s2;
	v63 =	vld [tilespmem:s12+$0x1DF0];
	[tilespmem:s25+$0x17180] =	vst v3  }
0x36d: {  	s30 =	simm.s32 $0x28B;
	[tilespmem:s26+$0x17180] =	vst v4  }
0x36e: {  	s28 =	sor.u32 $0x470, s4;
	[smem:$0x7C1] =	sst s30  }
0x36f: {  	s31 =	simm.s32 $0x20B;
	[tilespmem:s28+$0x17180] =	vst v62  }
0x370: {  	s29 =	sor.u32 $0x470, s11;
	[smem:$0x7C2] =	sst s31  }
0x371: {  	[tilespmem:s29+$0x17180] =	vst v63  }
0x372: {  	s1 =	simm.s32 $0x0;
	s8 =	simm.s32 $0x18B;
	s24 =	rddreg [dreg:$0x4]  }
.LBB2_10:
0x373: {  	[smem:$0x7B2] =	sst s1;
	s21 =	simm.s32 $0x2  }
0x374: {  	_ =	swait.ge [sflag:s21], $0x800  }
0x375: {  	s0 =	sld [smem:$0x7F6]  }
0x376: {  	s9 =	smul.u32 $0x180, s1  }
0x377: {  	[sflag:s21] =	ssyncset.done $0x0  }
0x378: {  	[sflag:s21] =	ssyncadd.s32 $0xFFFFF800;
	s0 =	sadd.s32 s9, s0  }
0x379: {  	s22 =	simm.s32 $0xF180;
	s1 =	rddreg [dreg:$0x2];
	s0 =	sshll.u32 s0, $0x5  }
0x37a: {  	s7 =	simm.s32 $0x0;
	s23 =	simm.s32 $0x4;
	s0 =	sadd.s32 s1, s0  }
0x37b: {  	[hbm4b:s0+s7] =	stream.linear.scatter [tilespmem:s22], [sflag:$0x5], $0x8000, $0x38;
	[tilespmem:$0x1F180] =	vst v63  }
0x37c: {  	_ =	swait.ge [sflag:s23], $0x8000  }
0x37d: {  	[sflag:s23] =	ssyncset.done $0x0  }
0x37e: {  	[sflag:s23] =	ssyncadd.s32 $0xFFFF8000  }
0x37f: {  	v3 =	vld.msk [tilespmem:s9+$0x180], $0xff;
	_ =	sdelay $0x4  }
0x380: {  	v4 =	vshll.u32 v3, $0x1  }
0x381: {  	v3 =	vand.u32 $0x7, v3;
	v4 =	vand.u32 $0xFFFFFFF0, v4  }
0x382: {  	v3 =	vor.u32 v3, v4  }
0x383: {  	v3 =	vperm.xlane v3, v0;
	_ =	sdelay $0x1  }
0x384: {  	v3 =	vadd.s32 v2, v3;
	_ =	sdelay $0x1  }
0x385: {  	s25 =	sld [smem:$0x7F2];
	_ =	sdelay $0x1  }
0x386: {  	s26 =	simm.s32 $0x7180  }
0x387: {  	[tilespmem:s26], [sflag:$0x1] =	stream.indirect_vreg.gather [hbm4b:s25+s7], $0x80, v3, vm0, $0xb8;
	[tilespmem:$0x1F180] =	vst v63  }
0x388: {  	v3 =	vld [tilespmem:s8+$0x0];
	_ =	sdelay $0x4  }
0x389: {  	(v2sf) =	vpush v3, $0x0;
	v3 =	vld [tilespmem:s8+$0xFFFFFFFD];
	_ =	sdelay $0x2  }
0x38a: {  	v4 =	vld [tilespmem:s8+$0xFFFFFFFE];
	_ =	sdelay $0x1  }
0x38b: {  	v5 =	vld [tilespmem:s8+$0xFFFFFFFF];
	(v2sf) =	vpush v3, $0x0;
	_ =	sdelay $0x2  }
0x38c: {  	(v2sf) =	vpush v4, $0x0;
	_ =	sdelay $0x1  }
0x38d: {  	(v2sf) =	vpush v5, $0x0;
	_ =	sdelay $0x4  }
0x38e: {  	s1 =	spop (v2sf)  }
0x38f: {  	s0 =	sshra.s32 s1, $0x3  }
0x390: {  	s0 =	ssub.s32 s0, s24  }
0x391: {  	s3 =	simm.s32 $0x800;
	s2 =	sshll.u32 s0, $0x8;
	s0 =	sshll.u32 s0, $0x7  }
0x392: {  	s1 =	sand.u32 $0xFFFFF800, s2;
	s0 =	sand.u32 $0x380, s0;
	s2 =	simm.s32 $0x580  }
0x393: {  	s0 =	sor.u32 s0, s1;
	s1 =	sand.u32 $0x7800, s3;
	s5 =	spop (v2sf)  }
0x394: {  	s4 =	sand.u32 $0x380, s2;
	v3 =	vld [tilespmem:s0+$0x1980];
	s3 =	sadd.s32 $0x7180, s1;
	s2 =	sshra.s32 s5, $0x3  }
0x395: {  	s13 =	simm.s32 $0x400;
	s1 =	sadd.s32 s4, s3;
	s2 =	ssub.s32 s2, s24  }
0x396: {  	s4 =	spop (v2sf);
	s6 =	sshll.u32 s2, $0x8;
	s2 =	sshll.u32 s2, $0x7  }
0x397: {  	s4 =	sshra.s32 s4, $0x3;
	s6 =	sand.u32 $0xFFFFF800, s6;
	s2 =	sand.u32 $0x380, s2  }
0x398: {  	s5 =	spop (v2sf);
	s4 =	ssub.s32 s4, s24;
	s14 =	sor.u32 s2, s6  }
0x399: {  	s5 =	sshra.s32 s5, $0x3;
	s10 =	sshll.u32 s4, $0x8;
	s4 =	sshll.u32 s4, $0x7;
	[tilespmem:s1+$0x0] =	vst v3;
	v4 =	vld [tilespmem:s14+$0x1980]  }
0x39a: {  	s6 =	ssub.s32 s5, s24;
	s5 =	sand.u32 $0xFFFFF800, s10;
	s4 =	sand.u32 $0x380, s4;
	v3 =	vld [tilespmem:s0+$0x1990]  }
0x39b: {  	s11 =	sshll.u32 s6, $0x8;
	s2 =	sshll.u32 s6, $0x7;
	s12 =	sor.u32 s4, s5  }
0x39c: {  	s15 =	sand.u32 $0xFFFFF800, s11;
	s2 =	sand.u32 $0x380, s2;
	s4 =	sand.u32 $0x200, s13  }
0x39d: {  	v5 =	vld [tilespmem:s12+$0x1980];
	s22 =	sor.u32 s2, s15;
	s16 =	sor.u32 s4, s3  }
0x39e: {  	v6 =	vld [tilespmem:s22+$0x1980];
	[tilespmem:s16+$0x0] =	vst v4  }
0x39f: {  	s17 =	simm.s32 $0x480;
	[tilespmem:s1+$0x10] =	vst v3;
	v4 =	vld [tilespmem:s14+$0x1990]  }
0x3a0: {  	s18 =	simm.s32 $0x500;
	s4 =	sand.u32 $0x280, s17;
	v3 =	vld [tilespmem:s0+$0x19A0]  }
0x3a1: {  	s20 =	sand.u32 $0x300, s18;
	s19 =	sadd.s32 s4, s3  }
0x3a2: {  	s3 =	sadd.s32 s20, s3;
	[tilespmem:s19+$0x0] =	vst v5  }
0x3a3: {  	v5 =	vld [tilespmem:s12+$0x1990];
	[tilespmem:s3+$0x0] =	vst v6  }
0x3a4: {  	v6 =	vld [tilespmem:s22+$0x1990];
	[tilespmem:s16+$0x10] =	vst v4  }
0x3a5: {  	[tilespmem:s1+$0x20] =	vst v3;
	v4 =	vld [tilespmem:s14+$0x19A0]  }
0x3a6: {  	v3 =	vld [tilespmem:s0+$0x19B0];
	_ =	sdelay $0x1  }
0x3a7: {  	[tilespmem:s19+$0x10] =	vst v5  }
0x3a8: {  	v5 =	vld [tilespmem:s12+$0x19A0];
	[tilespmem:s3+$0x10] =	vst v6  }
0x3a9: {  	v6 =	vld [tilespmem:s22+$0x19A0];
	[tilespmem:s16+$0x20] =	vst v4  }
0x3aa: {  	[tilespmem:s1+$0x30] =	vst v3;
	v4 =	vld [tilespmem:s14+$0x19B0]  }
0x3ab: {  	v3 =	vld [tilespmem:s0+$0x19C0];
	_ =	sdelay $0x1  }
0x3ac: {  	[tilespmem:s19+$0x20] =	vst v5  }
0x3ad: {  	v5 =	vld [tilespmem:s12+$0x19B0];
	[tilespmem:s3+$0x20] =	vst v6  }
0x3ae: {  	v6 =	vld [tilespmem:s22+$0x19B0];
	[tilespmem:s16+$0x30] =	vst v4  }
0x3af: {  	[tilespmem:s1+$0x40] =	vst v3;
	v4 =	vld [tilespmem:s14+$0x19C0]  }
0x3b0: {  	v3 =	vld [tilespmem:s0+$0x19D0];
	_ =	sdelay $0x1  }
0x3b1: {  	[tilespmem:s19+$0x30] =	vst v5  }
0x3b2: {  	v5 =	vld [tilespmem:s12+$0x19C0];
	[tilespmem:s3+$0x30] =	vst v6  }
0x3b3: {  	v6 =	vld [tilespmem:s22+$0x19C0];
	[tilespmem:s16+$0x40] =	vst v4  }
0x3b4: {  	[tilespmem:s1+$0x50] =	vst v3;
	v4 =	vld [tilespmem:s14+$0x19D0]  }
0x3b5: {  	s4 =	sadd.s32 $0x4, s8;
	v3 =	vld [tilespmem:s0+$0x19E0];
	[smem:$0x7B3] =	sst s8  }
0x3b6: {  	v7 =	vld [tilespmem:s4+$0x0]  }
0x3b7: {  	[tilespmem:s19+$0x40] =	vst v5;
	v8 =	vld [tilespmem:s4+$0xFFFFFFFD]  }
0x3b8: {  	v5 =	vld [tilespmem:s12+$0x19D0]  }
0x3b9: {  	v9 =	vld [tilespmem:s4+$0xFFFFFFFE];
	[tilespmem:s3+$0x40] =	vst v6  }
0x3ba: {  	v6 =	vld [tilespmem:s4+$0xFFFFFFFF];
	[tilespmem:s1+$0x60] =	vst v3  }
0x3bb: {  	v3 =	vld [tilespmem:s0+$0x19F0]  }
0x3bc: {  	(v2sf) =	vpush v7, $0x0;
	v7 =	vld [tilespmem:s22+$0x19D0]  }
0x3bd: {  	[tilespmem:s19+$0x50] =	vst v5  }
0x3be: {  	[tilespmem:s16+$0x50] =	vst v4;
	(v2sf) =	vpush v8, $0x0;
	v5 =	vld [tilespmem:s12+$0x19E0]  }
0x3bf: {  	v4 =	vld [tilespmem:s14+$0x19E0]  }
0x3c0: {  	(v2sf) =	vpush v9, $0x0;
	[tilespmem:s1+$0x70] =	vst v3  }
0x3c1: {  	s21 =	sand.u32 $0x7, s7;
	(v2sf) =	vpush v6, $0x0;
	[tilespmem:s3+$0x50] =	vst v7;
	v3 =	vld [tilespmem:s0+$0x1D80]  }
0x3c2: {  	s1 =	sshll.u32 s21, $0x7;
	v6 =	vld [tilespmem:s22+$0x19E0]  }
0x3c3: {  	s23 =	sadd.s32 $0x800, s1;
	[tilespmem:s19+$0x60] =	vst v5  }
0x3c4: {  	[tilespmem:s16+$0x60] =	vst v4;
	s1 =	sadd.s32 $0x180, s23;
	v5 =	vld [tilespmem:s12+$0x19F0]  }
0x3c5: {  	s7 =	sand.u32 $0x3, s7;
	v4 =	vld [tilespmem:s14+$0x19F0];
	s25 =	sor.u32 $0x400, s1  }
0x3c6: {  	p0 =	por $0x0, $0x0;
	s7 =	sshll.u32 s7, $0x8;
	s5 =	simm.s32 $0x1;
	[tilespmem:s25+$0x7180] =	vst v3  }
0x3c7: {  	s7 =	sadd.s32 $0x800, s7;
	s5 =	simm.s32 @!p0 $0x0;
	[tilespmem:s3+$0x60] =	vst v6;
	v3 =	vld [tilespmem:s0+$0x1D90]  }
0x3c8: {  	s7 =	sadd.s32 $0x100, s7;
	s5 =	sshll.u32 s5, $0x9;
	v6 =	vld [tilespmem:s22+$0x19F0]  }
0x3c9: {  	s11 =	sor.u32 $0x400, s7;
	s5 =	sadd.s32 $0x800, s5;
	[tilespmem:s19+$0x70] =	vst v5  }
0x3ca: {  	s17 =	sor.u32 $0x410, s7;
	s26 =	sor.u32 $0x400, s5;
	s6 =	sor.u32 $0x410, s5;
	[tilespmem:s16+$0x70] =	vst v4;
	v5 =	vld [tilespmem:s12+$0x1D80]  }
0x3cb: {  	s2 =	sadd.s32 $0x80, s23;
	s10 =	sor.u32 $0x410, s1;
	v4 =	vld [tilespmem:s14+$0x1D80];
	s16 =	spop (v2sf)  }
0x3cc: {  	s15 =	sor.u32 $0x400, s2;
	s19 =	sor.u32 $0x420, s1;
	s13 =	sshra.s32 s16, $0x3;
	[tilespmem:s10+$0x7180] =	vst v3  }
0x3cd: {  	s20 =	spop (v2sf);
	s16 =	sor.u32 $0x410, s2;
	[tilespmem:s3+$0x70] =	vst v6;
	s18 =	ssub.s32 s13, s24;
	v3 =	vld [tilespmem:s0+$0x1DA0]  }
0x3ce: {  	s8 =	sshra.s32 s20, $0x3;
	v6 =	vld [tilespmem:s22+$0x1D80];
	s13 =	sshll.u32 s18, $0x8;
	s3 =	sshll.u32 s18, $0x7  }
0x3cf: {  	s18 =	spop (v2sf);
	s8 =	ssub.s32 s8, s24;
	s21 =	sand.u32 $0xFFFFF800, s13;
	[tilespmem:s15+$0x7180] =	vst v5  }
0x3d0: {  	[tilespmem:s26+$0x7180] =	vst v4;
	s3 =	sand.u32 $0x380, s3;
	s23 =	spop (v2sf);
	s25 =	sshra.s32 s18, $0x3;
	v7 =	vld [tilespmem:s12+$0x1D90]  }
0x3d1: {  	v4 =	vld [tilespmem:s14+$0x1D90];
	s18 =	simm.s32 $0xC00;
	s13 =	sor.u32 s3, s21;
	s26 =	sshra.s32 s23, $0x3  }
0x3d2: {  	s21 =	sand.u32 $0x7800, s18;
	s3 =	simm.s32 $0x780;
	s10 =	ssub.s32 s25, s24;
	v5 =	vld [tilespmem:s13+$0x1980];
	[tilespmem:s19+$0x7180] =	vst v3  }
0x3d3: {  	s24 =	ssub.s32 s26, s24;
	s26 =	sshll.u32 s10, $0x8;
	s10 =	sshll.u32 s10, $0x7;
	[tilespmem:s11+$0x7180] =	vst v6;
	v3 =	vld [tilespmem:s0+$0x1DB0]  }
0x3d4: {  	s25 =	sshll.u32 s8, $0x8;
	s10 =	sand.u32 $0x380, s10;
	s11 =	sand.u32 $0xFFFFF800, s26;
	v6 =	vld [tilespmem:s22+$0x1D90]  }
0x3d5: {  	s20 =	sadd.s32 $0x7180, s21;
	s23 =	sand.u32 $0x380, s3;
	[tilespmem:s16+$0x7180] =	vst v7;
	s16 =	sor.u32 s10, s11  }
0x3d6: {  	s8 =	sshll.u32 s8, $0x7;
	s15 =	sand.u32 $0xFFFFF800, s25;
	[tilespmem:s6+$0x7180] =	vst v4;
	s6 =	sadd.s32 s23, s20;
	v8 =	vld [tilespmem:s16+$0x1980]  }
0x3d7: {  	s8 =	sand.u32 $0x380, s8;
	s21 =	sshll.u32 s24, $0x8;
	s19 =	sor.u32 $0x430, s1;
	v4 =	vld [tilespmem:s14+$0x1DA0];
	[tilespmem:s6+$0x0] =	vst v5  }
0x3d8: {  	s15 =	sor.u32 s8, s15;
	s25 =	sand.u32 $0xFFFFF800, s21;
	s21 =	simm.s32 $0x680;
	v5 =	vld [tilespmem:s13+$0x1990];
	[tilespmem:s19+$0x7180] =	vst v3  }
0x3d9: {  	s11 =	sand.u32 $0x280, s21;
	[tilespmem:s17+$0x7180] =	vst v6;
	v6 =	vld [tilespmem:s15+$0x1980]  }
0x3da: {  	s11 =	sadd.s32 s11, s20;
	s19 =	sshll.u32 s24, $0x7;
	v3 =	vld [tilespmem:s0+$0x1DC0]  }
0x3db: {  	s26 =	simm.s32 $0x600;
	v7 =	vld [tilespmem:s12+$0x1DA0];
	s24 =	sor.u32 $0x420, s5;
	s8 =	sand.u32 $0x380, s19;
	[tilespmem:s11+$0x0] =	vst v8  }
0x3dc: {  	s10 =	sand.u32 $0x200, s26;
	[tilespmem:s24+$0x7180] =	vst v4;
	s28 =	sor.u32 s8, s25;
	v8 =	vld [tilespmem:s16+$0x1990]  }
0x3dd: {  	s10 =	sor.u32 s10, s20;
	v4 =	vld [tilespmem:s28+$0x1980];
	[tilespmem:s6+$0x10] =	vst v5  }
0x3de: {  	s23 =	sor.u32 $0x440, s1;
	v5 =	vld [tilespmem:s13+$0x19A0];
	[tilespmem:s10+$0x0] =	vst v6  }
0x3df: {  	s19 =	sor.u32 $0x420, s2;
	v6 =	vld [tilespmem:s22+$0x1DA0];
	[tilespmem:s23+$0x7180] =	vst v3;
	s23 =	simm.s32 $0x700  }
0x3e0: {  	[tilespmem:s19+$0x7180] =	vst v7;
	v3 =	vld [tilespmem:s0+$0x1DD0];
	s8 =	sand.u32 $0x300, s23  }
0x3e1: {  	v7 =	vld [tilespmem:s15+$0x1990];
	s30 =	sadd.s32 s8, s20;
	[tilespmem:s11+$0x10] =	vst v8  }
0x3e2: {  	[tilespmem:s30+$0x0] =	vst v4;
	v8 =	vld [tilespmem:s16+$0x19A0]  }
0x3e3: {  	s25 =	sor.u32 $0x420, s7;
	[tilespmem:s6+$0x20] =	vst v5;
	v4 =	vld [tilespmem:s28+$0x1990]  }
0x3e4: {  	s24 =	sor.u32 $0x450, s1;
	[tilespmem:s25+$0x7180] =	vst v6;
	v6 =	vld [tilespmem:s14+$0x1DB0]  }
0x3e5: {  	v5 =	vld [tilespmem:s13+$0x19B0];
	[tilespmem:s24+$0x7180] =	vst v3  }
0x3e6: {  	[tilespmem:s10+$0x10] =	vst v7;
	v3 =	vld [tilespmem:s0+$0x1DE0]  }
0x3e7: {  	v7 =	vld [tilespmem:s15+$0x19A0];
	[tilespmem:s11+$0x20] =	vst v8  }
0x3e8: {  	s17 =	sor.u32 $0x430, s5;
	[tilespmem:s30+$0x10] =	vst v4  }
0x3e9: {  	[tilespmem:s17+$0x7180] =	vst v6;
	v6 =	vld [tilespmem:s12+$0x1DB0]  }
0x3ea: {  	s26 =	sor.u32 $0x460, s1;
	[tilespmem:s6+$0x30] =	vst v5;
	v4 =	vld [tilespmem:s28+$0x19A0]  }
0x3eb: {  	v5 =	vld [tilespmem:s13+$0x19C0];
	[tilespmem:s26+$0x7180] =	vst v3  }
0x3ec: {  	s19 =	sor.u32 $0x450, s5;
	[tilespmem:s10+$0x20] =	vst v7;
	v3 =	vld [tilespmem:s0+$0x1DF0]  }
0x3ed: {  	s20 =	sor.u32 $0x430, s2;
	v7 =	vld [tilespmem:s15+$0x19B0];
	[dreg:$0xa] =	wrdreg s19  }
0x3ee: {  	[tilespmem:s20+$0x7180] =	vst v6  }
0x3ef: {  	p0 =	por !p0, !p0;
	s29 =	sor.u32 $0x470, s5;
	v8 =	vld [tilespmem:s16+$0x19B0];
	[tilespmem:s30+$0x20] =	vst v4  }
0x3f0: {  	s1 =	sor.u32 $0x470, s1;
	s8 =	sor.u32 $0x460, s7;
	s24 =	sor.u32 $0x450, s7;
	[tilespmem:s6+$0x40] =	vst v5;
	v4 =	vld [tilespmem:s28+$0x19B0]  }
0x3f1: {  	s26 =	sor.u32 $0x440, s7;
	s0 =	sor.u32 $0x430, s7;
	s7 =	sor.u32 $0x470, s7;
	v5 =	vld [tilespmem:s13+$0x19D0];
	[tilespmem:s1+$0x7180] =	vst v3  }
0x3f2: {  	s21 =	sor.u32 $0x460, s5;
	s19 =	simm.s32 $0x1;
	v3 =	vld [tilespmem:s22+$0x1DB0];
	[dreg:$0x18] =	wrdreg s7  }
0x3f3: {  	s17 =	sor.u32 $0x440, s5;
	s5 =	simm.s32 $0x2;
	s19 =	simm.s32 @!p0 $0x0;
	[tilespmem:s10+$0x30] =	vst v7  }
0x3f4: {  	s25 =	sor.u32 $0x450, s2;
	s23 =	sand.u32 $0x3, s5;
	s7 =	sshll.u32 s19, $0x9;
	v6 =	vld [tilespmem:s14+$0x1DC0];
	[tilespmem:s11+$0x30] =	vst v8  }
0x3f5: {  	s19 =	sshll.u32 s23, $0x8;
	s23 =	sor.u32 $0x460, s2;
	v7 =	vld [tilespmem:s15+$0x19C0];
	[dreg:$0x10] =	wrdreg s25  }
0x3f6: {  	[smem:$0x7B4] =	sst s23  }
0x3f7: {  	s25 =	sor.u32 $0x470, s2;
	[tilespmem:s0+$0x7180] =	vst v3  }
0x3f8: {  	s20 =	sor.u32 $0x440, s2;
	s2 =	sadd.s32 $0xC00, s7;
	[smem:$0x7B5] =	sst s25  }
0x3f9: {  	s7 =	sor.u32 $0x400, s2;
	v8 =	vld [tilespmem:s16+$0x19C0];
	[tilespmem:s30+$0x30] =	vst v4  }
0x3fa: {  	s1 =	sadd.s32 $0xC00, s19;
	s19 =	sor.u32 $0x410, s2;
	v4 =	vld [tilespmem:s12+$0x1DC0];
	[smem:$0x7B6] =	sst s7  }
0x3fb: {  	[smem:$0x7B7] =	sst s19  }
0x3fc: {  	s23 =	sor.u32 $0x420, s2;
	[tilespmem:s6+$0x50] =	vst v5  }
0x3fd: {  	s25 =	sor.u32 $0x430, s2;
	v63 =	vld [tilespmem:s28+$0x19C0];
	[smem:$0x7B8] =	sst s23  }
0x3fe: {  	s7 =	sor.u32 $0x440, s2;
	[dreg:$0x1c] =	wrdreg s25  }
0x3ff: {  	[dreg:$0x16] =	wrdreg s7  }
0x400: {  	[tilespmem:s17+$0x7180] =	vst v6;
	s17 =	sor.u32 $0x460, s2  }
0x401: {  	s0 =	sadd.s32 $0x100, s1;
	[smem:$0x7B9] =	sst s17  }
0x402: {  	s19 =	sor.u32 $0x400, s0;
	v5 =	vld [tilespmem:s13+$0x19E0];
	[tilespmem:s10+$0x40] =	vst v7  }
0x403: {  	s31 =	sor.u32 $0x470, s2;
	s25 =	sor.u32 $0x410, s0;
	v3 =	vld [tilespmem:s22+$0x1DC0];
	[smem:$0x7BA] =	sst s19  }
0x404: {  	s23 =	sor.u32 $0x450, s2;
	s2 =	sor.u32 $0x420, s0;
	[smem:$0x7BB] =	sst s25  }
0x405: {  	[smem:$0x7BC] =	sst s2  }
0x406: {  	s7 =	sor.u32 $0x430, s0;
	[tilespmem:s11+$0x40] =	vst v8  }
0x407: {  	s17 =	sor.u32 $0x450, s0;
	v6 =	vld [tilespmem:s15+$0x19D0];
	[smem:$0x7BD] =	sst s7  }
0x408: {  	[smem:$0x7BE] =	sst s17  }
0x409: {  	s19 =	sor.u32 $0x460, s0;
	[tilespmem:s20+$0x7180] =	vst v4  }
0x40a: {  	[dreg:$0xf] =	wrdreg s19  }
0x40b: {  	s4 =	sadd.s32 $0x4, s4;
	s25 =	sor.u32 $0x440, s0;
	s2 =	sor.u32 $0x470, s0;
	v7 =	vld [tilespmem:s16+$0x19D0];
	[tilespmem:s30+$0x40] =	vst v63  }
0x40c: {  	s20 =	sadd.s32 $0x180, s9;
	s19 =	simm.s32 $0xC;
	v4 =	vld [tilespmem:s14+$0x1DD0];
	[smem:$0x7BF] =	sst s9  }
0x40d: {  	s9 =	smov.u32 s29;
	[smem:$0x7C0] =	sst s20;
	s29 =	simm.s32 $0x0  }
.LBB2_11:
0x40e: {  	_ = 	snop  }
0x40f: {  	v8 =	vld [tilespmem:s4+$0x0];
	[tilespmem:s6+$0x60] =	vst v5  }
0x410: {  	[tilespmem:s26+$0x7180] =	vst v3;
	v3 =	vld [tilespmem:s4+$0xFFFFFFFD]  }
0x411: {  	[tilespmem:s10+$0x50] =	vst v6;
	v6 =	vld [tilespmem:s4+$0xFFFFFFFE]  }
0x412: {  	s17 =	rddreg [dreg:$0xa];
	v5 =	vld [tilespmem:s13+$0x19F0]  }
0x413: {  	[tilespmem:s17+$0x7180] =	vst v4;
	v4 =	vld [tilespmem:s28+$0x19D0]  }
0x414: {  	s29 =	sadd.s32 $0x4, s29;
	[tilespmem:s11+$0x50] =	vst v7;
	v7 =	vld [tilespmem:s4+$0xFFFFFFFF]  }
0x415: {  	s0 =	smov.u32 s25;
	s25 =	sand.u32 $0x7, s29;
	(v2sf) =	vpush v8, $0x0  }
0x416: {  	[smem:$0x7AE] =	sst s0;
	s0 =	sshll.u32 s25, $0x7;
	v8 =	vld [tilespmem:s15+$0x19E0]  }
0x417: {  	[smem:$0x7AC] =	sst s31;
	s0 =	sadd.s32 s18, s0;
	(v2sf) =	vpush v3, $0x0;
	[tilespmem:s6+$0x70] =	vst v5;
	v5 =	vld [tilespmem:s16+$0x19E0]  }
0x418: {  	[smem:$0x7AD] =	sst s2;
	s20 =	smov.u32 s23;
	s26 =	sadd.s32 $0x80, s0;
	(v2sf) =	vpush v6, $0x0;
	[tilespmem:s30+$0x50] =	vst v4;
	v3 =	vld [tilespmem:s13+$0x1D80]  }
0x419: {  	p0 =	por !p0, !p0;
	[dreg:$0xa] =	wrdreg s20;
	s1 =	sor.u32 $0x430, s26;
	(v2sf) =	vpush v7, $0x0;
	v4 =	vld [tilespmem:s22+$0x1DD0]  }
0x41a: {  	s5 =	sadd.s32 $0x2, s5;
	s2 =	sor.u32 $0x440, s26;
	[smem:$0x7B0] =	sst s1;
	v6 =	vld [tilespmem:s12+$0x1DD0]  }
0x41b: {  	s20 =	sadd.s32 $0x180, s0;
	[smem:$0x7B1] =	sst s2;
	s6 =	sor.u32 $0x470, s26;
	[tilespmem:s10+$0x60] =	vst v8;
	v7 =	vld [tilespmem:s28+$0x19E0]  }
0x41c: {  	s0 =	sor.u32 $0x400, s26;
	s17 =	sor.u32 $0x400, s20;
	[smem:$0x7AA] =	sst s6;
	v8 =	vld [tilespmem:s15+$0x19F0];
	[tilespmem:s11+$0x60] =	vst v5  }
0x41d: {  	s7 =	sor.u32 $0x410, s26;
	s25 =	sor.u32 $0x420, s26;
	s6 =	sld [smem:$0x7BE];
	[tilespmem:s17+$0x7180] =	vst v3;
	v5 =	vld [tilespmem:s16+$0x19F0]  }
0x41e: {  	s23 =	sor.u32 $0x460, s26;
	s17 =	sor.u32 $0x450, s26;
	s26 =	rddreg [dreg:$0x10];
	[tilespmem:s24+$0x7180] =	vst v4;
	v3 =	vld [tilespmem:s13+$0x1D90]  }
0x41f: {  	s3 =	sadd.s32 $0x200, s3;
	[tilespmem:s26+$0x7180] =	vst v6;
	s2 =	smov.u32 s17;
	v6 =	vld [tilespmem:s14+$0x1DE0];
	s26 =	sld [smem:$0x7B9]  }
0x420: {  	s18 =	sadd.s32 $0x400, s18;
	s17 =	smov.u32 s6;
	[tilespmem:s30+$0x60] =	vst v7;
	[dreg:$0x10] =	wrdreg s2;
	v4 =	vld [tilespmem:s12+$0x1DE0]  }
0x421: {  	s24 =	sor.u32 $0x410, s20;
	[tilespmem:s10+$0x70] =	vst v8;
	s6 =	simm.s32 $0x1;
	[smem:$0x7AF] =	sst s17;
	v7 =	vld [tilespmem:s28+$0x19F0]  }
0x422: {  	s10 =	sand.u32 $0x3, s5;
	v8 =	vld [tilespmem:s15+$0x1D80];
	s6 =	simm.s32 @!p0 $0x0;
	s17 =	sld [smem:$0x7B4];
	[tilespmem:s11+$0x70] =	vst v5  }
0x423: {  	s1 =	sshll.u32 s10, $0x8;
	s2 =	smov.u32 s26;
	s26 =	sld [smem:$0x7B6];
	[tilespmem:s24+$0x7180] =	vst v3;
	v5 =	vld [tilespmem:s16+$0x1D80]  }
0x424: {  	s1 =	sadd.s32 s18, s1;
	[smem:$0x7AB] =	sst s2;
	s11 =	spop (v2sf);
	[tilespmem:s21+$0x7180] =	vst v6;
	v3 =	vld [tilespmem:s13+$0x1DA0]  }
0x425: {  	s2 =	rddreg [dreg:$0x4];
	s21 =	sshll.u32 s6, $0x9;
	s24 =	sshra.s32 s11, $0x3;
	[tilespmem:s17+$0x7180] =	vst v4;
	v4 =	vld [tilespmem:s22+$0x1DE0]  }
0x426: {  	[tilespmem:s30+$0x70] =	vst v7;
	v6 =	vld [tilespmem:s14+$0x1DF0];
	s6 =	ssub.s32 s24, s2;
	s17 =	sor.u32 $0x420, s20;
	s10 =	spop (v2sf)  }
0x427: {  	[tilespmem:s26+$0x7180] =	vst v8;
	s14 =	sor.u32 $0x430, s20;
	s24 =	sshll.u32 s6, $0x8;
	s11 =	spop (v2sf)  }
0x428: {  	v7 =	vld [tilespmem:s28+$0x1D80];
	s6 =	sshll.u32 s6, $0x7;
	s10 =	sshra.s32 s10, $0x3;
	s26 =	spop (v2sf);
	[tilespmem:s0+$0x7180] =	vst v5  }
0x429: {  	v8 =	vld [tilespmem:s15+$0x1D90];
	s6 =	sand.u32 $0x380, s6;
	s11 =	sshra.s32 s11, $0x3;
	s26 =	sshra.s32 s26, $0x3;
	[tilespmem:s17+$0x7180] =	vst v3  }
0x42a: {  	s0 =	ssub.s32 s11, s2;
	s17 =	sand.u32 $0xFFFFF800, s24;
	v5 =	vld [tilespmem:s16+$0x1D90];
	[tilespmem:s8+$0x7180] =	vst v4;
	s8 =	ssub.s32 s26, s2  }
0x42b: {  	[tilespmem:s9+$0x7180] =	vst v6;
	v6 =	vld [tilespmem:s12+$0x1DF0];
	s9 =	sand.u32 $0x7800, s18;
	s12 =	sld [smem:$0x7B7];
	s26 =	sand.u32 $0x380, s3  }
0x42c: {  	v3 =	vld [tilespmem:s13+$0x1DB0];
	s31 =	sor.u32 s6, s17;
	s17 =	ssub.s32 s10, s2;
	s6 =	sld [smem:$0x7BA]  }
0x42d: {  	s2 =	sadd.s32 $0x7180, s9;
	s9 =	sshll.u32 s8, $0x8;
	v4 =	vld [tilespmem:s31+$0x1980];
	s10 =	sshll.u32 s17, $0x8  }
0x42e: {  	s24 =	sshll.u32 s17, $0x7;
	s17 =	sshll.u32 s0, $0x8;
	s0 =	sshll.u32 s0, $0x7;
	[tilespmem:s12+$0x7180] =	vst v8  }
0x42f: {  	s10 =	sand.u32 $0xFFFFF800, s10;
	s11 =	sand.u32 $0x380, s24;
	s24 =	sshll.u32 s8, $0x7;
	[tilespmem:s6+$0x7180] =	vst v7  }
0x430: {  	s0 =	sand.u32 $0x380, s0;
	s12 =	sld [smem:$0x7B5];
	s6 =	sadd.s32 s26, s2;
	v7 =	vld [tilespmem:s28+$0x1D90];
	[tilespmem:s7+$0x7180] =	vst v5  }
0x431: {  	v8 =	vld [tilespmem:s15+$0x1DA0];
	s26 =	sand.u32 $0xFFFFF800, s17;
	s17 =	sand.u32 $0x380, s24;
	s24 =	sld [smem:$0x7BB];
	[tilespmem:s14+$0x7180] =	vst v3  }
0x432: {  	s8 =	sor.u32 s0, s26;
	s26 =	sadd.s32 $0xFFFFFE80, s3;
	s14 =	sand.u32 $0xFFFFF800, s9;
	v3 =	vld [tilespmem:s13+$0x1DC0];
	[tilespmem:s6+$0x0] =	vst v4  }
0x433: {  	s7 =	sand.u32 $0x200, s26;
	v4 =	vld [tilespmem:s16+$0x1DA0];
	[tilespmem:s12+$0x7180] =	vst v6;
	s12 =	sor.u32 s11, s10;
	s10 =	sld [smem:$0x7B8]  }
0x434: {  	s9 =	sadd.s32 s18, s21;
	s26 =	rddreg [dreg:$0x18];
	s0 =	sor.u32 s17, s14  }
0x435: {  	s11 =	sor.u32 $0x440, s20;
	s14 =	sadd.s32 $0xFFFFFF00, s3;
	s17 =	sadd.s32 $0xFFFFFF80, s3;
	v5 =	vld [tilespmem:s31+$0x1990];
	[tilespmem:s24+$0x7180] =	vst v7  }
0x436: {  	v7 =	vld [tilespmem:s12+$0x1980];
	[tilespmem:s10+$0x7180] =	vst v8;
	s10 =	sor.u32 s7, s2;
	s24 =	sand.u32 $0x300, s17;
	s7 =	sor.u32 $0x400, s9  }
0x437: {  	v6 =	vld [tilespmem:s22+$0x1DF0];
	s22 =	sand.u32 $0x280, s14;
	s30 =	sadd.s32 s24, s2;
	s14 =	sadd.s32 $0x100, s1  }
0x438: {  	v8 =	vld [tilespmem:s8+$0x1980];
	[smem:$0x7B6] =	sst s7;
	[tilespmem:s11+$0x7180] =	vst v3;
	s11 =	sadd.s32 s22, s2;
	s2 =	smov.u32 s23  }
0x439: {  	[tilespmem:s25+$0x7180] =	vst v4;
	s17 =	sor.u32 $0x400, s14;
	v3 =	vld [tilespmem:s13+$0x1DD0];
	[smem:$0x7B4] =	sst s2  }
0x43a: {  	v4 =	vld [tilespmem:s0+$0x1980];
	s21 =	sor.u32 $0x410, s14;
	[tilespmem:s6+$0x10] =	vst v5;
	[smem:$0x7BA] =	sst s17  }
0x43b: {  	s24 =	sor.u32 $0x430, s9;
	s22 =	sor.u32 $0x410, s9;
	[smem:$0x7BB] =	sst s21;
	v5 =	vld [tilespmem:s31+$0x19A0];
	[tilespmem:s10+$0x0] =	vst v7  }
0x43c: {  	s7 =	sor.u32 $0x440, s9;
	s25 =	sor.u32 $0x420, s9;
	[smem:$0x7B7] =	sst s22;
	[tilespmem:s26+$0x7180] =	vst v6;
	v7 =	vld [tilespmem:s12+$0x1990]  }
0x43d: {  	s1 =	sor.u32 $0x420, s14;
	s23 =	sor.u32 $0x450, s20;
	[smem:$0x7B8] =	sst s25;
	[tilespmem:s11+$0x0] =	vst v8;
	v6 =	vld [tilespmem:s28+$0x1DA0]  }
0x43e: {  	s17 =	sor.u32 $0x430, s14;
	s21 =	sor.u32 $0x460, s9;
	s22 =	sld [smem:$0x7BC];
	v8 =	vld [tilespmem:s8+$0x1990];
	[tilespmem:s23+$0x7180] =	vst v3  }
0x43f: {  	s2 =	sor.u32 $0x470, s9;
	[tilespmem:s30+$0x0] =	vst v4;
	s23 =	sor.u32 $0x450, s9;
	s9 =	sld [smem:$0x7AA];
	v3 =	vld [tilespmem:s13+$0x1DE0]  }
0x440: {  	s25 =	sor.u32 $0x440, s14;
	[smem:$0x7B9] =	sst s21;
	s26 =	sor.u32 $0x450, s14;
	[tilespmem:s6+$0x20] =	vst v5  }
0x441: {  	s21 =	sor.u32 $0x460, s14;
	[smem:$0x7BE] =	sst s26;
	s26 =	sor.u32 $0x470, s14;
	v4 =	vld [tilespmem:s0+$0x1990];
	[tilespmem:s10+$0x10] =	vst v7  }
0x442: {  	s14 =	smov.u32 s15;
	[tilespmem:s22+$0x7180] =	vst v6;
	s22 =	smov.u32 s9;
	v6 =	vld [tilespmem:s15+$0x1DB0];
	s15 =	smov.u32 s12  }
0x443: {  	v5 =	vld [tilespmem:s31+$0x19B0];
	[tilespmem:s11+$0x10] =	vst v8;
	s12 =	smov.u32 s16;
	s9 =	sor.u32 $0x460, s20;
	[smem:$0x7B5] =	sst s22  }
0x444: {  	s16 =	smov.u32 s8;
	[tilespmem:s9+$0x7180] =	vst v3;
	s9 =	smov.u32 s1;
	s1 =	rddreg [dreg:$0xf]  }
0x445: {  	s22 =	smov.u32 s28;
	v8 =	vld [tilespmem:s16+$0x19A0];
	s8 =	smov.u32 s1;
	s1 =	sld [smem:$0x7AC]  }
0x446: {  	v7 =	vld [tilespmem:s15+$0x19A0];
	s28 =	smov.u32 s0;
	[tilespmem:s30+$0x10] =	vst v4;
	[smem:$0x7BC] =	sst s9;
	s9 =	smov.u32 s21  }
0x447: {  	v4 =	vld [tilespmem:s28+$0x19A0];
	[dreg:$0xf] =	wrdreg s9  }
0x448: {  	v3 =	vld [tilespmem:s13+$0x1DF0];
	s13 =	smov.u32 s31;
	[tilespmem:s6+$0x30] =	vst v5;
	s9 =	smov.u32 s1;
	s1 =	rddreg [dreg:$0x1c]  }
0x449: {  	v5 =	vld [tilespmem:s13+$0x19C0];
	[tilespmem:s1+$0x7180] =	vst v6  }
0x44a: {  	s1 =	smov.u32 s24;
	v6 =	vld [tilespmem:s12+$0x1DB0];
	[tilespmem:s11+$0x20] =	vst v8  }
0x44b: {  	[dreg:$0x1c] =	wrdreg s1;
	[tilespmem:s10+$0x20] =	vst v7;
	v8 =	vld [tilespmem:s16+$0x19B0]  }
0x44c: {  	[tilespmem:s30+$0x20] =	vst v4;
	s1 =	sor.u32 $0x470, s20;
	s20 =	sld [smem:$0x7B0];
	v7 =	vld [tilespmem:s15+$0x19B0]  }
0x44d: {  	[tilespmem:s1+$0x7180] =	vst v3  }
0x44e: {  	v3 =	vld [tilespmem:s22+$0x1DB0];
	[tilespmem:s6+$0x40] =	vst v5  }
0x44f: {  	v4 =	vld [tilespmem:s28+$0x19B0];
	[tilespmem:s20+$0x7180] =	vst v6  }
0x450: {  	s1 =	sld [smem:$0x7BD];
	v5 =	vld [tilespmem:s13+$0x19D0];
	[tilespmem:s11+$0x30] =	vst v8  }
0x451: {  	[tilespmem:s10+$0x30] =	vst v7;
	v8 =	vld [tilespmem:s16+$0x19C0]  }
0x452: {  	s0 =	sld [smem:$0x7AD];
	v6 =	vld [tilespmem:s14+$0x1DC0]  }
0x453: {  	s21 =	sld [smem:$0x7AB];
	s20 =	smov.u32 s17;
	[tilespmem:s1+$0x7180] =	vst v3;
	v7 =	vld [tilespmem:s15+$0x19C0]  }
0x454: {  	s19 =	sadd.s32 $0x4, s19;
	[smem:$0x7BD] =	sst s20;
	[tilespmem:s30+$0x30] =	vst v4;
	v4 =	vld [tilespmem:s12+$0x1DC0]  }
0x455: {  	p1 =	slt.u32 s19, $0x7C;
	s31 =	smov.u32 s2;
	s20 =	sld [smem:$0x7B1];
	v9 =	vld [tilespmem:s28+$0x19C0];
	[tilespmem:s6+$0x50] =	vst v5  }
.Ltmp4:
0x456: {  	s2 =	smov.u32 s0;
	s1 =	rddreg [dreg:$0x16];
	v3 =	vld [tilespmem:s22+$0x1DC0];
	[tilespmem:s11+$0x40] =	vst v8;
	(pc) =	sbr.rel @p1 .LBB2_11-.Ltmp4, $4  }
0x457: {  	[dreg:$0x18] =	wrdreg s2;
	v5 =	vld [tilespmem:s13+$0x19E0];
	[tilespmem:s1+$0x7180] =	vst v6  }
0x458: {  	s2 =	smov.u32 s26;
	s26 =	sld [smem:$0x7AE];
	[tilespmem:s10+$0x40] =	vst v7;
	v7 =	vld [tilespmem:s16+$0x19D0]  }
0x459: {  	s24 =	sld [smem:$0x7AF];
	s17 =	smov.u32 s7;
	[tilespmem:s20+$0x7180] =	vst v4;
	v6 =	vld [tilespmem:s15+$0x19D0]  }
0x45a: {  	s4 =	sadd.s32 $0x4, s4;
	[dreg:$0x16] =	wrdreg s17;
	[tilespmem:s30+$0x40] =	vst v9;
	v4 =	vld [tilespmem:s14+$0x1DD0]  }
0x45b: {  	v8 =	vld [tilespmem:s28+$0x19D0];
	_ =	sdelay $0x1  }
0x45c: {  	[tilespmem:s11+$0x50] =	vst v7  }
0x45d: {  	[tilespmem:s10+$0x50] =	vst v6;
	v7 =	vld [tilespmem:s16+$0x19E0]  }
0x45e: {  	[tilespmem:s6+$0x60] =	vst v5;
	v6 =	vld [tilespmem:s15+$0x19E0]  }
0x45f: {  	v5 =	vld [tilespmem:s13+$0x19F0];
	[tilespmem:s30+$0x50] =	vst v8  }
0x460: {  	v8 =	vld [tilespmem:s28+$0x19E0];
	_ =	sdelay $0x1  }
0x461: {  	[tilespmem:s11+$0x60] =	vst v7  }
0x462: {  	[tilespmem:s10+$0x60] =	vst v6;
	v7 =	vld [tilespmem:s16+$0x19F0]  }
0x463: {  	s0 =	sadd.s32 $0x4, s29;
	[tilespmem:s6+$0x70] =	vst v5;
	v6 =	vld [tilespmem:s15+$0x19F0]  }
0x464: {  	s0 =	sand.u32 $0x7, s0;
	v5 =	vld [tilespmem:s13+$0x1D80];
	[tilespmem:s30+$0x60] =	vst v8  }
0x465: {  	s0 =	sshll.u32 s0, $0x7;
	v8 =	vld [tilespmem:s28+$0x19F0]  }
0x466: {  	s0 =	sadd.s32 s18, s0  }
0x467: {  	s3 =	sadd.s32 $0x180, s0;
	[tilespmem:s11+$0x70] =	vst v7  }
0x468: {  	s1 =	sor.u32 $0x400, s3;
	[tilespmem:s10+$0x70] =	vst v6;
	v7 =	vld [tilespmem:s16+$0x1D80]  }
0x469: {  	[tilespmem:s1+$0x7180] =	vst v5;
	v6 =	vld [tilespmem:s15+$0x1D80]  }
0x46a: {  	[tilespmem:s30+$0x70] =	vst v8  }
0x46b: {  	s4 =	sadd.s32 $0x80, s0;
	s20 =	sld [smem:$0x7B6]  }
0x46c: {  	s1 =	sor.u32 $0x400, s4;
	v5 =	vld [tilespmem:s13+$0x1D90]  }
0x46d: {  	v8 =	vld [tilespmem:s28+$0x1D80];
	[tilespmem:s1+$0x7180] =	vst v7  }
0x46e: {  	[tilespmem:s20+$0x7180] =	vst v6  }
0x46f: {  	s0 =	sld [smem:$0x7BA]  }
0x470: {  	s5 =	sor.u32 $0x410, s3;
	v7 =	vld [tilespmem:s16+$0x1D90]  }
0x471: {  	v6 =	vld [tilespmem:s15+$0x1D90];
	[tilespmem:s5+$0x7180] =	vst v5  }
0x472: {  	[tilespmem:s0+$0x7180] =	vst v8  }
0x473: {  	s0 =	sld [smem:$0x7B7]  }
0x474: {  	s6 =	sor.u32 $0x410, s4;
	v5 =	vld [tilespmem:s13+$0x1DA0]  }
0x475: {  	v8 =	vld [tilespmem:s28+$0x1D90];
	[tilespmem:s6+$0x7180] =	vst v7  }
0x476: {  	[tilespmem:s0+$0x7180] =	vst v6  }
0x477: {  	s0 =	sld [smem:$0x7BB]  }
0x478: {  	s7 =	sor.u32 $0x420, s3;
	v7 =	vld [tilespmem:s16+$0x1DA0]  }
0x479: {  	v6 =	vld [tilespmem:s15+$0x1DA0];
	[tilespmem:s7+$0x7180] =	vst v5  }
0x47a: {  	[tilespmem:s0+$0x7180] =	vst v8  }
0x47b: {  	s0 =	sld [smem:$0x7B8]  }
0x47c: {  	s10 =	sor.u32 $0x420, s4  }
0x47d: {  	v8 =	vld [tilespmem:s28+$0x1DA0];
	[tilespmem:s10+$0x7180] =	vst v7  }
0x47e: {  	v5 =	vld [tilespmem:s13+$0x1DB0];
	[tilespmem:s0+$0x7180] =	vst v6  }
0x47f: {  	s0 =	sld [smem:$0x7BC]  }
0x480: {  	v7 =	vld [tilespmem:s16+$0x1DB0]  }
0x481: {  	v6 =	vld [tilespmem:s15+$0x1DB0];
	[tilespmem:s26+$0x7180] =	vst v3  }
0x482: {  	s11 =	sor.u32 $0x430, s3;
	[tilespmem:s0+$0x7180] =	vst v8  }
0x483: {  	s0 =	rddreg [dreg:$0xa];
	[tilespmem:s11+$0x7180] =	vst v5  }
0x484: {  	s17 =	sor.u32 $0x430, s4;
	[tilespmem:s0+$0x7180] =	vst v4  }
0x485: {  	v3 =	vld [tilespmem:s28+$0x1DB0];
	s0 =	rddreg [dreg:$0x1c];
	[tilespmem:s17+$0x7180] =	vst v7  }
0x486: {  	v5 =	vld [tilespmem:s22+$0x1DD0];
	[tilespmem:s0+$0x7180] =	vst v6  }
0x487: {  	v6 =	vld [tilespmem:s13+$0x1DC0];
	s0 =	sld [smem:$0x7BD]  }
0x488: {  	v4 =	vld [tilespmem:s12+$0x1DD0];
	_ =	sdelay $0x1  }
0x489: {  	v7 =	vld [tilespmem:s15+$0x1DC0];
	[tilespmem:s0+$0x7180] =	vst v3  }
0x48a: {  	s18 =	sor.u32 $0x440, s3;
	v3 =	vld [tilespmem:s16+$0x1DC0];
	s0 =	rddreg [dreg:$0x10];
	[tilespmem:s24+$0x7180] =	vst v5  }
0x48b: {  	v8 =	vld [tilespmem:s14+$0x1DE0];
	[tilespmem:s18+$0x7180] =	vst v6  }
0x48c: {  	[tilespmem:s0+$0x7180] =	vst v4;
	v4 =	vld [tilespmem:s28+$0x1DC0]  }
0x48d: {  	s1 =	rddreg [dreg:$0x16]  }
0x48e: {  	s19 =	sor.u32 $0x440, s4;
	v6 =	vld [tilespmem:s13+$0x1DD0];
	[tilespmem:s1+$0x7180] =	vst v7  }
0x48f: {  	[tilespmem:s19+$0x7180] =	vst v3;
	v3 =	vld [tilespmem:s15+$0x1DD0]  }
0x490: {  	v5 =	vld [tilespmem:s12+$0x1DE0];
	[tilespmem:s21+$0x7180] =	vst v8  }
0x491: {  	[tilespmem:s25+$0x7180] =	vst v4;
	v4 =	vld [tilespmem:s16+$0x1DD0]  }
0x492: {  	s20 =	sor.u32 $0x450, s3;
	s0 =	sld [smem:$0x7B4]  }
0x493: {  	v8 =	vld [tilespmem:s14+$0x1DF0];
	[tilespmem:s20+$0x7180] =	vst v6  }
0x494: {  	v6 =	vld [tilespmem:s13+$0x1DE0];
	[tilespmem:s23+$0x7180] =	vst v3  }
0x495: {  	s21 =	sor.u32 $0x450, s4;
	v7 =	vld [tilespmem:s28+$0x1DD0];
	[tilespmem:s0+$0x7180] =	vst v5  }
0x496: {  	v5 =	vld [tilespmem:s22+$0x1DE0];
	[tilespmem:s21+$0x7180] =	vst v4  }
0x497: {  	s0 =	sld [smem:$0x7BE]  }
0x498: {  	s24 =	sor.u32 $0x460, s3;
	[tilespmem:s9+$0x7180] =	vst v8  }
0x499: {  	v4 =	vld [tilespmem:s16+$0x1DE0];
	[tilespmem:s24+$0x7180] =	vst v6  }
0x49a: {  	v3 =	vld [tilespmem:s15+$0x1DE0];
	[tilespmem:s0+$0x7180] =	vst v7  }
0x49b: {  	[tilespmem:s8+$0x7180] =	vst v5  }
0x49c: {  	v5 =	vld [tilespmem:s28+$0x1DE0];
	s1 =	sld [smem:$0x7B9]  }
0x49d: {  	s25 =	sor.u32 $0x460, s4  }
0x49e: {  	[tilespmem:s25+$0x7180] =	vst v4  }
0x49f: {  	[tilespmem:s1+$0x7180] =	vst v3  }
0x4a0: {  	v7 =	vld [tilespmem:s12+$0x1DF0];
	s0 =	rddreg [dreg:$0xf]  }
0x4a1: {  	v6 =	vld [tilespmem:s13+$0x1DF0];
	[tilespmem:s0+$0x7180] =	vst v5  }
0x4a2: {  	v3 =	vld [tilespmem:s15+$0x1DF0];
	s0 =	sld [smem:$0x7B5]  }
0x4a3: {  	v4 =	vld [tilespmem:s16+$0x1DF0]  }
0x4a4: {  	v8 =	vld [tilespmem:s22+$0x1DF0]  }
0x4a5: {  	s26 =	sor.u32 $0x470, s3;
	v5 =	vld [tilespmem:s28+$0x1DF0];
	[tilespmem:s0+$0x7180] =	vst v7  }
0x4a6: {  	s0 =	rddreg [dreg:$0x18];
	[tilespmem:s26+$0x7180] =	vst v6  }
0x4a7: {  	s1 =	sor.u32 $0x470, s4;
	[tilespmem:s31+$0x7180] =	vst v3  }
0x4a8: {  	[tilespmem:s1+$0x7180] =	vst v4  }
0x4a9: {  	[tilespmem:s0+$0x7180] =	vst v8  }
0x4aa: {  	[tilespmem:s2+$0x7180] =	vst v5;
	s2 =	simm.s32 $0x3  }
0x4ab: {  	_ =	swait.ge [sflag:s2], $0x800  }
0x4ac: {  	s3 =	sld [smem:$0x7F8]  }
0x4ad: {  	s4 =	sld [smem:$0x7BF];
	_ =	sdelay $0x1  }
0x4ae: {  	[sflag:s2] =	ssyncset.done $0x0  }
0x4af: {  	[sflag:s2] =	ssyncadd.s32 $0xFFFFF800;
	s0 =	sadd.s32 s4, s3  }
0x4b0: {  	s5 =	simm.s32 $0x17180;
	s1 =	rddreg [dreg:$0x2];
	s0 =	sshll.u32 s0, $0x5  }
0x4b1: {  	s6 =	simm.s32 $0x5;
	s15 =	simm.s32 $0x0;
	s0 =	sadd.s32 s1, s0  }
0x4b2: {  	[hbm4b:s0+s15] =	stream.linear.scatter [tilespmem:s5], [sflag:$0x6], $0x8000, $0x38;
	[tilespmem:$0x1F180] =	vst v63  }
0x4b3: {  	_ =	swait.ge [sflag:s6], $0x8000  }
0x4b4: {  	[sflag:s6] =	ssyncset.done $0x0  }
0x4b5: {  	[sflag:s6] =	ssyncadd.s32 $0xFFFF8000  }
0x4b6: {  	v3 =	vld.msk [tilespmem:s4+$0x200], $0xff;
	_ =	sdelay $0x4  }
0x4b7: {  	v4 =	vshll.u32 v3, $0x1  }
0x4b8: {  	v3 =	vand.u32 $0x7, v3;
	v4 =	vand.u32 $0xFFFFFFF0, v4  }
0x4b9: {  	v3 =	vor.u32 v3, v4  }
0x4ba: {  	v3 =	vperm.xlane v3, v0;
	_ =	sdelay $0x1  }
0x4bb: {  	v3 =	vadd.s32 v2, v3;
	_ =	sdelay $0x1  }
0x4bc: {  	s7 =	sld [smem:$0x7F2];
	_ =	sdelay $0x1  }
0x4bd: {  	s8 =	simm.s32 $0xF180  }
0x4be: {  	[tilespmem:s8], [sflag:$0x2] =	stream.indirect_vreg.gather [hbm4b:s7+s15], $0x80, v3, vm0, $0xb8;
	[tilespmem:$0x1F180] =	vst v63  }
0x4bf: {  	s7 =	sld [smem:$0x7C2];
	_ =	sdelay $0x2  }
0x4c0: {  	v3 =	vld [tilespmem:s7+$0x0];
	_ =	sdelay $0x4  }
0x4c1: {  	(v2sf) =	vpush v3, $0x0;
	_ =	sdelay $0x6  }
0x4c2: {  	v3 =	vld [tilespmem:s7+$0xFFFFFFFD]  }
0x4c3: {  	v4 =	vld [tilespmem:s7+$0xFFFFFFFE]  }
0x4c4: {  	v5 =	vld [tilespmem:s7+$0xFFFFFFFF];
	_ =	sdelay $0x2  }
0x4c5: {  	(v2sf) =	vpush v3, $0x0  }
0x4c6: {  	(v2sf) =	vpush v4, $0x0  }
0x4c7: {  	(v2sf) =	vpush v5, $0x0  }
0x4c8: {  	s9 =	spop (v2sf)  }
0x4c9: {  	s24 =	rddreg [dreg:$0x4];
	s0 =	sshra.s32 s9, $0x3  }
0x4ca: {  	s0 =	ssub.s32 s0, s24  }
0x4cb: {  	s10 =	sshll.u32 s0, $0x8;
	s0 =	sshll.u32 s0, $0x7  }
0x4cc: {  	s1 =	sand.u32 $0xFFFFF800, s10;
	s0 =	sand.u32 $0x380, s0  }
0x4cd: {  	s1 =	sor.u32 s0, s1  }
0x4ce: {  	v3 =	vld [tilespmem:s1+$0x1980]  }
0x4cf: {  	s11 =	simm.s32 $0x800  }
0x4d0: {  	s12 =	simm.s32 $0x580;
	s0 =	sand.u32 $0x7800, s11  }
0x4d1: {  	s2 =	sand.u32 $0x380, s12;
	s0 =	sadd.s32 $0xF180, s0  }
0x4d2: {  	s14 =	sadd.s32 s2, s0  }
0x4d3: {  	[tilespmem:s14+$0x0] =	vst v3  }
0x4d4: {  	s13 =	spop (v2sf);
	v3 =	vld [tilespmem:s1+$0x1990]  }
0x4d5: {  	s16 =	sshra.s32 s13, $0x3;
	s17 =	spop (v2sf)  }
0x4d6: {  	s2 =	ssub.s32 s16, s24;
	s5 =	spop (v2sf)  }
0x4d7: {  	s3 =	sshra.s32 s17, $0x3;
	s18 =	sshll.u32 s2, $0x8;
	s2 =	sshll.u32 s2, $0x7  }
0x4d8: {  	s5 =	sshra.s32 s5, $0x3;
	s3 =	ssub.s32 s3, s24;
	s6 =	sand.u32 $0xFFFFF800, s18  }
0x4d9: {  	s2 =	sand.u32 $0x380, s2;
	s19 =	ssub.s32 s5, s24;
	s20 =	sshll.u32 s3, $0x8;
	[tilespmem:s14+$0x10] =	vst v3  }
0x4da: {  	s3 =	sshll.u32 s3, $0x7;
	s21 =	sor.u32 s2, s6;
	s22 =	sshll.u32 s19, $0x8;
	v3 =	vld [tilespmem:s1+$0x19A0]  }
0x4db: {  	s5 =	sand.u32 $0xFFFFF800, s20;
	s3 =	sand.u32 $0x380, s3;
	s2 =	sshll.u32 s19, $0x7;
	v4 =	vld [tilespmem:s21+$0x1980]  }
0x4dc: {  	s13 =	sor.u32 s3, s5;
	s25 =	sand.u32 $0xFFFFF800, s22;
	s2 =	sand.u32 $0x380, s2  }
0x4dd: {  	s23 =	simm.s32 $0x400;
	v5 =	vld [tilespmem:s13+$0x1980];
	s12 =	sor.u32 s2, s25  }
0x4de: {  	s3 =	sand.u32 $0x200, s23;
	v6 =	vld [tilespmem:s12+$0x1980]  }
0x4df: {  	s9 =	simm.s32 $0x480;
	s26 =	sor.u32 s3, s0;
	[tilespmem:s14+$0x20] =	vst v3  }
0x4e0: {  	s10 =	simm.s32 $0x500;
	s3 =	sand.u32 $0x280, s9;
	[tilespmem:s26+$0x0] =	vst v4;
	v3 =	vld [tilespmem:s1+$0x19B0]  }
0x4e1: {  	s5 =	sand.u32 $0x300, s10;
	s3 =	sadd.s32 s3, s0;
	v4 =	vld [tilespmem:s21+$0x1990]  }
0x4e2: {  	s0 =	sadd.s32 s5, s0;
	[tilespmem:s3+$0x0] =	vst v5  }
0x4e3: {  	v5 =	vld [tilespmem:s13+$0x1990];
	[tilespmem:s0+$0x0] =	vst v6  }
0x4e4: {  	v6 =	vld [tilespmem:s12+$0x1990]  }
0x4e5: {  	[tilespmem:s14+$0x30] =	vst v3  }
0x4e6: {  	[tilespmem:s26+$0x10] =	vst v4;
	v3 =	vld [tilespmem:s1+$0x19C0]  }
0x4e7: {  	v4 =	vld [tilespmem:s21+$0x19A0]  }
0x4e8: {  	[tilespmem:s3+$0x10] =	vst v5  }
0x4e9: {  	v5 =	vld [tilespmem:s13+$0x19A0];
	[tilespmem:s0+$0x10] =	vst v6  }
0x4ea: {  	v6 =	vld [tilespmem:s12+$0x19A0]  }
0x4eb: {  	[tilespmem:s14+$0x40] =	vst v3  }
0x4ec: {  	[tilespmem:s26+$0x20] =	vst v4;
	v3 =	vld [tilespmem:s1+$0x19D0]  }
0x4ed: {  	v4 =	vld [tilespmem:s21+$0x19B0]  }
0x4ee: {  	[tilespmem:s3+$0x20] =	vst v5  }
0x4ef: {  	v5 =	vld [tilespmem:s13+$0x19B0];
	[tilespmem:s0+$0x20] =	vst v6  }
0x4f0: {  	v6 =	vld [tilespmem:s12+$0x19B0]  }
0x4f1: {  	[tilespmem:s14+$0x50] =	vst v3  }
0x4f2: {  	[tilespmem:s26+$0x30] =	vst v4;
	v3 =	vld [tilespmem:s1+$0x19E0]  }
0x4f3: {  	s19 =	sadd.s32 $0x4, s7;
	v4 =	vld [tilespmem:s21+$0x19C0]  }
0x4f4: {  	v7 =	vld [tilespmem:s19+$0x0];
	[tilespmem:s3+$0x30] =	vst v5  }
0x4f5: {  	v5 =	vld [tilespmem:s13+$0x19C0];
	[tilespmem:s0+$0x30] =	vst v6  }
0x4f6: {  	v6 =	vld [tilespmem:s12+$0x19C0]  }
0x4f7: {  	v8 =	vld [tilespmem:s19+$0xFFFFFFFD];
	[tilespmem:s14+$0x60] =	vst v3  }
0x4f8: {  	[tilespmem:s26+$0x40] =	vst v4;
	v3 =	vld [tilespmem:s1+$0x19F0]  }
0x4f9: {  	v4 =	vld [tilespmem:s21+$0x19D0]  }
0x4fa: {  	v9 =	vld [tilespmem:s19+$0xFFFFFFFE];
	[tilespmem:s3+$0x40] =	vst v5  }
0x4fb: {  	v5 =	vld [tilespmem:s13+$0x19D0];
	[tilespmem:s0+$0x40] =	vst v6  }
0x4fc: {  	(v2sf) =	vpush v7, $0x0;
	v7 =	vld [tilespmem:s12+$0x19D0]  }
0x4fd: {  	v6 =	vld [tilespmem:s19+$0xFFFFFFFF];
	[tilespmem:s14+$0x70] =	vst v3  }
0x4fe: {  	s11 =	sand.u32 $0x7, s15;
	[tilespmem:s26+$0x50] =	vst v4;
	v3 =	vld [tilespmem:s1+$0x1D80]  }
0x4ff: {  	s4 =	sshll.u32 s11, $0x7;
	v4 =	vld [tilespmem:s21+$0x19E0]  }
0x500: {  	s4 =	sadd.s32 $0x800, s4;
	(v2sf) =	vpush v8, $0x0;
	[tilespmem:s3+$0x50] =	vst v5  }
0x501: {  	s7 =	sadd.s32 $0x180, s4;
	(v2sf) =	vpush v9, $0x0;
	v5 =	vld [tilespmem:s13+$0x19E0];
	[tilespmem:s0+$0x50] =	vst v7  }
0x502: {  	(v2sf) =	vpush v6, $0x0;
	v6 =	vld [tilespmem:s12+$0x19E0];
	s14 =	sor.u32 $0x400, s7  }
0x503: {  	[tilespmem:s14+$0xF180] =	vst v3  }
0x504: {  	[tilespmem:s26+$0x60] =	vst v4;
	v3 =	vld [tilespmem:s1+$0x1D90]  }
0x505: {  	v4 =	vld [tilespmem:s21+$0x19F0]  }
0x506: {  	[tilespmem:s3+$0x60] =	vst v5  }
0x507: {  	s16 =	sand.u32 $0x3, s15;
	v5 =	vld [tilespmem:s13+$0x19F0];
	[tilespmem:s0+$0x60] =	vst v6  }
0x508: {  	s6 =	sshll.u32 s16, $0x8;
	s17 =	sor.u32 $0x410, s7;
	v6 =	vld [tilespmem:s12+$0x19F0]  }
0x509: {  	p0 =	por $0x0, $0x0;
	s6 =	sadd.s32 $0x800, s6;
	[tilespmem:s17+$0xF180] =	vst v3  }
0x50a: {  	s29 =	simm.s32 $0x780;
	s2 =	sadd.s32 $0x100, s6;
	s5 =	simm.s32 $0x1;
	[tilespmem:s26+$0x70] =	vst v4;
	v3 =	vld [tilespmem:s1+$0x1DA0]  }
0x50b: {  	s23 =	sor.u32 $0x420, s7;
	s9 =	sor.u32 $0x400, s2;
	s5 =	simm.s32 @!p0 $0x0;
	v4 =	vld [tilespmem:s21+$0x1D80]  }
0x50c: {  	s10 =	sor.u32 $0x410, s2;
	s5 =	sshll.u32 s5, $0x9;
	s20 =	spop (v2sf);
	[tilespmem:s3+$0x70] =	vst v5  }
0x50d: {  	s8 =	sadd.s32 $0x800, s5;
	s5 =	sadd.s32 $0x80, s4;
	s3 =	sshra.s32 s20, $0x3;
	v5 =	vld [tilespmem:s13+$0x1D80];
	[tilespmem:s0+$0x70] =	vst v6  }
0x50e: {  	s18 =	sor.u32 $0x400, s8;
	s11 =	sor.u32 $0x410, s8;
	s22 =	ssub.s32 s3, s24;
	v6 =	vld [tilespmem:s12+$0x1D80]  }
0x50f: {  	s4 =	sor.u32 $0x400, s5;
	s25 =	sshll.u32 s22, $0x8;
	s0 =	sshll.u32 s22, $0x7;
	[tilespmem:s23+$0xF180] =	vst v3  }
0x510: {  	s26 =	spop (v2sf);
	s0 =	sand.u32 $0x380, s0;
	[tilespmem:s18+$0xF180] =	vst v4;
	s18 =	sand.u32 $0xFFFFF800, s25;
	v3 =	vld [tilespmem:s1+$0x1DB0]  }
0x511: {  	s16 =	sor.u32 $0x410, s5;
	s3 =	sshra.s32 s26, $0x3;
	v4 =	vld [tilespmem:s21+$0x1D90];
	s14 =	sor.u32 s0, s18  }
0x512: {  	s26 =	sor.u32 $0x430, s7;
	s17 =	spop (v2sf);
	[tilespmem:s4+$0xF180] =	vst v5;
	s18 =	sand.u32 $0x380, s29;
	v5 =	vld [tilespmem:s14+$0x1980]  }
0x513: {  	s20 =	spop (v2sf);
	v7 =	vld [tilespmem:s13+$0x1D90];
	[tilespmem:s9+$0xF180] =	vst v6;
	s23 =	ssub.s32 s3, s24;
	s3 =	simm.s32 $0xC00  }
0x514: {  	s22 =	sshra.s32 s17, $0x3;
	s0 =	sshra.s32 s20, $0x3;
	v6 =	vld [tilespmem:s12+$0x1D90];
	s25 =	sand.u32 $0x7800, s3  }
0x515: {  	s4 =	ssub.s32 s22, s24;
	s0 =	ssub.s32 s0, s24;
	s20 =	sadd.s32 $0xF180, s25;
	[tilespmem:s26+$0xF180] =	vst v3  }
0x516: {  	[tilespmem:s11+$0xF180] =	vst v4;
	s22 =	sshll.u32 s23, $0x8;
	s23 =	sshll.u32 s23, $0x7;
	s6 =	sadd.s32 s18, s20;
	v3 =	vld [tilespmem:s1+$0x1DC0]  }
0x517: {  	v4 =	vld [tilespmem:s21+$0x1DA0];
	s25 =	sshll.u32 s4, $0x8;
	s9 =	sand.u32 $0xFFFFF800, s22;
	s11 =	sand.u32 $0x380, s23;
	[tilespmem:s6+$0x0] =	vst v5  }
0x518: {  	[tilespmem:s16+$0xF180] =	vst v7;
	s4 =	sshll.u32 s4, $0x7;
	s22 =	sor.u32 $0x440, s7;
	s16 =	sor.u32 s11, s9;
	v5 =	vld [tilespmem:s14+$0x1990]  }
0x519: {  	[tilespmem:s10+$0xF180] =	vst v6;
	s23 =	sor.u32 $0x420, s8;
	s17 =	sand.u32 $0xFFFFF800, s25;
	s4 =	sand.u32 $0x380, s4;
	v6 =	vld [tilespmem:s16+$0x1980]  }
0x51a: {  	v7 =	vld [tilespmem:s13+$0x1DA0];
	s28 =	sor.u32 s4, s17;
	s26 =	sshll.u32 s0, $0x8;
	s0 =	sshll.u32 s0, $0x7  }
0x51b: {  	v8 =	vld [tilespmem:s28+$0x1980];
	s25 =	sand.u32 $0xFFFFF800, s26;
	s0 =	sand.u32 $0x380, s0;
	s26 =	simm.s32 $0x600;
	[tilespmem:s22+$0xF180] =	vst v3  }
0x51c: {  	[tilespmem:s23+$0xF180] =	vst v4;
	s18 =	sor.u32 s0, s25;
	s4 =	sand.u32 $0x200, s26;
	v3 =	vld [tilespmem:s1+$0x1DD0]  }
0x51d: {  	s17 =	simm.s32 $0x680;
	v4 =	vld [tilespmem:s18+$0x1980];
	s11 =	sor.u32 s4, s20;
	[tilespmem:s6+$0x10] =	vst v5  }
0x51e: {  	s10 =	sor.u32 $0x420, s5;
	[tilespmem:s11+$0x0] =	vst v6;
	v6 =	vld [tilespmem:s12+$0x1DA0];
	s22 =	sand.u32 $0x280, s17  }
0x51f: {  	s23 =	simm.s32 $0x700;
	[tilespmem:s10+$0xF180] =	vst v7;
	v5 =	vld [tilespmem:s14+$0x19A0];
	s4 =	sadd.s32 s22, s20  }
0x520: {  	s0 =	sand.u32 $0x300, s23;
	s25 =	sor.u32 $0x450, s7;
	v7 =	vld [tilespmem:s16+$0x1990];
	[tilespmem:s4+$0x0] =	vst v8  }
0x521: {  	s0 =	sadd.s32 s0, s20;
	v8 =	vld [tilespmem:s28+$0x1990];
	[tilespmem:s25+$0xF180] =	vst v3  }
0x522: {  	s26 =	sor.u32 $0x420, s2;
	[tilespmem:s0+$0x0] =	vst v4;
	v3 =	vld [tilespmem:s1+$0x1DE0]  }
0x523: {  	v4 =	vld [tilespmem:s18+$0x1990];
	[tilespmem:s26+$0xF180] =	vst v6  }
0x524: {  	v6 =	vld [tilespmem:s21+$0x1DB0];
	[tilespmem:s6+$0x20] =	vst v5  }
0x525: {  	[tilespmem:s11+$0x10] =	vst v7;
	v5 =	vld [tilespmem:s14+$0x19B0]  }
0x526: {  	s10 =	sor.u32 $0x460, s7;
	v7 =	vld [tilespmem:s16+$0x19A0];
	[tilespmem:s4+$0x10] =	vst v8  }
0x527: {  	v8 =	vld [tilespmem:s28+$0x19A0];
	[tilespmem:s10+$0xF180] =	vst v3  }
0x528: {  	s17 =	sor.u32 $0x430, s8;
	[tilespmem:s0+$0x10] =	vst v4;
	v3 =	vld [tilespmem:s1+$0x1DF0]  }
0x529: {  	[tilespmem:s17+$0xF180] =	vst v6  }
0x52a: {  	v4 =	vld [tilespmem:s18+$0x19A0];
	[tilespmem:s6+$0x30] =	vst v5  }
0x52b: {  	[tilespmem:s11+$0x20] =	vst v7;
	v5 =	vld [tilespmem:s14+$0x19C0]  }
0x52c: {  	s20 =	sor.u32 $0x470, s7;
	v6 =	vld [tilespmem:s13+$0x1DB0];
	[tilespmem:s4+$0x20] =	vst v8  }
0x52d: {  	s22 =	sor.u32 $0x450, s8;
	v7 =	vld [tilespmem:s16+$0x19B0];
	[tilespmem:s20+$0xF180] =	vst v3  }
0x52e: {  	v8 =	vld [tilespmem:s28+$0x19B0];
	[dreg:$0xb] =	wrdreg s22  }
0x52f: {  	s31 =	simm.s32 $0x2;
	s30 =	sor.u32 $0x470, s8;
	s9 =	sor.u32 $0x440, s8;
	[tilespmem:s0+$0x20] =	vst v4  }
0x530: {  	s23 =	sor.u32 $0x440, s2;
	s7 =	sor.u32 $0x430, s2;
	s25 =	sor.u32 $0x430, s5;
	v3 =	vld [tilespmem:s12+$0x1DB0];
	[tilespmem:s6+$0x40] =	vst v5  }
0x531: {  	s26 =	sor.u32 $0x460, s8;
	s8 =	sor.u32 $0x450, s2;
	s10 =	sand.u32 $0x3, s31;
	[tilespmem:s25+$0xF180] =	vst v6;
	v6 =	vld [tilespmem:s21+$0x1DC0]  }
0x532: {  	s1 =	sshll.u32 s10, $0x8;
	s10 =	sor.u32 $0x460, s2;
	s2 =	sor.u32 $0x470, s2;
	[tilespmem:s11+$0x30] =	vst v7;
	v4 =	vld [tilespmem:s18+$0x19B0]  }
0x533: {  	v5 =	vld [tilespmem:s14+$0x19D0];
	[dreg:$0x1a] =	wrdreg s2  }
0x534: {  	[tilespmem:s4+$0x30] =	vst v8  }
0x535: {  	p0 =	por !p0, !p0;
	s17 =	simm.s32 $0x1;
	s22 =	sor.u32 $0x450, s5;
	v7 =	vld [tilespmem:s16+$0x19C0];
	[tilespmem:s7+$0xF180] =	vst v3  }
0x536: {  	s17 =	simm.s32 @!p0 $0x0;
	s25 =	sor.u32 $0x460, s5;
	v8 =	vld [tilespmem:s28+$0x19C0];
	[dreg:$0x14] =	wrdreg s22  }
0x537: {  	s7 =	sor.u32 $0x440, s5;
	s5 =	sor.u32 $0x470, s5;
	[smem:$0x7A0] =	sst s25  }
0x538: {  	s20 =	sshll.u32 s17, $0x9;
	[smem:$0x7A1] =	sst s5  }
0x539: {  	s5 =	sadd.s32 $0xC00, s20;
	[tilespmem:s0+$0x30] =	vst v4  }
0x53a: {  	v4 =	vld [tilespmem:s13+$0x1DC0];
	[tilespmem:s6+$0x50] =	vst v5;
	s20 =	sor.u32 $0x400, s5  }
0x53b: {  	s22 =	sor.u32 $0x410, s5;
	v63 =	vld [tilespmem:s18+$0x19C0];
	[smem:$0x7A2] =	sst s20  }
0x53c: {  	s25 =	sor.u32 $0x420, s5;
	[smem:$0x7A3] =	sst s22  }
0x53d: {  	[smem:$0x7A4] =	sst s25  }
0x53e: {  	s2 =	sor.u32 $0x430, s5;
	[tilespmem:s9+$0xF180] =	vst v6  }
0x53f: {  	v5 =	vld [tilespmem:s14+$0x19E0];
	s9 =	sor.u32 $0x440, s5;
	[dreg:$0x1d] =	wrdreg s2  }
0x540: {  	s20 =	sor.u32 $0x460, s5;
	[dreg:$0x17] =	wrdreg s9  }
0x541: {  	s1 =	sadd.s32 $0xC00, s1;
	s22 =	sor.u32 $0x470, s5;
	[smem:$0x7A5] =	sst s20  }
0x542: {  	s17 =	sadd.s32 $0x100, s1;
	[dreg:$0x7] =	wrdreg s22  }
0x543: {  	s2 =	sor.u32 $0x400, s17;
	[tilespmem:s11+$0x40] =	vst v7  }
0x544: {  	v3 =	vld [tilespmem:s12+$0x1DC0];
	[smem:$0x7A6] =	sst s2  }
0x545: {  	s25 =	sor.u32 $0x450, s5;
	s5 =	sor.u32 $0x410, s17;
	[tilespmem:s4+$0x40] =	vst v8  }
0x546: {  	s9 =	sor.u32 $0x420, s17;
	v6 =	vld [tilespmem:s16+$0x19D0];
	[smem:$0x7A7] =	sst s5  }
0x547: {  	s20 =	sor.u32 $0x430, s17;
	[smem:$0x7A8] =	sst s9  }
0x548: {  	[smem:$0x7A9] =	sst s20  }
0x549: {  	s22 =	sor.u32 $0x460, s17;
	[tilespmem:s7+$0xF180] =	vst v4  }
0x54a: {  	s19 =	sadd.s32 $0x4, s19;
	s5 =	sor.u32 $0x440, s17;
	v7 =	vld [tilespmem:s28+$0x19D0];
	[dreg:$0x11] =	wrdreg s22  }
0x54b: {  	s20 =	sor.u32 $0x450, s17;
	s7 =	sor.u32 $0x470, s17;
	s22 =	simm.s32 $0xC;
	[tilespmem:s0+$0x40] =	vst v63;
	v4 =	vld [tilespmem:s21+$0x1DD0]  }
.LBB2_13:
0x54c: {  	v8 =	vld [tilespmem:s19+$0x0];
	[tilespmem:s6+$0x60] =	vst v5  }
0x54d: {  	[tilespmem:s23+$0xF180] =	vst v3;
	v3 =	vld [tilespmem:s19+$0xFFFFFFFD]  }
0x54e: {  	v5 =	vld [tilespmem:s14+$0x19F0]  }
0x54f: {  	s17 =	rddreg [dreg:$0xb];
	[tilespmem:s11+$0x50] =	vst v6;
	v6 =	vld [tilespmem:s19+$0xFFFFFFFE]  }
0x550: {  	[tilespmem:s17+$0xF180] =	vst v4;
	v4 =	vld [tilespmem:s18+$0x19D0]  }
0x551: {  	[tilespmem:s4+$0x50] =	vst v7;
	v7 =	vld [tilespmem:s19+$0xFFFFFFFF]  }
0x552: {  	(v2sf) =	vpush v8, $0x0;
	v8 =	vld [tilespmem:s16+$0x19E0]  }
0x553: {  	(v2sf) =	vpush v3, $0x0;
	[tilespmem:s6+$0x70] =	vst v5;
	v5 =	vld [tilespmem:s28+$0x19E0]  }
0x554: {  	(v2sf) =	vpush v6, $0x0;
	v6 =	vld [tilespmem:s13+$0x1DD0]  }
0x555: {  	[smem:$0x79B] =	sst s7;
	s1 =	smov.u32 s5;
	s15 =	sadd.s32 $0x4, s15;
	[tilespmem:s0+$0x50] =	vst v4;
	v3 =	vld [tilespmem:s14+$0x1D80]  }
0x556: {  	[smem:$0x79D] =	sst s1;
	s1 =	sand.u32 $0x7, s15;
	v4 =	vld [tilespmem:s12+$0x1DD0]  }
0x557: {  	s7 =	rddreg [dreg:$0x14];
	p0 =	por !p0, !p0;
	s5 =	sshll.u32 s1, $0x7;
	(v2sf) =	vpush v7, $0x0;
	[tilespmem:s11+$0x60] =	vst v8;
	v7 =	vld [tilespmem:s18+$0x19E0]  }
0x558: {  	s31 =	sadd.s32 $0x2, s31;
	s5 =	sadd.s32 s3, s5;
	s23 =	smov.u32 s25;
	v8 =	vld [tilespmem:s16+$0x19F0];
	[tilespmem:s4+$0x60] =	vst v5  }
0x559: {  	s2 =	sadd.s32 $0x80, s5;
	[dreg:$0xb] =	wrdreg s23;
	s23 =	sadd.s32 $0x180, s5;
	v5 =	vld [tilespmem:s28+$0x19F0]  }
0x55a: {  	[dreg:$0x5] =	wrdreg s15;
	s17 =	sor.u32 $0x440, s2;
	s5 =	sor.u32 $0x400, s23;
	[tilespmem:s7+$0xF180] =	vst v6;
	v6 =	vld [tilespmem:s21+$0x1DE0]  }
0x55b: {  	s15 =	sor.u32 $0x430, s2;
	[smem:$0x79F] =	sst s17;
	s17 =	sor.u32 $0x450, s2;
	[tilespmem:s5+$0xF180] =	vst v3  }
0x55c: {  	s29 =	sadd.s32 $0x200, s29;
	[smem:$0x79E] =	sst s15;
	s15 =	smov.u32 s17;
	[tilespmem:s8+$0xF180] =	vst v4  }
0x55d: {  	s9 =	sor.u32 $0x410, s2;
	s17 =	smov.u32 s20;
	[dreg:$0x14] =	wrdreg s15;
	v3 =	vld [tilespmem:s14+$0x1D90];
	[tilespmem:s0+$0x60] =	vst v7  }
0x55e: {  	s25 =	sor.u32 $0x420, s2;
	[smem:$0x79C] =	sst s17;
	s6 =	sor.u32 $0x400, s2;
	v4 =	vld [tilespmem:s13+$0x1DE0];
	[tilespmem:s11+$0x70] =	vst v8  }
0x55f: {  	s5 =	sor.u32 $0x460, s2;
	s2 =	sor.u32 $0x470, s2;
	v8 =	vld [tilespmem:s16+$0x1D80];
	[tilespmem:s26+$0xF180] =	vst v6;
	s26 =	sld [smem:$0x7A5]  }
0x560: {  	s3 =	sadd.s32 $0x400, s3;
	s20 =	sor.u32 $0x410, s23;
	[smem:$0x799] =	sst s2;
	v7 =	vld [tilespmem:s18+$0x19F0];
	[tilespmem:s4+$0x70] =	vst v5  }
0x561: {  	s7 =	sand.u32 $0x3, s31;
	s11 =	sld [smem:$0x7A0];
	s8 =	spop (v2sf);
	v5 =	vld [tilespmem:s28+$0x1D80]  }
0x562: {  	s4 =	simm.s32 $0x1;
	[tilespmem:s20+$0xF180] =	vst v3;
	v6 =	vld [tilespmem:s21+$0x1DF0];
	s20 =	sld [smem:$0x7A2];
	s2 =	smov.u32 s26  }
0x563: {  	s4 =	simm.s32 @!p0 $0x0;
	s21 =	sor.u32 $0x420, s23;
	v3 =	vld [tilespmem:s14+$0x1DA0];
	[smem:$0x79A] =	sst s2  }
0x564: {  	[tilespmem:s11+$0xF180] =	vst v4;
	s2 =	sshll.u32 s4, $0x9;
	s4 =	sshll.u32 s7, $0x8;
	s7 =	sshra.s32 s8, $0x3  }
0x565: {  	v4 =	vld [tilespmem:s12+$0x1DE0];
	s11 =	sld [smem:$0x7A6];
	[tilespmem:s0+$0x70] =	vst v7;
	s8 =	spop (v2sf);
	s15 =	ssub.s32 s7, s24  }
0x566: {  	[tilespmem:s20+$0xF180] =	vst v8;
	s17 =	spop (v2sf);
	s8 =	sshra.s32 s8, $0x3;
	s26 =	sshll.u32 s15, $0x8  }
0x567: {  	v7 =	vld [tilespmem:s18+$0x1D80];
	s0 =	sshll.u32 s15, $0x7;
	s1 =	spop (v2sf);
	[tilespmem:s6+$0xF180] =	vst v5;
	s15 =	sand.u32 $0x7800, s3  }
0x568: {  	v8 =	vld [tilespmem:s16+$0x1D90];
	[tilespmem:s21+$0xF180] =	vst v3;
	s20 =	sand.u32 $0xFFFFF800, s26;
	s0 =	sand.u32 $0x380, s0;
	s21 =	sshra.s32 s17, $0x3  }
0x569: {  	[tilespmem:s30+$0xF180] =	vst v6;
	s26 =	sshra.s32 s1, $0x3;
	s1 =	ssub.s32 s8, s24;
	v6 =	vld [tilespmem:s13+$0x1DF0];
	s17 =	sld [smem:$0x7A3]  }
0x56a: {  	s15 =	sadd.s32 $0xF180, s15;
	s13 =	sld [smem:$0x7A1];
	v3 =	vld [tilespmem:s14+$0x1DB0];
	s7 =	sor.u32 s0, s20  }
0x56b: {  	[tilespmem:s10+$0xF180] =	vst v4;
	v5 =	vld [tilespmem:s28+$0x1D90];
	s6 =	ssub.s32 s21, s24;
	s8 =	ssub.s32 s26, s24;
	s10 =	sshll.u32 s1, $0x8  }
0x56c: {  	s0 =	sshll.u32 s1, $0x7;
	s20 =	sor.u32 $0x430, s23;
	s24 =	sand.u32 $0x380, s29;
	v4 =	vld [tilespmem:s7+$0x1980]  }
0x56d: {  	[tilespmem:s11+$0xF180] =	vst v7;
	s21 =	sshll.u32 s6, $0x8;
	s26 =	sshll.u32 s6, $0x7;
	s1 =	sshll.u32 s8, $0x8  }
0x56e: {  	v7 =	vld [tilespmem:s18+$0x1D90];
	s6 =	sadd.s32 s24, s15;
	s8 =	sshll.u32 s8, $0x7;
	[tilespmem:s17+$0xF180] =	vst v8;
	s17 =	sand.u32 $0xFFFFF800, s10  }
0x56f: {  	s21 =	sand.u32 $0xFFFFF800, s21;
	s24 =	sand.u32 $0x380, s26;
	s26 =	sand.u32 $0xFFFFF800, s1;
	v8 =	vld [tilespmem:s16+$0x1DA0];
	[tilespmem:s20+$0xF180] =	vst v3  }
0x570: {  	s10 =	sor.u32 s24, s21;
	s21 =	sld [smem:$0x7A7];
	[tilespmem:s9+$0xF180] =	vst v5;
	s20 =	sand.u32 $0x380, s8;
	v3 =	vld [tilespmem:s14+$0x1DC0]  }
0x571: {  	s0 =	sand.u32 $0x380, s0;
	[tilespmem:s6+$0x0] =	vst v4;
	v4 =	vld [tilespmem:s28+$0x1DA0];
	s30 =	sor.u32 s20, s26;
	s26 =	sld [smem:$0x7A4]  }
0x572: {  	s24 =	sadd.s32 $0xFFFFFE80, s29;
	[tilespmem:s13+$0xF180] =	vst v6;
	s13 =	sor.u32 s0, s17;
	v5 =	vld [tilespmem:s7+$0x1990]  }
0x573: {  	s1 =	sand.u32 $0x200, s24;
	s9 =	sadd.s32 $0xFFFFFF00, s29;
	[tilespmem:s21+$0xF180] =	vst v7;
	v7 =	vld [tilespmem:s13+$0x1980]  }
0x574: {  	s8 =	sor.u32 $0x440, s23;
	s11 =	sor.u32 s1, s15;
	v6 =	vld [tilespmem:s12+$0x1DF0];
	s12 =	sadd.s32 $0xFFFFFF80, s29;
	[tilespmem:s26+$0xF180] =	vst v8  }
0x575: {  	s17 =	sand.u32 $0x280, s9;
	s21 =	sadd.s32 s3, s4;
	s20 =	sand.u32 $0x300, s12;
	v8 =	vld [tilespmem:s10+$0x1980];
	[tilespmem:s8+$0xF180] =	vst v3  }
0x576: {  	s4 =	sadd.s32 s17, s15;
	s0 =	sadd.s32 s20, s15;
	s15 =	sadd.s32 $0x100, s21;
	[tilespmem:s25+$0xF180] =	vst v4;
	v3 =	vld [tilespmem:s14+$0x1DD0]  }
0x577: {  	s24 =	rddreg [dreg:$0x1a];
	s12 =	sadd.s32 s3, s2;
	s2 =	sor.u32 $0x400, s15;
	v4 =	vld [tilespmem:s30+$0x1980];
	[tilespmem:s6+$0x10] =	vst v5  }
0x578: {  	s9 =	sor.u32 $0x450, s23;
	s25 =	smov.u32 s5;
	[smem:$0x7A6] =	sst s2;
	[tilespmem:s11+$0x0] =	vst v7;
	v5 =	vld [tilespmem:s7+$0x19A0]  }
0x579: {  	s26 =	sor.u32 $0x400, s12;
	s8 =	sor.u32 $0x410, s12;
	[tilespmem:s24+$0xF180] =	vst v6;
	[smem:$0x7A0] =	sst s25;
	v7 =	vld [tilespmem:s13+$0x1990]  }
0x57a: {  	s20 =	sor.u32 $0x420, s12;
	s21 =	sor.u32 $0x460, s12;
	[smem:$0x7A3] =	sst s8;
	v6 =	vld [tilespmem:s18+$0x1DA0];
	[tilespmem:s4+$0x0] =	vst v8  }
0x57b: {  	s2 =	sor.u32 $0x470, s12;
	s8 =	sor.u32 $0x430, s12;
	s24 =	sld [smem:$0x7A8];
	v8 =	vld [tilespmem:s10+$0x1990];
	[tilespmem:s9+$0xF180] =	vst v3  }
0x57c: {  	s25 =	sor.u32 $0x450, s12;
	[tilespmem:s0+$0x0] =	vst v4;
	s9 =	sor.u32 $0x440, s12;
	s12 =	sld [smem:$0x799];
	v3 =	vld [tilespmem:s14+$0x1DE0]  }
0x57d: {  	[tilespmem:s6+$0x20] =	vst v5  }
0x57e: {  	s1 =	sor.u32 $0x420, s15;
	[smem:$0x7A5] =	sst s21;
	s21 =	smov.u32 s16;
	v4 =	vld [tilespmem:s30+$0x1990];
	[tilespmem:s11+$0x10] =	vst v7  }
0x57f: {  	[tilespmem:s24+$0xF180] =	vst v6;
	v6 =	vld [tilespmem:s16+$0x1DB0];
	s16 =	smov.u32 s13;
	s13 =	smov.u32 s28;
	s24 =	smov.u32 s12  }
0x580: {  	v5 =	vld [tilespmem:s7+$0x19B0];
	s28 =	smov.u32 s10;
	[tilespmem:s4+$0x10] =	vst v8;
	[smem:$0x7A1] =	sst s24;
	s24 =	sor.u32 $0x460, s23  }
0x581: {  	[smem:$0x7A2] =	sst s26;
	s26 =	sor.u32 $0x460, s15;
	s10 =	smov.u32 s1;
	v8 =	vld [tilespmem:s28+$0x19A0];
	[tilespmem:s24+$0xF180] =	vst v3  }
0x582: {  	s1 =	rddreg [dreg:$0x11];
	v3 =	vld [tilespmem:s14+$0x1DF0];
	s14 =	smov.u32 s7;
	s7 =	smov.u32 s26  }
0x583: {  	v7 =	vld [tilespmem:s16+$0x19A0];
	s12 =	smov.u32 s18;
	s18 =	smov.u32 s30;
	[tilespmem:s0+$0x10] =	vst v4;
	[dreg:$0x11] =	wrdreg s7  }
0x584: {  	v4 =	vld [tilespmem:s18+$0x19A0];
	s7 =	rddreg [dreg:$0x7]  }
0x585: {  	[tilespmem:s6+$0x30] =	vst v5;
	s30 =	smov.u32 s7;
	s7 =	smov.u32 s2;
	s2 =	rddreg [dreg:$0x1d]  }
0x586: {  	v5 =	vld [tilespmem:s14+$0x19C0];
	[tilespmem:s2+$0xF180] =	vst v6  }
0x587: {  	[smem:$0x7A4] =	sst s20;
	s5 =	sor.u32 $0x410, s15;
	v6 =	vld [tilespmem:s13+$0x1DB0];
	[tilespmem:s4+$0x20] =	vst v8  }
0x588: {  	[smem:$0x7A7] =	sst s5;
	s2 =	smov.u32 s8;
	[tilespmem:s11+$0x20] =	vst v7  }
0x589: {  	[dreg:$0x1d] =	wrdreg s2;
	s2 =	sor.u32 $0x470, s23;
	v8 =	vld [tilespmem:s28+$0x19B0];
	[tilespmem:s0+$0x20] =	vst v4  }
0x58a: {  	v7 =	vld [tilespmem:s16+$0x19B0];
	[tilespmem:s2+$0xF180] =	vst v3;
	s2 =	sld [smem:$0x79E]  }
0x58b: {  	[smem:$0x7A8] =	sst s10;
	v3 =	vld [tilespmem:s12+$0x1DB0]  }
0x58c: {  	s10 =	smov.u32 s1;
	s1 =	sld [smem:$0x79B];
	v4 =	vld [tilespmem:s18+$0x19B0];
	[tilespmem:s6+$0x40] =	vst v5  }
0x58d: {  	[tilespmem:s2+$0xF180] =	vst v6;
	s2 =	sld [smem:$0x7A9]  }
0x58e: {  	s24 =	rddreg [dreg:$0x4];
	v5 =	vld [tilespmem:s14+$0x19D0];
	[tilespmem:s4+$0x30] =	vst v8  }
0x58f: {  	s26 =	sld [smem:$0x79A];
	[tilespmem:s11+$0x30] =	vst v7;
	v8 =	vld [tilespmem:s28+$0x19C0]  }
0x590: {  	s22 =	sadd.s32 $0x4, s22;
	s17 =	sor.u32 $0x430, s15;
	[dreg:$0x7] =	wrdreg s7;
	v6 =	vld [tilespmem:s21+$0x1DC0];
	[tilespmem:s2+$0xF180] =	vst v3  }
0x591: {  	s20 =	sor.u32 $0x450, s15;
	s7 =	smov.u32 s1;
	s8 =	sld [smem:$0x79C];
	v7 =	vld [tilespmem:s16+$0x19C0];
	[tilespmem:s0+$0x30] =	vst v4  }
0x592: {  	s5 =	sor.u32 $0x440, s15;
	s15 =	sor.u32 $0x470, s15;
	[dreg:$0x1a] =	wrdreg s7;
	v9 =	vld [tilespmem:s18+$0x19C0]  }
0x593: {  	p1 =	slt.u32 s22, $0x7C;
	s7 =	smov.u32 s15;
	s15 =	rddreg [dreg:$0x5];
	v4 =	vld [tilespmem:s13+$0x1DC0];
	[tilespmem:s6+$0x50] =	vst v5  }
.Ltmp5:
0x594: {  	s2 =	smov.u32 s17;
	s17 =	rddreg [dreg:$0x17];
	v5 =	vld [tilespmem:s14+$0x19E0];
	[tilespmem:s4+$0x40] =	vst v8;
	(pc) =	sbr.rel @p1 .LBB2_13-.Ltmp5, $4  }
0x595: {  	v3 =	vld [tilespmem:s12+$0x1DC0];
	[tilespmem:s17+$0xF180] =	vst v6;
	s17 =	sld [smem:$0x79F]  }
0x596: {  	s23 =	sld [smem:$0x79D];
	[tilespmem:s11+$0x40] =	vst v7;
	v7 =	vld [tilespmem:s28+$0x19D0]  }
0x597: {  	[smem:$0x7A9] =	sst s2;
	s2 =	smov.u32 s9;
	v6 =	vld [tilespmem:s16+$0x19D0];
	[tilespmem:s0+$0x40] =	vst v9  }
0x598: {  	s19 =	sadd.s32 $0x4, s19;
	[dreg:$0x17] =	wrdreg s2;
	[tilespmem:s17+$0xF180] =	vst v4;
	v4 =	vld [tilespmem:s21+$0x1DD0]  }
0x599: {  	v8 =	vld [tilespmem:s18+$0x19D0];
	_ =	sdelay $0x2  }
0x59a: {  	[tilespmem:s4+$0x50] =	vst v7  }
0x59b: {  	[tilespmem:s11+$0x50] =	vst v6;
	v7 =	vld [tilespmem:s28+$0x19E0]  }
0x59c: {  	v6 =	vld [tilespmem:s16+$0x19E0];
	[tilespmem:s0+$0x50] =	vst v8  }
0x59d: {  	v8 =	vld [tilespmem:s18+$0x19E0]  }
0x59e: {  	[tilespmem:s6+$0x60] =	vst v5  }
0x59f: {  	v5 =	vld [tilespmem:s14+$0x19F0]  }
0x5a0: {  	[tilespmem:s4+$0x60] =	vst v7  }
0x5a1: {  	[tilespmem:s11+$0x60] =	vst v6;
	v7 =	vld [tilespmem:s28+$0x19F0]  }
0x5a2: {  	v6 =	vld [tilespmem:s16+$0x19F0];
	[tilespmem:s0+$0x60] =	vst v8  }
0x5a3: {  	v8 =	vld [tilespmem:s18+$0x19F0]  }
0x5a4: {  	s1 =	sadd.s32 $0x4, s15;
	[tilespmem:s6+$0x70] =	vst v5  }
0x5a5: {  	s1 =	sand.u32 $0x7, s1;
	v5 =	vld [tilespmem:s14+$0x1D80]  }
0x5a6: {  	s1 =	sshll.u32 s1, $0x7;
	[tilespmem:s4+$0x70] =	vst v7  }
0x5a7: {  	s1 =	sadd.s32 s3, s1;
	[tilespmem:s11+$0x70] =	vst v6  }
0x5a8: {  	v7 =	vld [tilespmem:s28+$0x1D80];
	[tilespmem:s0+$0x70] =	vst v8;
	s0 =	sadd.s32 $0x180, s1  }
0x5a9: {  	v6 =	vld [tilespmem:s16+$0x1D80];
	s2 =	sor.u32 $0x400, s0  }
0x5aa: {  	[tilespmem:s2+$0xF180] =	vst v5  }
0x5ab: {  	s3 =	sadd.s32 $0x80, s1;
	s11 =	sld [smem:$0x7A2]  }
0x5ac: {  	s15 =	sor.u32 $0x400, s3;
	v5 =	vld [tilespmem:s14+$0x1D90]  }
0x5ad: {  	v8 =	vld [tilespmem:s18+$0x1D80];
	[tilespmem:s15+$0xF180] =	vst v7  }
0x5ae: {  	[tilespmem:s11+$0xF180] =	vst v6  }
0x5af: {  	s1 =	sld [smem:$0x7A6]  }
0x5b0: {  	s17 =	sor.u32 $0x410, s0;
	v7 =	vld [tilespmem:s28+$0x1D90]  }
0x5b1: {  	v6 =	vld [tilespmem:s16+$0x1D90];
	[tilespmem:s17+$0xF180] =	vst v5  }
0x5b2: {  	[tilespmem:s1+$0xF180] =	vst v8  }
0x5b3: {  	s1 =	sld [smem:$0x7A3]  }
0x5b4: {  	s19 =	sor.u32 $0x410, s3;
	v5 =	vld [tilespmem:s14+$0x1DA0]  }
0x5b5: {  	v8 =	vld [tilespmem:s18+$0x1D90];
	[tilespmem:s19+$0xF180] =	vst v7  }
0x5b6: {  	[tilespmem:s1+$0xF180] =	vst v6  }
0x5b7: {  	s1 =	sld [smem:$0x7A7]  }
0x5b8: {  	s22 =	sor.u32 $0x420, s0;
	v7 =	vld [tilespmem:s28+$0x1DA0]  }
0x5b9: {  	v6 =	vld [tilespmem:s16+$0x1DA0];
	[tilespmem:s22+$0xF180] =	vst v5  }
0x5ba: {  	[tilespmem:s1+$0xF180] =	vst v8  }
0x5bb: {  	s1 =	sld [smem:$0x7A4]  }
0x5bc: {  	s2 =	sor.u32 $0x420, s3  }
0x5bd: {  	v8 =	vld [tilespmem:s18+$0x1DA0];
	[tilespmem:s2+$0xF180] =	vst v7  }
0x5be: {  	v5 =	vld [tilespmem:s14+$0x1DB0];
	[tilespmem:s1+$0xF180] =	vst v6  }
0x5bf: {  	s1 =	sld [smem:$0x7A8]  }
0x5c0: {  	v7 =	vld [tilespmem:s28+$0x1DB0]  }
0x5c1: {  	v6 =	vld [tilespmem:s16+$0x1DB0];
	[tilespmem:s23+$0xF180] =	vst v3  }
0x5c2: {  	s4 =	sor.u32 $0x430, s0;
	[tilespmem:s1+$0xF180] =	vst v8  }
0x5c3: {  	s1 =	rddreg [dreg:$0xb];
	[tilespmem:s4+$0xF180] =	vst v5  }
0x5c4: {  	s6 =	sor.u32 $0x430, s3;
	[tilespmem:s1+$0xF180] =	vst v4  }
0x5c5: {  	v3 =	vld [tilespmem:s18+$0x1DB0];
	s1 =	rddreg [dreg:$0x1d];
	[tilespmem:s6+$0xF180] =	vst v7  }
0x5c6: {  	v5 =	vld [tilespmem:s12+$0x1DD0];
	[tilespmem:s1+$0xF180] =	vst v6  }
0x5c7: {  	v4 =	vld [tilespmem:s13+$0x1DD0];
	s1 =	sld [smem:$0x7A9]  }
0x5c8: {  	v6 =	vld [tilespmem:s14+$0x1DC0]  }
0x5c9: {  	v8 =	vld [tilespmem:s21+$0x1DE0]  }
0x5ca: {  	v7 =	vld [tilespmem:s16+$0x1DC0];
	[tilespmem:s1+$0xF180] =	vst v3  }
0x5cb: {  	v3 =	vld [tilespmem:s28+$0x1DC0];
	s1 =	rddreg [dreg:$0x14];
	[tilespmem:s8+$0xF180] =	vst v5  }
0x5cc: {  	s8 =	sor.u32 $0x440, s0;
	[tilespmem:s1+$0xF180] =	vst v4;
	v4 =	vld [tilespmem:s18+$0x1DC0]  }
0x5cd: {  	[tilespmem:s8+$0xF180] =	vst v6  }
0x5ce: {  	v6 =	vld [tilespmem:s14+$0x1DD0];
	s2 =	rddreg [dreg:$0x17];
	[tilespmem:s26+$0xF180] =	vst v8  }
0x5cf: {  	s9 =	sor.u32 $0x440, s3;
	[tilespmem:s2+$0xF180] =	vst v7;
	v8 =	vld [tilespmem:s21+$0x1DF0]  }
0x5d0: {  	v5 =	vld [tilespmem:s13+$0x1DE0];
	[tilespmem:s9+$0xF180] =	vst v3  }
0x5d1: {  	v3 =	vld [tilespmem:s16+$0x1DD0];
	[tilespmem:s5+$0xF180] =	vst v4  }
0x5d2: {  	s11 =	sor.u32 $0x450, s0;
	v4 =	vld [tilespmem:s28+$0x1DD0];
	s1 =	sld [smem:$0x7A0]  }
0x5d3: {  	v7 =	vld [tilespmem:s18+$0x1DD0];
	[tilespmem:s11+$0xF180] =	vst v6  }
0x5d4: {  	v6 =	vld [tilespmem:s14+$0x1DE0];
	[tilespmem:s30+$0xF180] =	vst v8  }
0x5d5: {  	[tilespmem:s1+$0xF180] =	vst v5;
	v5 =	vld [tilespmem:s12+$0x1DE0]  }
0x5d6: {  	s15 =	sor.u32 $0x450, s3;
	[tilespmem:s25+$0xF180] =	vst v3  }
0x5d7: {  	[tilespmem:s15+$0xF180] =	vst v4  }
0x5d8: {  	s17 =	sor.u32 $0x460, s0;
	[tilespmem:s20+$0xF180] =	vst v7;
	v4 =	vld [tilespmem:s28+$0x1DE0]  }
0x5d9: {  	v3 =	vld [tilespmem:s16+$0x1DE0];
	[tilespmem:s17+$0xF180] =	vst v6  }
0x5da: {  	[tilespmem:s10+$0xF180] =	vst v5  }
0x5db: {  	v5 =	vld [tilespmem:s18+$0x1DE0];
	s2 =	sld [smem:$0x7A5]  }
0x5dc: {  	s19 =	sor.u32 $0x460, s3  }
0x5dd: {  	[tilespmem:s19+$0xF180] =	vst v4  }
0x5de: {  	[tilespmem:s2+$0xF180] =	vst v3  }
0x5df: {  	v7 =	vld [tilespmem:s13+$0x1DF0];
	s1 =	rddreg [dreg:$0x11]  }
0x5e0: {  	v6 =	vld [tilespmem:s14+$0x1DF0];
	[tilespmem:s1+$0xF180] =	vst v5  }
0x5e1: {  	v8 =	vld [tilespmem:s12+$0x1DF0];
	s1 =	sld [smem:$0x7A1]  }
0x5e2: {  	v4 =	vld [tilespmem:s28+$0x1DF0]  }
0x5e3: {  	v5 =	vld [tilespmem:s18+$0x1DF0]  }
0x5e4: {  	s0 =	sor.u32 $0x470, s0;
	v3 =	vld [tilespmem:s16+$0x1DF0];
	[tilespmem:s1+$0xF180] =	vst v7  }
0x5e5: {  	s1 =	rddreg [dreg:$0x1a];
	[tilespmem:s0+$0xF180] =	vst v6  }
0x5e6: {  	s20 =	sor.u32 $0x470, s3;
	[tilespmem:s1+$0xF180] =	vst v8  }
0x5e7: {  	s1 =	rddreg [dreg:$0x7];
	[tilespmem:s20+$0xF180] =	vst v4  }
0x5e8: {  	[tilespmem:s7+$0xF180] =	vst v5  }
0x5e9: {  	s21 =	simm.s32 $0x1;
	[tilespmem:s1+$0xF180] =	vst v3  }
0x5ea: {  	_ =	swait.ge [sflag:s21], $0x800  }
0x5eb: {  	s22 =	sld [smem:$0x7F7]  }
0x5ec: {  	s23 =	sld [smem:$0x7C0];
	_ =	sdelay $0x1  }
0x5ed: {  	[sflag:s21] =	ssyncset.done $0x0  }
0x5ee: {  	[sflag:s21] =	ssyncadd.s32 $0xFFFFF800;
	s0 =	sadd.s32 s22, s23  }
0x5ef: {  	s26 =	simm.s32 $0x6;
	s1 =	rddreg [dreg:$0x2];
	s0 =	sshll.u32 s0, $0x5  }
0x5f0: {  	s25 =	simm.s32 $0x7180;
	s13 =	simm.s32 $0x0;
	s0 =	sadd.s32 s1, s0  }
0x5f1: {  	[hbm4b:s0+s13] =	stream.linear.scatter [tilespmem:s25], [sflag:$0x4], $0x8000, $0x38;
	[tilespmem:$0x1F180] =	vst v63  }
0x5f2: {  	_ =	swait.ge [sflag:s26], $0x8000  }
0x5f3: {  	s1 =	sld [smem:$0x7BF]  }
0x5f4: {  	[sflag:s26] =	ssyncset.done $0x0  }
0x5f5: {  	[sflag:s26] =	ssyncadd.s32 $0xFFFF8000  }
0x5f6: {  	v3 =	vld.msk [tilespmem:s1+$0x280], $0xff;
	_ =	sdelay $0x4  }
0x5f7: {  	v4 =	vshll.u32 v3, $0x1  }
0x5f8: {  	v3 =	vand.u32 $0x7, v3;
	v4 =	vand.u32 $0xFFFFFFF0, v4  }
0x5f9: {  	v3 =	vor.u32 v3, v4  }
0x5fa: {  	v3 =	vperm.xlane v3, v0;
	_ =	sdelay $0x1  }
0x5fb: {  	v3 =	vadd.s32 v2, v3;
	_ =	sdelay $0x1  }
0x5fc: {  	s2 =	sld [smem:$0x7F2]  }
0x5fd: {  	s4 =	sld [smem:$0x7C1]  }
0x5fe: {  	s3 =	simm.s32 $0x17180  }
0x5ff: {  	[tilespmem:s3], [sflag:$0x3] =	stream.indirect_vreg.gather [hbm4b:s2+s13], $0x80, v3, vm0, $0xb8;
	[tilespmem:$0x1F180] =	vst v63  }
0x600: {  	v3 =	vld [tilespmem:s4+$0x0];
	_ =	sdelay $0x4  }
0x601: {  	(v2sf) =	vpush v3, $0x0;
	_ =	sdelay $0x6  }
0x602: {  	v3 =	vld [tilespmem:s4+$0xFFFFFFFD]  }
0x603: {  	v4 =	vld [tilespmem:s4+$0xFFFFFFFE]  }
0x604: {  	v5 =	vld [tilespmem:s4+$0xFFFFFFFF];
	_ =	sdelay $0x2  }
0x605: {  	(v2sf) =	vpush v3, $0x0  }
0x606: {  	(v2sf) =	vpush v4, $0x0  }
0x607: {  	(v2sf) =	vpush v5, $0x0  }
0x608: {  	s8 =	spop (v2sf)  }
0x609: {  	s0 =	sshra.s32 s8, $0x3  }
0x60a: {  	s0 =	ssub.s32 s0, s24  }
0x60b: {  	s9 =	sshll.u32 s0, $0x8;
	s0 =	sshll.u32 s0, $0x7  }
0x60c: {  	s1 =	sand.u32 $0xFFFFF800, s9;
	s0 =	sand.u32 $0x380, s0  }
0x60d: {  	s1 =	sor.u32 s0, s1  }
0x60e: {  	v3 =	vld [tilespmem:s1+$0x1980]  }
0x60f: {  	s10 =	simm.s32 $0x800  }
0x610: {  	s11 =	simm.s32 $0x580;
	s0 =	sand.u32 $0x7800, s10  }
0x611: {  	s2 =	sand.u32 $0x380, s11;
	s0 =	sadd.s32 $0x17180, s0  }
0x612: {  	s14 =	sadd.s32 s2, s0  }
0x613: {  	[tilespmem:s14+$0x0] =	vst v3  }
0x614: {  	s12 =	spop (v2sf);
	v3 =	vld [tilespmem:s1+$0x1990]  }
0x615: {  	s15 =	sshra.s32 s12, $0x3;
	s16 =	spop (v2sf)  }
0x616: {  	s2 =	ssub.s32 s15, s24;
	s17 =	spop (v2sf);
	s3 =	sshra.s32 s16, $0x3  }
0x617: {  	s18 =	sshll.u32 s2, $0x8;
	s2 =	sshll.u32 s2, $0x7;
	s5 =	sshra.s32 s17, $0x3  }
0x618: {  	s3 =	ssub.s32 s3, s24;
	s6 =	sand.u32 $0xFFFFF800, s18;
	s2 =	sand.u32 $0x380, s2  }
0x619: {  	s19 =	ssub.s32 s5, s24;
	s20 =	sshll.u32 s3, $0x8;
	s3 =	sshll.u32 s3, $0x7;
	[tilespmem:s14+$0x10] =	vst v3  }
0x61a: {  	s22 =	sor.u32 s2, s6;
	s5 =	sand.u32 $0xFFFFF800, s20;
	s3 =	sand.u32 $0x380, s3;
	v3 =	vld [tilespmem:s1+$0x19A0]  }
0x61b: {  	v4 =	vld [tilespmem:s22+$0x1980];
	s9 =	sor.u32 s3, s5  }
0x61c: {  	s21 =	sshll.u32 s19, $0x8;
	s2 =	sshll.u32 s19, $0x7;
	v5 =	vld [tilespmem:s9+$0x1980]  }
0x61d: {  	s23 =	simm.s32 $0x400;
	s25 =	sand.u32 $0xFFFFF800, s21;
	s2 =	sand.u32 $0x380, s2  }
0x61e: {  	s10 =	simm.s32 $0x480;
	s3 =	sand.u32 $0x200, s23;
	s6 =	sor.u32 s2, s25  }
0x61f: {  	s26 =	sor.u32 s3, s0;
	s3 =	sand.u32 $0x280, s10;
	v6 =	vld [tilespmem:s6+$0x1980];
	[tilespmem:s14+$0x20] =	vst v3  }
0x620: {  	s3 =	sadd.s32 s3, s0;
	[tilespmem:s26+$0x0] =	vst v4;
	v3 =	vld [tilespmem:s1+$0x19B0]  }
0x621: {  	s11 =	simm.s32 $0x500;
	v4 =	vld [tilespmem:s22+$0x1990];
	[tilespmem:s3+$0x0] =	vst v5  }
0x622: {  	s5 =	sand.u32 $0x300, s11;
	v5 =	vld [tilespmem:s9+$0x1990]  }
0x623: {  	s0 =	sadd.s32 s5, s0  }
0x624: {  	[tilespmem:s0+$0x0] =	vst v6  }
0x625: {  	v6 =	vld [tilespmem:s6+$0x1990];
	[tilespmem:s14+$0x30] =	vst v3  }
0x626: {  	[tilespmem:s26+$0x10] =	vst v4;
	v3 =	vld [tilespmem:s1+$0x19C0]  }
0x627: {  	v4 =	vld [tilespmem:s22+$0x19A0];
	[tilespmem:s3+$0x10] =	vst v5  }
0x628: {  	v5 =	vld [tilespmem:s9+$0x19A0];
	_ =	sdelay $0x1  }
0x629: {  	[tilespmem:s0+$0x10] =	vst v6  }
0x62a: {  	v6 =	vld [tilespmem:s6+$0x19A0];
	[tilespmem:s14+$0x40] =	vst v3  }
0x62b: {  	[tilespmem:s26+$0x20] =	vst v4;
	v3 =	vld [tilespmem:s1+$0x19D0]  }
0x62c: {  	v4 =	vld [tilespmem:s22+$0x19B0];
	[tilespmem:s3+$0x20] =	vst v5  }
0x62d: {  	v5 =	vld [tilespmem:s9+$0x19B0];
	_ =	sdelay $0x1  }
0x62e: {  	[tilespmem:s0+$0x20] =	vst v6  }
0x62f: {  	v6 =	vld [tilespmem:s6+$0x19B0];
	[tilespmem:s14+$0x50] =	vst v3  }
0x630: {  	[tilespmem:s26+$0x30] =	vst v4;
	v3 =	vld [tilespmem:s1+$0x19E0]  }
0x631: {  	v4 =	vld [tilespmem:s22+$0x19C0];
	[tilespmem:s3+$0x30] =	vst v5  }
0x632: {  	s19 =	sadd.s32 $0x4, s4;
	v5 =	vld [tilespmem:s9+$0x19C0]  }
0x633: {  	v7 =	vld [tilespmem:s19+$0x0]  }
0x634: {  	v8 =	vld [tilespmem:s19+$0xFFFFFFFD];
	[tilespmem:s0+$0x30] =	vst v6  }
0x635: {  	v6 =	vld [tilespmem:s6+$0x19C0];
	[tilespmem:s14+$0x60] =	vst v3  }
0x636: {  	[tilespmem:s26+$0x40] =	vst v4;
	v3 =	vld [tilespmem:s1+$0x19F0]  }
0x637: {  	v4 =	vld [tilespmem:s22+$0x19D0];
	[tilespmem:s3+$0x40] =	vst v5  }
0x638: {  	v5 =	vld [tilespmem:s9+$0x19D0]  }
0x639: {  	v9 =	vld [tilespmem:s19+$0xFFFFFFFE]  }
0x63a: {  	(v2sf) =	vpush v7, $0x0;
	[tilespmem:s0+$0x40] =	vst v6;
	v6 =	vld [tilespmem:s19+$0xFFFFFFFF]  }
0x63b: {  	v7 =	vld [tilespmem:s6+$0x19D0];
	[tilespmem:s14+$0x70] =	vst v3  }
0x63c: {  	s12 =	sand.u32 $0x7, s13;
	[tilespmem:s26+$0x50] =	vst v4;
	v3 =	vld [tilespmem:s1+$0x1D80]  }
0x63d: {  	s4 =	sshll.u32 s12, $0x7;
	v4 =	vld [tilespmem:s22+$0x19E0];
	[tilespmem:s3+$0x50] =	vst v5  }
0x63e: {  	s4 =	sadd.s32 $0x800, s4;
	(v2sf) =	vpush v8, $0x0;
	v5 =	vld [tilespmem:s9+$0x19E0]  }
0x63f: {  	s7 =	sadd.s32 $0x180, s4  }
0x640: {  	(v2sf) =	vpush v9, $0x0;
	[tilespmem:s0+$0x50] =	vst v7;
	s14 =	sor.u32 $0x400, s7  }
0x641: {  	(v2sf) =	vpush v6, $0x0;
	v6 =	vld [tilespmem:s6+$0x19E0];
	[tilespmem:s14+$0x17180] =	vst v3  }
0x642: {  	[tilespmem:s26+$0x60] =	vst v4;
	v3 =	vld [tilespmem:s1+$0x1D90]  }
0x643: {  	v4 =	vld [tilespmem:s22+$0x19F0];
	[tilespmem:s3+$0x60] =	vst v5  }
0x644: {  	v5 =	vld [tilespmem:s9+$0x19F0]  }
0x645: {  	s15 =	sand.u32 $0x3, s13  }
0x646: {  	s8 =	sshll.u32 s15, $0x8;
	s16 =	sor.u32 $0x410, s7;
	[tilespmem:s0+$0x60] =	vst v6  }
0x647: {  	s17 =	sadd.s32 $0x800, s8;
	v6 =	vld [tilespmem:s6+$0x19F0];
	[tilespmem:s16+$0x17180] =	vst v3  }
0x648: {  	p0 =	por $0x0, $0x0;
	s2 =	sadd.s32 $0x100, s17;
	s5 =	simm.s32 $0x1;
	[tilespmem:s26+$0x70] =	vst v4;
	v3 =	vld [tilespmem:s1+$0x1DA0]  }
0x649: {  	s11 =	sor.u32 $0x400, s2;
	s5 =	simm.s32 @!p0 $0x0;
	s20 =	spop (v2sf);
	v4 =	vld [tilespmem:s22+$0x1D80];
	[tilespmem:s3+$0x70] =	vst v5  }
0x64a: {  	s23 =	sor.u32 $0x420, s7;
	s5 =	sshll.u32 s5, $0x9;
	s3 =	sshra.s32 s20, $0x3;
	v5 =	vld [tilespmem:s9+$0x1D80]  }
0x64b: {  	s8 =	sadd.s32 $0x800, s5;
	s5 =	sadd.s32 $0x80, s4;
	s21 =	ssub.s32 s3, s24  }
0x64c: {  	s18 =	sor.u32 $0x400, s8;
	[tilespmem:s0+$0x70] =	vst v6;
	s25 =	sshll.u32 s21, $0x8;
	s0 =	sshll.u32 s21, $0x7  }
0x64d: {  	s26 =	spop (v2sf);
	v6 =	vld [tilespmem:s6+$0x1D80];
	s12 =	sand.u32 $0xFFFFF800, s25;
	s0 =	sand.u32 $0x380, s0;
	[tilespmem:s23+$0x17180] =	vst v3  }
0x64e: {  	s4 =	sor.u32 $0x400, s5;
	s3 =	sshra.s32 s26, $0x3;
	s12 =	sor.u32 s0, s12;
	[tilespmem:s18+$0x17180] =	vst v4;
	v3 =	vld [tilespmem:s1+$0x1DB0]  }
0x64f: {  	s17 =	spop (v2sf);
	s10 =	ssub.s32 s3, s24;
	s3 =	simm.s32 $0xC00;
	[tilespmem:s4+$0x17180] =	vst v5;
	v5 =	vld [tilespmem:s12+$0x1980]  }
0x650: {  	s20 =	sshra.s32 s17, $0x3;
	s21 =	sand.u32 $0x7800, s3;
	s18 =	spop (v2sf);
	v4 =	vld [tilespmem:s22+$0x1D90]  }
0x651: {  	s0 =	sshra.s32 s18, $0x3;
	s18 =	simm.s32 $0x780;
	s4 =	ssub.s32 s20, s24;
	v7 =	vld [tilespmem:s9+$0x1D90]  }
0x652: {  	s20 =	sadd.s32 $0x17180, s21;
	[tilespmem:s11+$0x17180] =	vst v6;
	s25 =	sand.u32 $0x380, s18;
	s23 =	sor.u32 $0x430, s7  }
0x653: {  	s15 =	sor.u32 $0x410, s5;
	s14 =	sor.u32 $0x410, s8;
	v6 =	vld [tilespmem:s6+$0x1D90];
	s31 =	sadd.s32 s25, s20;
	[tilespmem:s23+$0x17180] =	vst v3  }
0x654: {  	s26 =	sshll.u32 s10, $0x8;
	s10 =	sshll.u32 s10, $0x7;
	s0 =	ssub.s32 s0, s24;
	[tilespmem:s31+$0x0] =	vst v5;
	v3 =	vld [tilespmem:s1+$0x1DC0]  }
0x655: {  	s10 =	sand.u32 $0x380, s10;
	s16 =	sor.u32 $0x410, s2;
	s21 =	sshll.u32 s0, $0x8;
	[tilespmem:s14+$0x17180] =	vst v4;
	v5 =	vld [tilespmem:s12+$0x1990]  }
0x656: {  	s14 =	sshll.u32 s4, $0x8;
	s4 =	sshll.u32 s4, $0x7;
	v4 =	vld [tilespmem:s22+$0x1DA0];
	[tilespmem:s15+$0x17180] =	vst v7;
	s23 =	sand.u32 $0xFFFFF800, s26  }
0x657: {  	s11 =	sand.u32 $0xFFFFF800, s14;
	s4 =	sand.u32 $0x380, s4;
	v7 =	vld [tilespmem:s9+$0x1DA0];
	s14 =	sor.u32 s10, s23  }
0x658: {  	s0 =	sshll.u32 s0, $0x7;
	s25 =	sor.u32 $0x440, s7;
	s15 =	sor.u32 s4, s11;
	[tilespmem:s16+$0x17180] =	vst v6;
	v6 =	vld [tilespmem:s14+$0x1980]  }
0x659: {  	s17 =	simm.s32 $0x600;
	s0 =	sand.u32 $0x380, s0;
	v8 =	vld [tilespmem:s15+$0x1980];
	[tilespmem:s25+$0x17180] =	vst v3  }
0x65a: {  	s16 =	sand.u32 $0xFFFFF800, s21;
	s4 =	sand.u32 $0x200, s17;
	[tilespmem:s31+$0x10] =	vst v5;
	s26 =	sor.u32 $0x420, s8;
	v3 =	vld [tilespmem:s1+$0x1DD0]  }
0x65b: {  	s16 =	sor.u32 s0, s16;
	v5 =	vld [tilespmem:s12+$0x19A0];
	[tilespmem:s26+$0x17180] =	vst v4;
	s23 =	sor.u32 $0x420, s5;
	s25 =	simm.s32 $0x680  }
0x65c: {  	s11 =	sor.u32 s4, s20;
	v4 =	vld [tilespmem:s16+$0x1980];
	[tilespmem:s23+$0x17180] =	vst v7;
	s26 =	sand.u32 $0x280, s25  }
0x65d: {  	[tilespmem:s11+$0x0] =	vst v6;
	v6 =	vld [tilespmem:s6+$0x1DA0];
	s4 =	sadd.s32 s26, s20  }
0x65e: {  	s17 =	sor.u32 $0x450, s7;
	s10 =	simm.s32 $0x700;
	v7 =	vld [tilespmem:s14+$0x1990];
	[tilespmem:s4+$0x0] =	vst v8  }
0x65f: {  	s0 =	sand.u32 $0x300, s10;
	v8 =	vld [tilespmem:s15+$0x1990];
	[tilespmem:s17+$0x17180] =	vst v3  }
0x660: {  	s0 =	sadd.s32 s0, s20;
	[tilespmem:s31+$0x20] =	vst v5;
	v3 =	vld [tilespmem:s1+$0x1DE0]  }
0x661: {  	s23 =	sor.u32 $0x420, s2;
	[tilespmem:s0+$0x0] =	vst v4;
	v5 =	vld [tilespmem:s12+$0x19B0]  }
0x662: {  	v4 =	vld [tilespmem:s16+$0x1990];
	[tilespmem:s23+$0x17180] =	vst v6  }
0x663: {  	v6 =	vld [tilespmem:s22+$0x1DB0];
	[tilespmem:s11+$0x10] =	vst v7  }
0x664: {  	s25 =	sor.u32 $0x460, s7;
	v7 =	vld [tilespmem:s14+$0x19A0];
	[tilespmem:s4+$0x10] =	vst v8  }
0x665: {  	v8 =	vld [tilespmem:s15+$0x19A0];
	[tilespmem:s25+$0x17180] =	vst v3  }
0x666: {  	[tilespmem:s31+$0x30] =	vst v5;
	v3 =	vld [tilespmem:s1+$0x1DF0]  }
0x667: {  	s26 =	sor.u32 $0x430, s8;
	[tilespmem:s0+$0x10] =	vst v4  }
0x668: {  	v4 =	vld [tilespmem:s16+$0x19A0];
	[tilespmem:s26+$0x17180] =	vst v6  }
0x669: {  	v5 =	vld [tilespmem:s12+$0x19C0];
	[tilespmem:s11+$0x20] =	vst v7  }
0x66a: {  	s10 =	sor.u32 $0x470, s7;
	v6 =	vld [tilespmem:s9+$0x1DB0];
	[tilespmem:s4+$0x20] =	vst v8  }
0x66b: {  	s20 =	sor.u32 $0x450, s8;
	v7 =	vld [tilespmem:s14+$0x19B0];
	[tilespmem:s10+$0x17180] =	vst v3  }
0x66c: {  	v8 =	vld [tilespmem:s15+$0x19B0];
	[dreg:$0xc] =	wrdreg s20  }
0x66d: {  	[tilespmem:s0+$0x20] =	vst v4  }
0x66e: {  	s17 =	sor.u32 $0x440, s8;
	s26 =	sor.u32 $0x460, s8;
	s8 =	sor.u32 $0x470, s8;
	v3 =	vld [tilespmem:s6+$0x1DB0];
	[tilespmem:s31+$0x40] =	vst v5  }
0x66f: {  	s25 =	sor.u32 $0x430, s5;
	v4 =	vld [tilespmem:s16+$0x19B0];
	[smem:$0x78E] =	sst s8  }
0x670: {  	s30 =	sor.u32 $0x460, s2;
	s7 =	sor.u32 $0x430, s2;
	[tilespmem:s25+$0x17180] =	vst v6  }
0x671: {  	s23 =	sor.u32 $0x440, s2;
	s8 =	sor.u32 $0x450, s2;
	s2 =	sor.u32 $0x470, s2;
	v5 =	vld [tilespmem:s12+$0x19D0];
	[tilespmem:s11+$0x30] =	vst v7  }
0x672: {  	s28 =	simm.s32 $0x2;
	v6 =	vld [tilespmem:s22+$0x1DC0];
	[dreg:$0x1b] =	wrdreg s2  }
0x673: {  	p0 =	por !p0, !p0;
	s21 =	smov.u32 s22;
	s10 =	sand.u32 $0x3, s28;
	[tilespmem:s4+$0x30] =	vst v8  }
0x674: {  	s20 =	simm.s32 $0x1;
	s1 =	sshll.u32 s10, $0x8;
	s10 =	sor.u32 $0x450, s5;
	v7 =	vld [tilespmem:s14+$0x19C0];
	[tilespmem:s7+$0x17180] =	vst v3  }
0x675: {  	s20 =	simm.s32 @!p0 $0x0;
	s22 =	sor.u32 $0x460, s5;
	v8 =	vld [tilespmem:s15+$0x19C0];
	[dreg:$0x15] =	wrdreg s10  }
0x676: {  	s7 =	sor.u32 $0x440, s5;
	s5 =	sor.u32 $0x470, s5;
	[smem:$0x78F] =	sst s22  }
0x677: {  	s25 =	sshll.u32 s20, $0x9;
	[smem:$0x790] =	sst s5  }
0x678: {  	s5 =	sadd.s32 $0xC00, s25;
	[tilespmem:s0+$0x30] =	vst v4  }
0x679: {  	v4 =	vld [tilespmem:s9+$0x1DC0];
	[tilespmem:s31+$0x50] =	vst v5;
	s25 =	sor.u32 $0x400, s5  }
0x67a: {  	s2 =	sor.u32 $0x410, s5;
	v63 =	vld [tilespmem:s16+$0x19C0];
	[smem:$0x791] =	sst s25  }
0x67b: {  	s10 =	sor.u32 $0x420, s5;
	[smem:$0x792] =	sst s2  }
0x67c: {  	s1 =	sadd.s32 $0xC00, s1;
	[smem:$0x793] =	sst s10  }
0x67d: {  	s22 =	sadd.s32 $0x100, s1;
	s20 =	sor.u32 $0x460, s5;
	[tilespmem:s17+$0x17180] =	vst v6  }
0x67e: {  	s29 =	sor.u32 $0x470, s5;
	s10 =	sor.u32 $0x430, s5;
	v5 =	vld [tilespmem:s12+$0x19E0];
	[smem:$0x794] =	sst s20  }
0x67f: {  	s2 =	sor.u32 $0x440, s5;
	s25 =	sor.u32 $0x450, s5;
	s5 =	sor.u32 $0x400, s22;
	[tilespmem:s11+$0x40] =	vst v7  }
0x680: {  	v3 =	vld [tilespmem:s6+$0x1DC0];
	[smem:$0x795] =	sst s5  }
0x681: {  	s17 =	sor.u32 $0x410, s22;
	[tilespmem:s4+$0x40] =	vst v8  }
0x682: {  	s20 =	sor.u32 $0x420, s22;
	v6 =	vld [tilespmem:s14+$0x19D0];
	[smem:$0x796] =	sst s17  }
0x683: {  	s5 =	sor.u32 $0x430, s22;
	[smem:$0x797] =	sst s20  }
0x684: {  	[smem:$0x798] =	sst s5  }
0x685: {  	s5 =	sor.u32 $0x440, s22;
	s17 =	sor.u32 $0x460, s22;
	[tilespmem:s7+$0x17180] =	vst v4  }
0x686: {  	s20 =	sor.u32 $0x450, s22;
	s22 =	sor.u32 $0x470, s22;
	v7 =	vld [tilespmem:s15+$0x19D0];
	[dreg:$0x12] =	wrdreg s17  }
0x687: {  	[dreg:$0x9] =	wrdreg s22  }
0x688: {  	s19 =	sadd.s32 $0x4, s19;
	s22 =	simm.s32 $0xC;
	[tilespmem:s0+$0x40] =	vst v63;
	v4 =	vld [tilespmem:s21+$0x1DD0]  }
.LBB2_15:
0x689: {  	v8 =	vld [tilespmem:s19+$0x0];
	[tilespmem:s31+$0x60] =	vst v5  }
0x68a: {  	[tilespmem:s23+$0x17180] =	vst v3;
	v3 =	vld [tilespmem:s19+$0xFFFFFFFD]  }
0x68b: {  	v5 =	vld [tilespmem:s12+$0x19F0]  }
0x68c: {  	s1 =	smov.u32 s5;
	s5 =	rddreg [dreg:$0xc];
	[tilespmem:s11+$0x50] =	vst v6;
	v6 =	vld [tilespmem:s19+$0xFFFFFFFE]  }
0x68d: {  	[tilespmem:s5+$0x17180] =	vst v4;
	v4 =	vld [tilespmem:s16+$0x19D0]  }
0x68e: {  	[tilespmem:s4+$0x50] =	vst v7;
	v7 =	vld [tilespmem:s19+$0xFFFFFFFF];
	(v2sf) =	vpush v8, $0x0  }
0x68f: {  	[smem:$0x788] =	sst s10;
	s13 =	sadd.s32 $0x4, s13;
	v8 =	vld [tilespmem:s14+$0x19E0]  }
0x690: {  	[smem:$0x78C] =	sst s2;
	s10 =	sand.u32 $0x7, s13;
	[tilespmem:s31+$0x70] =	vst v5;
	v5 =	vld [tilespmem:s15+$0x19E0]  }
0x691: {  	[smem:$0x787] =	sst s29;
	s5 =	sshll.u32 s10, $0x7;
	(v2sf) =	vpush v3, $0x0;
	v3 =	vld [tilespmem:s12+$0x1D80]  }
0x692: {  	s7 =	smov.u32 s25;
	[smem:$0x78A] =	sst s1;
	s5 =	sadd.s32 s3, s5;
	(v2sf) =	vpush v6, $0x0;
	v6 =	vld [tilespmem:s9+$0x1DD0];
	[tilespmem:s0+$0x50] =	vst v4  }
0x693: {  	[dreg:$0xc] =	wrdreg s7;
	s29 =	sadd.s32 $0x80, s5;
	v4 =	vld [tilespmem:s6+$0x1DD0]  }
0x694: {  	[dreg:$0x6] =	wrdreg s13;
	s23 =	sadd.s32 $0x180, s5;
	s13 =	sor.u32 $0x430, s29;
	(v2sf) =	vpush v7, $0x0;
	[tilespmem:s11+$0x60] =	vst v8;
	v7 =	vld [tilespmem:s16+$0x19E0]  }
0x695: {  	p0 =	por !p0, !p0;
	s5 =	sor.u32 $0x400, s23;
	[smem:$0x78B] =	sst s13;
	v8 =	vld [tilespmem:s14+$0x19F0];
	[tilespmem:s4+$0x60] =	vst v5  }
0x696: {  	s28 =	sadd.s32 $0x2, s28;
	s2 =	sor.u32 $0x440, s29;
	s13 =	rddreg [dreg:$0x15];
	[tilespmem:s5+$0x17180] =	vst v3;
	v5 =	vld [tilespmem:s15+$0x19F0]  }
0x697: {  	s18 =	sadd.s32 $0x200, s18;
	s3 =	sadd.s32 $0x400, s3;
	[smem:$0x78D] =	sst s2;
	[tilespmem:s13+$0x17180] =	vst v6;
	v6 =	vld [tilespmem:s21+$0x1DE0]  }
0x698: {  	s10 =	sor.u32 $0x470, s29;
	s31 =	sor.u32 $0x450, s29;
	[tilespmem:s8+$0x17180] =	vst v4;
	s13 =	sld [smem:$0x794];
	v3 =	vld [tilespmem:s12+$0x1D90]  }
0x699: {  	s17 =	sor.u32 $0x400, s29;
	[smem:$0x785] =	sst s10;
	s2 =	smov.u32 s31;
	[tilespmem:s0+$0x60] =	vst v7  }
0x69a: {  	s7 =	sor.u32 $0x410, s29;
	[dreg:$0x15] =	wrdreg s2;
	s8 =	smov.u32 s20;
	[tilespmem:s11+$0x70] =	vst v8  }
0x69b: {  	s25 =	sor.u32 $0x420, s29;
	[smem:$0x789] =	sst s8;
	v4 =	vld [tilespmem:s9+$0x1DE0];
	s20 =	smov.u32 s13;
	[tilespmem:s4+$0x70] =	vst v5  }
0x69c: {  	s10 =	sor.u32 $0x410, s23;
	s5 =	sor.u32 $0x460, s29;
	v8 =	vld [tilespmem:s14+$0x1D80];
	[smem:$0x786] =	sst s20;
	[tilespmem:s26+$0x17180] =	vst v6  }
0x69d: {  	v7 =	vld [tilespmem:s16+$0x19F0];
	s8 =	spop (v2sf);
	s4 =	simm.s32 $0x1;
	[tilespmem:s10+$0x17180] =	vst v3;
	s10 =	sld [smem:$0x78F]  }
0x69e: {  	s26 =	sand.u32 $0x3, s28;
	s13 =	sshra.s32 s8, $0x3;
	v6 =	vld [tilespmem:s21+$0x1DF0];
	s21 =	sld [smem:$0x791]  }
0x69f: {  	s4 =	simm.s32 @!p0 $0x0;
	v5 =	vld [tilespmem:s15+$0x1D80];
	s20 =	ssub.s32 s13, s24;
	s13 =	sld [smem:$0x795]  }
0x6a0: {  	v3 =	vld [tilespmem:s12+$0x1DA0];
	s2 =	sshll.u32 s4, $0x9;
	s4 =	sshll.u32 s26, $0x8;
	s11 =	spop (v2sf)  }
0x6a1: {  	s26 =	sor.u32 $0x420, s23;
	s1 =	sshll.u32 s20, $0x8;
	[tilespmem:s10+$0x17180] =	vst v4;
	s8 =	spop (v2sf)  }
0x6a2: {  	v4 =	vld [tilespmem:s6+$0x1DE0];
	[tilespmem:s0+$0x70] =	vst v7;
	s0 =	sshll.u32 s20, $0x7;
	s11 =	sshra.s32 s11, $0x3;
	s20 =	sand.u32 $0xFFFFF800, s1  }
0x6a3: {  	[tilespmem:s21+$0x17180] =	vst v8;
	s10 =	spop (v2sf);
	s0 =	sand.u32 $0x380, s0;
	s8 =	sshra.s32 s8, $0x3  }
0x6a4: {  	v7 =	vld [tilespmem:s16+$0x1D80];
	[tilespmem:s17+$0x17180] =	vst v5;
	s21 =	sshra.s32 s10, $0x3;
	s29 =	sor.u32 s0, s20;
	s8 =	ssub.s32 s8, s24  }
0x6a5: {  	v8 =	vld [tilespmem:s14+$0x1D90];
	s17 =	sand.u32 $0x7800, s3;
	[tilespmem:s26+$0x17180] =	vst v3;
	s26 =	ssub.s32 s11, s24;
	s11 =	sld [smem:$0x78E]  }
0x6a6: {  	s20 =	sld [smem:$0x792];
	s10 =	ssub.s32 s21, s24;
	s21 =	sor.u32 $0x430, s23;
	v3 =	vld [tilespmem:s12+$0x1DB0]  }
0x6a7: {  	v5 =	vld [tilespmem:s15+$0x1D90];
	s17 =	sadd.s32 $0x17180, s17;
	s24 =	sshll.u32 s8, $0x8;
	s8 =	sshll.u32 s8, $0x7;
	[tilespmem:s30+$0x17180] =	vst v4  }
0x6a8: {  	s0 =	sshll.u32 s26, $0x7;
	s1 =	sshll.u32 s10, $0x8;
	s24 =	sand.u32 $0xFFFFF800, s24;
	v4 =	vld [tilespmem:s29+$0x1980];
	[tilespmem:s11+$0x17180] =	vst v6  }
0x6a9: {  	s8 =	sand.u32 $0x380, s8;
	s11 =	sshll.u32 s26, $0x8;
	[tilespmem:s13+$0x17180] =	vst v7;
	v6 =	vld [tilespmem:s9+$0x1DF0];
	s26 =	sand.u32 $0x380, s18  }
0x6aa: {  	s0 =	sand.u32 $0x380, s0;
	s13 =	sand.u32 $0xFFFFF800, s1;
	[tilespmem:s20+$0x17180] =	vst v8;
	v7 =	vld [tilespmem:s16+$0x1D90];
	s31 =	sadd.s32 s26, s17  }
0x6ab: {  	s20 =	sand.u32 $0xFFFFF800, s11;
	s26 =	sld [smem:$0x790];
	s11 =	sadd.s32 $0xFFFFFE80, s18;
	v8 =	vld [tilespmem:s14+$0x1DA0];
	[tilespmem:s21+$0x17180] =	vst v3  }
0x6ac: {  	[tilespmem:s7+$0x17180] =	vst v5;
	s21 =	sshll.u32 s10, $0x7;
	s10 =	sor.u32 s8, s24;
	s8 =	sld [smem:$0x796];
	v3 =	vld [tilespmem:s12+$0x1DC0]  }
0x6ad: {  	s9 =	sor.u32 s0, s20;
	s20 =	sld [smem:$0x793];
	s1 =	sand.u32 $0x200, s11;
	[tilespmem:s31+$0x0] =	vst v4  }
0x6ae: {  	s24 =	sadd.s32 $0xFFFFFF00, s18;
	s11 =	sor.u32 s1, s17;
	v4 =	vld [tilespmem:s15+$0x1DA0];
	s7 =	sand.u32 $0x380, s21;
	[tilespmem:s26+$0x17180] =	vst v6  }
0x6af: {  	s21 =	sor.u32 $0x440, s23;
	s30 =	sor.u32 s7, s13;
	s26 =	sadd.s32 $0xFFFFFF80, s18;
	[tilespmem:s8+$0x17180] =	vst v7;
	v7 =	vld [tilespmem:s9+$0x1980]  }
0x6b0: {  	s7 =	sor.u32 $0x450, s23;
	s8 =	sand.u32 $0x280, s24;
	s24 =	smov.u32 s5;
	v6 =	vld [tilespmem:s6+$0x1DF0];
	[tilespmem:s20+$0x17180] =	vst v8  }
0x6b1: {  	v5 =	vld [tilespmem:s29+$0x1990];
	s13 =	sand.u32 $0x300, s26;
	s20 =	sadd.s32 s3, s4;
	[smem:$0x78F] =	sst s24;
	[tilespmem:s21+$0x17180] =	vst v3  }
0x6b2: {  	s0 =	sadd.s32 s13, s17;
	s13 =	sadd.s32 s3, s2;
	s24 =	sld [smem:$0x797];
	v3 =	vld [tilespmem:s12+$0x1DD0]  }
0x6b3: {  	s4 =	sadd.s32 s8, s17;
	s5 =	sor.u32 $0x410, s13;
	s21 =	rddreg [dreg:$0x1b]  }
0x6b4: {  	v8 =	vld [tilespmem:s10+$0x1980];
	s6 =	sadd.s32 $0x100, s20;
	s20 =	sor.u32 $0x420, s13;
	[tilespmem:s25+$0x17180] =	vst v4;
	[smem:$0x792] =	sst s5  }
0x6b5: {  	v4 =	vld [tilespmem:s30+$0x1980];
	s26 =	sor.u32 $0x400, s6;
	s2 =	sor.u32 $0x410, s6;
	[smem:$0x793] =	sst s20;
	[tilespmem:s21+$0x17180] =	vst v6  }
0x6b6: {  	s1 =	sor.u32 $0x420, s6;
	s17 =	sor.u32 $0x430, s6;
	[tilespmem:s31+$0x10] =	vst v5;
	[smem:$0x795] =	sst s26;
	v6 =	vld [tilespmem:s16+$0x1DA0]  }
0x6b7: {  	s5 =	sor.u32 $0x440, s6;
	s20 =	sor.u32 $0x450, s6;
	[smem:$0x796] =	sst s2;
	v5 =	vld [tilespmem:s29+$0x19A0];
	[tilespmem:s7+$0x17180] =	vst v3  }
0x6b8: {  	s26 =	sor.u32 $0x460, s6;
	s2 =	sor.u32 $0x470, s6;
	s6 =	sld [smem:$0x785];
	v3 =	vld [tilespmem:s12+$0x1DE0]  }
0x6b9: {  	_ = 	snop  }
0x6ba: {  	[tilespmem:s0+$0x0] =	vst v4  }
0x6bb: {  	v4 =	vld [tilespmem:s30+$0x1990];
	[tilespmem:s24+$0x17180] =	vst v6;
	s24 =	smov.u32 s6  }
0x6bc: {  	[tilespmem:s31+$0x20] =	vst v5;
	[smem:$0x790] =	sst s24;
	s24 =	sor.u32 $0x460, s23  }
0x6bd: {  	v5 =	vld [tilespmem:s29+$0x19B0];
	[tilespmem:s24+$0x17180] =	vst v3;
	s24 =	smov.u32 s1  }
0x6be: {  	[smem:$0x797] =	sst s24  }
0x6bf: {  	s6 =	smov.u32 s16;
	s24 =	rddreg [dreg:$0x12]  }
0x6c0: {  	[tilespmem:s11+$0x0] =	vst v7;
	s16 =	smov.u32 s30;
	s30 =	smov.u32 s24;
	s24 =	smov.u32 s26  }
0x6c1: {  	v7 =	vld [tilespmem:s9+$0x1990];
	[dreg:$0x12] =	wrdreg s24  }
0x6c2: {  	s24 =	sld [smem:$0x787]  }
0x6c3: {  	[tilespmem:s4+$0x0] =	vst v8  }
0x6c4: {  	s21 =	sor.u32 $0x460, s13;
	v8 =	vld [tilespmem:s10+$0x1990]  }
0x6c5: {  	[smem:$0x794] =	sst s21;
	s1 =	smov.u32 s24  }
0x6c6: {  	s21 =	smov.u32 s14;
	[tilespmem:s11+$0x10] =	vst v7;
	[smem:$0x78E] =	sst s1  }
0x6c7: {  	v6 =	vld [tilespmem:s14+$0x1DB0];
	s14 =	smov.u32 s9;
	s9 =	smov.u32 s15;
	[tilespmem:s0+$0x10] =	vst v4;
	s1 =	rddreg [dreg:$0x9]  }
0x6c8: {  	s15 =	smov.u32 s10;
	s10 =	rddreg [dreg:$0x4];
	v4 =	vld [tilespmem:s16+$0x19A0];
	s24 =	smov.u32 s1  }
0x6c9: {  	[tilespmem:s4+$0x10] =	vst v8;
	[dreg:$0x1b] =	wrdreg s24;
	s24 =	smov.u32 s10;
	s10 =	smov.u32 s2  }
0x6ca: {  	v8 =	vld [tilespmem:s15+$0x19A0];
	[dreg:$0x9] =	wrdreg s10  }
0x6cb: {  	v7 =	vld [tilespmem:s14+$0x19A0];
	s10 =	sld [smem:$0x788]  }
0x6cc: {  	v3 =	vld [tilespmem:s12+$0x1DF0];
	[tilespmem:s31+$0x30] =	vst v5  }
0x6cd: {  	s12 =	smov.u32 s29;
	[tilespmem:s0+$0x20] =	vst v4  }
0x6ce: {  	v5 =	vld [tilespmem:s12+$0x19C0];
	[tilespmem:s10+$0x17180] =	vst v6  }
0x6cf: {  	v6 =	vld [tilespmem:s9+$0x1DB0];
	[tilespmem:s4+$0x20] =	vst v8  }
0x6d0: {  	s2 =	sor.u32 $0x470, s23;
	[tilespmem:s11+$0x20] =	vst v7;
	v8 =	vld [tilespmem:s15+$0x19B0]  }
0x6d1: {  	[tilespmem:s2+$0x17180] =	vst v3;
	s2 =	sld [smem:$0x78B];
	v7 =	vld [tilespmem:s14+$0x19B0]  }
0x6d2: {  	v3 =	vld [tilespmem:s6+$0x1DB0]  }
0x6d3: {  	[tilespmem:s31+$0x40] =	vst v5  }
0x6d4: {  	v4 =	vld [tilespmem:s16+$0x19B0];
	[tilespmem:s2+$0x17180] =	vst v6;
	s2 =	sld [smem:$0x798]  }
0x6d5: {  	v5 =	vld [tilespmem:s12+$0x19D0];
	[tilespmem:s4+$0x30] =	vst v8  }
0x6d6: {  	[tilespmem:s11+$0x30] =	vst v7;
	v8 =	vld [tilespmem:s15+$0x19C0]  }
0x6d7: {  	s22 =	sadd.s32 $0x4, s22;
	v6 =	vld [tilespmem:s21+$0x1DC0];
	[tilespmem:s2+$0x17180] =	vst v3;
	s2 =	smov.u32 s17  }
0x6d8: {  	p1 =	slt.u32 s22, $0x7C;
	v7 =	vld [tilespmem:s14+$0x19C0];
	[smem:$0x798] =	sst s2  }
0x6d9: {  	s8 =	sor.u32 $0x430, s13;
	s25 =	sor.u32 $0x400, s13;
	[tilespmem:s0+$0x30] =	vst v4;
	v4 =	vld [tilespmem:s9+$0x1DC0];
	s2 =	sld [smem:$0x78C]  }
0x6da: {  	[smem:$0x791] =	sst s25;
	s25 =	sor.u32 $0x450, s13;
	s7 =	sor.u32 $0x440, s13;
	[tilespmem:s31+$0x50] =	vst v5;
	v9 =	vld [tilespmem:s16+$0x19C0]  }
.Ltmp6:
0x6db: {  	s13 =	sor.u32 $0x470, s13;
	v5 =	vld [tilespmem:s12+$0x19E0];
	s17 =	sld [smem:$0x78D];
	[tilespmem:s4+$0x40] =	vst v8;
	(pc) =	sbr.rel @p1 .LBB2_15-.Ltmp6, $4  }
0x6dc: {  	s29 =	smov.u32 s13;
	s13 =	rddreg [dreg:$0x6];
	v3 =	vld [tilespmem:s6+$0x1DC0];
	[tilespmem:s2+$0x17180] =	vst v6  }
0x6dd: {  	s26 =	sld [smem:$0x786];
	[tilespmem:s11+$0x40] =	vst v7;
	v7 =	vld [tilespmem:s15+$0x19D0]  }
0x6de: {  	s19 =	sadd.s32 $0x4, s19;
	s23 =	sld [smem:$0x78A];
	[tilespmem:s17+$0x17180] =	vst v4;
	v6 =	vld [tilespmem:s14+$0x19D0]  }
0x6df: {  	s10 =	smov.u32 s8;
	s8 =	sld [smem:$0x789];
	s2 =	smov.u32 s7;
	[tilespmem:s0+$0x40] =	vst v9;
	v4 =	vld [tilespmem:s21+$0x1DD0]  }
0x6e0: {  	v8 =	vld [tilespmem:s16+$0x19D0];
	_ =	sdelay $0x1  }
0x6e1: {  	[tilespmem:s4+$0x50] =	vst v7  }
0x6e2: {  	[tilespmem:s11+$0x50] =	vst v6;
	v7 =	vld [tilespmem:s15+$0x19E0]  }
0x6e3: {  	[tilespmem:s31+$0x60] =	vst v5;
	v6 =	vld [tilespmem:s14+$0x19E0]  }
0x6e4: {  	v5 =	vld [tilespmem:s12+$0x19F0];
	[tilespmem:s0+$0x50] =	vst v8  }
0x6e5: {  	v8 =	vld [tilespmem:s16+$0x19E0];
	_ =	sdelay $0x1  }
0x6e6: {  	[tilespmem:s4+$0x60] =	vst v7  }
0x6e7: {  	[tilespmem:s11+$0x60] =	vst v6;
	v7 =	vld [tilespmem:s15+$0x19F0]  }
0x6e8: {  	s1 =	sadd.s32 $0x4, s13;
	[tilespmem:s31+$0x70] =	vst v5;
	v6 =	vld [tilespmem:s14+$0x19F0]  }
0x6e9: {  	s1 =	sand.u32 $0x7, s1;
	v5 =	vld [tilespmem:s12+$0x1D80];
	[tilespmem:s0+$0x60] =	vst v8  }
0x6ea: {  	s1 =	sshll.u32 s1, $0x7;
	v8 =	vld [tilespmem:s16+$0x19F0]  }
0x6eb: {  	s1 =	sadd.s32 s3, s1  }
0x6ec: {  	s3 =	sadd.s32 $0x180, s1;
	[tilespmem:s4+$0x70] =	vst v7  }
0x6ed: {  	s22 =	sor.u32 $0x400, s3;
	[tilespmem:s11+$0x70] =	vst v6;
	v7 =	vld [tilespmem:s15+$0x1D80]  }
0x6ee: {  	[tilespmem:s22+$0x17180] =	vst v5;
	v6 =	vld [tilespmem:s14+$0x1D80]  }
0x6ef: {  	[tilespmem:s0+$0x70] =	vst v8  }
0x6f0: {  	s0 =	sadd.s32 $0x80, s1;
	s28 =	sld [smem:$0x791]  }
0x6f1: {  	v5 =	vld [tilespmem:s12+$0x1D90];
	s31 =	sor.u32 $0x400, s0  }
0x6f2: {  	v8 =	vld [tilespmem:s16+$0x1D80];
	[tilespmem:s31+$0x17180] =	vst v7  }
0x6f3: {  	[tilespmem:s28+$0x17180] =	vst v6  }
0x6f4: {  	s1 =	sld [smem:$0x795]  }
0x6f5: {  	s4 =	sor.u32 $0x410, s3;
	v7 =	vld [tilespmem:s15+$0x1D90]  }
0x6f6: {  	v6 =	vld [tilespmem:s14+$0x1D90];
	[tilespmem:s4+$0x17180] =	vst v5  }
0x6f7: {  	[tilespmem:s1+$0x17180] =	vst v8  }
0x6f8: {  	s1 =	sld [smem:$0x792]  }
0x6f9: {  	s7 =	sor.u32 $0x410, s0;
	v5 =	vld [tilespmem:s12+$0x1DA0]  }
0x6fa: {  	v8 =	vld [tilespmem:s16+$0x1D90];
	[tilespmem:s7+$0x17180] =	vst v7  }
0x6fb: {  	[tilespmem:s1+$0x17180] =	vst v6  }
0x6fc: {  	s1 =	sld [smem:$0x796]  }
0x6fd: {  	s11 =	sor.u32 $0x420, s3;
	v7 =	vld [tilespmem:s15+$0x1DA0]  }
0x6fe: {  	v6 =	vld [tilespmem:s14+$0x1DA0];
	[tilespmem:s11+$0x17180] =	vst v5  }
0x6ff: {  	[tilespmem:s1+$0x17180] =	vst v8  }
0x700: {  	s1 =	sld [smem:$0x793]  }
0x701: {  	s13 =	sor.u32 $0x420, s0  }
0x702: {  	v8 =	vld [tilespmem:s16+$0x1DA0];
	[tilespmem:s13+$0x17180] =	vst v7  }
0x703: {  	v5 =	vld [tilespmem:s12+$0x1DB0];
	[tilespmem:s1+$0x17180] =	vst v6  }
0x704: {  	v7 =	vld [tilespmem:s15+$0x1DB0];
	s1 =	sld [smem:$0x797];
	_ =	sdelay $0x1  }
0x705: {  	v6 =	vld [tilespmem:s14+$0x1DB0];
	[tilespmem:s23+$0x17180] =	vst v3  }
0x706: {  	s17 =	sor.u32 $0x430, s3;
	[tilespmem:s1+$0x17180] =	vst v8  }
0x707: {  	s18 =	sor.u32 $0x430, s0;
	s1 =	rddreg [dreg:$0xc];
	[tilespmem:s17+$0x17180] =	vst v5  }
0x708: {  	[tilespmem:s18+$0x17180] =	vst v7  }
0x709: {  	v3 =	vld [tilespmem:s16+$0x1DB0];
	[tilespmem:s1+$0x17180] =	vst v4  }
0x70a: {  	v48 =	vld [tilespmem:s6+$0x1DD0];
	[tilespmem:s10+$0x17180] =	vst v6  }
0x70b: {  	v49 =	vld [tilespmem:s12+$0x1DC0];
	s1 =	sld [smem:$0x798]  }
0x70c: {  	v47 =	vld [tilespmem:s9+$0x1DD0]  }
0x70d: {  	v50 =	vld [tilespmem:s14+$0x1DC0]  }
0x70e: {  	v52 =	vld [tilespmem:s21+$0x1DE0];
	[tilespmem:s1+$0x17180] =	vst v3  }
0x70f: {  	s19 =	sor.u32 $0x440, s3;
	v3 =	vld [tilespmem:s15+$0x1DC0];
	s1 =	rddreg [dreg:$0x15];
	[tilespmem:s8+$0x17180] =	vst v48  }
0x710: {  	v51 =	vld [tilespmem:s16+$0x1DC0];
	[tilespmem:s19+$0x17180] =	vst v49  }
0x711: {  	[tilespmem:s1+$0x17180] =	vst v47  }
0x712: {  	[tilespmem:s2+$0x17180] =	vst v50;
	v6 =	vld [tilespmem:s12+$0x1DD0]  }
0x713: {  	s22 =	sor.u32 $0x440, s0;
	[tilespmem:s26+$0x17180] =	vst v52;
	v56 =	vld [tilespmem:s6+$0x1DE0]  }
0x714: {  	v53 =	vld [tilespmem:s9+$0x1DE0];
	[tilespmem:s22+$0x17180] =	vst v3  }
0x715: {  	v3 =	vld [tilespmem:s14+$0x1DD0];
	[tilespmem:s5+$0x17180] =	vst v51  }
0x716: {  	s23 =	sor.u32 $0x450, s3;
	v54 =	vld [tilespmem:s15+$0x1DD0];
	s1 =	sld [smem:$0x78F]  }
0x717: {  	v55 =	vld [tilespmem:s16+$0x1DD0];
	[tilespmem:s23+$0x17180] =	vst v6  }
0x718: {  	[tilespmem:s30+$0x17180] =	vst v56  }
0x719: {  	[tilespmem:s1+$0x17180] =	vst v53  }
0x71a: {  	[tilespmem:s25+$0x17180] =	vst v3;
	s25 =	sor.u32 $0x450, s0;
	v3 =	vld [tilespmem:s12+$0x1DE0]  }
0x71b: {  	v8 =	vld [tilespmem:s21+$0x1DF0];
	[tilespmem:s25+$0x17180] =	vst v54  }
0x71c: {  	[tilespmem:s20+$0x17180] =	vst v55  }
0x71d: {  	s1 =	sld [smem:$0x78E]  }
0x71e: {  	s26 =	sor.u32 $0x460, s3;
	v58 =	vld [tilespmem:s15+$0x1DE0]  }
0x71f: {  	v57 =	vld [tilespmem:s14+$0x1DE0];
	[tilespmem:s26+$0x17180] =	vst v3  }
0x720: {  	[tilespmem:s1+$0x17180] =	vst v8  }
0x721: {  	v59 =	vld [tilespmem:s16+$0x1DE0];
	s1 =	sld [smem:$0x794]  }
0x722: {  	s28 =	sor.u32 $0x460, s0  }
0x723: {  	[tilespmem:s28+$0x17180] =	vst v58  }
0x724: {  	[tilespmem:s1+$0x17180] =	vst v57  }
0x725: {  	v60 =	vld [tilespmem:s9+$0x1DF0];
	s1 =	rddreg [dreg:$0x12]  }
0x726: {  	v3 =	vld [tilespmem:s12+$0x1DF0];
	[tilespmem:s1+$0x17180] =	vst v59  }
0x727: {  	v4 =	vld [tilespmem:s14+$0x1DF0];
	s1 =	sld [smem:$0x790]  }
0x728: {  	v61 =	vld [tilespmem:s6+$0x1DF0];
	_ =	sdelay $0x1  }
0x729: {  	s30 =	sor.u32 $0x470, s3;
	v62 =	vld [tilespmem:s15+$0x1DF0];
	[tilespmem:s1+$0x17180] =	vst v60  }
0x72a: {  	s1 =	rddreg [dreg:$0x1b];
	[tilespmem:s30+$0x17180] =	vst v3  }
0x72b: {  	v63 =	vld [tilespmem:s16+$0x1DF0];
	[tilespmem:s29+$0x17180] =	vst v4  }
0x72c: {  	[tilespmem:s1+$0x17180] =	vst v61  }
0x72d: {  	s0 =	sor.u32 $0x470, s0;
	s1 =	sld [smem:$0x7B2]  }
0x72e: {  	[tilespmem:s0+$0x17180] =	vst v62  }
0x72f: {  	s0 =	rddreg [dreg:$0x9]  }
0x730: {  	[tilespmem:s0+$0x17180] =	vst v63;
	s1 =	sadd.s32 $0x1, s1  }
0x731: {  	s0 =	sld [smem:$0x7C2];
	p0 =	sne.s32 s1, $0xF  }
.Ltmp7:
0x732: {  	s31 =	sld [smem:$0x7C1];
	(pc) =	sbr.rel @p0 .LBB2_10-.Ltmp7, $4  }
0x733: {  	s8 =	sld [smem:$0x7B3]  }
0x734: {  	s0 =	sadd.s32 $0x180, s0  }
0x735: {  	[smem:$0x7C2] =	sst s0;
	s0 =	sadd.s32 $0x180, s31  }
0x736: {  	s8 =	sadd.s32 $0x180, s8;
	[smem:$0x7C1] =	sst s0  }
0x737: {  	s0 =	simm.s32 $0x2  }
0x738: {  	_ =	swait.ge [sflag:s0], $0x800  }
0x739: {  	s23 =	sld [smem:$0x7F9]  }
0x73a: {  	s1 =	simm.s32 $0x0;
	[sflag:s0] =	ssyncset.done $0x0  }
0x73b: {  	s2 =	simm.s32 $0xF180;
	s25 =	simm.s32 $0x4;
	[sflag:s0] =	ssyncadd.s32 $0xFFFFF800  }
0x73c: {  	[hbm4b:s23+s1] =	stream.linear.scatter [tilespmem:s2], [sflag:$0x5], $0x8000, $0x38;
	[tilespmem:$0x1F180] =	vst v63  }
0x73d: {  	_ =	swait.ge [sflag:s25], $0x8000  }
0x73e: {  	[sflag:s25] =	ssyncset.done $0x0  }
0x73f: {  	[sflag:s25] =	ssyncadd.s32 $0xFFFF8000  }
0x740: {  	v3 =	vld.msk [tilespmem:$0x1800], $0xff;
	_ =	sdelay $0x4  }
0x741: {  	v4 =	vshll.u32 v3, $0x1  }
0x742: {  	v3 =	vand.u32 $0x7, v3;
	v4 =	vand.u32 $0xFFFFFFF0, v4  }
0x743: {  	v3 =	vor.u32 v3, v4  }
0x744: {  	v3 =	vperm.xlane v3, v0;
	_ =	sdelay $0x1  }
0x745: {  	v3 =	vadd.s32 v2, v3;
	_ =	sdelay $0x1  }
0x746: {  	s26 =	sld [smem:$0x7F2];
	_ =	sdelay $0x1  }
0x747: {  	s28 =	simm.s32 $0x7180  }
0x748: {  	[tilespmem:s28], [sflag:$0x1] =	stream.indirect_vreg.gather [hbm4b:s26+s1], $0x80, v3, vm0, $0xb8;
	[tilespmem:$0x1F180] =	vst v63  }
0x749: {  	s1 =	simm.s32 $0x180B  }
0x74a: {  	v3 =	vld [tilespmem:s1+$0x0];
	_ =	sdelay $0x4  }
0x74b: {  	(v2sf) =	vpush v3, $0x0  }
0x74c: {  	v3 =	vld [tilespmem:s1+$0xFFFFFFFD]  }
0x74d: {  	v4 =	vld [tilespmem:s1+$0xFFFFFFFE]  }
0x74e: {  	v5 =	vld [tilespmem:s1+$0xFFFFFFFF];
	_ =	sdelay $0x2  }
0x74f: {  	(v2sf) =	vpush v3, $0x0  }
0x750: {  	(v2sf) =	vpush v4, $0x0  }
0x751: {  	(v2sf) =	vpush v5, $0x0;
	_ =	sdelay $0x6  }
0x752: {  	s2 =	spop (v2sf)  }
0x753: {  	s0 =	sshra.s32 s2, $0x3  }
0x754: {  	s0 =	ssub.s32 s0, s24  }
0x755: {  	s3 =	sshll.u32 s0, $0x8;
	s0 =	sshll.u32 s0, $0x7  }
0x756: {  	s1 =	sand.u32 $0xFFFFF800, s3;
	s0 =	sand.u32 $0x380, s0  }
0x757: {  	s4 =	simm.s32 $0x800;
	s5 =	simm.s32 $0x400;
	s2 =	sor.u32 s0, s1  }
0x758: {  	s0 =	sand.u32 $0x7800, s4;
	s1 =	sand.u32 $0x200, s5;
	s4 =	spop (v2sf);
	v3 =	vld [tilespmem:s2+$0x1980]  }
0x759: {  	s3 =	sor.u32 s1, s0;
	s6 =	sshra.s32 s4, $0x3;
	s7 =	spop (v2sf)  }
0x75a: {  	s0 =	ssub.s32 s6, s24;
	s1 =	sshra.s32 s7, $0x3;
	s5 =	spop (v2sf)  }
0x75b: {  	s8 =	sshll.u32 s0, $0x8;
	s0 =	sshll.u32 s0, $0x7;
	s1 =	ssub.s32 s1, s24  }
0x75c: {  	s9 =	sshra.s32 s5, $0x3;
	s4 =	sand.u32 $0xFFFFF800, s8;
	s0 =	sand.u32 $0x380, s0  }
0x75d: {  	s10 =	sshll.u32 s1, $0x8;
	s1 =	sshll.u32 s1, $0x7;
	s20 =	sor.u32 s0, s4;
	[tilespmem:s3+$0x7300] =	vst v3  }
0x75e: {  	s4 =	ssub.s32 s9, s24;
	s5 =	sand.u32 $0xFFFFF800, s10;
	s1 =	sand.u32 $0x380, s1;
	v3 =	vld [tilespmem:s2+$0x1990]  }
0x75f: {  	v4 =	vld [tilespmem:s20+$0x1980];
	s7 =	sshll.u32 s4, $0x8;
	s4 =	sshll.u32 s4, $0x7;
	s26 =	sor.u32 s1, s5  }
0x760: {  	s11 =	sand.u32 $0xFFFFF800, s7;
	s4 =	sand.u32 $0x380, s4;
	v5 =	vld [tilespmem:s26+$0x1980]  }
0x761: {  	s31 =	sor.u32 s4, s11  }
0x762: {  	v6 =	vld [tilespmem:s31+$0x1980]  }
0x763: {  	[tilespmem:s3+$0x7310] =	vst v3  }
0x764: {  	[tilespmem:s3+$0x7180] =	vst v4;
	v3 =	vld [tilespmem:s2+$0x19A0]  }
0x765: {  	v4 =	vld [tilespmem:s20+$0x1990];
	[tilespmem:s3+$0x7200] =	vst v5  }
0x766: {  	v5 =	vld [tilespmem:s26+$0x1990]  }
0x767: {  	[tilespmem:s3+$0x7280] =	vst v6  }
0x768: {  	v6 =	vld [tilespmem:s31+$0x1990]  }
0x769: {  	[tilespmem:s3+$0x7320] =	vst v3  }
0x76a: {  	[tilespmem:s3+$0x7190] =	vst v4;
	v3 =	vld [tilespmem:s2+$0x19B0]  }
0x76b: {  	v4 =	vld [tilespmem:s20+$0x19A0];
	[tilespmem:s3+$0x7210] =	vst v5  }
0x76c: {  	v5 =	vld [tilespmem:s26+$0x19A0]  }
0x76d: {  	[tilespmem:s3+$0x7290] =	vst v6  }
0x76e: {  	v6 =	vld [tilespmem:s31+$0x19A0]  }
0x76f: {  	[tilespmem:s3+$0x7330] =	vst v3  }
0x770: {  	[tilespmem:s3+$0x71A0] =	vst v4;
	v3 =	vld [tilespmem:s2+$0x19C0]  }
0x771: {  	v4 =	vld [tilespmem:s20+$0x19B0];
	[tilespmem:s3+$0x7220] =	vst v5  }
0x772: {  	v5 =	vld [tilespmem:s26+$0x19B0]  }
0x773: {  	[tilespmem:s3+$0x72A0] =	vst v6  }
0x774: {  	v6 =	vld [tilespmem:s31+$0x19B0]  }
0x775: {  	[tilespmem:s3+$0x7340] =	vst v3  }
0x776: {  	[tilespmem:s3+$0x71B0] =	vst v4;
	v3 =	vld [tilespmem:s2+$0x19D0]  }
0x777: {  	v4 =	vld [tilespmem:s20+$0x19C0];
	[tilespmem:s3+$0x7230] =	vst v5  }
0x778: {  	s12 =	simm.s32 $0x180F;
	v5 =	vld [tilespmem:s26+$0x19C0]  }
0x779: {  	v7 =	vld [tilespmem:s12+$0x0];
	[tilespmem:s3+$0x72B0] =	vst v6  }
0x77a: {  	v6 =	vld [tilespmem:s31+$0x19C0]  }
0x77b: {  	v8 =	vld [tilespmem:s12+$0xFFFFFFFD];
	[tilespmem:s3+$0x7350] =	vst v3  }
0x77c: {  	[tilespmem:s3+$0x71C0] =	vst v4;
	v3 =	vld [tilespmem:s2+$0x19E0]  }
0x77d: {  	v4 =	vld [tilespmem:s20+$0x19D0];
	[tilespmem:s3+$0x7240] =	vst v5  }
0x77e: {  	v5 =	vld [tilespmem:s26+$0x19D0]  }
0x77f: {  	v9 =	vld [tilespmem:s12+$0xFFFFFFFE];
	[tilespmem:s3+$0x72C0] =	vst v6  }
0x780: {  	(v2sf) =	vpush v7, $0x0;
	v7 =	vld [tilespmem:s31+$0x19D0]  }
0x781: {  	v6 =	vld [tilespmem:s12+$0xFFFFFFFF];
	[tilespmem:s3+$0x7360] =	vst v3  }
0x782: {  	[tilespmem:s3+$0x71D0] =	vst v4;
	v3 =	vld [tilespmem:s2+$0x19F0]  }
0x783: {  	v4 =	vld [tilespmem:s20+$0x19E0];
	[tilespmem:s3+$0x7250] =	vst v5  }
0x784: {  	(v2sf) =	vpush v8, $0x0;
	v5 =	vld [tilespmem:s26+$0x19E0]  }
0x785: {  	(v2sf) =	vpush v9, $0x0;
	[tilespmem:s3+$0x72D0] =	vst v7  }
0x786: {  	(v2sf) =	vpush v6, $0x0;
	v6 =	vld [tilespmem:s31+$0x19E0]  }
0x787: {  	p0 =	por $0x0, $0x0;
	s4 =	simm.s32 $0x1;
	[tilespmem:s3+$0x7370] =	vst v3  }
0x788: {  	s4 =	simm.s32 @!p0 $0x0;
	[tilespmem:s3+$0x71E0] =	vst v4;
	v3 =	vld [tilespmem:s2+$0x1D80]  }
0x789: {  	s4 =	sshll.u32 s4, $0x9;
	v4 =	vld [tilespmem:s20+$0x19F0];
	[tilespmem:s3+$0x7260] =	vst v5  }
0x78a: {  	s17 =	sadd.s32 $0x800, s4;
	v5 =	vld [tilespmem:s26+$0x19F0]  }
0x78b: {  	s5 =	sadd.s32 $0x180, s17;
	[tilespmem:s3+$0x72E0] =	vst v6  }
0x78c: {  	s13 =	sor.u32 $0x400, s5;
	v6 =	vld [tilespmem:s31+$0x19F0]  }
0x78d: {  	[tilespmem:s13+$0x7180] =	vst v3  }
0x78e: {  	[tilespmem:s3+$0x71F0] =	vst v4;
	v3 =	vld [tilespmem:s2+$0x1D90]  }
0x78f: {  	s15 =	spop (v2sf);
	v4 =	vld [tilespmem:s20+$0x1D80];
	[tilespmem:s3+$0x7270] =	vst v5  }
0x790: {  	s4 =	sshra.s32 s15, $0x3;
	v5 =	vld [tilespmem:s26+$0x1D80]  }
0x791: {  	s30 =	simm.s32 $0x600;
	s10 =	sadd.s32 $0x80, s17;
	s18 =	ssub.s32 s4, s24;
	[tilespmem:s3+$0x72F0] =	vst v6  }
0x792: {  	s14 =	sor.u32 $0x410, s5;
	s11 =	sshll.u32 s18, $0x8;
	s3 =	sshll.u32 s18, $0x7;
	v6 =	vld [tilespmem:s31+$0x1D80]  }
0x793: {  	s16 =	sor.u32 $0x400, s17;
	s23 =	sand.u32 $0xFFFFF800, s11;
	s3 =	sand.u32 $0x380, s3;
	[tilespmem:s14+$0x7180] =	vst v3  }
0x794: {  	s21 =	sadd.s32 $0x100, s17;
	s8 =	sor.u32 $0x400, s10;
	s7 =	sor.u32 s3, s23;
	[tilespmem:s16+$0x7180] =	vst v4;
	v3 =	vld [tilespmem:s2+$0x1DA0]  }
0x795: {  	s28 =	sor.u32 $0x410, s17;
	s9 =	sor.u32 $0x400, s21;
	s22 =	spop (v2sf);
	[tilespmem:s8+$0x7180] =	vst v5;
	v5 =	vld [tilespmem:s7+$0x1980]  }
0x796: {  	s19 =	sor.u32 $0x420, s5;
	s25 =	spop (v2sf);
	s4 =	sshra.s32 s22, $0x3;
	v4 =	vld [tilespmem:s20+$0x1D90]  }
0x797: {  	s0 =	sshra.s32 s25, $0x3;
	s15 =	ssub.s32 s4, s24;
	s4 =	simm.s32 $0xC00;
	v7 =	vld [tilespmem:s26+$0x1D90];
	[tilespmem:s9+$0x7180] =	vst v6  }
0x798: {  	s11 =	sshll.u32 s15, $0x8;
	s18 =	sand.u32 $0x200, s30;
	s16 =	sand.u32 $0x7800, s4;
	v6 =	vld [tilespmem:s31+$0x1D90]  }
0x799: {  	s12 =	sor.u32 $0x410, s10;
	s13 =	sor.u32 $0x410, s21;
	s16 =	sor.u32 s18, s16;
	[tilespmem:s19+$0x7180] =	vst v3  }
0x79a: {  	s23 =	sand.u32 $0xFFFFF800, s11;
	s14 =	spop (v2sf);
	s18 =	sshll.u32 s15, $0x7;
	[tilespmem:s16+$0x7300] =	vst v5;
	v3 =	vld [tilespmem:s2+$0x1DB0]  }
0x79b: {  	s8 =	ssub.s32 s0, s24;
	s14 =	sshra.s32 s14, $0x3;
	s3 =	sand.u32 $0x380, s18;
	[tilespmem:s28+$0x7180] =	vst v4;
	v5 =	vld [tilespmem:s7+$0x1990]  }
0x79c: {  	s3 =	sor.u32 s3, s23;
	s19 =	sshll.u32 s8, $0x8;
	s8 =	sshll.u32 s8, $0x7;
	v4 =	vld [tilespmem:s20+$0x1DA0];
	[tilespmem:s12+$0x7180] =	vst v7  }
0x79d: {  	s6 =	ssub.s32 s14, s24;
	s24 =	sand.u32 $0xFFFFF800, s19;
	s8 =	sand.u32 $0x380, s8;
	[tilespmem:s13+$0x7180] =	vst v6;
	v6 =	vld [tilespmem:s3+$0x1980]  }
0x79e: {  	s1 =	sor.u32 $0x430, s5;
	v7 =	vld [tilespmem:s26+$0x1DA0];
	s9 =	sor.u32 s8, s24  }
0x79f: {  	v8 =	vld [tilespmem:s9+$0x1980];
	[tilespmem:s1+$0x7180] =	vst v3  }
0x7a0: {  	s0 =	sor.u32 $0x420, s17;
	s22 =	sshll.u32 s6, $0x8;
	s25 =	sshll.u32 s6, $0x7;
	[tilespmem:s16+$0x7310] =	vst v5;
	v3 =	vld [tilespmem:s2+$0x1DC0]  }
0x7a1: {  	s12 =	sand.u32 $0x380, s25;
	[tilespmem:s0+$0x7180] =	vst v4;
	s1 =	sand.u32 $0xFFFFF800, s22;
	v5 =	vld [tilespmem:s7+$0x19A0]  }
0x7a2: {  	s6 =	sor.u32 $0x420, s10;
	s12 =	sor.u32 s12, s1;
	[tilespmem:s16+$0x7180] =	vst v6;
	v6 =	vld [tilespmem:s31+$0x1DA0]  }
0x7a3: {  	[tilespmem:s6+$0x7180] =	vst v7;
	v4 =	vld [tilespmem:s12+$0x1980]  }
0x7a4: {  	s28 =	sor.u32 $0x440, s5;
	v7 =	vld [tilespmem:s3+$0x1990];
	[tilespmem:s16+$0x7200] =	vst v8  }
0x7a5: {  	v8 =	vld [tilespmem:s9+$0x1990];
	[tilespmem:s28+$0x7180] =	vst v3  }
0x7a6: {  	s13 =	sor.u32 $0x420, s21;
	[tilespmem:s16+$0x7320] =	vst v5;
	v3 =	vld [tilespmem:s2+$0x1DD0]  }
0x7a7: {  	v5 =	vld [tilespmem:s7+$0x19B0];
	[tilespmem:s13+$0x7180] =	vst v6  }
0x7a8: {  	v6 =	vld [tilespmem:s20+$0x1DB0];
	[tilespmem:s16+$0x7280] =	vst v4  }
0x7a9: {  	[tilespmem:s16+$0x7190] =	vst v7;
	v4 =	vld [tilespmem:s12+$0x1990]  }
0x7aa: {  	s11 =	sor.u32 $0x450, s5;
	v7 =	vld [tilespmem:s3+$0x19A0];
	[tilespmem:s16+$0x7210] =	vst v8  }
0x7ab: {  	v8 =	vld [tilespmem:s9+$0x19A0];
	[tilespmem:s11+$0x7180] =	vst v3  }
0x7ac: {  	s15 =	sor.u32 $0x430, s17;
	[tilespmem:s16+$0x7330] =	vst v5;
	v3 =	vld [tilespmem:s2+$0x1DE0]  }
0x7ad: {  	[tilespmem:s15+$0x7180] =	vst v6;
	v6 =	vld [tilespmem:s26+$0x1DB0]  }
0x7ae: {  	v5 =	vld [tilespmem:s7+$0x19C0];
	[tilespmem:s16+$0x7290] =	vst v4  }
0x7af: {  	[tilespmem:s16+$0x71A0] =	vst v7;
	v4 =	vld [tilespmem:s12+$0x19A0]  }
0x7b0: {  	s14 =	sor.u32 $0x460, s5;
	v7 =	vld [tilespmem:s3+$0x19B0];
	[tilespmem:s16+$0x7220] =	vst v8  }
0x7b1: {  	s19 =	sor.u32 $0x430, s10;
	v8 =	vld [tilespmem:s9+$0x19B0];
	[tilespmem:s14+$0x7180] =	vst v3  }
0x7b2: {  	[tilespmem:s19+$0x7180] =	vst v6;
	v3 =	vld [tilespmem:s2+$0x1DF0]  }
0x7b3: {  	v6 =	vld [tilespmem:s20+$0x1DC0];
	[tilespmem:s16+$0x7340] =	vst v5  }
0x7b4: {  	v5 =	vld [tilespmem:s7+$0x19D0];
	[tilespmem:s16+$0x72A0] =	vst v4  }
0x7b5: {  	[tilespmem:s16+$0x71B0] =	vst v7;
	v4 =	vld [tilespmem:s12+$0x19B0]  }
0x7b6: {  	s18 =	sor.u32 $0x470, s5;
	v7 =	vld [tilespmem:s3+$0x19C0];
	[tilespmem:s16+$0x7230] =	vst v8  }
0x7b7: {  	s23 =	sor.u32 $0x440, s17;
	[tilespmem:s18+$0x7180] =	vst v3;
	v3 =	vld [tilespmem:s31+$0x1DB0]  }
0x7b8: {  	[tilespmem:s23+$0x7180] =	vst v6  }
0x7b9: {  	v8 =	vld [tilespmem:s9+$0x19C0];
	[tilespmem:s16+$0x7350] =	vst v5  }
0x7ba: {  	v5 =	vld [tilespmem:s7+$0x19E0];
	[tilespmem:s16+$0x72B0] =	vst v4  }
0x7bb: {  	s22 =	sor.u32 $0x430, s21;
	v4 =	vld [tilespmem:s26+$0x1DC0];
	[tilespmem:s16+$0x71C0] =	vst v7  }
0x7bc: {  	s25 =	sor.u32 $0x460, s10;
	v63 =	vld [tilespmem:s12+$0x19C0];
	[tilespmem:s22+$0x7180] =	vst v3  }
0x7bd: {  	s29 =	sor.u32 $0x460, s21;
	v3 =	vld [tilespmem:s31+$0x1DC0];
	[smem:$0x783] =	sst s25  }
0x7be: {  	s8 =	simm.s32 $0xC;
	s24 =	sor.u32 $0x440, s10;
	s28 =	sor.u32 $0x460, s17;
	[tilespmem:s16+$0x7240] =	vst v8  }
0x7bf: {  	s0 =	sor.u32 $0x450, s10;
	s6 =	sor.u32 $0x450, s21;
	v6 =	vld [tilespmem:s3+$0x19D0];
	[smem:$0x784] =	sst s28  }
0x7c0: {  	s13 =	sor.u32 $0x470, s21;
	s15 =	sor.u32 $0x470, s10;
	s19 =	sor.u32 $0x450, s17;
	v7 =	vld [tilespmem:s9+$0x19D0];
	[tilespmem:s24+$0x7180] =	vst v4  }
0x7c1: {  	s17 =	sor.u32 $0x470, s17;
	s14 =	sor.u32 $0x440, s21;
	s21 =	simm.s32 $0x1813;
	[tilespmem:s16+$0x72C0] =	vst v63;
	v4 =	vld [tilespmem:s20+$0x1DD0]  }
.LBB2_18:
0x7c2: {  	_ = 	snop  }
0x7c3: {  	v8 =	vld [tilespmem:s21+$0x0];
	[tilespmem:s16+$0x7360] =	vst v5  }
0x7c4: {  	[tilespmem:s14+$0x7180] =	vst v3;
	v3 =	vld [tilespmem:s21+$0xFFFFFFFD]  }
0x7c5: {  	v5 =	vld [tilespmem:s7+$0x19F0]  }
0x7c6: {  	[tilespmem:s16+$0x71D0] =	vst v6;
	v6 =	vld [tilespmem:s21+$0xFFFFFFFE]  }
0x7c7: {  	p0 =	por !p0, !p0;
	s2 =	simm.s32 $0x1;
	[tilespmem:s19+$0x7180] =	vst v4;
	v4 =	vld [tilespmem:s12+$0x19D0]  }
0x7c8: {  	s2 =	simm.s32 @!p0 $0x0;
	[tilespmem:s16+$0x7250] =	vst v7;
	v7 =	vld [tilespmem:s21+$0xFFFFFFFF]  }
0x7c9: {  	s2 =	sshll.u32 s2, $0x9;
	(v2sf) =	vpush v8, $0x0;
	v8 =	vld [tilespmem:s3+$0x19E0]  }
0x7ca: {  	[smem:$0x776] =	sst s15;
	s10 =	sadd.s32 s2, s4;
	[tilespmem:s16+$0x7370] =	vst v5;
	v5 =	vld [tilespmem:s9+$0x19E0]  }
0x7cb: {  	[smem:$0x77C] =	sst s13;
	s22 =	sadd.s32 $0x100, s10;
	s18 =	sor.u32 $0x420, s10;
	(v2sf) =	vpush v3, $0x0;
	v3 =	vld [tilespmem:s7+$0x1D80]  }
0x7cc: {  	s13 =	sadd.s32 $0x80, s10;
	s11 =	sor.u32 $0x410, s22;
	[smem:$0x778] =	sst s18;
	(v2sf) =	vpush v6, $0x0;
	v6 =	vld [tilespmem:s26+$0x1DD0];
	[tilespmem:s16+$0x72D0] =	vst v4  }
0x7cd: {  	s30 =	sadd.s32 $0x200, s30;
	s1 =	sor.u32 $0x420, s13;
	[smem:$0x777] =	sst s11;
	v4 =	vld [tilespmem:s31+$0x1DD0]  }
0x7ce: {  	s23 =	sadd.s32 $0x180, s10;
	s19 =	sor.u32 $0x430, s13;
	[smem:$0x77B] =	sst s1;
	(v2sf) =	vpush v7, $0x0;
	[tilespmem:s16+$0x71E0] =	vst v8;
	v7 =	vld [tilespmem:s12+$0x19E0]  }
0x7cf: {  	s28 =	sor.u32 $0x400, s23;
	s18 =	sor.u32 $0x440, s10;
	[smem:$0x77F] =	sst s19;
	v8 =	vld [tilespmem:s3+$0x19F0];
	[tilespmem:s16+$0x7260] =	vst v5  }
0x7d0: {  	s4 =	sadd.s32 $0x400, s4;
	s11 =	sor.u32 $0x420, s22;
	[smem:$0x781] =	sst s18;
	[tilespmem:s28+$0x7180] =	vst v3;
	v5 =	vld [tilespmem:s9+$0x19F0]  }
0x7d1: {  	s15 =	sor.u32 $0x400, s10;
	s19 =	sor.u32 $0x450, s13;
	[smem:$0x77D] =	sst s11;
	[tilespmem:s0+$0x7180] =	vst v6;
	v6 =	vld [tilespmem:s20+$0x1DE0]  }
0x7d2: {  	s14 =	sor.u32 $0x410, s10;
	s25 =	sor.u32 $0x400, s13;
	[smem:$0x779] =	sst s19;
	[tilespmem:s6+$0x7180] =	vst v4;
	v3 =	vld [tilespmem:s7+$0x1D90]  }
0x7d3: {  	s1 =	sor.u32 $0x430, s10;
	s19 =	smov.u32 s20;
	s20 =	sld [smem:$0x784];
	[tilespmem:s16+$0x72E0] =	vst v7;
	v4 =	vld [tilespmem:s26+$0x1DE0]  }
0x7d4: {  	s5 =	sor.u32 $0x400, s22;
	s24 =	sor.u32 $0x410, s13;
	[smem:$0x77E] =	sst s1;
	[tilespmem:s16+$0x71F0] =	vst v8;
	v7 =	vld [tilespmem:s12+$0x19F0]  }
0x7d5: {  	s18 =	sor.u32 $0x460, s10;
	s28 =	sor.u32 $0x430, s22;
	s6 =	sld [smem:$0x783];
	v8 =	vld [tilespmem:s3+$0x1D80];
	[tilespmem:s16+$0x7270] =	vst v5  }
0x7d6: {  	s11 =	sor.u32 $0x440, s22;
	[smem:$0x780] =	sst s28;
	s28 =	sor.u32 $0x410, s23;
	[tilespmem:s20+$0x7180] =	vst v6;
	v5 =	vld [tilespmem:s9+$0x1D80]  }
0x7d7: {  	s1 =	smov.u32 s17;
	s17 =	sor.u32 $0x460, s13;
	[smem:$0x77A] =	sst s11;
	[tilespmem:s28+$0x7180] =	vst v3;
	v6 =	vld [tilespmem:s19+$0x1DF0]  }
0x7d8: {  	s11 =	sor.u32 $0x450, s10;
	s28 =	smov.u32 s18;
	[tilespmem:s6+$0x7180] =	vst v4;
	s19 =	rddreg [dreg:$0x4];
	v3 =	vld [tilespmem:s7+$0x1DA0]  }
0x7d9: {  	s20 =	smov.u32 s3;
	s18 =	spop (v2sf);
	v4 =	vld [tilespmem:s31+$0x1DE0];
	[smem:$0x784] =	sst s28;
	[tilespmem:s16+$0x72F0] =	vst v7  }
0x7da: {  	s28 =	smov.u32 s17;
	s6 =	sshra.s32 s18, $0x3;
	[tilespmem:s15+$0x7180] =	vst v8;
	s15 =	sor.u32 $0x420, s23  }
0x7db: {  	[smem:$0x783] =	sst s28;
	s18 =	spop (v2sf);
	s28 =	ssub.s32 s6, s19;
	v7 =	vld [tilespmem:s12+$0x1D80]  }
0x7dc: {  	v8 =	vld [tilespmem:s20+$0x1D90];
	s16 =	spop (v2sf);
	s17 =	sshll.u32 s28, $0x8;
	s3 =	sshll.u32 s28, $0x7;
	[tilespmem:s25+$0x7180] =	vst v5  }
0x7dd: {  	s18 =	sshra.s32 s18, $0x3;
	s6 =	spop (v2sf);
	s17 =	sand.u32 $0xFFFFF800, s17;
	[tilespmem:s15+$0x7180] =	vst v3;
	v5 =	vld [tilespmem:s9+$0x1D90]  }
0x7de: {  	s3 =	sand.u32 $0x380, s3;
	s16 =	sshra.s32 s16, $0x3;
	s6 =	sshra.s32 s6, $0x3;
	[tilespmem:s29+$0x7180] =	vst v4;
	v3 =	vld [tilespmem:s7+$0x1DB0]  }
0x7df: {  	s25 =	sor.u32 s3, s17;
	s16 =	ssub.s32 s16, s19;
	[tilespmem:s1+$0x7180] =	vst v6;
	s1 =	sand.u32 $0x7800, s4;
	v6 =	vld [tilespmem:s26+$0x1DF0]  }
0x7e0: {  	s15 =	ssub.s32 s18, s19;
	s17 =	ssub.s32 s6, s19;
	s19 =	smov.u32 s11;
	v4 =	vld [tilespmem:s25+$0x1980];
	[tilespmem:s5+$0x7180] =	vst v7  }
0x7e1: {  	s28 =	sshll.u32 s16, $0x8;
	s26 =	sor.u32 $0x430, s23;
	s11 =	sand.u32 $0x200, s30;
	[tilespmem:s14+$0x7180] =	vst v8;
	v7 =	vld [tilespmem:s12+$0x1D90]  }
0x7e2: {  	s18 =	sshll.u32 s15, $0x8;
	s3 =	sshll.u32 s15, $0x7;
	s15 =	sshll.u32 s16, $0x7;
	[tilespmem:s24+$0x7180] =	vst v5  }
0x7e3: {  	s16 =	sor.u32 s11, s1;
	v8 =	vld [tilespmem:s20+$0x1DA0];
	s24 =	sand.u32 $0xFFFFF800, s18;
	s18 =	sld [smem:$0x777];
	[tilespmem:s26+$0x7180] =	vst v3  }
0x7e4: {  	s3 =	sand.u32 $0x380, s3;
	s26 =	sand.u32 $0xFFFFF800, s28;
	s28 =	sld [smem:$0x776];
	v3 =	vld [tilespmem:s7+$0x1DC0]  }
0x7e5: {  	s3 =	sor.u32 s3, s24;
	s24 =	sld [smem:$0x778];
	[tilespmem:s16+$0x7300] =	vst v4;
	v4 =	vld [tilespmem:s9+$0x1DA0]  }
0x7e6: {  	s14 =	sshll.u32 s17, $0x8;
	s17 =	sshll.u32 s17, $0x7;
	s15 =	sand.u32 $0x380, s15;
	v5 =	vld [tilespmem:s25+$0x1990];
	[tilespmem:s18+$0x7180] =	vst v7  }
0x7e7: {  	s5 =	sand.u32 $0xFFFFF800, s14;
	s6 =	sand.u32 $0x380, s17;
	v7 =	vld [tilespmem:s3+$0x1980];
	[tilespmem:s28+$0x7180] =	vst v6;
	s28 =	sld [smem:$0x77B]  }
0x7e8: {  	s5 =	sor.u32 s6, s5;
	s11 =	sor.u32 s15, s26;
	s26 =	sor.u32 $0x440, s23;
	v6 =	vld [tilespmem:s31+$0x1DF0];
	[tilespmem:s24+$0x7180] =	vst v8  }
0x7e9: {  	s31 =	smov.u32 s12;
	s12 =	smov.u32 s5;
	v8 =	vld [tilespmem:s11+$0x1980];
	[tilespmem:s26+$0x7180] =	vst v3  }
0x7ea: {  	s1 =	sld [smem:$0x77C];
	[tilespmem:s28+$0x7180] =	vst v4;
	v4 =	vld [tilespmem:s12+$0x1980]  }
0x7eb: {  	v3 =	vld [tilespmem:s7+$0x1DD0];
	[tilespmem:s16+$0x7310] =	vst v5  }
0x7ec: {  	[tilespmem:s16+$0x7180] =	vst v7;
	v5 =	vld [tilespmem:s25+$0x19A0]  }
0x7ed: {  	[tilespmem:s1+$0x7180] =	vst v6;
	v7 =	vld [tilespmem:s3+$0x1990]  }
0x7ee: {  	s26 =	smov.u32 s9;
	s9 =	smov.u32 s11;
	v6 =	vld [tilespmem:s31+$0x1DA0];
	[tilespmem:s16+$0x7200] =	vst v8  }
0x7ef: {  	s10 =	sor.u32 $0x470, s10;
	s5 =	sor.u32 $0x450, s23;
	v8 =	vld [tilespmem:s9+$0x1990];
	[tilespmem:s16+$0x7280] =	vst v4  }
0x7f0: {  	s17 =	smov.u32 s10;
	s10 =	sld [smem:$0x77D];
	[tilespmem:s5+$0x7180] =	vst v3;
	v4 =	vld [tilespmem:s12+$0x1990]  }
0x7f1: {  	v3 =	vld [tilespmem:s7+$0x1DE0];
	[tilespmem:s16+$0x7320] =	vst v5  }
0x7f2: {  	[tilespmem:s16+$0x7190] =	vst v7;
	v5 =	vld [tilespmem:s25+$0x19B0]  }
0x7f3: {  	[tilespmem:s10+$0x7180] =	vst v6;
	v6 =	vld [tilespmem:s20+$0x1DB0]  }
0x7f4: {  	v7 =	vld [tilespmem:s3+$0x19A0];
	[tilespmem:s16+$0x7210] =	vst v8  }
0x7f5: {  	s18 =	sld [smem:$0x77E];
	s11 =	sor.u32 $0x460, s23;
	v8 =	vld [tilespmem:s9+$0x19A0];
	[tilespmem:s16+$0x7290] =	vst v4  }
0x7f6: {  	[tilespmem:s11+$0x7180] =	vst v3;
	v4 =	vld [tilespmem:s12+$0x19A0]  }
0x7f7: {  	v3 =	vld [tilespmem:s7+$0x1DF0];
	[tilespmem:s16+$0x7330] =	vst v5  }
0x7f8: {  	s7 =	smov.u32 s25;
	[tilespmem:s18+$0x7180] =	vst v6  }
0x7f9: {  	s2 =	sor.u32 $0x440, s13;
	v5 =	vld [tilespmem:s7+$0x19C0];
	[tilespmem:s16+$0x71A0] =	vst v7  }
0x7fa: {  	[smem:$0x782] =	sst s2;
	s2 =	sor.u32 $0x450, s22;
	v7 =	vld [tilespmem:s3+$0x19B0]  }
0x7fb: {  	s13 =	sor.u32 $0x470, s13;
	s0 =	sor.u32 $0x460, s22;
	s22 =	sor.u32 $0x470, s22;
	v6 =	vld [tilespmem:s26+$0x1DB0];
	[tilespmem:s16+$0x7220] =	vst v8  }
0x7fc: {  	s15 =	smov.u32 s13;
	s13 =	smov.u32 s22;
	s22 =	sor.u32 $0x470, s23;
	v8 =	vld [tilespmem:s9+$0x19B0];
	[tilespmem:s16+$0x72A0] =	vst v4  }
0x7fd: {  	s23 =	sld [smem:$0x77F];
	[tilespmem:s22+$0x7180] =	vst v3;
	v3 =	vld [tilespmem:s31+$0x1DB0]  }
0x7fe: {  	v4 =	vld [tilespmem:s12+$0x19B0];
	[tilespmem:s16+$0x7340] =	vst v5  }
0x7ff: {  	s24 =	sld [smem:$0x780];
	v5 =	vld [tilespmem:s7+$0x19D0];
	[tilespmem:s16+$0x71B0] =	vst v7  }
0x800: {  	[tilespmem:s23+$0x7180] =	vst v6;
	v6 =	vld [tilespmem:s20+$0x1DC0]  }
0x801: {  	v7 =	vld [tilespmem:s3+$0x19C0];
	[tilespmem:s16+$0x7230] =	vst v8  }
0x802: {  	s25 =	sld [smem:$0x781];
	v8 =	vld [tilespmem:s9+$0x19C0];
	[tilespmem:s24+$0x7180] =	vst v3  }
0x803: {  	s8 =	sadd.s32 $0x4, s8;
	[tilespmem:s16+$0x72B0] =	vst v4;
	v4 =	vld [tilespmem:s26+$0x1DC0]  }
0x804: {  	p1 =	slt.u32 s8, $0x7C;
	v9 =	vld [tilespmem:s12+$0x19C0];
	[tilespmem:s16+$0x7350] =	vst v5  }
.Ltmp8:
0x805: {  	s28 =	sld [smem:$0x782];
	v3 =	vld [tilespmem:s31+$0x1DC0];
	[tilespmem:s25+$0x7180] =	vst v6;
	(pc) =	sbr.rel @p1 .LBB2_18-.Ltmp8, $4  }
0x806: {  	v5 =	vld [tilespmem:s7+$0x19E0];
	[tilespmem:s16+$0x71C0] =	vst v7  }
0x807: {  	[tilespmem:s16+$0x7240] =	vst v8;
	v6 =	vld [tilespmem:s3+$0x19D0]  }
0x808: {  	s29 =	smov.u32 s0;
	s0 =	sld [smem:$0x779];
	v7 =	vld [tilespmem:s9+$0x19D0];
	[tilespmem:s28+$0x7180] =	vst v4  }
0x809: {  	s21 =	sadd.s32 $0x4, s21;
	s14 =	sld [smem:$0x77A];
	s6 =	smov.u32 s2;
	v4 =	vld [tilespmem:s20+$0x1DD0];
	[tilespmem:s16+$0x72C0] =	vst v9  }
0x80a: {  	v8 =	vld [tilespmem:s12+$0x19D0];
	_ =	sdelay $0x2  }
0x80b: {  	[tilespmem:s16+$0x71D0] =	vst v6  }
0x80c: {  	[tilespmem:s16+$0x7250] =	vst v7;
	v6 =	vld [tilespmem:s3+$0x19E0]  }
0x80d: {  	v7 =	vld [tilespmem:s9+$0x19E0];
	[tilespmem:s16+$0x72D0] =	vst v8  }
0x80e: {  	v8 =	vld [tilespmem:s12+$0x19E0]  }
0x80f: {  	[tilespmem:s16+$0x7360] =	vst v5  }
0x810: {  	v5 =	vld [tilespmem:s7+$0x19F0]  }
0x811: {  	[tilespmem:s16+$0x71E0] =	vst v6  }
0x812: {  	v6 =	vld [tilespmem:s3+$0x19F0];
	[tilespmem:s16+$0x7260] =	vst v7  }
0x813: {  	v7 =	vld [tilespmem:s9+$0x19F0];
	[tilespmem:s16+$0x72E0] =	vst v8  }
0x814: {  	v8 =	vld [tilespmem:s12+$0x19F0]  }
0x815: {  	p0 =	por !p0, !p0;
	s2 =	simm.s32 $0x1;
	[tilespmem:s16+$0x7370] =	vst v5  }
0x816: {  	s2 =	simm.s32 @!p0 $0x0;
	v5 =	vld [tilespmem:s7+$0x1D80]  }
0x817: {  	s2 =	sshll.u32 s2, $0x9;
	[tilespmem:s16+$0x71F0] =	vst v6  }
0x818: {  	s2 =	sadd.s32 s2, s4;
	v6 =	vld [tilespmem:s3+$0x1D80];
	[tilespmem:s16+$0x7270] =	vst v7  }
0x819: {  	s8 =	sadd.s32 $0x180, s2;
	v7 =	vld [tilespmem:s9+$0x1D80];
	[tilespmem:s16+$0x72F0] =	vst v8  }
0x81a: {  	s5 =	sor.u32 $0x400, s8;
	v8 =	vld [tilespmem:s12+$0x1D80]  }
0x81b: {  	[tilespmem:s5+$0x7180] =	vst v5  }
0x81c: {  	s4 =	sadd.s32 $0x80, s2;
	s10 =	sor.u32 $0x400, s2;
	v5 =	vld [tilespmem:s7+$0x1D90]  }
0x81d: {  	s11 =	sadd.s32 $0x100, s2;
	s23 =	sor.u32 $0x400, s4;
	[tilespmem:s10+$0x7180] =	vst v6  }
0x81e: {  	s24 =	sor.u32 $0x400, s11;
	[tilespmem:s23+$0x7180] =	vst v7;
	v6 =	vld [tilespmem:s3+$0x1D90]  }
0x81f: {  	v7 =	vld [tilespmem:s9+$0x1D90];
	[tilespmem:s24+$0x7180] =	vst v8  }
0x820: {  	s25 =	sor.u32 $0x410, s8;
	v8 =	vld [tilespmem:s12+$0x1D90]  }
0x821: {  	[tilespmem:s25+$0x7180] =	vst v5  }
0x822: {  	s28 =	sor.u32 $0x410, s2;
	v5 =	vld [tilespmem:s7+$0x1DA0]  }
0x823: {  	s1 =	sor.u32 $0x410, s4;
	[tilespmem:s28+$0x7180] =	vst v6  }
0x824: {  	s10 =	sor.u32 $0x410, s11;
	[tilespmem:s1+$0x7180] =	vst v7;
	v6 =	vld [tilespmem:s3+$0x1DA0]  }
0x825: {  	v7 =	vld [tilespmem:s9+$0x1DA0];
	[tilespmem:s10+$0x7180] =	vst v8  }
0x826: {  	s16 =	sor.u32 $0x420, s8;
	v8 =	vld [tilespmem:s12+$0x1DA0]  }
0x827: {  	[tilespmem:s16+$0x7180] =	vst v5  }
0x828: {  	[tilespmem:s14+$0x7180] =	vst v3;
	s18 =	sor.u32 $0x420, s2;
	v5 =	vld [tilespmem:s7+$0x1DB0]  }
0x829: {  	s21 =	sor.u32 $0x420, s4;
	[tilespmem:s18+$0x7180] =	vst v6  }
0x82a: {  	s22 =	sor.u32 $0x420, s11;
	[tilespmem:s21+$0x7180] =	vst v7;
	v6 =	vld [tilespmem:s3+$0x1DB0]  }
0x82b: {  	v7 =	vld [tilespmem:s9+$0x1DB0];
	[tilespmem:s22+$0x7180] =	vst v8  }
0x82c: {  	[tilespmem:s19+$0x7180] =	vst v4;
	s23 =	sor.u32 $0x430, s8;
	v3 =	vld [tilespmem:s12+$0x1DB0]  }
0x82d: {  	v4 =	vld [tilespmem:s26+$0x1DD0];
	[tilespmem:s23+$0x7180] =	vst v5  }
0x82e: {  	s24 =	sor.u32 $0x430, s2;
	v5 =	vld [tilespmem:s7+$0x1DC0]  }
0x82f: {  	s25 =	sor.u32 $0x430, s4;
	v8 =	vld [tilespmem:s31+$0x1DD0];
	[tilespmem:s24+$0x7180] =	vst v6  }
0x830: {  	s28 =	sor.u32 $0x430, s11;
	[tilespmem:s25+$0x7180] =	vst v7;
	v6 =	vld [tilespmem:s3+$0x1DC0]  }
0x831: {  	[tilespmem:s28+$0x7180] =	vst v3;
	v3 =	vld [tilespmem:s9+$0x1DC0]  }
0x832: {  	[tilespmem:s0+$0x7180] =	vst v4;
	s1 =	sor.u32 $0x440, s8;
	v4 =	vld [tilespmem:s12+$0x1DC0]  }
0x833: {  	[tilespmem:s1+$0x7180] =	vst v5  }
0x834: {  	[tilespmem:s6+$0x7180] =	vst v8;
	s6 =	sor.u32 $0x440, s2  }
0x835: {  	s14 =	sor.u32 $0x440, s4;
	[tilespmem:s6+$0x7180] =	vst v6  }
0x836: {  	s16 =	sor.u32 $0x440, s11;
	v7 =	vld [tilespmem:s20+$0x1DE0];
	[tilespmem:s14+$0x7180] =	vst v3  }
0x837: {  	v5 =	vld [tilespmem:s7+$0x1DD0];
	[tilespmem:s16+$0x7180] =	vst v4  }
0x838: {  	v3 =	vld [tilespmem:s3+$0x1DD0];
	s0 =	sld [smem:$0x784]  }
0x839: {  	v6 =	vld [tilespmem:s12+$0x1DD0]  }
0x83a: {  	v8 =	vld [tilespmem:s26+$0x1DE0]  }
0x83b: {  	s18 =	sor.u32 $0x450, s8;
	v4 =	vld [tilespmem:s9+$0x1DD0];
	[tilespmem:s0+$0x7180] =	vst v7  }
0x83c: {  	s19 =	sor.u32 $0x450, s2;
	v7 =	vld [tilespmem:s31+$0x1DE0];
	s0 =	sld [smem:$0x783];
	[tilespmem:s18+$0x7180] =	vst v5  }
0x83d: {  	s21 =	sor.u32 $0x450, s11;
	[tilespmem:s19+$0x7180] =	vst v3;
	v5 =	vld [tilespmem:s7+$0x1DE0]  }
0x83e: {  	v3 =	vld [tilespmem:s3+$0x1DE0];
	[tilespmem:s21+$0x7180] =	vst v6  }
0x83f: {  	v6 =	vld [tilespmem:s12+$0x1DE0]  }
0x840: {  	[tilespmem:s0+$0x7180] =	vst v8;
	v8 =	vld [tilespmem:s20+$0x1DF0];
	s20 =	sor.u32 $0x450, s4  }
0x841: {  	[tilespmem:s20+$0x7180] =	vst v4  }
0x842: {  	s22 =	sor.u32 $0x460, s8;
	[tilespmem:s29+$0x7180] =	vst v7;
	v4 =	vld [tilespmem:s9+$0x1DE0]  }
0x843: {  	s23 =	sor.u32 $0x460, s2;
	v7 =	vld [tilespmem:s26+$0x1DF0];
	[tilespmem:s22+$0x7180] =	vst v5  }
0x844: {  	s1 =	sor.u32 $0x460, s11;
	[tilespmem:s23+$0x7180] =	vst v3;
	v5 =	vld [tilespmem:s7+$0x1DF0]  }
0x845: {  	v3 =	vld [tilespmem:s3+$0x1DF0];
	[tilespmem:s1+$0x7180] =	vst v6  }
0x846: {  	s24 =	sor.u32 $0x460, s4;
	[tilespmem:s17+$0x7180] =	vst v8;
	v8 =	vld [tilespmem:s31+$0x1DF0]  }
0x847: {  	v6 =	vld [tilespmem:s12+$0x1DF0];
	[tilespmem:s24+$0x7180] =	vst v4  }
0x848: {  	s25 =	sor.u32 $0x470, s8;
	[tilespmem:s15+$0x7180] =	vst v7;
	v4 =	vld [tilespmem:s9+$0x1DF0]  }
0x849: {  	s26 =	sor.u32 $0x470, s2;
	[tilespmem:s25+$0x7180] =	vst v5  }
0x84a: {  	[tilespmem:s26+$0x7180] =	vst v3  }
0x84b: {  	s2 =	sor.u32 $0x470, s11;
	[tilespmem:s13+$0x7180] =	vst v8  }
0x84c: {  	s28 =	sor.u32 $0x470, s4;
	[tilespmem:s2+$0x7180] =	vst v6  }
0x84d: {  	s3 =	simm.s32 $0x3;
	[tilespmem:s28+$0x7180] =	vst v4  }
0x84e: {  	_ =	swait.ge [sflag:s3], $0x800  }
0x84f: {  	s5 =	sld [smem:$0x7FA]  }
0x850: {  	s6 =	simm.s32 $0x17180;
	[sflag:s3] =	ssyncset.done $0x0  }
0x851: {  	s4 =	simm.s32 $0x0;
	s7 =	simm.s32 $0x5;
	[sflag:s3] =	ssyncadd.s32 $0xFFFFF800  }
0x852: {  	[hbm4b:s5+s4] =	stream.linear.scatter [tilespmem:s6], [sflag:$0x6], $0x8000, $0x38;
	[tilespmem:$0x1F180] =	vst v63  }
0x853: {  	_ =	swait.ge [sflag:s7], $0x8000  }
0x854: {  	[sflag:s7] =	ssyncset.done $0x0  }
0x855: {  	[sflag:s7] =	ssyncadd.s32 $0xFFFF8000  }
0x856: {  	v3 =	vld.msk [tilespmem:$0x1880], $0xff;
	_ =	sdelay $0x4  }
0x857: {  	v4 =	vshll.u32 v3, $0x1  }
0x858: {  	v3 =	vand.u32 $0x7, v3;
	v4 =	vand.u32 $0xFFFFFFF0, v4  }
0x859: {  	v3 =	vor.u32 v3, v4  }
0x85a: {  	v3 =	vperm.xlane v3, v0;
	_ =	sdelay $0x1  }
0x85b: {  	v3 =	vadd.s32 v2, v3;
	_ =	sdelay $0x1  }
0x85c: {  	s8 =	sld [smem:$0x7F2];
	_ =	sdelay $0x1  }
0x85d: {  	s10 =	simm.s32 $0x188B;
	s9 =	simm.s32 $0xF180  }
0x85e: {  	[tilespmem:s9], [sflag:$0x2] =	stream.indirect_vreg.gather [hbm4b:s8+s4], $0x80, v3, vm0, $0xb8;
	[tilespmem:$0x1F180] =	vst v63  }
0x85f: {  	v3 =	vld [tilespmem:s10+$0x0];
	_ =	sdelay $0x4  }
0x860: {  	(v2sf) =	vpush v3, $0x0;
	_ =	sdelay $0x1  }
0x861: {  	v3 =	vld [tilespmem:s10+$0xFFFFFFFD]  }
0x862: {  	v4 =	vld [tilespmem:s10+$0xFFFFFFFE]  }
0x863: {  	v5 =	vld [tilespmem:s10+$0xFFFFFFFF];
	_ =	sdelay $0x2  }
0x864: {  	(v2sf) =	vpush v3, $0x0  }
0x865: {  	(v2sf) =	vpush v4, $0x0  }
0x866: {  	(v2sf) =	vpush v5, $0x0;
	_ =	sdelay $0x5  }
0x867: {  	s11 =	spop (v2sf)  }
0x868: {  	s19 =	rddreg [dreg:$0x4];
	s0 =	sshra.s32 s11, $0x3  }
0x869: {  	s0 =	ssub.s32 s0, s19  }
0x86a: {  	s12 =	sshll.u32 s0, $0x8;
	s0 =	sshll.u32 s0, $0x7  }
0x86b: {  	s1 =	sand.u32 $0xFFFFF800, s12;
	s0 =	sand.u32 $0x380, s0  }
0x86c: {  	s2 =	sor.u32 s0, s1  }
0x86d: {  	s14 =	simm.s32 $0x400;
	s13 =	simm.s32 $0x800;
	v3 =	vld [tilespmem:s2+$0x1980]  }
0x86e: {  	s0 =	sand.u32 $0x7800, s13;
	s1 =	sand.u32 $0x200, s14;
	s15 =	spop (v2sf)  }
0x86f: {  	s16 =	sor.u32 s1, s0;
	s20 =	sshra.s32 s15, $0x3;
	s21 =	spop (v2sf)  }
0x870: {  	s0 =	ssub.s32 s20, s19;
	s1 =	sshra.s32 s21, $0x3;
	s23 =	spop (v2sf)  }
0x871: {  	s22 =	sshll.u32 s0, $0x8;
	s0 =	sshll.u32 s0, $0x7;
	s1 =	ssub.s32 s1, s19  }
0x872: {  	s24 =	sshra.s32 s23, $0x3;
	s4 =	sand.u32 $0xFFFFF800, s22;
	s0 =	sand.u32 $0x380, s0;
	[tilespmem:s16+$0xF300] =	vst v3  }
0x873: {  	s25 =	sshll.u32 s1, $0x8;
	s1 =	sshll.u32 s1, $0x7;
	s0 =	sor.u32 s0, s4;
	v3 =	vld [tilespmem:s2+$0x1990]  }
0x874: {  	s4 =	ssub.s32 s24, s19;
	s5 =	sand.u32 $0xFFFFF800, s25;
	s1 =	sand.u32 $0x380, s1  }
0x875: {  	v4 =	vld [tilespmem:s0+$0x1980];
	s26 =	sshll.u32 s4, $0x8;
	s4 =	sshll.u32 s4, $0x7;
	s24 =	sor.u32 s1, s5  }
0x876: {  	s28 =	sand.u32 $0xFFFFF800, s26;
	s4 =	sand.u32 $0x380, s4;
	v5 =	vld [tilespmem:s24+$0x1980]  }
0x877: {  	s26 =	sor.u32 s4, s28  }
0x878: {  	v6 =	vld [tilespmem:s26+$0x1980];
	[tilespmem:s16+$0xF310] =	vst v3  }
0x879: {  	v3 =	vld [tilespmem:s2+$0x19A0]  }
0x87a: {  	[tilespmem:s16+$0xF180] =	vst v4  }
0x87b: {  	v4 =	vld [tilespmem:s0+$0x1990];
	[tilespmem:s16+$0xF200] =	vst v5  }
0x87c: {  	v5 =	vld [tilespmem:s24+$0x1990]  }
0x87d: {  	[tilespmem:s16+$0xF280] =	vst v6  }
0x87e: {  	v6 =	vld [tilespmem:s26+$0x1990];
	[tilespmem:s16+$0xF320] =	vst v3  }
0x87f: {  	v3 =	vld [tilespmem:s2+$0x19B0]  }
0x880: {  	[tilespmem:s16+$0xF190] =	vst v4  }
0x881: {  	v4 =	vld [tilespmem:s0+$0x19A0];
	[tilespmem:s16+$0xF210] =	vst v5  }
0x882: {  	v5 =	vld [tilespmem:s24+$0x19A0]  }
0x883: {  	[tilespmem:s16+$0xF290] =	vst v6  }
0x884: {  	v6 =	vld [tilespmem:s26+$0x19A0];
	[tilespmem:s16+$0xF330] =	vst v3  }
0x885: {  	v3 =	vld [tilespmem:s2+$0x19C0]  }
0x886: {  	[tilespmem:s16+$0xF1A0] =	vst v4  }
0x887: {  	v4 =	vld [tilespmem:s0+$0x19B0];
	[tilespmem:s16+$0xF220] =	vst v5  }
0x888: {  	v5 =	vld [tilespmem:s24+$0x19B0]  }
0x889: {  	[tilespmem:s16+$0xF2A0] =	vst v6  }
0x88a: {  	v6 =	vld [tilespmem:s26+$0x19B0];
	[tilespmem:s16+$0xF340] =	vst v3  }
0x88b: {  	s5 =	simm.s32 $0x188F;
	v3 =	vld [tilespmem:s2+$0x19D0]  }
0x88c: {  	v7 =	vld [tilespmem:s5+$0x0];
	[tilespmem:s16+$0xF1B0] =	vst v4  }
0x88d: {  	v4 =	vld [tilespmem:s0+$0x19C0];
	[tilespmem:s16+$0xF230] =	vst v5  }
0x88e: {  	v5 =	vld [tilespmem:s24+$0x19C0]  }
0x88f: {  	v8 =	vld [tilespmem:s5+$0xFFFFFFFD];
	[tilespmem:s16+$0xF2B0] =	vst v6  }
0x890: {  	v6 =	vld [tilespmem:s26+$0x19C0];
	[tilespmem:s16+$0xF350] =	vst v3  }
0x891: {  	v3 =	vld [tilespmem:s2+$0x19E0]  }
0x892: {  	v9 =	vld [tilespmem:s5+$0xFFFFFFFE];
	[tilespmem:s16+$0xF1C0] =	vst v4  }
0x893: {  	v4 =	vld [tilespmem:s0+$0x19D0];
	[tilespmem:s16+$0xF240] =	vst v5  }
0x894: {  	v5 =	vld [tilespmem:s24+$0x19D0]  }
0x895: {  	[tilespmem:s16+$0xF2C0] =	vst v6;
	v6 =	vld [tilespmem:s5+$0xFFFFFFFF]  }
0x896: {  	(v2sf) =	vpush v7, $0x0;
	v7 =	vld [tilespmem:s26+$0x19D0];
	[tilespmem:s16+$0xF360] =	vst v3  }
0x897: {  	v3 =	vld [tilespmem:s2+$0x19F0]  }
0x898: {  	[tilespmem:s16+$0xF1D0] =	vst v4  }
0x899: {  	v4 =	vld [tilespmem:s0+$0x19E0]  }
0x89a: {  	(v2sf) =	vpush v8, $0x0;
	[tilespmem:s16+$0xF250] =	vst v5  }
0x89b: {  	(v2sf) =	vpush v9, $0x0;
	v5 =	vld [tilespmem:s24+$0x19E0];
	[tilespmem:s16+$0xF2D0] =	vst v7  }
0x89c: {  	p0 =	por $0x0, $0x0;
	s4 =	simm.s32 $0x1;
	(v2sf) =	vpush v6, $0x0;
	v6 =	vld [tilespmem:s26+$0x19E0];
	[tilespmem:s16+$0xF370] =	vst v3  }
0x89d: {  	s4 =	simm.s32 @!p0 $0x0;
	v3 =	vld [tilespmem:s2+$0x1D80]  }
0x89e: {  	s4 =	sshll.u32 s4, $0x9;
	[tilespmem:s16+$0xF1E0] =	vst v4  }
0x89f: {  	s17 =	sadd.s32 $0x800, s4;
	v4 =	vld [tilespmem:s0+$0x19F0]  }
0x8a0: {  	s5 =	sadd.s32 $0x180, s17;
	[tilespmem:s16+$0xF260] =	vst v5  }
0x8a1: {  	s6 =	sor.u32 $0x400, s5;
	v5 =	vld [tilespmem:s24+$0x19F0];
	[tilespmem:s16+$0xF2E0] =	vst v6  }
0x8a2: {  	v6 =	vld [tilespmem:s26+$0x19F0];
	[tilespmem:s6+$0xF180] =	vst v3  }
0x8a3: {  	v3 =	vld [tilespmem:s2+$0x1D90]  }
0x8a4: {  	[tilespmem:s16+$0xF1F0] =	vst v4  }
0x8a5: {  	s11 =	simm.s32 $0x600;
	s10 =	sadd.s32 $0x80, s17;
	v4 =	vld [tilespmem:s0+$0x1D80]  }
0x8a6: {  	s21 =	sadd.s32 $0x100, s17;
	s23 =	sor.u32 $0x400, s17;
	s8 =	spop (v2sf);
	[tilespmem:s16+$0xF270] =	vst v5  }
0x8a7: {  	s9 =	sor.u32 $0x400, s10;
	s4 =	sshra.s32 s8, $0x3;
	s7 =	sor.u32 $0x410, s5;
	v5 =	vld [tilespmem:s24+$0x1D80];
	[tilespmem:s16+$0xF2F0] =	vst v6  }
0x8a8: {  	s18 =	sor.u32 $0x400, s21;
	s12 =	sor.u32 $0x410, s10;
	s25 =	ssub.s32 s4, s19;
	v6 =	vld [tilespmem:s26+$0x1D80];
	[tilespmem:s7+$0xF180] =	vst v3  }
0x8a9: {  	s13 =	sor.u32 $0x410, s21;
	s1 =	sshll.u32 s25, $0x8;
	s3 =	sshll.u32 s25, $0x7;
	v3 =	vld [tilespmem:s2+$0x1DA0]  }
0x8aa: {  	s14 =	sand.u32 $0xFFFFF800, s1;
	s3 =	sand.u32 $0x380, s3;
	s6 =	spop (v2sf);
	[tilespmem:s23+$0xF180] =	vst v4  }
0x8ab: {  	s28 =	sor.u32 $0x420, s5;
	s15 =	spop (v2sf);
	v4 =	vld [tilespmem:s0+$0x1D90];
	s7 =	sor.u32 s3, s14  }
0x8ac: {  	s4 =	sshra.s32 s6, $0x3;
	s16 =	sor.u32 $0x410, s17;
	s22 =	sshra.s32 s15, $0x3;
	[tilespmem:s9+$0xF180] =	vst v5;
	v5 =	vld [tilespmem:s7+$0x1980]  }
0x8ad: {  	s8 =	ssub.s32 s22, s19;
	s20 =	spop (v2sf);
	s23 =	ssub.s32 s4, s19;
	v7 =	vld [tilespmem:s24+$0x1D90];
	[tilespmem:s18+$0xF180] =	vst v6  }
0x8ae: {  	s4 =	simm.s32 $0xC00;
	s14 =	sshra.s32 s20, $0x3;
	s6 =	sshll.u32 s23, $0x8;
	v6 =	vld [tilespmem:s26+$0x1D90];
	[tilespmem:s28+$0xF180] =	vst v3  }
0x8af: {  	s1 =	ssub.s32 s14, s19;
	s18 =	sand.u32 $0x200, s11;
	s28 =	sand.u32 $0x7800, s4;
	v3 =	vld [tilespmem:s2+$0x1DB0]  }
0x8b0: {  	s19 =	sshll.u32 s8, $0x8;
	s8 =	sshll.u32 s8, $0x7;
	[tilespmem:s16+$0xF180] =	vst v4;
	s16 =	sor.u32 s18, s28  }
0x8b1: {  	s8 =	sand.u32 $0x380, s8;
	v4 =	vld [tilespmem:s0+$0x1DA0];
	s18 =	sshll.u32 s23, $0x7;
	s23 =	sand.u32 $0xFFFFF800, s19;
	[tilespmem:s16+$0xF300] =	vst v5  }
0x8b2: {  	s22 =	sand.u32 $0xFFFFF800, s6;
	[tilespmem:s12+$0xF180] =	vst v7;
	s3 =	sand.u32 $0x380, s18;
	s9 =	sor.u32 s8, s23;
	v5 =	vld [tilespmem:s7+$0x1990]  }
0x8b3: {  	s25 =	sor.u32 $0x430, s5;
	[tilespmem:s13+$0xF180] =	vst v6;
	s3 =	sor.u32 s3, s22;
	v8 =	vld [tilespmem:s9+$0x1980]  }
0x8b4: {  	s20 =	sshll.u32 s1, $0x8;
	v6 =	vld [tilespmem:s3+$0x1980];
	[tilespmem:s25+$0xF180] =	vst v3;
	s25 =	sshll.u32 s1, $0x7  }
0x8b5: {  	s6 =	sand.u32 $0xFFFFF800, s20;
	v7 =	vld [tilespmem:s24+$0x1DA0];
	s1 =	sor.u32 $0x420, s17;
	s12 =	sand.u32 $0x380, s25  }
0x8b6: {  	v3 =	vld [tilespmem:s2+$0x1DC0];
	[tilespmem:s1+$0xF180] =	vst v4;
	s12 =	sor.u32 s12, s6  }
0x8b7: {  	[tilespmem:s16+$0xF310] =	vst v5;
	v4 =	vld [tilespmem:s12+$0x1980]  }
0x8b8: {  	[tilespmem:s16+$0xF200] =	vst v8;
	v5 =	vld [tilespmem:s7+$0x19A0]  }
0x8b9: {  	s13 =	sor.u32 $0x420, s10;
	[tilespmem:s16+$0xF180] =	vst v6;
	v8 =	vld [tilespmem:s9+$0x1990]  }
0x8ba: {  	s28 =	sor.u32 $0x440, s5;
	[tilespmem:s13+$0xF180] =	vst v7;
	v7 =	vld [tilespmem:s3+$0x1990]  }
0x8bb: {  	v6 =	vld [tilespmem:s26+$0x1DA0];
	[tilespmem:s28+$0xF180] =	vst v3  }
0x8bc: {  	v3 =	vld [tilespmem:s2+$0x1DD0];
	[tilespmem:s16+$0xF280] =	vst v4  }
0x8bd: {  	[tilespmem:s16+$0xF320] =	vst v5;
	v4 =	vld [tilespmem:s12+$0x1990]  }
0x8be: {  	[tilespmem:s16+$0xF210] =	vst v8;
	v5 =	vld [tilespmem:s7+$0x19B0]  }
0x8bf: {  	s15 =	sor.u32 $0x420, s21;
	[tilespmem:s16+$0xF190] =	vst v7;
	v8 =	vld [tilespmem:s9+$0x19A0]  }
0x8c0: {  	s14 =	sor.u32 $0x450, s5;
	[tilespmem:s15+$0xF180] =	vst v6;
	v7 =	vld [tilespmem:s3+$0x19A0]  }
0x8c1: {  	v6 =	vld [tilespmem:s0+$0x1DB0];
	[tilespmem:s14+$0xF180] =	vst v3  }
0x8c2: {  	v3 =	vld [tilespmem:s2+$0x1DE0];
	[tilespmem:s16+$0xF290] =	vst v4  }
0x8c3: {  	[tilespmem:s16+$0xF330] =	vst v5;
	v4 =	vld [tilespmem:s12+$0x19A0]  }
0x8c4: {  	[tilespmem:s16+$0xF220] =	vst v8;
	v5 =	vld [tilespmem:s7+$0x19C0]  }
0x8c5: {  	s19 =	sor.u32 $0x430, s17;
	[tilespmem:s16+$0xF1A0] =	vst v7;
	v8 =	vld [tilespmem:s9+$0x19B0]  }
0x8c6: {  	s18 =	sor.u32 $0x460, s5;
	[tilespmem:s19+$0xF180] =	vst v6;
	v7 =	vld [tilespmem:s3+$0x19B0]  }
0x8c7: {  	v6 =	vld [tilespmem:s24+$0x1DB0];
	[tilespmem:s18+$0xF180] =	vst v3  }
0x8c8: {  	v3 =	vld [tilespmem:s2+$0x1DF0];
	[tilespmem:s16+$0xF2A0] =	vst v4  }
0x8c9: {  	[tilespmem:s16+$0xF340] =	vst v5;
	v4 =	vld [tilespmem:s12+$0x19B0]  }
0x8ca: {  	[tilespmem:s16+$0xF230] =	vst v8;
	v5 =	vld [tilespmem:s7+$0x19D0]  }
0x8cb: {  	s22 =	sor.u32 $0x430, s10;
	[tilespmem:s16+$0xF1B0] =	vst v7;
	v8 =	vld [tilespmem:s9+$0x19C0]  }
0x8cc: {  	s20 =	sor.u32 $0x470, s5;
	[tilespmem:s22+$0xF180] =	vst v6;
	v7 =	vld [tilespmem:s3+$0x19C0]  }
0x8cd: {  	[tilespmem:s20+$0xF180] =	vst v3;
	v3 =	vld [tilespmem:s26+$0x1DB0]  }
0x8ce: {  	v6 =	vld [tilespmem:s0+$0x1DC0];
	[tilespmem:s16+$0xF2B0] =	vst v4  }
0x8cf: {  	v4 =	vld [tilespmem:s24+$0x1DC0];
	[tilespmem:s16+$0xF350] =	vst v5  }
0x8d0: {  	[tilespmem:s16+$0xF240] =	vst v8;
	v63 =	vld [tilespmem:s12+$0x19C0]  }
0x8d1: {  	s31 =	sor.u32 $0x450, s10;
	s30 =	sor.u32 $0x450, s21;
	s23 =	sor.u32 $0x430, s21;
	v5 =	vld [tilespmem:s7+$0x19E0];
	[tilespmem:s16+$0xF1C0] =	vst v7  }
0x8d2: {  	s29 =	sor.u32 $0x460, s21;
	s8 =	simm.s32 $0xC;
	s25 =	sor.u32 $0x440, s17;
	v7 =	vld [tilespmem:s9+$0x19D0];
	[tilespmem:s23+$0xF180] =	vst v3  }
0x8d3: {  	s13 =	sor.u32 $0x470, s21;
	s1 =	sor.u32 $0x470, s17;
	s28 =	sor.u32 $0x440, s10;
	[tilespmem:s25+$0xF180] =	vst v6;
	v3 =	vld [tilespmem:s26+$0x1DC0]  }
0x8d4: {  	s15 =	sor.u32 $0x470, s10;
	s14 =	sor.u32 $0x440, s21;
	s21 =	simm.s32 $0x1893;
	v6 =	vld [tilespmem:s3+$0x19D0];
	[tilespmem:s28+$0xF180] =	vst v4  }
0x8d5: {  	s19 =	sor.u32 $0x460, s10;
	s22 =	sor.u32 $0x450, s17;
	s20 =	sor.u32 $0x460, s17;
	v4 =	vld [tilespmem:s0+$0x1DD0];
	[tilespmem:s16+$0xF2C0] =	vst v63  }
.LBB2_20:
0x8d6: {  	_ = 	snop  }
0x8d7: {  	v8 =	vld [tilespmem:s21+$0x0];
	[tilespmem:s16+$0xF360] =	vst v5  }
0x8d8: {  	[tilespmem:s14+$0xF180] =	vst v3;
	v3 =	vld [tilespmem:s21+$0xFFFFFFFD]  }
0x8d9: {  	[tilespmem:s16+$0xF1D0] =	vst v6;
	v6 =	vld [tilespmem:s21+$0xFFFFFFFE]  }
0x8da: {  	v5 =	vld [tilespmem:s7+$0x19F0]  }
0x8db: {  	p0 =	por !p0, !p0;
	s2 =	simm.s32 $0x1;
	[tilespmem:s16+$0xF250] =	vst v7;
	v7 =	vld [tilespmem:s21+$0xFFFFFFFF]  }
0x8dc: {  	s2 =	simm.s32 @!p0 $0x0;
	[tilespmem:s22+$0xF180] =	vst v4;
	v4 =	vld [tilespmem:s12+$0x19D0]  }
0x8dd: {  	s2 =	sshll.u32 s2, $0x9  }
0x8de: {  	s10 =	sadd.s32 s2, s4;
	(v2sf) =	vpush v8, $0x0;
	v8 =	vld [tilespmem:s3+$0x19E0]  }
0x8df: {  	[smem:$0x76E] =	sst s13;
	s13 =	sadd.s32 $0x80, s10;
	(v2sf) =	vpush v3, $0x0;
	[tilespmem:s16+$0xF370] =	vst v5;
	v5 =	vld [tilespmem:s9+$0x19E0]  }
0x8e0: {  	[smem:$0x769] =	sst s15;
	s28 =	sor.u32 $0x410, s13;
	(v2sf) =	vpush v6, $0x0;
	v3 =	vld [tilespmem:s7+$0x1D80]  }
0x8e1: {  	s22 =	sadd.s32 $0x100, s10;
	s17 =	sor.u32 $0x420, s13;
	[smem:$0x768] =	sst s28;
	v6 =	vld [tilespmem:s24+$0x1DD0];
	[tilespmem:s16+$0xF2D0] =	vst v4;
	(v2sf) =	vpush v7, $0x0  }
0x8e2: {  	s11 =	sadd.s32 $0x200, s11;
	s6 =	sor.u32 $0x410, s22;
	[smem:$0x76D] =	sst s17;
	v4 =	vld [tilespmem:s26+$0x1DD0]  }
0x8e3: {  	s23 =	sadd.s32 $0x180, s10;
	s28 =	sor.u32 $0x420, s10;
	[smem:$0x76A] =	sst s6;
	[tilespmem:s16+$0xF1E0] =	vst v8;
	v7 =	vld [tilespmem:s12+$0x19E0]  }
0x8e4: {  	s18 =	sor.u32 $0x400, s23;
	s17 =	sor.u32 $0x430, s22;
	[smem:$0x76B] =	sst s28;
	v8 =	vld [tilespmem:s3+$0x19F0];
	[tilespmem:s16+$0xF260] =	vst v5  }
0x8e5: {  	s4 =	sadd.s32 $0x400, s4;
	s6 =	sor.u32 $0x430, s13;
	[smem:$0x773] =	sst s17;
	[tilespmem:s18+$0xF180] =	vst v3;
	v5 =	vld [tilespmem:s9+$0x19F0]  }
0x8e6: {  	s15 =	sor.u32 $0x400, s10;
	s28 =	sor.u32 $0x440, s13;
	[smem:$0x772] =	sst s6;
	[tilespmem:s31+$0xF180] =	vst v6;
	v6 =	vld [tilespmem:s0+$0x1DE0]  }
0x8e7: {  	s14 =	sor.u32 $0x410, s10;
	s17 =	sor.u32 $0x440, s10;
	[smem:$0x775] =	sst s28;
	[tilespmem:s30+$0xF180] =	vst v4;
	v3 =	vld [tilespmem:s7+$0x1D90]  }
0x8e8: {  	s25 =	sor.u32 $0x400, s13;
	[smem:$0x774] =	sst s17;
	s18 =	sor.u32 $0x420, s22;
	[tilespmem:s16+$0xF2E0] =	vst v7;
	v4 =	vld [tilespmem:s24+$0x1DE0]  }
0x8e9: {  	s5 =	sor.u32 $0x400, s22;
	[smem:$0x770] =	sst s18;
	s18 =	sor.u32 $0x430, s10;
	[tilespmem:s16+$0xF1F0] =	vst v8;
	v7 =	vld [tilespmem:s12+$0x19F0]  }
0x8ea: {  	s6 =	sor.u32 $0x440, s22;
	[smem:$0x771] =	sst s18;
	s18 =	sor.u32 $0x450, s10;
	v8 =	vld [tilespmem:s3+$0x1D80];
	[tilespmem:s16+$0xF270] =	vst v5  }
0x8eb: {  	s28 =	sor.u32 $0x410, s23;
	[smem:$0x76F] =	sst s18;
	s18 =	sor.u32 $0x460, s10;
	[tilespmem:s20+$0xF180] =	vst v6;
	v5 =	vld [tilespmem:s9+$0x1D80]  }
0x8ec: {  	s17 =	sor.u32 $0x460, s13;
	[smem:$0x76C] =	sst s6;
	s6 =	smov.u32 s18;
	[tilespmem:s28+$0xF180] =	vst v3;
	v6 =	vld [tilespmem:s0+$0x1DF0]  }
0x8ed: {  	s20 =	smov.u32 s17;
	s28 =	spop (v2sf);
	[tilespmem:s19+$0xF180] =	vst v4;
	s0 =	smov.u32 s3;
	v3 =	vld [tilespmem:s7+$0x1DA0]  }
0x8ee: {  	v4 =	vld [tilespmem:s26+$0x1DE0];
	s19 =	rddreg [dreg:$0x4];
	s28 =	sshra.s32 s28, $0x3;
	[tilespmem:s16+$0xF2F0] =	vst v7;
	s18 =	spop (v2sf)  }
0x8ef: {  	[tilespmem:s15+$0xF180] =	vst v8;
	s15 =	sor.u32 $0x420, s23;
	s28 =	ssub.s32 s28, s19;
	s16 =	spop (v2sf)  }
0x8f0: {  	v7 =	vld [tilespmem:s12+$0x1D80];
	s17 =	sshll.u32 s28, $0x8;
	s3 =	sshll.u32 s28, $0x7;
	s28 =	spop (v2sf);
	[tilespmem:s25+$0xF180] =	vst v5  }
0x8f1: {  	v8 =	vld [tilespmem:s0+$0x1D90];
	s17 =	sand.u32 $0xFFFFF800, s17;
	s3 =	sand.u32 $0x380, s3;
	s16 =	sshra.s32 s16, $0x3;
	[tilespmem:s1+$0xF180] =	vst v6  }
0x8f2: {  	s25 =	sor.u32 s3, s17;
	s1 =	sand.u32 $0x200, s11;
	[tilespmem:s15+$0xF180] =	vst v3;
	s15 =	sshra.s32 s18, $0x3;
	v6 =	vld [tilespmem:s24+$0x1DF0]  }
0x8f3: {  	s18 =	sshra.s32 s28, $0x3;
	s24 =	sand.u32 $0x7800, s4;
	v3 =	vld [tilespmem:s7+$0x1DB0];
	s28 =	ssub.s32 s15, s19  }
0x8f4: {  	v5 =	vld [tilespmem:s9+$0x1D90];
	s15 =	ssub.s32 s16, s19;
	s17 =	ssub.s32 s18, s19;
	s19 =	smov.u32 s20  }
0x8f5: {  	[tilespmem:s29+$0xF180] =	vst v4;
	s20 =	smov.u32 s6;
	v4 =	vld [tilespmem:s25+$0x1980];
	s16 =	sor.u32 $0x430, s23;
	s18 =	sshll.u32 s28, $0x8  }
0x8f6: {  	[tilespmem:s14+$0xF180] =	vst v8;
	s6 =	sshll.u32 s17, $0x8;
	s14 =	sshll.u32 s17, $0x7;
	s17 =	sld [smem:$0x768]  }
0x8f7: {  	[tilespmem:s5+$0xF180] =	vst v7;
	s3 =	sshll.u32 s28, $0x7;
	s28 =	sshll.u32 s15, $0x8;
	s15 =	sshll.u32 s15, $0x7  }
0x8f8: {  	v7 =	vld [tilespmem:s12+$0x1D90];
	[tilespmem:s16+$0xF180] =	vst v3;
	s16 =	sor.u32 s1, s24;
	s24 =	sand.u32 $0xFFFFF800, s28;
	s28 =	sld [smem:$0x769]  }
0x8f9: {  	v8 =	vld [tilespmem:s0+$0x1DA0];
	s18 =	sand.u32 $0xFFFFF800, s18;
	s3 =	sand.u32 $0x380, s3;
	s15 =	sand.u32 $0x380, s15;
	[tilespmem:s17+$0xF180] =	vst v5  }
0x8fa: {  	s3 =	sor.u32 s3, s18;
	v3 =	vld [tilespmem:s7+$0x1DC0];
	[tilespmem:s16+$0xF300] =	vst v4;
	s18 =	sor.u32 s15, s24;
	s24 =	sld [smem:$0x76A]  }
0x8fb: {  	v4 =	vld [tilespmem:s9+$0x1DA0];
	[tilespmem:s28+$0xF180] =	vst v6;
	s28 =	sld [smem:$0x76B]  }
0x8fc: {  	v5 =	vld [tilespmem:s25+$0x1990]  }
0x8fd: {  	s5 =	sand.u32 $0xFFFFF800, s6;
	s6 =	sand.u32 $0x380, s14;
	s17 =	sld [smem:$0x76D];
	[tilespmem:s24+$0xF180] =	vst v7;
	v7 =	vld [tilespmem:s3+$0x1980]  }
0x8fe: {  	s5 =	sor.u32 s6, s5;
	s6 =	sor.u32 $0x440, s23;
	v6 =	vld [tilespmem:s26+$0x1DF0];
	[tilespmem:s28+$0xF180] =	vst v8  }
0x8ff: {  	s26 =	smov.u32 s12;
	s12 =	smov.u32 s5;
	v8 =	vld [tilespmem:s18+$0x1980];
	[tilespmem:s6+$0xF180] =	vst v3  }
0x900: {  	s24 =	smov.u32 s9;
	s9 =	smov.u32 s18;
	[tilespmem:s17+$0xF180] =	vst v4;
	v4 =	vld [tilespmem:s12+$0x1980];
	s18 =	sld [smem:$0x76E]  }
0x901: {  	v3 =	vld [tilespmem:s7+$0x1DD0];
	[tilespmem:s16+$0xF310] =	vst v5  }
0x902: {  	v5 =	vld [tilespmem:s25+$0x19A0];
	[tilespmem:s16+$0xF180] =	vst v7  }
0x903: {  	[tilespmem:s18+$0xF180] =	vst v6;
	v7 =	vld [tilespmem:s3+$0x1990]  }
0x904: {  	v6 =	vld [tilespmem:s26+$0x1DA0];
	[tilespmem:s16+$0xF200] =	vst v8  }
0x905: {  	s28 =	sor.u32 $0x450, s23;
	[tilespmem:s16+$0xF280] =	vst v4;
	v8 =	vld [tilespmem:s9+$0x1990]  }
0x906: {  	s5 =	sld [smem:$0x770];
	[tilespmem:s28+$0xF180] =	vst v3;
	v4 =	vld [tilespmem:s12+$0x1990]  }
0x907: {  	v3 =	vld [tilespmem:s7+$0x1DE0];
	[tilespmem:s16+$0xF320] =	vst v5  }
0x908: {  	v5 =	vld [tilespmem:s25+$0x19B0];
	[tilespmem:s16+$0xF190] =	vst v7  }
0x909: {  	[tilespmem:s5+$0xF180] =	vst v6;
	v6 =	vld [tilespmem:s0+$0x1DB0]  }
0x90a: {  	s10 =	sor.u32 $0x470, s10;
	v7 =	vld [tilespmem:s3+$0x19A0];
	[tilespmem:s16+$0xF210] =	vst v8  }
0x90b: {  	s1 =	smov.u32 s10;
	s10 =	sld [smem:$0x771];
	s6 =	sor.u32 $0x460, s23;
	[tilespmem:s16+$0xF290] =	vst v4;
	v8 =	vld [tilespmem:s9+$0x19A0]  }
0x90c: {  	[tilespmem:s6+$0xF180] =	vst v3;
	v4 =	vld [tilespmem:s12+$0x19A0]  }
0x90d: {  	v3 =	vld [tilespmem:s7+$0x1DF0];
	[tilespmem:s16+$0xF330] =	vst v5  }
0x90e: {  	s7 =	smov.u32 s25;
	[tilespmem:s10+$0xF180] =	vst v6  }
0x90f: {  	v5 =	vld [tilespmem:s7+$0x19C0];
	[tilespmem:s16+$0xF1A0] =	vst v7  }
0x910: {  	v7 =	vld [tilespmem:s3+$0x19B0]  }
0x911: {  	v6 =	vld [tilespmem:s24+$0x1DB0];
	[tilespmem:s16+$0xF220] =	vst v8  }
0x912: {  	s17 =	sor.u32 $0x470, s23;
	[tilespmem:s16+$0xF2A0] =	vst v4;
	v8 =	vld [tilespmem:s9+$0x19B0]  }
0x913: {  	s18 =	sld [smem:$0x772];
	[tilespmem:s17+$0xF180] =	vst v3;
	v3 =	vld [tilespmem:s26+$0x1DB0]  }
0x914: {  	v4 =	vld [tilespmem:s12+$0x19B0];
	[tilespmem:s16+$0xF340] =	vst v5  }
0x915: {  	s23 =	sld [smem:$0x773];
	v5 =	vld [tilespmem:s7+$0x19D0];
	[tilespmem:s16+$0xF1B0] =	vst v7  }
0x916: {  	[tilespmem:s18+$0xF180] =	vst v6;
	v6 =	vld [tilespmem:s0+$0x1DC0]  }
0x917: {  	v7 =	vld [tilespmem:s3+$0x19C0];
	[tilespmem:s16+$0xF230] =	vst v8  }
0x918: {  	s25 =	sld [smem:$0x774];
	[tilespmem:s23+$0xF180] =	vst v3;
	v8 =	vld [tilespmem:s9+$0x19C0]  }
0x919: {  	s8 =	sadd.s32 $0x4, s8;
	[tilespmem:s16+$0xF2B0] =	vst v4;
	v4 =	vld [tilespmem:s24+$0x1DC0]  }
0x91a: {  	p1 =	slt.u32 s8, $0x7C;
	v9 =	vld [tilespmem:s12+$0x19C0];
	[tilespmem:s16+$0xF350] =	vst v5  }
.Ltmp9:
0x91b: {  	s28 =	sld [smem:$0x775];
	v3 =	vld [tilespmem:s26+$0x1DC0];
	[tilespmem:s25+$0xF180] =	vst v6;
	(pc) =	sbr.rel @p1 .LBB2_20-.Ltmp9, $4  }
0x91c: {  	s21 =	sadd.s32 $0x4, s21;
	s2 =	sor.u32 $0x460, s22;
	v5 =	vld [tilespmem:s7+$0x19E0];
	[tilespmem:s16+$0xF1C0] =	vst v7  }
0x91d: {  	s31 =	sor.u32 $0x450, s13;
	s30 =	sor.u32 $0x450, s22;
	s13 =	sor.u32 $0x470, s13;
	[tilespmem:s16+$0xF240] =	vst v8;
	v6 =	vld [tilespmem:s3+$0x19D0]  }
0x91e: {  	s22 =	sor.u32 $0x470, s22;
	s29 =	smov.u32 s2;
	s14 =	sld [smem:$0x76C];
	v7 =	vld [tilespmem:s9+$0x19D0];
	[tilespmem:s28+$0xF180] =	vst v4  }
0x91f: {  	s15 =	smov.u32 s13;
	s13 =	smov.u32 s22;
	s22 =	sld [smem:$0x76F];
	[tilespmem:s16+$0xF2C0] =	vst v9;
	v4 =	vld [tilespmem:s0+$0x1DD0]  }
0x920: {  	v8 =	vld [tilespmem:s12+$0x19D0];
	_ =	sdelay $0x2  }
0x921: {  	[tilespmem:s16+$0xF1D0] =	vst v6  }
0x922: {  	[tilespmem:s16+$0xF250] =	vst v7;
	v6 =	vld [tilespmem:s3+$0x19E0]  }
0x923: {  	v7 =	vld [tilespmem:s9+$0x19E0];
	[tilespmem:s16+$0xF2D0] =	vst v8  }
0x924: {  	v8 =	vld [tilespmem:s12+$0x19E0];
	_ =	sdelay $0x1  }
0x925: {  	[tilespmem:s16+$0xF360] =	vst v5  }
0x926: {  	v5 =	vld [tilespmem:s7+$0x19F0];
	[tilespmem:s16+$0xF1E0] =	vst v6  }
0x927: {  	v6 =	vld [tilespmem:s3+$0x19F0];
	[tilespmem:s16+$0xF260] =	vst v7  }
0x928: {  	v7 =	vld [tilespmem:s9+$0x19F0];
	[tilespmem:s16+$0xF2E0] =	vst v8  }
0x929: {  	v8 =	vld [tilespmem:s12+$0x19F0];
	_ =	sdelay $0x1  }
0x92a: {  	p0 =	por !p0, !p0;
	s2 =	simm.s32 $0x1;
	[tilespmem:s16+$0xF370] =	vst v5  }
0x92b: {  	s2 =	simm.s32 @!p0 $0x0;
	v5 =	vld [tilespmem:s7+$0x1D80];
	[tilespmem:s16+$0xF1F0] =	vst v6  }
0x92c: {  	s2 =	sshll.u32 s2, $0x9;
	v6 =	vld [tilespmem:s3+$0x1D80];
	[tilespmem:s16+$0xF270] =	vst v7  }
0x92d: {  	s2 =	sadd.s32 s2, s4;
	v7 =	vld [tilespmem:s9+$0x1D80];
	[tilespmem:s16+$0xF2F0] =	vst v8  }
0x92e: {  	s11 =	sadd.s32 $0x180, s2;
	v8 =	vld [tilespmem:s12+$0x1D80]  }
0x92f: {  	s5 =	sor.u32 $0x400, s11  }
0x930: {  	s4 =	sadd.s32 $0x80, s2;
	s10 =	sor.u32 $0x400, s2;
	[tilespmem:s5+$0xF180] =	vst v5  }
0x931: {  	s8 =	sadd.s32 $0x100, s2;
	s6 =	sor.u32 $0x400, s4;
	v5 =	vld [tilespmem:s7+$0x1D90];
	[tilespmem:s10+$0xF180] =	vst v6  }
0x932: {  	s10 =	sor.u32 $0x400, s8;
	[tilespmem:s6+$0xF180] =	vst v7;
	v6 =	vld [tilespmem:s3+$0x1D90]  }
0x933: {  	v7 =	vld [tilespmem:s9+$0x1D90];
	[tilespmem:s10+$0xF180] =	vst v8  }
0x934: {  	v8 =	vld [tilespmem:s12+$0x1D90]  }
0x935: {  	s16 =	sor.u32 $0x410, s11  }
0x936: {  	s17 =	sor.u32 $0x410, s2;
	[tilespmem:s16+$0xF180] =	vst v5  }
0x937: {  	s18 =	sor.u32 $0x410, s4;
	v5 =	vld [tilespmem:s7+$0x1DA0];
	[tilespmem:s17+$0xF180] =	vst v6  }
0x938: {  	s21 =	sor.u32 $0x410, s8;
	[tilespmem:s18+$0xF180] =	vst v7;
	v6 =	vld [tilespmem:s3+$0x1DA0]  }
0x939: {  	v7 =	vld [tilespmem:s9+$0x1DA0];
	[tilespmem:s21+$0xF180] =	vst v8  }
0x93a: {  	v8 =	vld [tilespmem:s12+$0x1DA0]  }
0x93b: {  	s23 =	sor.u32 $0x420, s11  }
0x93c: {  	s25 =	sor.u32 $0x420, s2;
	[tilespmem:s23+$0xF180] =	vst v5  }
0x93d: {  	s28 =	sor.u32 $0x420, s4;
	v5 =	vld [tilespmem:s7+$0x1DB0];
	[tilespmem:s25+$0xF180] =	vst v6  }
0x93e: {  	s6 =	sor.u32 $0x420, s8;
	[tilespmem:s28+$0xF180] =	vst v7;
	v6 =	vld [tilespmem:s3+$0x1DB0]  }
0x93f: {  	v7 =	vld [tilespmem:s9+$0x1DB0];
	[tilespmem:s6+$0xF180] =	vst v8  }
0x940: {  	[tilespmem:s14+$0xF180] =	vst v3;
	v3 =	vld [tilespmem:s12+$0x1DB0]  }
0x941: {  	v47 =	vld [tilespmem:s24+$0x1DD0];
	[tilespmem:s22+$0xF180] =	vst v4;
	s10 =	sor.u32 $0x430, s11  }
0x942: {  	v48 =	vld [tilespmem:s26+$0x1DD0];
	s14 =	sor.u32 $0x430, s2;
	[tilespmem:s10+$0xF180] =	vst v5  }
0x943: {  	s16 =	sor.u32 $0x430, s4;
	v5 =	vld [tilespmem:s7+$0x1DC0];
	[tilespmem:s14+$0xF180] =	vst v6  }
0x944: {  	s17 =	sor.u32 $0x430, s8;
	[tilespmem:s16+$0xF180] =	vst v7;
	v6 =	vld [tilespmem:s3+$0x1DC0]  }
0x945: {  	[tilespmem:s17+$0xF180] =	vst v3;
	v3 =	vld [tilespmem:s9+$0x1DC0]  }
0x946: {  	[tilespmem:s31+$0xF180] =	vst v47;
	v49 =	vld [tilespmem:s12+$0x1DC0]  }
0x947: {  	v50 =	vld [tilespmem:s0+$0x1DE0];
	[tilespmem:s30+$0xF180] =	vst v48;
	s18 =	sor.u32 $0x440, s11  }
0x948: {  	v51 =	vld [tilespmem:s24+$0x1DE0];
	s21 =	sor.u32 $0x440, s2;
	[tilespmem:s18+$0xF180] =	vst v5  }
0x949: {  	s22 =	sor.u32 $0x440, s4;
	v52 =	vld [tilespmem:s7+$0x1DD0];
	[tilespmem:s21+$0xF180] =	vst v6  }
0x94a: {  	s23 =	sor.u32 $0x440, s8;
	[tilespmem:s22+$0xF180] =	vst v3;
	v3 =	vld [tilespmem:s3+$0x1DD0]  }
0x94b: {  	[tilespmem:s23+$0xF180] =	vst v49;
	v53 =	vld [tilespmem:s9+$0x1DD0]  }
0x94c: {  	[tilespmem:s20+$0xF180] =	vst v50;
	v54 =	vld [tilespmem:s12+$0x1DD0]  }
0x94d: {  	v55 =	vld [tilespmem:s26+$0x1DE0];
	[tilespmem:s19+$0xF180] =	vst v51;
	s25 =	sor.u32 $0x450, s11  }
0x94e: {  	v56 =	vld [tilespmem:s0+$0x1DF0];
	s28 =	sor.u32 $0x450, s2;
	[tilespmem:s25+$0xF180] =	vst v52  }
0x94f: {  	s30 =	sor.u32 $0x450, s4;
	[tilespmem:s28+$0xF180] =	vst v3;
	v3 =	vld [tilespmem:s7+$0x1DE0]  }
0x950: {  	s31 =	sor.u32 $0x450, s8;
	[tilespmem:s30+$0xF180] =	vst v53;
	v57 =	vld [tilespmem:s3+$0x1DE0]  }
0x951: {  	[tilespmem:s31+$0xF180] =	vst v54;
	v58 =	vld [tilespmem:s9+$0x1DE0]  }
0x952: {  	[tilespmem:s29+$0xF180] =	vst v55;
	v59 =	vld [tilespmem:s12+$0x1DE0]  }
0x953: {  	v60 =	vld [tilespmem:s24+$0x1DF0];
	s5 =	sor.u32 $0x460, s11;
	[tilespmem:s1+$0xF180] =	vst v56  }
0x954: {  	v61 =	vld [tilespmem:s26+$0x1DF0];
	s6 =	sor.u32 $0x460, s2;
	[tilespmem:s5+$0xF180] =	vst v3  }
0x955: {  	s10 =	sor.u32 $0x460, s4;
	v3 =	vld [tilespmem:s7+$0x1DF0];
	[tilespmem:s6+$0xF180] =	vst v57  }
0x956: {  	s14 =	sor.u32 $0x460, s8;
	[tilespmem:s10+$0xF180] =	vst v58;
	v4 =	vld [tilespmem:s3+$0x1DF0]  }
0x957: {  	[tilespmem:s14+$0xF180] =	vst v59;
	v62 =	vld [tilespmem:s9+$0x1DF0]  }
0x958: {  	[tilespmem:s15+$0xF180] =	vst v60;
	v63 =	vld [tilespmem:s12+$0x1DF0]  }
0x959: {  	[tilespmem:s13+$0xF180] =	vst v61;
	s16 =	sor.u32 $0x470, s11  }
0x95a: {  	s17 =	sor.u32 $0x470, s2;
	[tilespmem:s16+$0xF180] =	vst v3  }
0x95b: {  	s18 =	sor.u32 $0x470, s4;
	[tilespmem:s17+$0xF180] =	vst v4  }
0x95c: {  	s19 =	sor.u32 $0x470, s8;
	[tilespmem:s18+$0xF180] =	vst v62  }
0x95d: {  	s20 =	simm.s32 $0x1;
	[tilespmem:s19+$0xF180] =	vst v63  }
0x95e: {  	_ =	swait.ge [sflag:s20], $0x800  }
0x95f: {  	s21 =	sld [smem:$0x7FB]  }
0x960: {  	s8 =	simm.s32 $0x0;
	[sflag:s20] =	ssyncset.done $0x0  }
0x961: {  	s22 =	simm.s32 $0x7180;
	s23 =	simm.s32 $0x2;
	[sflag:s20] =	ssyncadd.s32 $0xFFFFF800  }
0x962: {  	[hbm4b:s21+s8] =	stream.linear.scatter [tilespmem:s22], [sflag:$0x4], $0x8000, $0x38;
	[tilespmem:$0x1F180] =	vst v63  }
0x963: {  	_ =	swait.ge [sflag:s23], $0x800  }
0x964: {  	s24 =	sld [smem:$0x7FC]  }
0x965: {  	[sflag:s23] =	ssyncset.done $0x0  }
0x966: {  	s26 =	simm.s32 $0x6;
	s25 =	simm.s32 $0xF180;
	[sflag:s23] =	ssyncadd.s32 $0xFFFFF800  }
0x967: {  	[hbm4b:s24+s8] =	stream.linear.scatter [tilespmem:s25], [sflag:$0x5], $0x8000, $0x38;
	[tilespmem:$0x1F180] =	vst v63  }
0x968: {  	_ =	swait.ge [sflag:s26], $0x8000  }
0x969: {  	[sflag:s26] =	ssyncset.done $0x0  }
0x96a: {  	s28 =	simm.s32 $0x4;
	[sflag:s26] =	ssyncadd.s32 $0xFFFF8000  }
0x96b: {  	_ =	swait.ge [sflag:s28], $0x8000  }
0x96c: {  	[sflag:s28] =	ssyncset.done $0x0  }
0x96d: {  	s29 =	simm.s32 $0x5;
	[sflag:s28] =	ssyncadd.s32 $0xFFFF8000  }
0x96e: {  	_ =	swait.ge [sflag:s29], $0x8000  }
0x96f: {  	s30 =	sld [smem:$0x7F1]  }
0x970: {  	s31 =	sld [smem:$0x7FD];
	_ =	sdelay $0x1  }
0x971: {  	s2 =	sadd.s32 $0x1, s30  }
0x972: {  	p0 =	sne.s32 s2, s31  }
.Ltmp10:
0x973: {  	_ = 	snop;
	(pc) =	sbr.rel @p0 .LBB2_1-.Ltmp10, $3  }
0x974: {  	_ =	sdelay $0x1  }
0x975: {  	[sflag:s29] =	ssyncset.done $0x0  }
0x976: {  	s22 =	rddreg [dreg:$0x4];
	[sflag:s29] =	ssyncadd.s32 $0xFFFF8000  }
0x977: {  	_ =	sfence.sel $0x180000  }
0x978: {  	[bflag:$0x0] =	sbarrier.arrive $0xFFFF  }
0x979: {  	_ =	strace $0x90000047  }
0x97a: {  	s0 =	stileid.u32;
	[bflag:$0x2] =	sbarrier.arrive $0xFFFF  }
0x97b: {  	p0 =	sne.s32 s0, $0x0;
	s0 =	rddreg [dreg:$0x3]  }
0x97c: {  	s0 =	sadd.s32 @!p0 $0x100000, s0  }
0x97d: {  	[sflag:s0] =	ssyncadd.tile.s32 @!p0 $0x1;
	_ =	shalt  }
.Lfunc_end2:
_tile_overlayer_lowered:
.L_overlay_start_2:
0x97e: {  	(tag) =	ssettag $0x2  }
0x97f: {  	s0 =	rddreg [dreg:$0x0];
	s2 =	stileid.u32  }
0x980: {  	s1 =	rddreg [dreg:$0x1];
	p0 =	sne.s32 s2, $0x0  }
0x981: {  	s3 =	rddreg [dreg:$0x2];
	[bflag:$0x3] =	sbarrier.arrive $0xFFFF;
	s2 =	simm.s32 @!p0 $0x1C07  }
0x982: {  	[timem:s3], [sflag:s2] =	dma.local @!p0 [hbm:s0], s1  }
0x983: {  	s0 =	simm.s32 @!p0 $0x7  }
0x984: {  	_ =	swait.ge @!p0 [sflag:s0], s1  }
0x985: {  	s1 =	ssub.s32 @!p0 $0x0, s1;
	[sflag:s0] =	ssyncset.done @!p0 $0x0  }
0x986: {  	[sflag:s0] =	ssyncadd.s32 @!p0 s1  }
0x987: {  	[bflag:$0x3] =	sbarrier.arrive $0xFFFF  }
0x988: {  	_ =	shalt  }

</sc_bundles>
